<compile_context>
chip_gen: v7x
topology: tpu7x:2x2x1
jax: 0.10.2.dev20260603
libtpu: 0.0.44.dev20260713+nightly
codegen_flags: <defaults>
</compile_context>

<pallas_src>
import functools

import jax
import jax.numpy as jnp
from jax import lax
from jax.experimental import pallas as pl
from jax.experimental.pallas import tpu as pltpu
from jax.experimental.pallas import tpu_sc as plsc

_PAD = 1


def _positions_body(x_ref, out_ref):
    x = x_ref[...]
    m = (x != _PAD).astype(jnp.int32)
    s = m
    shift = 1
    n = x.shape[1]
    while shift < n:
        z = jnp.zeros((x.shape[0], shift), jnp.int32)
        s = s + jnp.concatenate([z, s[:, :-shift]], axis=1)
        shift *= 2
    out_ref[...] = s * m + _PAD


def _compute_positions(inp):
    return pl.pallas_call(
        _positions_body,
        out_shape=jax.ShapeDtypeStruct(inp.shape, jnp.int32),
    )(inp)


def _make_bcast_gather(batch, seq, d, n_workers, chunk):
    s_per_w = seq // n_workers
    n_chunks = s_per_w // chunk
    nbuf = 2
    mesh = plsc.VectorSubcoreMesh(core_axis_name="c", subcore_axis_name="s")

    @functools.partial(
        pl.kernel,
        mesh=mesh,
        out_type=jax.ShapeDtypeStruct((batch * seq, d), jnp.float32),
        scratch_types=[
            pltpu.VMEM((batch, s_per_w), jnp.int32),
            pltpu.VMEM((s_per_w,), jnp.int32),
        ]
        + [pltpu.VMEM((chunk, d), jnp.float32) for _ in range(nbuf)]
        + [pltpu.SemaphoreType.DMA for _ in range(2 * nbuf + 1)],
    )
    def bcast_kernel(table_hbm, pos_hbm, out_hbm, pos_v, idx_v, *refs):
        bufs = refs[:nbuf]
        bufd = refs[0]
        gsems = refs[nbuf : 2 * nbuf]
        wsems = refs[2 * nbuf : 3 * nbuf]
        dsem = refs[3 * nbuf]
        num_cores = 2
        wid = lax.axis_index("s") * num_cores + lax.axis_index("c")
        s0 = wid * s_per_w
        for i in range(s_per_w // 16):
            idx_v[pl.ds(i * 16, 16)] = lax.iota(jnp.int32, 16) + s0 + i * 16 + 2

        def start_gather(c, i):
            pltpu.async_copy(
                table_hbm.at[idx_v.at[pl.ds(c * chunk, chunk)]], bufs[i], gsems[i]
            )

        def wait_gather(c, i):
            pltpu.make_async_copy(
                table_hbm.at[idx_v.at[pl.ds(c * chunk, chunk)]], bufs[i], gsems[i]
            ).wait()

        def start_writes(c, i):
            for b in range(batch):
                pltpu.async_copy(
                    bufs[i],
                    out_hbm.at[pl.ds(b * seq + s0 + c * chunk, chunk)],
                    wsems[i],
                )

        def wait_writes(c, i):
            for b in range(batch):
                pltpu.make_async_copy(
                    bufs[i],
                    out_hbm.at[pl.ds(b * seq + s0 + c * chunk, chunk)],
                    wsems[i],
                ).wait()

        for c in range(min(nbuf, n_chunks)):
            start_gather(c, c % nbuf)
        for b in range(batch):
            pltpu.sync_copy(
                pos_hbm.at[pl.ds(b * seq + s0, s_per_w)], pos_v.at[b]
            )
        for c in range(n_chunks):
            wait_gather(c, c % nbuf)
            p = c - (nbuf - 1)
            if p >= 0 and p + nbuf < n_chunks:
                wait_writes(p, p % nbuf)
                start_gather(p + nbuf, p % nbuf)
            start_writes(c, c % nbuf)
        for c in range(max(0, n_chunks - (nbuf - 1) - 1), n_chunks):
            wait_writes(c, c % nbuf)

        for c in range(n_chunks):
            for b in range(batch):
                tail = pos_v[b, pl.ds(c * chunk + chunk - 16, 16)]
                dirty = tail[15] != (s0 + c * chunk + chunk + 1)

                @pl.when(dirty)
                def _():
                    pltpu.async_copy(
                        table_hbm.at[pos_v.at[b, pl.ds(c * chunk, chunk)]],
                        bufd,
                        dsem,
                    ).wait()
                    pltpu.sync_copy(
                        bufd, out_hbm.at[pl.ds(b * seq + s0 + c * chunk, chunk)]
                    )

    return bcast_kernel


def kernel(input, weights):
    b, s = input.shape
    d = weights.shape[1]
    positions = _compute_positions(input)
    flat = positions.reshape(-1)
    gather = _make_bcast_gather(b, s, d, 32, 32)
    out = gather(weights, flat)
    return out.reshape(b, s, d)

# --- scband reference (transcript-rebuilt; emitter-appended) ---
"""Pipeline reference for scband-sinusoidal-positional-embedding-46248207843640 (READ-ONLY COPY).

The authoritative reference and input builder live on the scoring server;
editing this copy changes nothing except your own understanding.
"""

import math
import jax, jax.numpy as jnp
import numpy as np

PADDING_IDX = 1
NUM_EMBEDDINGS = 8192
EMBEDDING_DIM = 1024
INIT_SIZE = NUM_EMBEDDINGS + PADDING_IDX + 1  # 8194
BATCH = 4
SEQ_LEN = 8192


def _build_table():
    # Faithful reproduction of __get_embedding / __compute_embedding_tensor
    half_dim = EMBEDDING_DIM // 2
    scale = math.log(10000) / (half_dim - 1)
    emb = jnp.exp(jnp.arange(half_dim, dtype=jnp.float32) * -scale)
    pos = jnp.arange(INIT_SIZE, dtype=jnp.float32)[:, None]
    emb = pos * emb[None, :]
    emb = jnp.concatenate([jnp.sin(emb), jnp.cos(emb)], axis=1)
    emb = emb.reshape(INIT_SIZE, -1)
    # embedding_dim is even so no zero-padding column is needed
    # mask padding index row ("__maybe_mask_padding_index")
    emb = emb.at[PADDING_IDX, :].set(0.0)
    return emb


def setup_inputs(seed: int = 0) -> dict:
    key = jax.random.key(seed)
    inp = jax.random.randint(key, (BATCH, SEQ_LEN), 0, 50000)
    weights = _build_table()
    return {"input": inp, "weights": weights}


def reference(input, weights):
    # __make_positions: positions start at padding_idx+1 for non-pad tokens,
    # pad tokens get position == padding_idx (whose embedding row is zero)
    mask = (input != PADDING_IDX).astype(jnp.int32)
    positions = jnp.cumsum(mask, axis=1) * mask + PADDING_IDX
    # weights.index_select(0, position.view(-1)) -> gather rows
    out = jnp.take(weights, positions.reshape(-1), axis=0)
    return out.reshape(input.shape[0], input.shape[1], -1)

if __name__ == "__main__":
    import jax
    _d = setup_inputs()
    print(jax.jit(kernel)(*tuple(_d.values())))

</pallas_src>

<mosaic_0001>
#map = affine_map<(d0, d1) -> (0, 0)>
#map1 = affine_map<(d0, d1) -> (0)>
module attributes {stable_mosaic.version = 14 : i64} {
  func.func @bcast_kernel(%arg0: i32, %arg1: i32, %arg2: memref<8194x1024xf32, #tpu.memory_space<hbm>>, %arg3: memref<32768xi32, #tpu.memory_space<hbm>>, %arg4: memref<32768x1024xf32, #tpu.memory_space<hbm>>, %arg5: memref<4x256xi32, #tpu.memory_space<vmem>>, %arg6: memref<256xi32, #tpu.memory_space<vmem>>, %arg7: memref<32x1024xf32, #tpu.memory_space<vmem>>, %arg8: memref<32x1024xf32, #tpu.memory_space<vmem>>, %arg9: memref<!tpu.dma_semaphore, #tpu.memory_space<semaphore_mem>>, %arg10: memref<!tpu.dma_semaphore, #tpu.memory_space<semaphore_mem>>, %arg11: memref<!tpu.dma_semaphore, #tpu.memory_space<semaphore_mem>>, %arg12: memref<!tpu.dma_semaphore, #tpu.memory_space<semaphore_mem>>, %arg13: memref<!tpu.dma_semaphore, #tpu.memory_space<semaphore_mem>>) attributes {dimension_semantics = [#tpu.dimension_semantics<core_parallel>, #tpu.dimension_semantics<subcore_parallel>], iteration_bounds = array<i64: 2, 16>, scalar_prefetch = 0 : i64, scratch_operands = 9 : i64, tpu.core_type = #tpu.core_type<sc_vector_subcore>, window_params = [{transform_indices = #map}, {transform_indices = #map1}, {transform_indices = #map}]} {
    %mul3A = arith.constant 2 : i32
    %mul3A_0 = arith.muli %arg1, %mul3A : i32
    %add3A = arith.addi %mul3A_0, %arg0 : i32
    %mul3A_1 = arith.constant 256 : i32
    %mul3A_2 = arith.muli %add3A, %mul3A_1 : i32
    %iota3A = tpu.iota {dimensions = array<i32: 0>} : vector<16xi32>
    %add3A_3 = vector.broadcast %mul3A_2 : i32 to vector<16xi32>
    %add3A_4 = arith.addi %iota3A, %add3A_3 : vector<16xi32>
    %add3A_5 = arith.constant 0 : i32
    %add3A_6 = vector.broadcast %add3A_5 : i32 to vector<16xi32>
    %add3A_7 = arith.addi %add3A_4, %add3A_6 : vector<16xi32>
    %add3A_8 = arith.constant 2 : i32
    %add3A_9 = vector.broadcast %add3A_8 : i32 to vector<16xi32>
    %add3A_10 = arith.addi %add3A_7, %add3A_9 : vector<16xi32>
    %swap3A = arith.constant 0 : index
    %swap3A_11 = tpu.vector_load %arg6[%swap3A] {strides = array<i32>} : memref<256xi32, #tpu.memory_space<vmem>>, vector<16xi32>,
    %swap3A_12 = vector.shape_cast %swap3A_11 : vector<16xi32> to vector<16xi32>
    %swap3A_13 = vector.shape_cast %add3A_10 : vector<16xi32> to vector<16xi32>
    tpu.vector_store %arg6[%swap3A], %swap3A_13 {strides = array<i32>} : memref<256xi32, #tpu.memory_space<vmem>>, vector<16xi32>,
    %iota3A_14 = tpu.iota {dimensions = array<i32: 0>} : vector<16xi32>
    %add3A_15 = vector.broadcast %mul3A_2 : i32 to vector<16xi32>
    %add3A_16 = arith.addi %iota3A_14, %add3A_15 : vector<16xi32>
    %add3A_17 = arith.constant 16 : i32
    %add3A_18 = vector.broadcast %add3A_17 : i32 to vector<16xi32>
    %add3A_19 = arith.addi %add3A_16, %add3A_18 : vector<16xi32>
    %add3A_20 = arith.constant 2 : i32
    %add3A_21 = vector.broadcast %add3A_20 : i32 to vector<16xi32>
    %add3A_22 = arith.addi %add3A_19, %add3A_21 : vector<16xi32>
    %swap3A_23 = arith.constant 16 : index
    %swap3A_24 = tpu.vector_load %arg6[%swap3A_23] {strides = array<i32>} : memref<256xi32, #tpu.memory_space<vmem>>, vector<16xi32>,
    %swap3A_25 = vector.shape_cast %swap3A_24 : vector<16xi32> to vector<16xi32>
    %swap3A_26 = vector.shape_cast %add3A_22 : vector<16xi32> to vector<16xi32>
    tpu.vector_store %arg6[%swap3A_23], %swap3A_26 {strides = array<i32>} : memref<256xi32, #tpu.memory_space<vmem>>, vector<16xi32>,
    %iota3A_27 = tpu.iota {dimensions = array<i32: 0>} : vector<16xi32>
    %add3A_28 = vector.broadcast %mul3A_2 : i32 to vector<16xi32>
    %add3A_29 = arith.addi %iota3A_27, %add3A_28 : vector<16xi32>
    %add3A_30 = arith.constant 32 : i32
    %add3A_31 = vector.broadcast %add3A_30 : i32 to vector<16xi32>
    %add3A_32 = arith.addi %add3A_29, %add3A_31 : vector<16xi32>
    %add3A_33 = arith.constant 2 : i32
    %add3A_34 = vector.broadcast %add3A_33 : i32 to vector<16xi32>
    %add3A_35 = arith.addi %add3A_32, %add3A_34 : vector<16xi32>
    %swap3A_36 = arith.constant 32 : index
    %swap3A_37 = tpu.vector_load %arg6[%swap3A_36] {strides = array<i32>} : memref<256xi32, #tpu.memory_space<vmem>>, vector<16xi32>,
    %swap3A_38 = vector.shape_cast %swap3A_37 : vector<16xi32> to vector<16xi32>
    %swap3A_39 = vector.shape_cast %add3A_35 : vector<16xi32> to vector<16xi32>
    tpu.vector_store %arg6[%swap3A_36], %swap3A_39 {strides = array<i32>} : memref<256xi32, #tpu.memory_space<vmem>>, vector<16xi32>,
    %iota3A_40 = tpu.iota {dimensions = array<i32: 0>} : vector<16xi32>
    %add3A_41 = vector.broadcast %mul3A_2 : i32 to vector<16xi32>
    %add3A_42 = arith.addi %iota3A_40, %add3A_41 : vector<16xi32>
    %add3A_43 = arith.constant 48 : i32
    %add3A_44 = vector.broadcast %add3A_43 : i32 to vector<16xi32>
    %add3A_45 = arith.addi %add3A_42, %add3A_44 : vector<16xi32>
    %add3A_46 = arith.constant 2 : i32
    %add3A_47 = vector.broadcast %add3A_46 : i32 to vector<16xi32>
    %add3A_48 = arith.addi %add3A_45, %add3A_47 : vector<16xi32>
    %swap3A_49 = arith.constant 48 : index
    %swap3A_50 = tpu.vector_load %arg6[%swap3A_49] {strides = array<i32>} : memref<256xi32, #tpu.memory_space<vmem>>, vector<16xi32>,
    %swap3A_51 = vector.shape_cast %swap3A_50 : vector<16xi32> to vector<16xi32>
    %swap3A_52 = vector.shape_cast %add3A_48 : vector<16xi32> to vector<16xi32>
    tpu.vector_store %arg6[%swap3A_49], %swap3A_52 {strides = array<i32>} : memref<256xi32, #tpu.memory_space<vmem>>, vector<16xi32>,
    %iota3A_53 = tpu.iota {dimensions = array<i32: 0>} : vector<16xi32>
    %add3A_54 = vector.broadcast %mul3A_2 : i32 to vector<16xi32>
    %add3A_55 = arith.addi %iota3A_53, %add3A_54 : vector<16xi32>
    %add3A_56 = arith.constant 64 : i32
    %add3A_57 = vector.broadcast %add3A_56 : i32 to vector<16xi32>
    %add3A_58 = arith.addi %add3A_55, %add3A_57 : vector<16xi32>
    %add3A_59 = arith.constant 2 : i32
    %add3A_60 = vector.broadcast %add3A_59 : i32 to vector<16xi32>
    %add3A_61 = arith.addi %add3A_58, %add3A_60 : vector<16xi32>
    %swap3A_62 = arith.constant 64 : index
    %swap3A_63 = tpu.vector_load %arg6[%swap3A_62] {strides = array<i32>} : memref<256xi32, #tpu.memory_space<vmem>>, vector<16xi32>,
    %swap3A_64 = vector.shape_cast %swap3A_63 : vector<16xi32> to vector<16xi32>
    %swap3A_65 = vector.shape_cast %add3A_61 : vector<16xi32> to vector<16xi32>
    tpu.vector_store %arg6[%swap3A_62], %swap3A_65 {strides = array<i32>} : memref<256xi32, #tpu.memory_space<vmem>>, vector<16xi32>,
    %iota3A_66 = tpu.iota {dimensions = array<i32: 0>} : vector<16xi32>
    %add3A_67 = vector.broadcast %mul3A_2 : i32 to vector<16xi32>
    %add3A_68 = arith.addi %iota3A_66, %add3A_67 : vector<16xi32>
    %add3A_69 = arith.constant 80 : i32
    %add3A_70 = vector.broadcast %add3A_69 : i32 to vector<16xi32>
    %add3A_71 = arith.addi %add3A_68, %add3A_70 : vector<16xi32>
    %add3A_72 = arith.constant 2 : i32
    %add3A_73 = vector.broadcast %add3A_72 : i32 to vector<16xi32>
    %add3A_74 = arith.addi %add3A_71, %add3A_73 : vector<16xi32>
    %swap3A_75 = arith.constant 80 : index
    %swap3A_76 = tpu.vector_load %arg6[%swap3A_75] {strides = array<i32>} : memref<256xi32, #tpu.memory_space<vmem>>, vector<16xi32>,
    %swap3A_77 = vector.shape_cast %swap3A_76 : vector<16xi32> to vector<16xi32>
    %swap3A_78 = vector.shape_cast %add3A_74 : vector<16xi32> to vector<16xi32>
    tpu.vector_store %arg6[%swap3A_75], %swap3A_78 {strides = array<i32>} : memref<256xi32, #tpu.memory_space<vmem>>, vector<16xi32>,
    %iota3A_79 = tpu.iota {dimensions = array<i32: 0>} : vector<16xi32>
    %add3A_80 = vector.broadcast %mul3A_2 : i32 to vector<16xi32>
    %add3A_81 = arith.addi %iota3A_79, %add3A_80 : vector<16xi32>
    %add3A_82 = arith.constant 96 : i32
    %add3A_83 = vector.broadcast %add3A_82 : i32 to vector<16xi32>
    %add3A_84 = arith.addi %add3A_81, %add3A_83 : vector<16xi32>
    %add3A_85 = arith.constant 2 : i32
    %add3A_86 = vector.broadcast %add3A_85 : i32 to vector<16xi32>
    %add3A_87 = arith.addi %add3A_84, %add3A_86 : vector<16xi32>
    %swap3A_88 = arith.constant 96 : index
    %swap3A_89 = tpu.vector_load %arg6[%swap3A_88] {strides = array<i32>} : memref<256xi32, #tpu.memory_space<vmem>>, vector<16xi32>,
    %swap3A_90 = vector.shape_cast %swap3A_89 : vector<16xi32> to vector<16xi32>
    %swap3A_91 = vector.shape_cast %add3A_87 : vector<16xi32> to vector<16xi32>
    tpu.vector_store %arg6[%swap3A_88], %swap3A_91 {strides = array<i32>} : memref<256xi32, #tpu.memory_space<vmem>>, vector<16xi32>,
    %iota3A_92 = tpu.iota {dimensions = array<i32: 0>} : vector<16xi32>
    %add3A_93 = vector.broadcast %mul3A_2 : i32 to vector<16xi32>
    %add3A_94 = arith.addi %iota3A_92, %add3A_93 : vector<16xi32>
    %add3A_95 = arith.constant 112 : i32
    %add3A_96 = vector.broadcast %add3A_95 : i32 to vector<16xi32>
    %add3A_97 = arith.addi %add3A_94, %add3A_96 : vector<16xi32>
    %add3A_98 = arith.constant 2 : i32
    %add3A_99 = vector.broadcast %add3A_98 : i32 to vector<16xi32>
    %add3A_100 = arith.addi %add3A_97, %add3A_99 : vector<16xi32>
    %swap3A_101 = arith.constant 112 : index
    %swap3A_102 = tpu.vector_load %arg6[%swap3A_101] {strides = array<i32>} : memref<256xi32, #tpu.memory_space<vmem>>, vector<16xi32>,
    %swap3A_103 = vector.shape_cast %swap3A_102 : vector<16xi32> to vector<16xi32>
    %swap3A_104 = vector.shape_cast %add3A_100 : vector<16xi32> to vector<16xi32>
    tpu.vector_store %arg6[%swap3A_101], %swap3A_104 {strides = array<i32>} : memref<256xi32, #tpu.memory_space<vmem>>, vector<16xi32>,
    %iota3A_105 = tpu.iota {dimensions = array<i32: 0>} : vector<16xi32>
    %add3A_106 = vector.broadcast %mul3A_2 : i32 to vector<16xi32>
    %add3A_107 = arith.addi %iota3A_105, %add3A_106 : vector<16xi32>
    %add3A_108 = arith.constant 128 : i32
    %add3A_109 = vector.broadcast %add3A_108 : i32 to vector<16xi32>
    %add3A_110 = arith.addi %add3A_107, %add3A_109 : vector<16xi32>
    %add3A_111 = arith.constant 2 : i32
    %add3A_112 = vector.broadcast %add3A_111 : i32 to vector<16xi32>
    %add3A_113 = arith.addi %add3A_110, %add3A_112 : vector<16xi32>
    %swap3A_114 = arith.constant 128 : index
    %swap3A_115 = tpu.vector_load %arg6[%swap3A_114] {strides = array<i32>} : memref<256xi32, #tpu.memory_space<vmem>>, vector<16xi32>,
    %swap3A_116 = vector.shape_cast %swap3A_115 : vector<16xi32> to vector<16xi32>
    %swap3A_117 = vector.shape_cast %add3A_113 : vector<16xi32> to vector<16xi32>
    tpu.vector_store %arg6[%swap3A_114], %swap3A_117 {strides = array<i32>} : memref<256xi32, #tpu.memory_space<vmem>>, vector<16xi32>,
    %iota3A_118 = tpu.iota {dimensions = array<i32: 0>} : vector<16xi32>
    %add3A_119 = vector.broadcast %mul3A_2 : i32 to vector<16xi32>
    %add3A_120 = arith.addi %iota3A_118, %add3A_119 : vector<16xi32>
    %add3A_121 = arith.constant 144 : i32
    %add3A_122 = vector.broadcast %add3A_121 : i32 to vector<16xi32>
    %add3A_123 = arith.addi %add3A_120, %add3A_122 : vector<16xi32>
    %add3A_124 = arith.constant 2 : i32
    %add3A_125 = vector.broadcast %add3A_124 : i32 to vector<16xi32>
    %add3A_126 = arith.addi %add3A_123, %add3A_125 : vector<16xi32>
    %swap3A_127 = arith.constant 144 : index
    %swap3A_128 = tpu.vector_load %arg6[%swap3A_127] {strides = array<i32>} : memref<256xi32, #tpu.memory_space<vmem>>, vector<16xi32>,
    %swap3A_129 = vector.shape_cast %swap3A_128 : vector<16xi32> to vector<16xi32>
    %swap3A_130 = vector.shape_cast %add3A_126 : vector<16xi32> to vector<16xi32>
    tpu.vector_store %arg6[%swap3A_127], %swap3A_130 {strides = array<i32>} : memref<256xi32, #tpu.memory_space<vmem>>, vector<16xi32>,
    %iota3A_131 = tpu.iota {dimensions = array<i32: 0>} : vector<16xi32>
    %add3A_132 = vector.broadcast %mul3A_2 : i32 to vector<16xi32>
    %add3A_133 = arith.addi %iota3A_131, %add3A_132 : vector<16xi32>
    %add3A_134 = arith.constant 160 : i32
    %add3A_135 = vector.broadcast %add3A_134 : i32 to vector<16xi32>
    %add3A_136 = arith.addi %add3A_133, %add3A_135 : vector<16xi32>
    %add3A_137 = arith.constant 2 : i32
    %add3A_138 = vector.broadcast %add3A_137 : i32 to vector<16xi32>
    %add3A_139 = arith.addi %add3A_136, %add3A_138 : vector<16xi32>
    %swap3A_140 = arith.constant 160 : index
    %swap3A_141 = tpu.vector_load %arg6[%swap3A_140] {strides = array<i32>} : memref<256xi32, #tpu.memory_space<vmem>>, vector<16xi32>,
    %swap3A_142 = vector.shape_cast %swap3A_141 : vector<16xi32> to vector<16xi32>
    %swap3A_143 = vector.shape_cast %add3A_139 : vector<16xi32> to vector<16xi32>
    tpu.vector_store %arg6[%swap3A_140], %swap3A_143 {strides = array<i32>} : memref<256xi32, #tpu.memory_space<vmem>>, vector<16xi32>,
    %iota3A_144 = tpu.iota {dimensions = array<i32: 0>} : vector<16xi32>
    %add3A_145 = vector.broadcast %mul3A_2 : i32 to vector<16xi32>
    %add3A_146 = arith.addi %iota3A_144, %add3A_145 : vector<16xi32>
    %add3A_147 = arith.constant 176 : i32
    %add3A_148 = vector.broadcast %add3A_147 : i32 to vector<16xi32>
    %add3A_149 = arith.addi %add3A_146, %add3A_148 : vector<16xi32>
    %add3A_150 = arith.constant 2 : i32
    %add3A_151 = vector.broadcast %add3A_150 : i32 to vector<16xi32>
    %add3A_152 = arith.addi %add3A_149, %add3A_151 : vector<16xi32>
    %swap3A_153 = arith.constant 176 : index
    %swap3A_154 = tpu.vector_load %arg6[%swap3A_153] {strides = array<i32>} : memref<256xi32, #tpu.memory_space<vmem>>, vector<16xi32>,
    %swap3A_155 = vector.shape_cast %swap3A_154 : vector<16xi32> to vector<16xi32>
    %swap3A_156 = vector.shape_cast %add3A_152 : vector<16xi32> to vector<16xi32>
    tpu.vector_store %arg6[%swap3A_153], %swap3A_156 {strides = array<i32>} : memref<256xi32, #tpu.memory_space<vmem>>, vector<16xi32>,
    %iota3A_157 = tpu.iota {dimensions = array<i32: 0>} : vector<16xi32>
    %add3A_158 = vector.broadcast %mul3A_2 : i32 to vector<16xi32>
    %add3A_159 = arith.addi %iota3A_157, %add3A_158 : vector<16xi32>
    %add3A_160 = arith.constant 192 : i32
    %add3A_161 = vector.broadcast %add3A_160 : i32 to vector<16xi32>
    %add3A_162 = arith.addi %add3A_159, %add3A_161 : vector<16xi32>
    %add3A_163 = arith.constant 2 : i32
    %add3A_164 = vector.broadcast %add3A_163 : i32 to vector<16xi32>
    %add3A_165 = arith.addi %add3A_162, %add3A_164 : vector<16xi32>
    %swap3A_166 = arith.constant 192 : index
    %swap3A_167 = tpu.vector_load %arg6[%swap3A_166] {strides = array<i32>} : memref<256xi32, #tpu.memory_space<vmem>>, vector<16xi32>,
    %swap3A_168 = vector.shape_cast %swap3A_167 : vector<16xi32> to vector<16xi32>
    %swap3A_169 = vector.shape_cast %add3A_165 : vector<16xi32> to vector<16xi32>
    tpu.vector_store %arg6[%swap3A_166], %swap3A_169 {strides = array<i32>} : memref<256xi32, #tpu.memory_space<vmem>>, vector<16xi32>,
    %iota3A_170 = tpu.iota {dimensions = array<i32: 0>} : vector<16xi32>
    %add3A_171 = vector.broadcast %mul3A_2 : i32 to vector<16xi32>
    %add3A_172 = arith.addi %iota3A_170, %add3A_171 : vector<16xi32>
    %add3A_173 = arith.constant 208 : i32
    %add3A_174 = vector.broadcast %add3A_173 : i32 to vector<16xi32>
    %add3A_175 = arith.addi %add3A_172, %add3A_174 : vector<16xi32>
    %add3A_176 = arith.constant 2 : i32
    %add3A_177 = vector.broadcast %add3A_176 : i32 to vector<16xi32>
    %add3A_178 = arith.addi %add3A_175, %add3A_177 : vector<16xi32>
    %swap3A_179 = arith.constant 208 : index
    %swap3A_180 = tpu.vector_load %arg6[%swap3A_179] {strides = array<i32>} : memref<256xi32, #tpu.memory_space<vmem>>, vector<16xi32>,
    %swap3A_181 = vector.shape_cast %swap3A_180 : vector<16xi32> to vector<16xi32>
    %swap3A_182 = vector.shape_cast %add3A_178 : vector<16xi32> to vector<16xi32>
    tpu.vector_store %arg6[%swap3A_179], %swap3A_182 {strides = array<i32>} : memref<256xi32, #tpu.memory_space<vmem>>, vector<16xi32>,
    %iota3A_183 = tpu.iota {dimensions = array<i32: 0>} : vector<16xi32>
    %add3A_184 = vector.broadcast %mul3A_2 : i32 to vector<16xi32>
    %add3A_185 = arith.addi %iota3A_183, %add3A_184 : vector<16xi32>
    %add3A_186 = arith.constant 224 : i32
    %add3A_187 = vector.broadcast %add3A_186 : i32 to vector<16xi32>
    %add3A_188 = arith.addi %add3A_185, %add3A_187 : vector<16xi32>
    %add3A_189 = arith.constant 2 : i32
    %add3A_190 = vector.broadcast %add3A_189 : i32 to vector<16xi32>
    %add3A_191 = arith.addi %add3A_188, %add3A_190 : vector<16xi32>
    %swap3A_192 = arith.constant 224 : index
    %swap3A_193 = tpu.vector_load %arg6[%swap3A_192] {strides = array<i32>} : memref<256xi32, #tpu.memory_space<vmem>>, vector<16xi32>,
    %swap3A_194 = vector.shape_cast %swap3A_193 : vector<16xi32> to vector<16xi32>
    %swap3A_195 = vector.shape_cast %add3A_191 : vector<16xi32> to vector<16xi32>
    tpu.vector_store %arg6[%swap3A_192], %swap3A_195 {strides = array<i32>} : memref<256xi32, #tpu.memory_space<vmem>>, vector<16xi32>,
    %iota3A_196 = tpu.iota {dimensions = array<i32: 0>} : vector<16xi32>
    %add3A_197 = vector.broadcast %mul3A_2 : i32 to vector<16xi32>
    %add3A_198 = arith.addi %iota3A_196, %add3A_197 : vector<16xi32>
    %add3A_199 = arith.constant 240 : i32
    %add3A_200 = vector.broadcast %add3A_199 : i32 to vector<16xi32>
    %add3A_201 = arith.addi %add3A_198, %add3A_200 : vector<16xi32>
    %add3A_202 = arith.constant 2 : i32
    %add3A_203 = vector.broadcast %add3A_202 : i32 to vector<16xi32>
    %add3A_204 = arith.addi %add3A_201, %add3A_203 : vector<16xi32>
    %swap3A_205 = arith.constant 240 : index
    %swap3A_206 = tpu.vector_load %arg6[%swap3A_205] {strides = array<i32>} : memref<256xi32, #tpu.memory_space<vmem>>, vector<16xi32>,
    %swap3A_207 = vector.shape_cast %swap3A_206 : vector<16xi32> to vector<16xi32>
    %swap3A_208 = vector.shape_cast %add3A_204 : vector<16xi32> to vector<16xi32>
    tpu.vector_store %arg6[%swap3A_205], %swap3A_208 {strides = array<i32>} : memref<256xi32, #tpu.memory_space<vmem>>, vector<16xi32>,
    %dma_start3A = arith.constant 0 : i32
    %dma_start3A_209 = tpu.memref_slice %arg6[%dma_start3A] : memref<256xi32, #tpu.memory_space<vmem>> -> memref<32xi32, #tpu.memory_space<vmem>>
    %dma_start3A_210 = arith.constant 0 : i32
    %dma_start3A_211 = arith.constant 0 : i32
    %dma_start3A_212 = tpu.memref_slice %arg2[%dma_start3A_210, %dma_start3A_211] : memref<8194x1024xf32, #tpu.memory_space<hbm>> -> memref<8194x1024xf32, #tpu.memory_space<hbm>>
    tpu.enqueue_indirect_dma source(%dma_start3A_212 : memref<8194x1024xf32, #tpu.memory_space<hbm>>) target(%arg7 : memref<32x1024xf32, #tpu.memory_space<vmem>>) offsets(%dma_start3A_209 : memref<32xi32, #tpu.memory_space<vmem>>) semaphore(%arg9 : memref<!tpu.dma_semaphore, #tpu.memory_space<semaphore_mem>>)
    %dma_start3A_213 = arith.constant 32 : i32
    %dma_start3A_214 = tpu.memref_slice %arg6[%dma_start3A_213] : memref<256xi32, #tpu.memory_space<vmem>> -> memref<32xi32, #tpu.memory_space<vmem>>
    %dma_start3A_215 = arith.constant 0 : i32
    %dma_start3A_216 = arith.constant 0 : i32
    %dma_start3A_217 = tpu.memref_slice %arg2[%dma_start3A_215, %dma_start3A_216] : memref<8194x1024xf32, #tpu.memory_space<hbm>> -> memref<8194x1024xf32, #tpu.memory_space<hbm>>
    tpu.enqueue_indirect_dma source(%dma_start3A_217 : memref<8194x1024xf32, #tpu.memory_space<hbm>>) target(%arg8 : memref<32x1024xf32, #tpu.memory_space<vmem>>) offsets(%dma_start3A_214 : memref<32xi32, #tpu.memory_space<vmem>>) semaphore(%arg10 : memref<!tpu.dma_semaphore, #tpu.memory_space<semaphore_mem>>)
    %add3A_218 = arith.constant 0 : i32
    %add3A_219 = arith.addi %add3A_218, %mul3A_2 : i32
    %run_scoped3A = arith.constant 0 : i32
    "tpu.region"() ({
      %run_scoped3A_1348 = tpu.sem_alloc : memref<!tpu.dma_semaphore, #tpu.memory_space<semaphore_mem>>
      %dma_start3A_1349 = arith.constant 0 : i32
      %dma_start3A_1350 = tpu.memref_slice %arg5[%run_scoped3A, %dma_start3A_1349] : memref<4x256xi32, #tpu.memory_space<vmem>> -> memref<1x256xi32, #tpu.memory_space<vmem>>
      %dma_start3A_1351 = tpu.memref_squeeze %dma_start3A_1350 : memref<1x256xi32, #tpu.memory_space<vmem>> -> memref<256xi32, #tpu.memory_space<vmem>>
      %dma_start3A_1352 = tpu.memref_slice %arg3[%add3A_219] : memref<32768xi32, #tpu.memory_space<hbm>> -> memref<256xi32, #tpu.memory_space<hbm>>
      %dma_start3A_1353 = arith.constant 0 : i32
      %dma_start3A_1354 = tpu.memref_slice %arg5[%run_scoped3A, %dma_start3A_1353] : memref<4x256xi32, #tpu.memory_space<vmem>> -> memref<1x256xi32, #tpu.memory_space<vmem>>
      %dma_start3A_1355 = tpu.memref_squeeze %dma_start3A_1354 : memref<1x256xi32, #tpu.memory_space<vmem>> -> memref<256xi32, #tpu.memory_space<vmem>>
      %dma_start3A_1356 = tpu.memref_slice %arg3[%add3A_219] : memref<32768xi32, #tpu.memory_space<hbm>> -> memref<256xi32, #tpu.memory_space<hbm>>
      tpu.enqueue_dma source(%dma_start3A_1356 : memref<256xi32, #tpu.memory_space<hbm>>) target(%dma_start3A_1355 : memref<256xi32, #tpu.memory_space<vmem>>) target_semaphore(%run_scoped3A_1348 : memref<!tpu.dma_semaphore, #tpu.memory_space<semaphore_mem>>)
      %dma_wait3A_1357 = arith.constant 0 : i32
      %dma_wait3A_1358 = tpu.memref_slice %arg5[%run_scoped3A, %dma_wait3A_1357] : memref<4x256xi32, #tpu.memory_space<vmem>> -> memref<1x256xi32, #tpu.memory_space<vmem>>
      %dma_wait3A_1359 = tpu.memref_squeeze %dma_wait3A_1358 : memref<1x256xi32, #tpu.memory_space<vmem>> -> memref<256xi32, #tpu.memory_space<vmem>>
      %dma_wait3A_1360 = tpu.memref_slice %arg3[%add3A_219] : memref<32768xi32, #tpu.memory_space<hbm>> -> memref<256xi32, #tpu.memory_space<hbm>>
      %dma_wait3A_1361 = arith.constant 0 : i32
      %dma_wait3A_1362 = tpu.memref_slice %arg5[%run_scoped3A, %dma_wait3A_1361] : memref<4x256xi32, #tpu.memory_space<vmem>> -> memref<1x256xi32, #tpu.memory_space<vmem>>
      %dma_wait3A_1363 = tpu.memref_squeeze %dma_wait3A_1362 : memref<1x256xi32, #tpu.memory_space<vmem>> -> memref<256xi32, #tpu.memory_space<vmem>>
      %dma_wait3A_1364 = tpu.memref_slice %arg3[%add3A_219] : memref<32768xi32, #tpu.memory_space<hbm>> -> memref<256xi32, #tpu.memory_space<hbm>>
      tpu.wait_dma2 semaphore(%run_scoped3A_1348 : memref<!tpu.dma_semaphore, #tpu.memory_space<semaphore_mem>>) src(%dma_wait3A_1364 : memref<256xi32, #tpu.memory_space<hbm>>) dst(%dma_wait3A_1363 : memref<256xi32, #tpu.memory_space<vmem>>)
      tpu.yield
    }) : () -> ()
    %add3A_220 = arith.constant 8192 : i32
    %add3A_221 = arith.addi %add3A_220, %mul3A_2 : i32
    %run_scoped3A_222 = arith.constant 1 : i32
    "tpu.region"() ({
      %run_scoped3A_1348 = tpu.sem_alloc : memref<!tpu.dma_semaphore, #tpu.memory_space<semaphore_mem>>
      %dma_start3A_1349 = arith.constant 0 : i32
      %dma_start3A_1350 = tpu.memref_slice %arg5[%run_scoped3A_222, %dma_start3A_1349] : memref<4x256xi32, #tpu.memory_space<vmem>> -> memref<1x256xi32, #tpu.memory_space<vmem>>
      %dma_start3A_1351 = tpu.memref_squeeze %dma_start3A_1350 : memref<1x256xi32, #tpu.memory_space<vmem>> -> memref<256xi32, #tpu.memory_space<vmem>>
      %dma_start3A_1352 = tpu.memref_slice %arg3[%add3A_221] : memref<32768xi32, #tpu.memory_space<hbm>> -> memref<256xi32, #tpu.memory_space<hbm>>
      %dma_start3A_1353 = arith.constant 0 : i32
      %dma_start3A_1354 = tpu.memref_slice %arg5[%run_scoped3A_222, %dma_start3A_1353] : memref<4x256xi32, #tpu.memory_space<vmem>> -> memref<1x256xi32, #tpu.memory_space<vmem>>
      %dma_start3A_1355 = tpu.memref_squeeze %dma_start3A_1354 : memref<1x256xi32, #tpu.memory_space<vmem>> -> memref<256xi32, #tpu.memory_space<vmem>>
      %dma_start3A_1356 = tpu.memref_slice %arg3[%add3A_221] : memref<32768xi32, #tpu.memory_space<hbm>> -> memref<256xi32, #tpu.memory_space<hbm>>
      tpu.enqueue_dma source(%dma_start3A_1356 : memref<256xi32, #tpu.memory_space<hbm>>) target(%dma_start3A_1355 : memref<256xi32, #tpu.memory_space<vmem>>) target_semaphore(%run_scoped3A_1348 : memref<!tpu.dma_semaphore, #tpu.memory_space<semaphore_mem>>)
      %dma_wait3A_1357 = arith.constant 0 : i32
      %dma_wait3A_1358 = tpu.memref_slice %arg5[%run_scoped3A_222, %dma_wait3A_1357] : memref<4x256xi32, #tpu.memory_space<vmem>> -> memref<1x256xi32, #tpu.memory_space<vmem>>
      %dma_wait3A_1359 = tpu.memref_squeeze %dma_wait3A_1358 : memref<1x256xi32, #tpu.memory_space<vmem>> -> memref<256xi32, #tpu.memory_space<vmem>>
      %dma_wait3A_1360 = tpu.memref_slice %arg3[%add3A_221] : memref<32768xi32, #tpu.memory_space<hbm>> -> memref<256xi32, #tpu.memory_space<hbm>>
      %dma_wait3A_1361 = arith.constant 0 : i32
      %dma_wait3A_1362 = tpu.memref_slice %arg5[%run_scoped3A_222, %dma_wait3A_1361] : memref<4x256xi32, #tpu.memory_space<vmem>> -> memref<1x256xi32, #tpu.memory_space<vmem>>
      %dma_wait3A_1363 = tpu.memref_squeeze %dma_wait3A_1362 : memref<1x256xi32, #tpu.memory_space<vmem>> -> memref<256xi32, #tpu.memory_space<vmem>>
      %dma_wait3A_1364 = tpu.memref_slice %arg3[%add3A_221] : memref<32768xi32, #tpu.memory_space<hbm>> -> memref<256xi32, #tpu.memory_space<hbm>>
      tpu.wait_dma2 semaphore(%run_scoped3A_1348 : memref<!tpu.dma_semaphore, #tpu.memory_space<semaphore_mem>>) src(%dma_wait3A_1364 : memref<256xi32, #tpu.memory_space<hbm>>) dst(%dma_wait3A_1363 : memref<256xi32, #tpu.memory_space<vmem>>)
      tpu.yield
    }) : () -> ()
    %add3A_223 = arith.constant 16384 : i32
    %add3A_224 = arith.addi %add3A_223, %mul3A_2 : i32
    %run_scoped3A_225 = arith.constant 2 : i32
    "tpu.region"() ({
      %run_scoped3A_1348 = tpu.sem_alloc : memref<!tpu.dma_semaphore, #tpu.memory_space<semaphore_mem>>
      %dma_start3A_1349 = arith.constant 0 : i32
      %dma_start3A_1350 = tpu.memref_slice %arg5[%run_scoped3A_225, %dma_start3A_1349] : memref<4x256xi32, #tpu.memory_space<vmem>> -> memref<1x256xi32, #tpu.memory_space<vmem>>
      %dma_start3A_1351 = tpu.memref_squeeze %dma_start3A_1350 : memref<1x256xi32, #tpu.memory_space<vmem>> -> memref<256xi32, #tpu.memory_space<vmem>>
      %dma_start3A_1352 = tpu.memref_slice %arg3[%add3A_224] : memref<32768xi32, #tpu.memory_space<hbm>> -> memref<256xi32, #tpu.memory_space<hbm>>
      %dma_start3A_1353 = arith.constant 0 : i32
      %dma_start3A_1354 = tpu.memref_slice %arg5[%run_scoped3A_225, %dma_start3A_1353] : memref<4x256xi32, #tpu.memory_space<vmem>> -> memref<1x256xi32, #tpu.memory_space<vmem>>
      %dma_start3A_1355 = tpu.memref_squeeze %dma_start3A_1354 : memref<1x256xi32, #tpu.memory_space<vmem>> -> memref<256xi32, #tpu.memory_space<vmem>>
      %dma_start3A_1356 = tpu.memref_slice %arg3[%add3A_224] : memref<32768xi32, #tpu.memory_space<hbm>> -> memref<256xi32, #tpu.memory_space<hbm>>
      tpu.enqueue_dma source(%dma_start3A_1356 : memref<256xi32, #tpu.memory_space<hbm>>) target(%dma_start3A_1355 : memref<256xi32, #tpu.memory_space<vmem>>) target_semaphore(%run_scoped3A_1348 : memref<!tpu.dma_semaphore, #tpu.memory_space<semaphore_mem>>)
      %dma_wait3A_1357 = arith.constant 0 : i32
      %dma_wait3A_1358 = tpu.memref_slice %arg5[%run_scoped3A_225, %dma_wait3A_1357] : memref<4x256xi32, #tpu.memory_space<vmem>> -> memref<1x256xi32, #tpu.memory_space<vmem>>
      %dma_wait3A_1359 = tpu.memref_squeeze %dma_wait3A_1358 : memref<1x256xi32, #tpu.memory_space<vmem>> -> memref<256xi32, #tpu.memory_space<vmem>>
      %dma_wait3A_1360 = tpu.memref_slice %arg3[%add3A_224] : memref<32768xi32, #tpu.memory_space<hbm>> -> memref<256xi32, #tpu.memory_space<hbm>>
      %dma_wait3A_1361 = arith.constant 0 : i32
      %dma_wait3A_1362 = tpu.memref_slice %arg5[%run_scoped3A_225, %dma_wait3A_1361] : memref<4x256xi32, #tpu.memory_space<vmem>> -> memref<1x256xi32, #tpu.memory_space<vmem>>
      %dma_wait3A_1363 = tpu.memref_squeeze %dma_wait3A_1362 : memref<1x256xi32, #tpu.memory_space<vmem>> -> memref<256xi32, #tpu.memory_space<vmem>>
      %dma_wait3A_1364 = tpu.memref_slice %arg3[%add3A_224] : memref<32768xi32, #tpu.memory_space<hbm>> -> memref<256xi32, #tpu.memory_space<hbm>>
      tpu.wait_dma2 semaphore(%run_scoped3A_1348 : memref<!tpu.dma_semaphore, #tpu.memory_space<semaphore_mem>>) src(%dma_wait3A_1364 : memref<256xi32, #tpu.memory_space<hbm>>) dst(%dma_wait3A_1363 : memref<256xi32, #tpu.memory_space<vmem>>)
      tpu.yield
    }) : () -> ()
    %add3A_226 = arith.constant 24576 : i32
    %add3A_227 = arith.addi %add3A_226, %mul3A_2 : i32
    %run_scoped3A_228 = arith.constant 3 : i32
    "tpu.region"() ({
      %run_scoped3A_1348 = tpu.sem_alloc : memref<!tpu.dma_semaphore, #tpu.memory_space<semaphore_mem>>
      %dma_start3A_1349 = arith.constant 0 : i32
      %dma_start3A_1350 = tpu.memref_slice %arg5[%run_scoped3A_228, %dma_start3A_1349] : memref<4x256xi32, #tpu.memory_space<vmem>> -> memref<1x256xi32, #tpu.memory_space<vmem>>
      %dma_start3A_1351 = tpu.memref_squeeze %dma_start3A_1350 : memref<1x256xi32, #tpu.memory_space<vmem>> -> memref<256xi32, #tpu.memory_space<vmem>>
      %dma_start3A_1352 = tpu.memref_slice %arg3[%add3A_227] : memref<32768xi32, #tpu.memory_space<hbm>> -> memref<256xi32, #tpu.memory_space<hbm>>
      %dma_start3A_1353 = arith.constant 0 : i32
      %dma_start3A_1354 = tpu.memref_slice %arg5[%run_scoped3A_228, %dma_start3A_1353] : memref<4x256xi32, #tpu.memory_space<vmem>> -> memref<1x256xi32, #tpu.memory_space<vmem>>
      %dma_start3A_1355 = tpu.memref_squeeze %dma_start3A_1354 : memref<1x256xi32, #tpu.memory_space<vmem>> -> memref<256xi32, #tpu.memory_space<vmem>>
      %dma_start3A_1356 = tpu.memref_slice %arg3[%add3A_227] : memref<32768xi32, #tpu.memory_space<hbm>> -> memref<256xi32, #tpu.memory_space<hbm>>
      tpu.enqueue_dma source(%dma_start3A_1356 : memref<256xi32, #tpu.memory_space<hbm>>) target(%dma_start3A_1355 : memref<256xi32, #tpu.memory_space<vmem>>) target_semaphore(%run_scoped3A_1348 : memref<!tpu.dma_semaphore, #tpu.memory_space<semaphore_mem>>)
      %dma_wait3A_1357 = arith.constant 0 : i32
      %dma_wait3A_1358 = tpu.memref_slice %arg5[%run_scoped3A_228, %dma_wait3A_1357] : memref<4x256xi32, #tpu.memory_space<vmem>> -> memref<1x256xi32, #tpu.memory_space<vmem>>
      %dma_wait3A_1359 = tpu.memref_squeeze %dma_wait3A_1358 : memref<1x256xi32, #tpu.memory_space<vmem>> -> memref<256xi32, #tpu.memory_space<vmem>>
      %dma_wait3A_1360 = tpu.memref_slice %arg3[%add3A_227] : memref<32768xi32, #tpu.memory_space<hbm>> -> memref<256xi32, #tpu.memory_space<hbm>>
      %dma_wait3A_1361 = arith.constant 0 : i32
      %dma_wait3A_1362 = tpu.memref_slice %arg5[%run_scoped3A_228, %dma_wait3A_1361] : memref<4x256xi32, #tpu.memory_space<vmem>> -> memref<1x256xi32, #tpu.memory_space<vmem>>
      %dma_wait3A_1363 = tpu.memref_squeeze %dma_wait3A_1362 : memref<1x256xi32, #tpu.memory_space<vmem>> -> memref<256xi32, #tpu.memory_space<vmem>>
      %dma_wait3A_1364 = tpu.memref_slice %arg3[%add3A_227] : memref<32768xi32, #tpu.memory_space<hbm>> -> memref<256xi32, #tpu.memory_space<hbm>>
      tpu.wait_dma2 semaphore(%run_scoped3A_1348 : memref<!tpu.dma_semaphore, #tpu.memory_space<semaphore_mem>>) src(%dma_wait3A_1364 : memref<256xi32, #tpu.memory_space<hbm>>) dst(%dma_wait3A_1363 : memref<256xi32, #tpu.memory_space<vmem>>)
      tpu.yield
    }) : () -> ()
    %dma_wait3A = arith.constant 0 : i32
    %dma_wait3A_229 = tpu.memref_slice %arg6[%dma_wait3A] : memref<256xi32, #tpu.memory_space<vmem>> -> memref<32xi32, #tpu.memory_space<vmem>>
    %dma_wait3A_230 = arith.constant 0 : i32
    %dma_wait3A_231 = arith.constant 0 : i32
    %dma_wait3A_232 = tpu.memref_slice %arg2[%dma_wait3A_230, %dma_wait3A_231] : memref<8194x1024xf32, #tpu.memory_space<hbm>> -> memref<8194x1024xf32, #tpu.memory_space<hbm>>
    tpu.wait_indirect_dma semaphore(%arg9 : memref<!tpu.dma_semaphore, #tpu.memory_space<semaphore_mem>>) src(%dma_wait3A_232 : memref<8194x1024xf32, #tpu.memory_space<hbm>>) dst(%arg7 : memref<32x1024xf32, #tpu.memory_space<vmem>>)
    %add3A_233 = arith.constant 0 : i32
    %add3A_234 = arith.addi %add3A_233, %mul3A_2 : i32
    %add3A_235 = arith.constant 0 : i32
    %add3A_236 = arith.addi %add3A_234, %add3A_235 : i32
    %dma_start3A_237 = arith.constant 0 : i32
    %dma_start3A_238 = tpu.memref_slice %arg4[%add3A_236, %dma_start3A_237] : memref<32768x1024xf32, #tpu.memory_space<hbm>> -> memref<32x1024xf32, #tpu.memory_space<hbm>>
    %dma_start3A_239 = arith.constant 0 : i32
    %dma_start3A_240 = tpu.memref_slice %arg4[%add3A_236, %dma_start3A_239] : memref<32768x1024xf32, #tpu.memory_space<hbm>> -> memref<32x1024xf32, #tpu.memory_space<hbm>>
    tpu.enqueue_dma source(%arg7 : memref<32x1024xf32, #tpu.memory_space<vmem>>) target(%dma_start3A_240 : memref<32x1024xf32, #tpu.memory_space<hbm>>) target_semaphore(%arg11 : memref<!tpu.dma_semaphore, #tpu.memory_space<semaphore_mem>>)
    %add3A_241 = arith.constant 8192 : i32
    %add3A_242 = arith.addi %add3A_241, %mul3A_2 : i32
    %add3A_243 = arith.constant 0 : i32
    %add3A_244 = arith.addi %add3A_242, %add3A_243 : i32
    %dma_start3A_245 = arith.constant 0 : i32
    %dma_start3A_246 = tpu.memref_slice %arg4[%add3A_244, %dma_start3A_245] : memref<32768x1024xf32, #tpu.memory_space<hbm>> -> memref<32x1024xf32, #tpu.memory_space<hbm>>
    %dma_start3A_247 = arith.constant 0 : i32
    %dma_start3A_248 = tpu.memref_slice %arg4[%add3A_244, %dma_start3A_247] : memref<32768x1024xf32, #tpu.memory_space<hbm>> -> memref<32x1024xf32, #tpu.memory_space<hbm>>
    tpu.enqueue_dma source(%arg7 : memref<32x1024xf32, #tpu.memory_space<vmem>>) target(%dma_start3A_248 : memref<32x1024xf32, #tpu.memory_space<hbm>>) target_semaphore(%arg11 : memref<!tpu.dma_semaphore, #tpu.memory_space<semaphore_mem>>)
    %add3A_249 = arith.constant 16384 : i32
    %add3A_250 = arith.addi %add3A_249, %mul3A_2 : i32
    %add3A_251 = arith.constant 0 : i32
    %add3A_252 = arith.addi %add3A_250, %add3A_251 : i32
    %dma_start3A_253 = arith.constant 0 : i32
    %dma_start3A_254 = tpu.memref_slice %arg4[%add3A_252, %dma_start3A_253] : memref<32768x1024xf32, #tpu.memory_space<hbm>> -> memref<32x1024xf32, #tpu.memory_space<hbm>>
    %dma_start3A_255 = arith.constant 0 : i32
    %dma_start3A_256 = tpu.memref_slice %arg4[%add3A_252, %dma_start3A_255] : memref<32768x1024xf32, #tpu.memory_space<hbm>> -> memref<32x1024xf32, #tpu.memory_space<hbm>>
    tpu.enqueue_dma source(%arg7 : memref<32x1024xf32, #tpu.memory_space<vmem>>) target(%dma_start3A_256 : memref<32x1024xf32, #tpu.memory_space<hbm>>) target_semaphore(%arg11 : memref<!tpu.dma_semaphore, #tpu.memory_space<semaphore_mem>>)
    %add3A_257 = arith.constant 24576 : i32
    %add3A_258 = arith.addi %add3A_257, %mul3A_2 : i32
    %add3A_259 = arith.constant 0 : i32
    %add3A_260 = arith.addi %add3A_258, %add3A_259 : i32
    %dma_start3A_261 = arith.constant 0 : i32
    %dma_start3A_262 = tpu.memref_slice %arg4[%add3A_260, %dma_start3A_261] : memref<32768x1024xf32, #tpu.memory_space<hbm>> -> memref<32x1024xf32, #tpu.memory_space<hbm>>
    %dma_start3A_263 = arith.constant 0 : i32
    %dma_start3A_264 = tpu.memref_slice %arg4[%add3A_260, %dma_start3A_263] : memref<32768x1024xf32, #tpu.memory_space<hbm>> -> memref<32x1024xf32, #tpu.memory_space<hbm>>
    tpu.enqueue_dma source(%arg7 : memref<32x1024xf32, #tpu.memory_space<vmem>>) target(%dma_start3A_264 : memref<32x1024xf32, #tpu.memory_space<hbm>>) target_semaphore(%arg11 : memref<!tpu.dma_semaphore, #tpu.memory_space<semaphore_mem>>)
    %dma_wait3A_265 = arith.constant 32 : i32
    %dma_wait3A_266 = tpu.memref_slice %arg6[%dma_wait3A_265] : memref<256xi32, #tpu.memory_space<vmem>> -> memref<32xi32, #tpu.memory_space<vmem>>
    %dma_wait3A_267 = arith.constant 0 : i32
    %dma_wait3A_268 = arith.constant 0 : i32
    %dma_wait3A_269 = tpu.memref_slice %arg2[%dma_wait3A_267, %dma_wait3A_268] : memref<8194x1024xf32, #tpu.memory_space<hbm>> -> memref<8194x1024xf32, #tpu.memory_space<hbm>>
    tpu.wait_indirect_dma semaphore(%arg10 : memref<!tpu.dma_semaphore, #tpu.memory_space<semaphore_mem>>) src(%dma_wait3A_269 : memref<8194x1024xf32, #tpu.memory_space<hbm>>) dst(%arg8 : memref<32x1024xf32, #tpu.memory_space<vmem>>)
    %add3A_270 = arith.constant 0 : i32
    %add3A_271 = arith.addi %add3A_270, %mul3A_2 : i32
    %add3A_272 = arith.constant 0 : i32
    %add3A_273 = arith.addi %add3A_271, %add3A_272 : i32
    %dma_wait3A_274 = arith.constant 0 : i32
    %dma_wait3A_275 = tpu.memref_slice %arg4[%add3A_273, %dma_wait3A_274] : memref<32768x1024xf32, #tpu.memory_space<hbm>> -> memref<32x1024xf32, #tpu.memory_space<hbm>>
    %dma_wait3A_276 = arith.constant 0 : i32
    %dma_wait3A_277 = tpu.memref_slice %arg4[%add3A_273, %dma_wait3A_276] : memref<32768x1024xf32, #tpu.memory_space<hbm>> -> memref<32x1024xf32, #tpu.memory_space<hbm>>
    tpu.wait_dma2 semaphore(%arg11 : memref<!tpu.dma_semaphore, #tpu.memory_space<semaphore_mem>>) src(%arg7 : memref<32x1024xf32, #tpu.memory_space<vmem>>) dst(%dma_wait3A_277 : memref<32x1024xf32, #tpu.memory_space<hbm>>)
    %add3A_278 = arith.constant 8192 : i32
    %add3A_279 = arith.addi %add3A_278, %mul3A_2 : i32
    %add3A_280 = arith.constant 0 : i32
    %add3A_281 = arith.addi %add3A_279, %add3A_280 : i32
    %dma_wait3A_282 = arith.constant 0 : i32
    %dma_wait3A_283 = tpu.memref_slice %arg4[%add3A_281, %dma_wait3A_282] : memref<32768x1024xf32, #tpu.memory_space<hbm>> -> memref<32x1024xf32, #tpu.memory_space<hbm>>
    %dma_wait3A_284 = arith.constant 0 : i32
    %dma_wait3A_285 = tpu.memref_slice %arg4[%add3A_281, %dma_wait3A_284] : memref<32768x1024xf32, #tpu.memory_space<hbm>> -> memref<32x1024xf32, #tpu.memory_space<hbm>>
    tpu.wait_dma2 semaphore(%arg11 : memref<!tpu.dma_semaphore, #tpu.memory_space<semaphore_mem>>) src(%arg7 : memref<32x1024xf32, #tpu.memory_space<vmem>>) dst(%dma_wait3A_285 : memref<32x1024xf32, #tpu.memory_space<hbm>>)
    %add3A_286 = arith.constant 16384 : i32
    %add3A_287 = arith.addi %add3A_286, %mul3A_2 : i32
    %add3A_288 = arith.constant 0 : i32
    %add3A_289 = arith.addi %add3A_287, %add3A_288 : i32
    %dma_wait3A_290 = arith.constant 0 : i32
    %dma_wait3A_291 = tpu.memref_slice %arg4[%add3A_289, %dma_wait3A_290] : memref<32768x1024xf32, #tpu.memory_space<hbm>> -> memref<32x1024xf32, #tpu.memory_space<hbm>>
    %dma_wait3A_292 = arith.constant 0 : i32
    %dma_wait3A_293 = tpu.memref_slice %arg4[%add3A_289, %dma_wait3A_292] : memref<32768x1024xf32, #tpu.memory_space<hbm>> -> memref<32x1024xf32, #tpu.memory_space<hbm>>
    tpu.wait_dma2 semaphore(%arg11 : memref<!tpu.dma_semaphore, #tpu.memory_space<semaphore_mem>>) src(%arg7 : memref<32x1024xf32, #tpu.memory_space<vmem>>) dst(%dma_wait3A_293 : memref<32x1024xf32, #tpu.memory_space<hbm>>)
    %add3A_294 = arith.constant 24576 : i32
    %add3A_295 = arith.addi %add3A_294, %mul3A_2 : i32
    %add3A_296 = arith.constant 0 : i32
    %add3A_297 = arith.addi %add3A_295, %add3A_296 : i32
    %dma_wait3A_298 = arith.constant 0 : i32
    %dma_wait3A_299 = tpu.memref_slice %arg4[%add3A_297, %dma_wait3A_298] : memref<32768x1024xf32, #tpu.memory_space<hbm>> -> memref<32x1024xf32, #tpu.memory_space<hbm>>
    %dma_wait3A_300 = arith.constant 0 : i32
    %dma_wait3A_301 = tpu.memref_slice %arg4[%add3A_297, %dma_wait3A_300] : memref<32768x1024xf32, #tpu.memory_space<hbm>> -> memref<32x1024xf32, #tpu.memory_space<hbm>>
    tpu.wait_dma2 semaphore(%arg11 : memref<!tpu.dma_semaphore, #tpu.memory_space<semaphore_mem>>) src(%arg7 : memref<32x1024xf32, #tpu.memory_space<vmem>>) dst(%dma_wait3A_301 : memref<32x1024xf32, #tpu.memory_space<hbm>>)
    %dma_start3A_302 = arith.constant 64 : i32
    %dma_start3A_303 = tpu.memref_slice %arg6[%dma_start3A_302] : memref<256xi32, #tpu.memory_space<vmem>> -> memref<32xi32, #tpu.memory_space<vmem>>
    %dma_start3A_304 = arith.constant 0 : i32
    %dma_start3A_305 = arith.constant 0 : i32
    %dma_start3A_306 = tpu.memref_slice %arg2[%dma_start3A_304, %dma_start3A_305] : memref<8194x1024xf32, #tpu.memory_space<hbm>> -> memref<8194x1024xf32, #tpu.memory_space<hbm>>
    tpu.enqueue_indirect_dma source(%dma_start3A_306 : memref<8194x1024xf32, #tpu.memory_space<hbm>>) target(%arg7 : memref<32x1024xf32, #tpu.memory_space<vmem>>) offsets(%dma_start3A_303 : memref<32xi32, #tpu.memory_space<vmem>>) semaphore(%arg9 : memref<!tpu.dma_semaphore, #tpu.memory_space<semaphore_mem>>)
    %add3A_307 = arith.constant 0 : i32
    %add3A_308 = arith.addi %add3A_307, %mul3A_2 : i32
    %add3A_309 = arith.constant 32 : i32
    %add3A_310 = arith.addi %add3A_308, %add3A_309 : i32
    %dma_start3A_311 = arith.constant 0 : i32
    %dma_start3A_312 = tpu.memref_slice %arg4[%add3A_310, %dma_start3A_311] : memref<32768x1024xf32, #tpu.memory_space<hbm>> -> memref<32x1024xf32, #tpu.memory_space<hbm>>
    %dma_start3A_313 = arith.constant 0 : i32
    %dma_start3A_314 = tpu.memref_slice %arg4[%add3A_310, %dma_start3A_313] : memref<32768x1024xf32, #tpu.memory_space<hbm>> -> memref<32x1024xf32, #tpu.memory_space<hbm>>
    tpu.enqueue_dma source(%arg8 : memref<32x1024xf32, #tpu.memory_space<vmem>>) target(%dma_start3A_314 : memref<32x1024xf32, #tpu.memory_space<hbm>>) target_semaphore(%arg12 : memref<!tpu.dma_semaphore, #tpu.memory_space<semaphore_mem>>)
    %add3A_315 = arith.constant 8192 : i32
    %add3A_316 = arith.addi %add3A_315, %mul3A_2 : i32
    %add3A_317 = arith.constant 32 : i32
    %add3A_318 = arith.addi %add3A_316, %add3A_317 : i32
    %dma_start3A_319 = arith.constant 0 : i32
    %dma_start3A_320 = tpu.memref_slice %arg4[%add3A_318, %dma_start3A_319] : memref<32768x1024xf32, #tpu.memory_space<hbm>> -> memref<32x1024xf32, #tpu.memory_space<hbm>>
    %dma_start3A_321 = arith.constant 0 : i32
    %dma_start3A_322 = tpu.memref_slice %arg4[%add3A_318, %dma_start3A_321] : memref<32768x1024xf32, #tpu.memory_space<hbm>> -> memref<32x1024xf32, #tpu.memory_space<hbm>>
    tpu.enqueue_dma source(%arg8 : memref<32x1024xf32, #tpu.memory_space<vmem>>) target(%dma_start3A_322 : memref<32x1024xf32, #tpu.memory_space<hbm>>) target_semaphore(%arg12 : memref<!tpu.dma_semaphore, #tpu.memory_space<semaphore_mem>>)
    %add3A_323 = arith.constant 16384 : i32
    %add3A_324 = arith.addi %add3A_323, %mul3A_2 : i32
    %add3A_325 = arith.constant 32 : i32
    %add3A_326 = arith.addi %add3A_324, %add3A_325 : i32
    %dma_start3A_327 = arith.constant 0 : i32
    %dma_start3A_328 = tpu.memref_slice %arg4[%add3A_326, %dma_start3A_327] : memref<32768x1024xf32, #tpu.memory_space<hbm>> -> memref<32x1024xf32, #tpu.memory_space<hbm>>
    %dma_start3A_329 = arith.constant 0 : i32
    %dma_start3A_330 = tpu.memref_slice %arg4[%add3A_326, %dma_start3A_329] : memref<32768x1024xf32, #tpu.memory_space<hbm>> -> memref<32x1024xf32, #tpu.memory_space<hbm>>
    tpu.enqueue_dma source(%arg8 : memref<32x1024xf32, #tpu.memory_space<vmem>>) target(%dma_start3A_330 : memref<32x1024xf32, #tpu.memory_space<hbm>>) target_semaphore(%arg12 : memref<!tpu.dma_semaphore, #tpu.memory_space<semaphore_mem>>)
    %add3A_331 = arith.constant 24576 : i32
    %add3A_332 = arith.addi %add3A_331, %mul3A_2 : i32
    %add3A_333 = arith.constant 32 : i32
    %add3A_334 = arith.addi %add3A_332, %add3A_333 : i32
    %dma_start3A_335 = arith.constant 0 : i32
    %dma_start3A_336 = tpu.memref_slice %arg4[%add3A_334, %dma_start3A_335] : memref<32768x1024xf32, #tpu.memory_space<hbm>> -> memref<32x1024xf32, #tpu.memory_space<hbm>>
    %dma_start3A_337 = arith.constant 0 : i32
    %dma_start3A_338 = tpu.memref_slice %arg4[%add3A_334, %dma_start3A_337] : memref<32768x1024xf32, #tpu.memory_space<hbm>> -> memref<32x1024xf32, #tpu.memory_space<hbm>>
    tpu.enqueue_dma source(%arg8 : memref<32x1024xf32, #tpu.memory_space<vmem>>) target(%dma_start3A_338 : memref<32x1024xf32, #tpu.memory_space<hbm>>) target_semaphore(%arg12 : memref<!tpu.dma_semaphore, #tpu.memory_space<semaphore_mem>>)
    %dma_wait3A_339 = arith.constant 64 : i32
    %dma_wait3A_340 = tpu.memref_slice %arg6[%dma_wait3A_339] : memref<256xi32, #tpu.memory_space<vmem>> -> memref<32xi32, #tpu.memory_space<vmem>>
    %dma_wait3A_341 = arith.constant 0 : i32
    %dma_wait3A_342 = arith.constant 0 : i32
    %dma_wait3A_343 = tpu.memref_slice %arg2[%dma_wait3A_341, %dma_wait3A_342] : memref<8194x1024xf32, #tpu.memory_space<hbm>> -> memref<8194x1024xf32, #tpu.memory_space<hbm>>
    tpu.wait_indirect_dma semaphore(%arg9 : memref<!tpu.dma_semaphore, #tpu.memory_space<semaphore_mem>>) src(%dma_wait3A_343 : memref<8194x1024xf32, #tpu.memory_space<hbm>>) dst(%arg7 : memref<32x1024xf32, #tpu.memory_space<vmem>>)
    %add3A_344 = arith.constant 0 : i32
    %add3A_345 = arith.addi %add3A_344, %mul3A_2 : i32
    %add3A_346 = arith.constant 32 : i32
    %add3A_347 = arith.addi %add3A_345, %add3A_346 : i32
    %dma_wait3A_348 = arith.constant 0 : i32
    %dma_wait3A_349 = tpu.memref_slice %arg4[%add3A_347, %dma_wait3A_348] : memref<32768x1024xf32, #tpu.memory_space<hbm>> -> memref<32x1024xf32, #tpu.memory_space<hbm>>
    %dma_wait3A_350 = arith.constant 0 : i32
    %dma_wait3A_351 = tpu.memref_slice %arg4[%add3A_347, %dma_wait3A_350] : memref<32768x1024xf32, #tpu.memory_space<hbm>> -> memref<32x1024xf32, #tpu.memory_space<hbm>>
    tpu.wait_dma2 semaphore(%arg12 : memref<!tpu.dma_semaphore, #tpu.memory_space<semaphore_mem>>) src(%arg8 : memref<32x1024xf32, #tpu.memory_space<vmem>>) dst(%dma_wait3A_351 : memref<32x1024xf32, #tpu.memory_space<hbm>>)
    %add3A_352 = arith.constant 8192 : i32
    %add3A_353 = arith.addi %add3A_352, %mul3A_2 : i32
    %add3A_354 = arith.constant 32 : i32
    %add3A_355 = arith.addi %add3A_353, %add3A_354 : i32
    %dma_wait3A_356 = arith.constant 0 : i32
    %dma_wait3A_357 = tpu.memref_slice %arg4[%add3A_355, %dma_wait3A_356] : memref<32768x1024xf32, #tpu.memory_space<hbm>> -> memref<32x1024xf32, #tpu.memory_space<hbm>>
    %dma_wait3A_358 = arith.constant 0 : i32
    %dma_wait3A_359 = tpu.memref_slice %arg4[%add3A_355, %dma_wait3A_358] : memref<32768x1024xf32, #tpu.memory_space<hbm>> -> memref<32x1024xf32, #tpu.memory_space<hbm>>
    tpu.wait_dma2 semaphore(%arg12 : memref<!tpu.dma_semaphore, #tpu.memory_space<semaphore_mem>>) src(%arg8 : memref<32x1024xf32, #tpu.memory_space<vmem>>) dst(%dma_wait3A_359 : memref<32x1024xf32, #tpu.memory_space<hbm>>)
    %add3A_360 = arith.constant 16384 : i32
    %add3A_361 = arith.addi %add3A_360, %mul3A_2 : i32
    %add3A_362 = arith.constant 32 : i32
    %add3A_363 = arith.addi %add3A_361, %add3A_362 : i32
    %dma_wait3A_364 = arith.constant 0 : i32
    %dma_wait3A_365 = tpu.memref_slice %arg4[%add3A_363, %dma_wait3A_364] : memref<32768x1024xf32, #tpu.memory_space<hbm>> -> memref<32x1024xf32, #tpu.memory_space<hbm>>
    %dma_wait3A_366 = arith.constant 0 : i32
    %dma_wait3A_367 = tpu.memref_slice %arg4[%add3A_363, %dma_wait3A_366] : memref<32768x1024xf32, #tpu.memory_space<hbm>> -> memref<32x1024xf32, #tpu.memory_space<hbm>>
    tpu.wait_dma2 semaphore(%arg12 : memref<!tpu.dma_semaphore, #tpu.memory_space<semaphore_mem>>) src(%arg8 : memref<32x1024xf32, #tpu.memory_space<vmem>>) dst(%dma_wait3A_367 : memref<32x1024xf32, #tpu.memory_space<hbm>>)
    %add3A_368 = arith.constant 24576 : i32
    %add3A_369 = arith.addi %add3A_368, %mul3A_2 : i32
    %add3A_370 = arith.constant 32 : i32
    %add3A_371 = arith.addi %add3A_369, %add3A_370 : i32
    %dma_wait3A_372 = arith.constant 0 : i32
    %dma_wait3A_373 = tpu.memref_slice %arg4[%add3A_371, %dma_wait3A_372] : memref<32768x1024xf32, #tpu.memory_space<hbm>> -> memref<32x1024xf32, #tpu.memory_space<hbm>>
    %dma_wait3A_374 = arith.constant 0 : i32
    %dma_wait3A_375 = tpu.memref_slice %arg4[%add3A_371, %dma_wait3A_374] : memref<32768x1024xf32, #tpu.memory_space<hbm>> -> memref<32x1024xf32, #tpu.memory_space<hbm>>
    tpu.wait_dma2 semaphore(%arg12 : memref<!tpu.dma_semaphore, #tpu.memory_space<semaphore_mem>>) src(%arg8 : memref<32x1024xf32, #tpu.memory_space<vmem>>) dst(%dma_wait3A_375 : memref<32x1024xf32, #tpu.memory_space<hbm>>)
    %dma_start3A_376 = arith.constant 96 : i32
    %dma_start3A_377 = tpu.memref_slice %arg6[%dma_start3A_376] : memref<256xi32, #tpu.memory_space<vmem>> -> memref<32xi32, #tpu.memory_space<vmem>>
    %dma_start3A_378 = arith.constant 0 : i32
    %dma_start3A_379 = arith.constant 0 : i32
    %dma_start3A_380 = tpu.memref_slice %arg2[%dma_start3A_378, %dma_start3A_379] : memref<8194x1024xf32, #tpu.memory_space<hbm>> -> memref<8194x1024xf32, #tpu.memory_space<hbm>>
    tpu.enqueue_indirect_dma source(%dma_start3A_380 : memref<8194x1024xf32, #tpu.memory_space<hbm>>) target(%arg8 : memref<32x1024xf32, #tpu.memory_space<vmem>>) offsets(%dma_start3A_377 : memref<32xi32, #tpu.memory_space<vmem>>) semaphore(%arg10 : memref<!tpu.dma_semaphore, #tpu.memory_space<semaphore_mem>>)
    %add3A_381 = arith.constant 0 : i32
    %add3A_382 = arith.addi %add3A_381, %mul3A_2 : i32
    %add3A_383 = arith.constant 64 : i32
    %add3A_384 = arith.addi %add3A_382, %add3A_383 : i32
    %dma_start3A_385 = arith.constant 0 : i32
    %dma_start3A_386 = tpu.memref_slice %arg4[%add3A_384, %dma_start3A_385] : memref<32768x1024xf32, #tpu.memory_space<hbm>> -> memref<32x1024xf32, #tpu.memory_space<hbm>>
    %dma_start3A_387 = arith.constant 0 : i32
    %dma_start3A_388 = tpu.memref_slice %arg4[%add3A_384, %dma_start3A_387] : memref<32768x1024xf32, #tpu.memory_space<hbm>> -> memref<32x1024xf32, #tpu.memory_space<hbm>>
    tpu.enqueue_dma source(%arg7 : memref<32x1024xf32, #tpu.memory_space<vmem>>) target(%dma_start3A_388 : memref<32x1024xf32, #tpu.memory_space<hbm>>) target_semaphore(%arg11 : memref<!tpu.dma_semaphore, #tpu.memory_space<semaphore_mem>>)
    %add3A_389 = arith.constant 8192 : i32
    %add3A_390 = arith.addi %add3A_389, %mul3A_2 : i32
    %add3A_391 = arith.constant 64 : i32
    %add3A_392 = arith.addi %add3A_390, %add3A_391 : i32
    %dma_start3A_393 = arith.constant 0 : i32
    %dma_start3A_394 = tpu.memref_slice %arg4[%add3A_392, %dma_start3A_393] : memref<32768x1024xf32, #tpu.memory_space<hbm>> -> memref<32x1024xf32, #tpu.memory_space<hbm>>
    %dma_start3A_395 = arith.constant 0 : i32
    %dma_start3A_396 = tpu.memref_slice %arg4[%add3A_392, %dma_start3A_395] : memref<32768x1024xf32, #tpu.memory_space<hbm>> -> memref<32x1024xf32, #tpu.memory_space<hbm>>
    tpu.enqueue_dma source(%arg7 : memref<32x1024xf32, #tpu.memory_space<vmem>>) target(%dma_start3A_396 : memref<32x1024xf32, #tpu.memory_space<hbm>>) target_semaphore(%arg11 : memref<!tpu.dma_semaphore, #tpu.memory_space<semaphore_mem>>)
    %add3A_397 = arith.constant 16384 : i32
    %add3A_398 = arith.addi %add3A_397, %mul3A_2 : i32
    %add3A_399 = arith.constant 64 : i32
    %add3A_400 = arith.addi %add3A_398, %add3A_399 : i32
    %dma_start3A_401 = arith.constant 0 : i32
    %dma_start3A_402 = tpu.memref_slice %arg4[%add3A_400, %dma_start3A_401] : memref<32768x1024xf32, #tpu.memory_space<hbm>> -> memref<32x1024xf32, #tpu.memory_space<hbm>>
    %dma_start3A_403 = arith.constant 0 : i32
    %dma_start3A_404 = tpu.memref_slice %arg4[%add3A_400, %dma_start3A_403] : memref<32768x1024xf32, #tpu.memory_space<hbm>> -> memref<32x1024xf32, #tpu.memory_space<hbm>>
    tpu.enqueue_dma source(%arg7 : memref<32x1024xf32, #tpu.memory_space<vmem>>) target(%dma_start3A_404 : memref<32x1024xf32, #tpu.memory_space<hbm>>) target_semaphore(%arg11 : memref<!tpu.dma_semaphore, #tpu.memory_space<semaphore_mem>>)
    %add3A_405 = arith.constant 24576 : i32
    %add3A_406 = arith.addi %add3A_405, %mul3A_2 : i32
    %add3A_407 = arith.constant 64 : i32
    %add3A_408 = arith.addi %add3A_406, %add3A_407 : i32
    %dma_start3A_409 = arith.constant 0 : i32
    %dma_start3A_410 = tpu.memref_slice %arg4[%add3A_408, %dma_start3A_409] : memref<32768x1024xf32, #tpu.memory_space<hbm>> -> memref<32x1024xf32, #tpu.memory_space<hbm>>
    %dma_start3A_411 = arith.constant 0 : i32
    %dma_start3A_412 = tpu.memref_slice %arg4[%add3A_408, %dma_start3A_411] : memref<32768x1024xf32, #tpu.memory_space<hbm>> -> memref<32x1024xf32, #tpu.memory_space<hbm>>
    tpu.enqueue_dma source(%arg7 : memref<32x1024xf32, #tpu.memory_space<vmem>>) target(%dma_start3A_412 : memref<32x1024xf32, #tpu.memory_space<hbm>>) target_semaphore(%arg11 : memref<!tpu.dma_semaphore, #tpu.memory_space<semaphore_mem>>)
    %dma_wait3A_413 = arith.constant 96 : i32
    %dma_wait3A_414 = tpu.memref_slice %arg6[%dma_wait3A_413] : memref<256xi32, #tpu.memory_space<vmem>> -> memref<32xi32, #tpu.memory_space<vmem>>
    %dma_wait3A_415 = arith.constant 0 : i32
    %dma_wait3A_416 = arith.constant 0 : i32
    %dma_wait3A_417 = tpu.memref_slice %arg2[%dma_wait3A_415, %dma_wait3A_416] : memref<8194x1024xf32, #tpu.memory_space<hbm>> -> memref<8194x1024xf32, #tpu.memory_space<hbm>>
    tpu.wait_indirect_dma semaphore(%arg10 : memref<!tpu.dma_semaphore, #tpu.memory_space<semaphore_mem>>) src(%dma_wait3A_417 : memref<8194x1024xf32, #tpu.memory_space<hbm>>) dst(%arg8 : memref<32x1024xf32, #tpu.memory_space<vmem>>)
    %add3A_418 = arith.constant 0 : i32
    %add3A_419 = arith.addi %add3A_418, %mul3A_2 : i32
    %add3A_420 = arith.constant 64 : i32
    %add3A_421 = arith.addi %add3A_419, %add3A_420 : i32
    %dma_wait3A_422 = arith.constant 0 : i32
    %dma_wait3A_423 = tpu.memref_slice %arg4[%add3A_421, %dma_wait3A_422] : memref<32768x1024xf32, #tpu.memory_space<hbm>> -> memref<32x1024xf32, #tpu.memory_space<hbm>>
    %dma_wait3A_424 = arith.constant 0 : i32
    %dma_wait3A_425 = tpu.memref_slice %arg4[%add3A_421, %dma_wait3A_424] : memref<32768x1024xf32, #tpu.memory_space<hbm>> -> memref<32x1024xf32, #tpu.memory_space<hbm>>
    tpu.wait_dma2 semaphore(%arg11 : memref<!tpu.dma_semaphore, #tpu.memory_space<semaphore_mem>>) src(%arg7 : memref<32x1024xf32, #tpu.memory_space<vmem>>) dst(%dma_wait3A_425 : memref<32x1024xf32, #tpu.memory_space<hbm>>)
    %add3A_426 = arith.constant 8192 : i32
    %add3A_427 = arith.addi %add3A_426, %mul3A_2 : i32
    %add3A_428 = arith.constant 64 : i32
    %add3A_429 = arith.addi %add3A_427, %add3A_428 : i32
    %dma_wait3A_430 = arith.constant 0 : i32
    %dma_wait3A_431 = tpu.memref_slice %arg4[%add3A_429, %dma_wait3A_430] : memref<32768x1024xf32, #tpu.memory_space<hbm>> -> memref<32x1024xf32, #tpu.memory_space<hbm>>
    %dma_wait3A_432 = arith.constant 0 : i32
    %dma_wait3A_433 = tpu.memref_slice %arg4[%add3A_429, %dma_wait3A_432] : memref<32768x1024xf32, #tpu.memory_space<hbm>> -> memref<32x1024xf32, #tpu.memory_space<hbm>>
    tpu.wait_dma2 semaphore(%arg11 : memref<!tpu.dma_semaphore, #tpu.memory_space<semaphore_mem>>) src(%arg7 : memref<32x1024xf32, #tpu.memory_space<vmem>>) dst(%dma_wait3A_433 : memref<32x1024xf32, #tpu.memory_space<hbm>>)
    %add3A_434 = arith.constant 16384 : i32
    %add3A_435 = arith.addi %add3A_434, %mul3A_2 : i32
    %add3A_436 = arith.constant 64 : i32
    %add3A_437 = arith.addi %add3A_435, %add3A_436 : i32
    %dma_wait3A_438 = arith.constant 0 : i32
    %dma_wait3A_439 = tpu.memref_slice %arg4[%add3A_437, %dma_wait3A_438] : memref<32768x1024xf32, #tpu.memory_space<hbm>> -> memref<32x1024xf32, #tpu.memory_space<hbm>>
    %dma_wait3A_440 = arith.constant 0 : i32
    %dma_wait3A_441 = tpu.memref_slice %arg4[%add3A_437, %dma_wait3A_440] : memref<32768x1024xf32, #tpu.memory_space<hbm>> -> memref<32x1024xf32, #tpu.memory_space<hbm>>
    tpu.wait_dma2 semaphore(%arg11 : memref<!tpu.dma_semaphore, #tpu.memory_space<semaphore_mem>>) src(%arg7 : memref<32x1024xf32, #tpu.memory_space<vmem>>) dst(%dma_wait3A_441 : memref<32x1024xf32, #tpu.memory_space<hbm>>)
    %add3A_442 = arith.constant 24576 : i32
    %add3A_443 = arith.addi %add3A_442, %mul3A_2 : i32
    %add3A_444 = arith.constant 64 : i32
    %add3A_445 = arith.addi %add3A_443, %add3A_444 : i32
    %dma_wait3A_446 = arith.constant 0 : i32
    %dma_wait3A_447 = tpu.memref_slice %arg4[%add3A_445, %dma_wait3A_446] : memref<32768x1024xf32, #tpu.memory_space<hbm>> -> memref<32x1024xf32, #tpu.memory_space<hbm>>
    %dma_wait3A_448 = arith.constant 0 : i32
    %dma_wait3A_449 = tpu.memref_slice %arg4[%add3A_445, %dma_wait3A_448] : memref<32768x1024xf32, #tpu.memory_space<hbm>> -> memref<32x1024xf32, #tpu.memory_space<hbm>>
    tpu.wait_dma2 semaphore(%arg11 : memref<!tpu.dma_semaphore, #tpu.memory_space<semaphore_mem>>) src(%arg7 : memref<32x1024xf32, #tpu.memory_space<vmem>>) dst(%dma_wait3A_449 : memref<32x1024xf32, #tpu.memory_space<hbm>>)
    %dma_start3A_450 = arith.constant 128 : i32
    %dma_start3A_451 = tpu.memref_slice %arg6[%dma_start3A_450] : memref<256xi32, #tpu.memory_space<vmem>> -> memref<32xi32, #tpu.memory_space<vmem>>
    %dma_start3A_452 = arith.constant 0 : i32
    %dma_start3A_453 = arith.constant 0 : i32
    %dma_start3A_454 = tpu.memref_slice %arg2[%dma_start3A_452, %dma_start3A_453] : memref<8194x1024xf32, #tpu.memory_space<hbm>> -> memref<8194x1024xf32, #tpu.memory_space<hbm>>
    tpu.enqueue_indirect_dma source(%dma_start3A_454 : memref<8194x1024xf32, #tpu.memory_space<hbm>>) target(%arg7 : memref<32x1024xf32, #tpu.memory_space<vmem>>) offsets(%dma_start3A_451 : memref<32xi32, #tpu.memory_space<vmem>>) semaphore(%arg9 : memref<!tpu.dma_semaphore, #tpu.memory_space<semaphore_mem>>)
    %add3A_455 = arith.constant 0 : i32
    %add3A_456 = arith.addi %add3A_455, %mul3A_2 : i32
    %add3A_457 = arith.constant 96 : i32
    %add3A_458 = arith.addi %add3A_456, %add3A_457 : i32
    %dma_start3A_459 = arith.constant 0 : i32
    %dma_start3A_460 = tpu.memref_slice %arg4[%add3A_458, %dma_start3A_459] : memref<32768x1024xf32, #tpu.memory_space<hbm>> -> memref<32x1024xf32, #tpu.memory_space<hbm>>
    %dma_start3A_461 = arith.constant 0 : i32
    %dma_start3A_462 = tpu.memref_slice %arg4[%add3A_458, %dma_start3A_461] : memref<32768x1024xf32, #tpu.memory_space<hbm>> -> memref<32x1024xf32, #tpu.memory_space<hbm>>
    tpu.enqueue_dma source(%arg8 : memref<32x1024xf32, #tpu.memory_space<vmem>>) target(%dma_start3A_462 : memref<32x1024xf32, #tpu.memory_space<hbm>>) target_semaphore(%arg12 : memref<!tpu.dma_semaphore, #tpu.memory_space<semaphore_mem>>)
    %add3A_463 = arith.constant 8192 : i32
    %add3A_464 = arith.addi %add3A_463, %mul3A_2 : i32
    %add3A_465 = arith.constant 96 : i32
    %add3A_466 = arith.addi %add3A_464, %add3A_465 : i32
    %dma_start3A_467 = arith.constant 0 : i32
    %dma_start3A_468 = tpu.memref_slice %arg4[%add3A_466, %dma_start3A_467] : memref<32768x1024xf32, #tpu.memory_space<hbm>> -> memref<32x1024xf32, #tpu.memory_space<hbm>>
    %dma_start3A_469 = arith.constant 0 : i32
    %dma_start3A_470 = tpu.memref_slice %arg4[%add3A_466, %dma_start3A_469] : memref<32768x1024xf32, #tpu.memory_space<hbm>> -> memref<32x1024xf32, #tpu.memory_space<hbm>>
    tpu.enqueue_dma source(%arg8 : memref<32x1024xf32, #tpu.memory_space<vmem>>) target(%dma_start3A_470 : memref<32x1024xf32, #tpu.memory_space<hbm>>) target_semaphore(%arg12 : memref<!tpu.dma_semaphore, #tpu.memory_space<semaphore_mem>>)
    %add3A_471 = arith.constant 16384 : i32
    %add3A_472 = arith.addi %add3A_471, %mul3A_2 : i32
    %add3A_473 = arith.constant 96 : i32
    %add3A_474 = arith.addi %add3A_472, %add3A_473 : i32
    %dma_start3A_475 = arith.constant 0 : i32
    %dma_start3A_476 = tpu.memref_slice %arg4[%add3A_474, %dma_start3A_475] : memref<32768x1024xf32, #tpu.memory_space<hbm>> -> memref<32x1024xf32, #tpu.memory_space<hbm>>
    %dma_start3A_477 = arith.constant 0 : i32
    %dma_start3A_478 = tpu.memref_slice %arg4[%add3A_474, %dma_start3A_477] : memref<32768x1024xf32, #tpu.memory_space<hbm>> -> memref<32x1024xf32, #tpu.memory_space<hbm>>
    tpu.enqueue_dma source(%arg8 : memref<32x1024xf32, #tpu.memory_space<vmem>>) target(%dma_start3A_478 : memref<32x1024xf32, #tpu.memory_space<hbm>>) target_semaphore(%arg12 : memref<!tpu.dma_semaphore, #tpu.memory_space<semaphore_mem>>)
    %add3A_479 = arith.constant 24576 : i32
    %add3A_480 = arith.addi %add3A_479, %mul3A_2 : i32
    %add3A_481 = arith.constant 96 : i32
    %add3A_482 = arith.addi %add3A_480, %add3A_481 : i32
    %dma_start3A_483 = arith.constant 0 : i32
    %dma_start3A_484 = tpu.memref_slice %arg4[%add3A_482, %dma_start3A_483] : memref<32768x1024xf32, #tpu.memory_space<hbm>> -> memref<32x1024xf32, #tpu.memory_space<hbm>>
    %dma_start3A_485 = arith.constant 0 : i32
    %dma_start3A_486 = tpu.memref_slice %arg4[%add3A_482, %dma_start3A_485] : memref<32768x1024xf32, #tpu.memory_space<hbm>> -> memref<32x1024xf32, #tpu.memory_space<hbm>>
    tpu.enqueue_dma source(%arg8 : memref<32x1024xf32, #tpu.memory_space<vmem>>) target(%dma_start3A_486 : memref<32x1024xf32, #tpu.memory_space<hbm>>) target_semaphore(%arg12 : memref<!tpu.dma_semaphore, #tpu.memory_space<semaphore_mem>>)
    %dma_wait3A_487 = arith.constant 128 : i32
    %dma_wait3A_488 = tpu.memref_slice %arg6[%dma_wait3A_487] : memref<256xi32, #tpu.memory_space<vmem>> -> memref<32xi32, #tpu.memory_space<vmem>>
    %dma_wait3A_489 = arith.constant 0 : i32
    %dma_wait3A_490 = arith.constant 0 : i32
    %dma_wait3A_491 = tpu.memref_slice %arg2[%dma_wait3A_489, %dma_wait3A_490] : memref<8194x1024xf32, #tpu.memory_space<hbm>> -> memref<8194x1024xf32, #tpu.memory_space<hbm>>
    tpu.wait_indirect_dma semaphore(%arg9 : memref<!tpu.dma_semaphore, #tpu.memory_space<semaphore_mem>>) src(%dma_wait3A_491 : memref<8194x1024xf32, #tpu.memory_space<hbm>>) dst(%arg7 : memref<32x1024xf32, #tpu.memory_space<vmem>>)
    %add3A_492 = arith.constant 0 : i32
    %add3A_493 = arith.addi %add3A_492, %mul3A_2 : i32
    %add3A_494 = arith.constant 96 : i32
    %add3A_495 = arith.addi %add3A_493, %add3A_494 : i32
    %dma_wait3A_496 = arith.constant 0 : i32
    %dma_wait3A_497 = tpu.memref_slice %arg4[%add3A_495, %dma_wait3A_496] : memref<32768x1024xf32, #tpu.memory_space<hbm>> -> memref<32x1024xf32, #tpu.memory_space<hbm>>
    %dma_wait3A_498 = arith.constant 0 : i32
    %dma_wait3A_499 = tpu.memref_slice %arg4[%add3A_495, %dma_wait3A_498] : memref<32768x1024xf32, #tpu.memory_space<hbm>> -> memref<32x1024xf32, #tpu.memory_space<hbm>>
    tpu.wait_dma2 semaphore(%arg12 : memref<!tpu.dma_semaphore, #tpu.memory_space<semaphore_mem>>) src(%arg8 : memref<32x1024xf32, #tpu.memory_space<vmem>>) dst(%dma_wait3A_499 : memref<32x1024xf32, #tpu.memory_space<hbm>>)
    %add3A_500 = arith.constant 8192 : i32
    %add3A_501 = arith.addi %add3A_500, %mul3A_2 : i32
    %add3A_502 = arith.constant 96 : i32
    %add3A_503 = arith.addi %add3A_501, %add3A_502 : i32
    %dma_wait3A_504 = arith.constant 0 : i32
    %dma_wait3A_505 = tpu.memref_slice %arg4[%add3A_503, %dma_wait3A_504] : memref<32768x1024xf32, #tpu.memory_space<hbm>> -> memref<32x1024xf32, #tpu.memory_space<hbm>>
    %dma_wait3A_506 = arith.constant 0 : i32
    %dma_wait3A_507 = tpu.memref_slice %arg4[%add3A_503, %dma_wait3A_506] : memref<32768x1024xf32, #tpu.memory_space<hbm>> -> memref<32x1024xf32, #tpu.memory_space<hbm>>
    tpu.wait_dma2 semaphore(%arg12 : memref<!tpu.dma_semaphore, #tpu.memory_space<semaphore_mem>>) src(%arg8 : memref<32x1024xf32, #tpu.memory_space<vmem>>) dst(%dma_wait3A_507 : memref<32x1024xf32, #tpu.memory_space<hbm>>)
    %add3A_508 = arith.constant 16384 : i32
    %add3A_509 = arith.addi %add3A_508, %mul3A_2 : i32
    %add3A_510 = arith.constant 96 : i32
    %add3A_511 = arith.addi %add3A_509, %add3A_510 : i32
    %dma_wait3A_512 = arith.constant 0 : i32
    %dma_wait3A_513 = tpu.memref_slice %arg4[%add3A_511, %dma_wait3A_512] : memref<32768x1024xf32, #tpu.memory_space<hbm>> -> memref<32x1024xf32, #tpu.memory_space<hbm>>
    %dma_wait3A_514 = arith.constant 0 : i32
    %dma_wait3A_515 = tpu.memref_slice %arg4[%add3A_511, %dma_wait3A_514] : memref<32768x1024xf32, #tpu.memory_space<hbm>> -> memref<32x1024xf32, #tpu.memory_space<hbm>>
    tpu.wait_dma2 semaphore(%arg12 : memref<!tpu.dma_semaphore, #tpu.memory_space<semaphore_mem>>) src(%arg8 : memref<32x1024xf32, #tpu.memory_space<vmem>>) dst(%dma_wait3A_515 : memref<32x1024xf32, #tpu.memory_space<hbm>>)
    %add3A_516 = arith.constant 24576 : i32
    %add3A_517 = arith.addi %add3A_516, %mul3A_2 : i32
    %add3A_518 = arith.constant 96 : i32
    %add3A_519 = arith.addi %add3A_517, %add3A_518 : i32
    %dma_wait3A_520 = arith.constant 0 : i32
    %dma_wait3A_521 = tpu.memref_slice %arg4[%add3A_519, %dma_wait3A_520] : memref<32768x1024xf32, #tpu.memory_space<hbm>> -> memref<32x1024xf32, #tpu.memory_space<hbm>>
    %dma_wait3A_522 = arith.constant 0 : i32
    %dma_wait3A_523 = tpu.memref_slice %arg4[%add3A_519, %dma_wait3A_522] : memref<32768x1024xf32, #tpu.memory_space<hbm>> -> memref<32x1024xf32, #tpu.memory_space<hbm>>
    tpu.wait_dma2 semaphore(%arg12 : memref<!tpu.dma_semaphore, #tpu.memory_space<semaphore_mem>>) src(%arg8 : memref<32x1024xf32, #tpu.memory_space<vmem>>) dst(%dma_wait3A_523 : memref<32x1024xf32, #tpu.memory_space<hbm>>)
    %dma_start3A_524 = arith.constant 160 : i32
    %dma_start3A_525 = tpu.memref_slice %arg6[%dma_start3A_524] : memref<256xi32, #tpu.memory_space<vmem>> -> memref<32xi32, #tpu.memory_space<vmem>>
    %dma_start3A_526 = arith.constant 0 : i32
    %dma_start3A_527 = arith.constant 0 : i32
    %dma_start3A_528 = tpu.memref_slice %arg2[%dma_start3A_526, %dma_start3A_527] : memref<8194x1024xf32, #tpu.memory_space<hbm>> -> memref<8194x1024xf32, #tpu.memory_space<hbm>>
    tpu.enqueue_indirect_dma source(%dma_start3A_528 : memref<8194x1024xf32, #tpu.memory_space<hbm>>) target(%arg8 : memref<32x1024xf32, #tpu.memory_space<vmem>>) offsets(%dma_start3A_525 : memref<32xi32, #tpu.memory_space<vmem>>) semaphore(%arg10 : memref<!tpu.dma_semaphore, #tpu.memory_space<semaphore_mem>>)
    %add3A_529 = arith.constant 0 : i32
    %add3A_530 = arith.addi %add3A_529, %mul3A_2 : i32
    %add3A_531 = arith.constant 128 : i32
    %add3A_532 = arith.addi %add3A_530, %add3A_531 : i32
    %dma_start3A_533 = arith.constant 0 : i32
    %dma_start3A_534 = tpu.memref_slice %arg4[%add3A_532, %dma_start3A_533] : memref<32768x1024xf32, #tpu.memory_space<hbm>> -> memref<32x1024xf32, #tpu.memory_space<hbm>>
    %dma_start3A_535 = arith.constant 0 : i32
    %dma_start3A_536 = tpu.memref_slice %arg4[%add3A_532, %dma_start3A_535] : memref<32768x1024xf32, #tpu.memory_space<hbm>> -> memref<32x1024xf32, #tpu.memory_space<hbm>>
    tpu.enqueue_dma source(%arg7 : memref<32x1024xf32, #tpu.memory_space<vmem>>) target(%dma_start3A_536 : memref<32x1024xf32, #tpu.memory_space<hbm>>) target_semaphore(%arg11 : memref<!tpu.dma_semaphore, #tpu.memory_space<semaphore_mem>>)
    %add3A_537 = arith.constant 8192 : i32
    %add3A_538 = arith.addi %add3A_537, %mul3A_2 : i32
    %add3A_539 = arith.constant 128 : i32
    %add3A_540 = arith.addi %add3A_538, %add3A_539 : i32
    %dma_start3A_541 = arith.constant 0 : i32
    %dma_start3A_542 = tpu.memref_slice %arg4[%add3A_540, %dma_start3A_541] : memref<32768x1024xf32, #tpu.memory_space<hbm>> -> memref<32x1024xf32, #tpu.memory_space<hbm>>
    %dma_start3A_543 = arith.constant 0 : i32
    %dma_start3A_544 = tpu.memref_slice %arg4[%add3A_540, %dma_start3A_543] : memref<32768x1024xf32, #tpu.memory_space<hbm>> -> memref<32x1024xf32, #tpu.memory_space<hbm>>
    tpu.enqueue_dma source(%arg7 : memref<32x1024xf32, #tpu.memory_space<vmem>>) target(%dma_start3A_544 : memref<32x1024xf32, #tpu.memory_space<hbm>>) target_semaphore(%arg11 : memref<!tpu.dma_semaphore, #tpu.memory_space<semaphore_mem>>)
    %add3A_545 = arith.constant 16384 : i32
    %add3A_546 = arith.addi %add3A_545, %mul3A_2 : i32
    %add3A_547 = arith.constant 128 : i32
    %add3A_548 = arith.addi %add3A_546, %add3A_547 : i32
    %dma_start3A_549 = arith.constant 0 : i32
    %dma_start3A_550 = tpu.memref_slice %arg4[%add3A_548, %dma_start3A_549] : memref<32768x1024xf32, #tpu.memory_space<hbm>> -> memref<32x1024xf32, #tpu.memory_space<hbm>>
    %dma_start3A_551 = arith.constant 0 : i32
    %dma_start3A_552 = tpu.memref_slice %arg4[%add3A_548, %dma_start3A_551] : memref<32768x1024xf32, #tpu.memory_space<hbm>> -> memref<32x1024xf32, #tpu.memory_space<hbm>>
    tpu.enqueue_dma source(%arg7 : memref<32x1024xf32, #tpu.memory_space<vmem>>) target(%dma_start3A_552 : memref<32x1024xf32, #tpu.memory_space<hbm>>) target_semaphore(%arg11 : memref<!tpu.dma_semaphore, #tpu.memory_space<semaphore_mem>>)
    %add3A_553 = arith.constant 24576 : i32
    %add3A_554 = arith.addi %add3A_553, %mul3A_2 : i32
    %add3A_555 = arith.constant 128 : i32
    %add3A_556 = arith.addi %add3A_554, %add3A_555 : i32
    %dma_start3A_557 = arith.constant 0 : i32
    %dma_start3A_558 = tpu.memref_slice %arg4[%add3A_556, %dma_start3A_557] : memref<32768x1024xf32, #tpu.memory_space<hbm>> -> memref<32x1024xf32, #tpu.memory_space<hbm>>
    %dma_start3A_559 = arith.constant 0 : i32
    %dma_start3A_560 = tpu.memref_slice %arg4[%add3A_556, %dma_start3A_559] : memref<32768x1024xf32, #tpu.memory_space<hbm>> -> memref<32x1024xf32, #tpu.memory_space<hbm>>
    tpu.enqueue_dma source(%arg7 : memref<32x1024xf32, #tpu.memory_space<vmem>>) target(%dma_start3A_560 : memref<32x1024xf32, #tpu.memory_space<hbm>>) target_semaphore(%arg11 : memref<!tpu.dma_semaphore, #tpu.memory_space<semaphore_mem>>)
    %dma_wait3A_561 = arith.constant 160 : i32
    %dma_wait3A_562 = tpu.memref_slice %arg6[%dma_wait3A_561] : memref<256xi32, #tpu.memory_space<vmem>> -> memref<32xi32, #tpu.memory_space<vmem>>
    %dma_wait3A_563 = arith.constant 0 : i32
    %dma_wait3A_564 = arith.constant 0 : i32
    %dma_wait3A_565 = tpu.memref_slice %arg2[%dma_wait3A_563, %dma_wait3A_564] : memref<8194x1024xf32, #tpu.memory_space<hbm>> -> memref<8194x1024xf32, #tpu.memory_space<hbm>>
    tpu.wait_indirect_dma semaphore(%arg10 : memref<!tpu.dma_semaphore, #tpu.memory_space<semaphore_mem>>) src(%dma_wait3A_565 : memref<8194x1024xf32, #tpu.memory_space<hbm>>) dst(%arg8 : memref<32x1024xf32, #tpu.memory_space<vmem>>)
    %add3A_566 = arith.constant 0 : i32
    %add3A_567 = arith.addi %add3A_566, %mul3A_2 : i32
    %add3A_568 = arith.constant 128 : i32
    %add3A_569 = arith.addi %add3A_567, %add3A_568 : i32
    %dma_wait3A_570 = arith.constant 0 : i32
    %dma_wait3A_571 = tpu.memref_slice %arg4[%add3A_569, %dma_wait3A_570] : memref<32768x1024xf32, #tpu.memory_space<hbm>> -> memref<32x1024xf32, #tpu.memory_space<hbm>>
    %dma_wait3A_572 = arith.constant 0 : i32
    %dma_wait3A_573 = tpu.memref_slice %arg4[%add3A_569, %dma_wait3A_572] : memref<32768x1024xf32, #tpu.memory_space<hbm>> -> memref<32x1024xf32, #tpu.memory_space<hbm>>
    tpu.wait_dma2 semaphore(%arg11 : memref<!tpu.dma_semaphore, #tpu.memory_space<semaphore_mem>>) src(%arg7 : memref<32x1024xf32, #tpu.memory_space<vmem>>) dst(%dma_wait3A_573 : memref<32x1024xf32, #tpu.memory_space<hbm>>)
    %add3A_574 = arith.constant 8192 : i32
    %add3A_575 = arith.addi %add3A_574, %mul3A_2 : i32
    %add3A_576 = arith.constant 128 : i32
    %add3A_577 = arith.addi %add3A_575, %add3A_576 : i32
    %dma_wait3A_578 = arith.constant 0 : i32
    %dma_wait3A_579 = tpu.memref_slice %arg4[%add3A_577, %dma_wait3A_578] : memref<32768x1024xf32, #tpu.memory_space<hbm>> -> memref<32x1024xf32, #tpu.memory_space<hbm>>
    %dma_wait3A_580 = arith.constant 0 : i32
    %dma_wait3A_581 = tpu.memref_slice %arg4[%add3A_577, %dma_wait3A_580] : memref<32768x1024xf32, #tpu.memory_space<hbm>> -> memref<32x1024xf32, #tpu.memory_space<hbm>>
    tpu.wait_dma2 semaphore(%arg11 : memref<!tpu.dma_semaphore, #tpu.memory_space<semaphore_mem>>) src(%arg7 : memref<32x1024xf32, #tpu.memory_space<vmem>>) dst(%dma_wait3A_581 : memref<32x1024xf32, #tpu.memory_space<hbm>>)
    %add3A_582 = arith.constant 16384 : i32
    %add3A_583 = arith.addi %add3A_582, %mul3A_2 : i32
    %add3A_584 = arith.constant 128 : i32
    %add3A_585 = arith.addi %add3A_583, %add3A_584 : i32
    %dma_wait3A_586 = arith.constant 0 : i32
    %dma_wait3A_587 = tpu.memref_slice %arg4[%add3A_585, %dma_wait3A_586] : memref<32768x1024xf32, #tpu.memory_space<hbm>> -> memref<32x1024xf32, #tpu.memory_space<hbm>>
    %dma_wait3A_588 = arith.constant 0 : i32
    %dma_wait3A_589 = tpu.memref_slice %arg4[%add3A_585, %dma_wait3A_588] : memref<32768x1024xf32, #tpu.memory_space<hbm>> -> memref<32x1024xf32, #tpu.memory_space<hbm>>
    tpu.wait_dma2 semaphore(%arg11 : memref<!tpu.dma_semaphore, #tpu.memory_space<semaphore_mem>>) src(%arg7 : memref<32x1024xf32, #tpu.memory_space<vmem>>) dst(%dma_wait3A_589 : memref<32x1024xf32, #tpu.memory_space<hbm>>)
    %add3A_590 = arith.constant 24576 : i32
    %add3A_591 = arith.addi %add3A_590, %mul3A_2 : i32
    %add3A_592 = arith.constant 128 : i32
    %add3A_593 = arith.addi %add3A_591, %add3A_592 : i32
    %dma_wait3A_594 = arith.constant 0 : i32
    %dma_wait3A_595 = tpu.memref_slice %arg4[%add3A_593, %dma_wait3A_594] : memref<32768x1024xf32, #tpu.memory_space<hbm>> -> memref<32x1024xf32, #tpu.memory_space<hbm>>
    %dma_wait3A_596 = arith.constant 0 : i32
    %dma_wait3A_597 = tpu.memref_slice %arg4[%add3A_593, %dma_wait3A_596] : memref<32768x1024xf32, #tpu.memory_space<hbm>> -> memref<32x1024xf32, #tpu.memory_space<hbm>>
    tpu.wait_dma2 semaphore(%arg11 : memref<!tpu.dma_semaphore, #tpu.memory_space<semaphore_mem>>) src(%arg7 : memref<32x1024xf32, #tpu.memory_space<vmem>>) dst(%dma_wait3A_597 : memref<32x1024xf32, #tpu.memory_space<hbm>>)
    %dma_start3A_598 = arith.constant 192 : i32
    %dma_start3A_599 = tpu.memref_slice %arg6[%dma_start3A_598] : memref<256xi32, #tpu.memory_space<vmem>> -> memref<32xi32, #tpu.memory_space<vmem>>
    %dma_start3A_600 = arith.constant 0 : i32
    %dma_start3A_601 = arith.constant 0 : i32
    %dma_start3A_602 = tpu.memref_slice %arg2[%dma_start3A_600, %dma_start3A_601] : memref<8194x1024xf32, #tpu.memory_space<hbm>> -> memref<8194x1024xf32, #tpu.memory_space<hbm>>
    tpu.enqueue_indirect_dma source(%dma_start3A_602 : memref<8194x1024xf32, #tpu.memory_space<hbm>>) target(%arg7 : memref<32x1024xf32, #tpu.memory_space<vmem>>) offsets(%dma_start3A_599 : memref<32xi32, #tpu.memory_space<vmem>>) semaphore(%arg9 : memref<!tpu.dma_semaphore, #tpu.memory_space<semaphore_mem>>)
    %add3A_603 = arith.constant 0 : i32
    %add3A_604 = arith.addi %add3A_603, %mul3A_2 : i32
    %add3A_605 = arith.constant 160 : i32
    %add3A_606 = arith.addi %add3A_604, %add3A_605 : i32
    %dma_start3A_607 = arith.constant 0 : i32
    %dma_start3A_608 = tpu.memref_slice %arg4[%add3A_606, %dma_start3A_607] : memref<32768x1024xf32, #tpu.memory_space<hbm>> -> memref<32x1024xf32, #tpu.memory_space<hbm>>
    %dma_start3A_609 = arith.constant 0 : i32
    %dma_start3A_610 = tpu.memref_slice %arg4[%add3A_606, %dma_start3A_609] : memref<32768x1024xf32, #tpu.memory_space<hbm>> -> memref<32x1024xf32, #tpu.memory_space<hbm>>
    tpu.enqueue_dma source(%arg8 : memref<32x1024xf32, #tpu.memory_space<vmem>>) target(%dma_start3A_610 : memref<32x1024xf32, #tpu.memory_space<hbm>>) target_semaphore(%arg12 : memref<!tpu.dma_semaphore, #tpu.memory_space<semaphore_mem>>)
    %add3A_611 = arith.constant 8192 : i32
    %add3A_612 = arith.addi %add3A_611, %mul3A_2 : i32
    %add3A_613 = arith.constant 160 : i32
    %add3A_614 = arith.addi %add3A_612, %add3A_613 : i32
    %dma_start3A_615 = arith.constant 0 : i32
    %dma_start3A_616 = tpu.memref_slice %arg4[%add3A_614, %dma_start3A_615] : memref<32768x1024xf32, #tpu.memory_space<hbm>> -> memref<32x1024xf32, #tpu.memory_space<hbm>>
    %dma_start3A_617 = arith.constant 0 : i32
    %dma_start3A_618 = tpu.memref_slice %arg4[%add3A_614, %dma_start3A_617] : memref<32768x1024xf32, #tpu.memory_space<hbm>> -> memref<32x1024xf32, #tpu.memory_space<hbm>>
    tpu.enqueue_dma source(%arg8 : memref<32x1024xf32, #tpu.memory_space<vmem>>) target(%dma_start3A_618 : memref<32x1024xf32, #tpu.memory_space<hbm>>) target_semaphore(%arg12 : memref<!tpu.dma_semaphore, #tpu.memory_space<semaphore_mem>>)
    %add3A_619 = arith.constant 16384 : i32
    %add3A_620 = arith.addi %add3A_619, %mul3A_2 : i32
    %add3A_621 = arith.constant 160 : i32
    %add3A_622 = arith.addi %add3A_620, %add3A_621 : i32
    %dma_start3A_623 = arith.constant 0 : i32
    %dma_start3A_624 = tpu.memref_slice %arg4[%add3A_622, %dma_start3A_623] : memref<32768x1024xf32, #tpu.memory_space<hbm>> -> memref<32x1024xf32, #tpu.memory_space<hbm>>
    %dma_start3A_625 = arith.constant 0 : i32
    %dma_start3A_626 = tpu.memref_slice %arg4[%add3A_622, %dma_start3A_625] : memref<32768x1024xf32, #tpu.memory_space<hbm>> -> memref<32x1024xf32, #tpu.memory_space<hbm>>
    tpu.enqueue_dma source(%arg8 : memref<32x1024xf32, #tpu.memory_space<vmem>>) target(%dma_start3A_626 : memref<32x1024xf32, #tpu.memory_space<hbm>>) target_semaphore(%arg12 : memref<!tpu.dma_semaphore, #tpu.memory_space<semaphore_mem>>)
    %add3A_627 = arith.constant 24576 : i32
    %add3A_628 = arith.addi %add3A_627, %mul3A_2 : i32
    %add3A_629 = arith.constant 160 : i32
    %add3A_630 = arith.addi %add3A_628, %add3A_629 : i32
    %dma_start3A_631 = arith.constant 0 : i32
    %dma_start3A_632 = tpu.memref_slice %arg4[%add3A_630, %dma_start3A_631] : memref<32768x1024xf32, #tpu.memory_space<hbm>> -> memref<32x1024xf32, #tpu.memory_space<hbm>>
    %dma_start3A_633 = arith.constant 0 : i32
    %dma_start3A_634 = tpu.memref_slice %arg4[%add3A_630, %dma_start3A_633] : memref<32768x1024xf32, #tpu.memory_space<hbm>> -> memref<32x1024xf32, #tpu.memory_space<hbm>>
    tpu.enqueue_dma source(%arg8 : memref<32x1024xf32, #tpu.memory_space<vmem>>) target(%dma_start3A_634 : memref<32x1024xf32, #tpu.memory_space<hbm>>) target_semaphore(%arg12 : memref<!tpu.dma_semaphore, #tpu.memory_space<semaphore_mem>>)
    %dma_wait3A_635 = arith.constant 192 : i32
    %dma_wait3A_636 = tpu.memref_slice %arg6[%dma_wait3A_635] : memref<256xi32, #tpu.memory_space<vmem>> -> memref<32xi32, #tpu.memory_space<vmem>>
    %dma_wait3A_637 = arith.constant 0 : i32
    %dma_wait3A_638 = arith.constant 0 : i32
    %dma_wait3A_639 = tpu.memref_slice %arg2[%dma_wait3A_637, %dma_wait3A_638] : memref<8194x1024xf32, #tpu.memory_space<hbm>> -> memref<8194x1024xf32, #tpu.memory_space<hbm>>
    tpu.wait_indirect_dma semaphore(%arg9 : memref<!tpu.dma_semaphore, #tpu.memory_space<semaphore_mem>>) src(%dma_wait3A_639 : memref<8194x1024xf32, #tpu.memory_space<hbm>>) dst(%arg7 : memref<32x1024xf32, #tpu.memory_space<vmem>>)
    %add3A_640 = arith.constant 0 : i32
    %add3A_641 = arith.addi %add3A_640, %mul3A_2 : i32
    %add3A_642 = arith.constant 160 : i32
    %add3A_643 = arith.addi %add3A_641, %add3A_642 : i32
    %dma_wait3A_644 = arith.constant 0 : i32
    %dma_wait3A_645 = tpu.memref_slice %arg4[%add3A_643, %dma_wait3A_644] : memref<32768x1024xf32, #tpu.memory_space<hbm>> -> memref<32x1024xf32, #tpu.memory_space<hbm>>
    %dma_wait3A_646 = arith.constant 0 : i32
    %dma_wait3A_647 = tpu.memref_slice %arg4[%add3A_643, %dma_wait3A_646] : memref<32768x1024xf32, #tpu.memory_space<hbm>> -> memref<32x1024xf32, #tpu.memory_space<hbm>>
    tpu.wait_dma2 semaphore(%arg12 : memref<!tpu.dma_semaphore, #tpu.memory_space<semaphore_mem>>) src(%arg8 : memref<32x1024xf32, #tpu.memory_space<vmem>>) dst(%dma_wait3A_647 : memref<32x1024xf32, #tpu.memory_space<hbm>>)
    %add3A_648 = arith.constant 8192 : i32
    %add3A_649 = arith.addi %add3A_648, %mul3A_2 : i32
    %add3A_650 = arith.constant 160 : i32
    %add3A_651 = arith.addi %add3A_649, %add3A_650 : i32
    %dma_wait3A_652 = arith.constant 0 : i32
    %dma_wait3A_653 = tpu.memref_slice %arg4[%add3A_651, %dma_wait3A_652] : memref<32768x1024xf32, #tpu.memory_space<hbm>> -> memref<32x1024xf32, #tpu.memory_space<hbm>>
    %dma_wait3A_654 = arith.constant 0 : i32
    %dma_wait3A_655 = tpu.memref_slice %arg4[%add3A_651, %dma_wait3A_654] : memref<32768x1024xf32, #tpu.memory_space<hbm>> -> memref<32x1024xf32, #tpu.memory_space<hbm>>
    tpu.wait_dma2 semaphore(%arg12 : memref<!tpu.dma_semaphore, #tpu.memory_space<semaphore_mem>>) src(%arg8 : memref<32x1024xf32, #tpu.memory_space<vmem>>) dst(%dma_wait3A_655 : memref<32x1024xf32, #tpu.memory_space<hbm>>)
    %add3A_656 = arith.constant 16384 : i32
    %add3A_657 = arith.addi %add3A_656, %mul3A_2 : i32
    %add3A_658 = arith.constant 160 : i32
    %add3A_659 = arith.addi %add3A_657, %add3A_658 : i32
    %dma_wait3A_660 = arith.constant 0 : i32
    %dma_wait3A_661 = tpu.memref_slice %arg4[%add3A_659, %dma_wait3A_660] : memref<32768x1024xf32, #tpu.memory_space<hbm>> -> memref<32x1024xf32, #tpu.memory_space<hbm>>
    %dma_wait3A_662 = arith.constant 0 : i32
    %dma_wait3A_663 = tpu.memref_slice %arg4[%add3A_659, %dma_wait3A_662] : memref<32768x1024xf32, #tpu.memory_space<hbm>> -> memref<32x1024xf32, #tpu.memory_space<hbm>>
    tpu.wait_dma2 semaphore(%arg12 : memref<!tpu.dma_semaphore, #tpu.memory_space<semaphore_mem>>) src(%arg8 : memref<32x1024xf32, #tpu.memory_space<vmem>>) dst(%dma_wait3A_663 : memref<32x1024xf32, #tpu.memory_space<hbm>>)
    %add3A_664 = arith.constant 24576 : i32
    %add3A_665 = arith.addi %add3A_664, %mul3A_2 : i32
    %add3A_666 = arith.constant 160 : i32
    %add3A_667 = arith.addi %add3A_665, %add3A_666 : i32
    %dma_wait3A_668 = arith.constant 0 : i32
    %dma_wait3A_669 = tpu.memref_slice %arg4[%add3A_667, %dma_wait3A_668] : memref<32768x1024xf32, #tpu.memory_space<hbm>> -> memref<32x1024xf32, #tpu.memory_space<hbm>>
    %dma_wait3A_670 = arith.constant 0 : i32
    %dma_wait3A_671 = tpu.memref_slice %arg4[%add3A_667, %dma_wait3A_670] : memref<32768x1024xf32, #tpu.memory_space<hbm>> -> memref<32x1024xf32, #tpu.memory_space<hbm>>
    tpu.wait_dma2 semaphore(%arg12 : memref<!tpu.dma_semaphore, #tpu.memory_space<semaphore_mem>>) src(%arg8 : memref<32x1024xf32, #tpu.memory_space<vmem>>) dst(%dma_wait3A_671 : memref<32x1024xf32, #tpu.memory_space<hbm>>)
    %dma_start3A_672 = arith.constant 224 : i32
    %dma_start3A_673 = tpu.memref_slice %arg6[%dma_start3A_672] : memref<256xi32, #tpu.memory_space<vmem>> -> memref<32xi32, #tpu.memory_space<vmem>>
    %dma_start3A_674 = arith.constant 0 : i32
    %dma_start3A_675 = arith.constant 0 : i32
    %dma_start3A_676 = tpu.memref_slice %arg2[%dma_start3A_674, %dma_start3A_675] : memref<8194x1024xf32, #tpu.memory_space<hbm>> -> memref<8194x1024xf32, #tpu.memory_space<hbm>>
    tpu.enqueue_indirect_dma source(%dma_start3A_676 : memref<8194x1024xf32, #tpu.memory_space<hbm>>) target(%arg8 : memref<32x1024xf32, #tpu.memory_space<vmem>>) offsets(%dma_start3A_673 : memref<32xi32, #tpu.memory_space<vmem>>) semaphore(%arg10 : memref<!tpu.dma_semaphore, #tpu.memory_space<semaphore_mem>>)
    %add3A_677 = arith.constant 0 : i32
    %add3A_678 = arith.addi %add3A_677, %mul3A_2 : i32
    %add3A_679 = arith.constant 192 : i32
    %add3A_680 = arith.addi %add3A_678, %add3A_679 : i32
    %dma_start3A_681 = arith.constant 0 : i32
    %dma_start3A_682 = tpu.memref_slice %arg4[%add3A_680, %dma_start3A_681] : memref<32768x1024xf32, #tpu.memory_space<hbm>> -> memref<32x1024xf32, #tpu.memory_space<hbm>>
    %dma_start3A_683 = arith.constant 0 : i32
    %dma_start3A_684 = tpu.memref_slice %arg4[%add3A_680, %dma_start3A_683] : memref<32768x1024xf32, #tpu.memory_space<hbm>> -> memref<32x1024xf32, #tpu.memory_space<hbm>>
    tpu.enqueue_dma source(%arg7 : memref<32x1024xf32, #tpu.memory_space<vmem>>) target(%dma_start3A_684 : memref<32x1024xf32, #tpu.memory_space<hbm>>) target_semaphore(%arg11 : memref<!tpu.dma_semaphore, #tpu.memory_space<semaphore_mem>>)
    %add3A_685 = arith.constant 8192 : i32
    %add3A_686 = arith.addi %add3A_685, %mul3A_2 : i32
    %add3A_687 = arith.constant 192 : i32
    %add3A_688 = arith.addi %add3A_686, %add3A_687 : i32
    %dma_start3A_689 = arith.constant 0 : i32
    %dma_start3A_690 = tpu.memref_slice %arg4[%add3A_688, %dma_start3A_689] : memref<32768x1024xf32, #tpu.memory_space<hbm>> -> memref<32x1024xf32, #tpu.memory_space<hbm>>
    %dma_start3A_691 = arith.constant 0 : i32
    %dma_start3A_692 = tpu.memref_slice %arg4[%add3A_688, %dma_start3A_691] : memref<32768x1024xf32, #tpu.memory_space<hbm>> -> memref<32x1024xf32, #tpu.memory_space<hbm>>
    tpu.enqueue_dma source(%arg7 : memref<32x1024xf32, #tpu.memory_space<vmem>>) target(%dma_start3A_692 : memref<32x1024xf32, #tpu.memory_space<hbm>>) target_semaphore(%arg11 : memref<!tpu.dma_semaphore, #tpu.memory_space<semaphore_mem>>)
    %add3A_693 = arith.constant 16384 : i32
    %add3A_694 = arith.addi %add3A_693, %mul3A_2 : i32
    %add3A_695 = arith.constant 192 : i32
    %add3A_696 = arith.addi %add3A_694, %add3A_695 : i32
    %dma_start3A_697 = arith.constant 0 : i32
    %dma_start3A_698 = tpu.memref_slice %arg4[%add3A_696, %dma_start3A_697] : memref<32768x1024xf32, #tpu.memory_space<hbm>> -> memref<32x1024xf32, #tpu.memory_space<hbm>>
    %dma_start3A_699 = arith.constant 0 : i32
    %dma_start3A_700 = tpu.memref_slice %arg4[%add3A_696, %dma_start3A_699] : memref<32768x1024xf32, #tpu.memory_space<hbm>> -> memref<32x1024xf32, #tpu.memory_space<hbm>>
    tpu.enqueue_dma source(%arg7 : memref<32x1024xf32, #tpu.memory_space<vmem>>) target(%dma_start3A_700 : memref<32x1024xf32, #tpu.memory_space<hbm>>) target_semaphore(%arg11 : memref<!tpu.dma_semaphore, #tpu.memory_space<semaphore_mem>>)
    %add3A_701 = arith.constant 24576 : i32
    %add3A_702 = arith.addi %add3A_701, %mul3A_2 : i32
    %add3A_703 = arith.constant 192 : i32
    %add3A_704 = arith.addi %add3A_702, %add3A_703 : i32
    %dma_start3A_705 = arith.constant 0 : i32
    %dma_start3A_706 = tpu.memref_slice %arg4[%add3A_704, %dma_start3A_705] : memref<32768x1024xf32, #tpu.memory_space<hbm>> -> memref<32x1024xf32, #tpu.memory_space<hbm>>
    %dma_start3A_707 = arith.constant 0 : i32
    %dma_start3A_708 = tpu.memref_slice %arg4[%add3A_704, %dma_start3A_707] : memref<32768x1024xf32, #tpu.memory_space<hbm>> -> memref<32x1024xf32, #tpu.memory_space<hbm>>
    tpu.enqueue_dma source(%arg7 : memref<32x1024xf32, #tpu.memory_space<vmem>>) target(%dma_start3A_708 : memref<32x1024xf32, #tpu.memory_space<hbm>>) target_semaphore(%arg11 : memref<!tpu.dma_semaphore, #tpu.memory_space<semaphore_mem>>)
    %dma_wait3A_709 = arith.constant 224 : i32
    %dma_wait3A_710 = tpu.memref_slice %arg6[%dma_wait3A_709] : memref<256xi32, #tpu.memory_space<vmem>> -> memref<32xi32, #tpu.memory_space<vmem>>
    %dma_wait3A_711 = arith.constant 0 : i32
    %dma_wait3A_712 = arith.constant 0 : i32
    %dma_wait3A_713 = tpu.memref_slice %arg2[%dma_wait3A_711, %dma_wait3A_712] : memref<8194x1024xf32, #tpu.memory_space<hbm>> -> memref<8194x1024xf32, #tpu.memory_space<hbm>>
    tpu.wait_indirect_dma semaphore(%arg10 : memref<!tpu.dma_semaphore, #tpu.memory_space<semaphore_mem>>) src(%dma_wait3A_713 : memref<8194x1024xf32, #tpu.memory_space<hbm>>) dst(%arg8 : memref<32x1024xf32, #tpu.memory_space<vmem>>)
    %add3A_714 = arith.constant 0 : i32
    %add3A_715 = arith.addi %add3A_714, %mul3A_2 : i32
    %add3A_716 = arith.constant 224 : i32
    %add3A_717 = arith.addi %add3A_715, %add3A_716 : i32
    %dma_start3A_718 = arith.constant 0 : i32
    %dma_start3A_719 = tpu.memref_slice %arg4[%add3A_717, %dma_start3A_718] : memref<32768x1024xf32, #tpu.memory_space<hbm>> -> memref<32x1024xf32, #tpu.memory_space<hbm>>
    %dma_start3A_720 = arith.constant 0 : i32
    %dma_start3A_721 = tpu.memref_slice %arg4[%add3A_717, %dma_start3A_720] : memref<32768x1024xf32, #tpu.memory_space<hbm>> -> memref<32x1024xf32, #tpu.memory_space<hbm>>
    tpu.enqueue_dma source(%arg8 : memref<32x1024xf32, #tpu.memory_space<vmem>>) target(%dma_start3A_721 : memref<32x1024xf32, #tpu.memory_space<hbm>>) target_semaphore(%arg12 : memref<!tpu.dma_semaphore, #tpu.memory_space<semaphore_mem>>)
    %add3A_722 = arith.constant 8192 : i32
    %add3A_723 = arith.addi %add3A_722, %mul3A_2 : i32
    %add3A_724 = arith.constant 224 : i32
    %add3A_725 = arith.addi %add3A_723, %add3A_724 : i32
    %dma_start3A_726 = arith.constant 0 : i32
    %dma_start3A_727 = tpu.memref_slice %arg4[%add3A_725, %dma_start3A_726] : memref<32768x1024xf32, #tpu.memory_space<hbm>> -> memref<32x1024xf32, #tpu.memory_space<hbm>>
    %dma_start3A_728 = arith.constant 0 : i32
    %dma_start3A_729 = tpu.memref_slice %arg4[%add3A_725, %dma_start3A_728] : memref<32768x1024xf32, #tpu.memory_space<hbm>> -> memref<32x1024xf32, #tpu.memory_space<hbm>>
    tpu.enqueue_dma source(%arg8 : memref<32x1024xf32, #tpu.memory_space<vmem>>) target(%dma_start3A_729 : memref<32x1024xf32, #tpu.memory_space<hbm>>) target_semaphore(%arg12 : memref<!tpu.dma_semaphore, #tpu.memory_space<semaphore_mem>>)
    %add3A_730 = arith.constant 16384 : i32
    %add3A_731 = arith.addi %add3A_730, %mul3A_2 : i32
    %add3A_732 = arith.constant 224 : i32
    %add3A_733 = arith.addi %add3A_731, %add3A_732 : i32
    %dma_start3A_734 = arith.constant 0 : i32
    %dma_start3A_735 = tpu.memref_slice %arg4[%add3A_733, %dma_start3A_734] : memref<32768x1024xf32, #tpu.memory_space<hbm>> -> memref<32x1024xf32, #tpu.memory_space<hbm>>
    %dma_start3A_736 = arith.constant 0 : i32
    %dma_start3A_737 = tpu.memref_slice %arg4[%add3A_733, %dma_start3A_736] : memref<32768x1024xf32, #tpu.memory_space<hbm>> -> memref<32x1024xf32, #tpu.memory_space<hbm>>
    tpu.enqueue_dma source(%arg8 : memref<32x1024xf32, #tpu.memory_space<vmem>>) target(%dma_start3A_737 : memref<32x1024xf32, #tpu.memory_space<hbm>>) target_semaphore(%arg12 : memref<!tpu.dma_semaphore, #tpu.memory_space<semaphore_mem>>)
    %add3A_738 = arith.constant 24576 : i32
    %add3A_739 = arith.addi %add3A_738, %mul3A_2 : i32
    %add3A_740 = arith.constant 224 : i32
    %add3A_741 = arith.addi %add3A_739, %add3A_740 : i32
    %dma_start3A_742 = arith.constant 0 : i32
    %dma_start3A_743 = tpu.memref_slice %arg4[%add3A_741, %dma_start3A_742] : memref<32768x1024xf32, #tpu.memory_space<hbm>> -> memref<32x1024xf32, #tpu.memory_space<hbm>>
    %dma_start3A_744 = arith.constant 0 : i32
    %dma_start3A_745 = tpu.memref_slice %arg4[%add3A_741, %dma_start3A_744] : memref<32768x1024xf32, #tpu.memory_space<hbm>> -> memref<32x1024xf32, #tpu.memory_space<hbm>>
    tpu.enqueue_dma source(%arg8 : memref<32x1024xf32, #tpu.memory_space<vmem>>) target(%dma_start3A_745 : memref<32x1024xf32, #tpu.memory_space<hbm>>) target_semaphore(%arg12 : memref<!tpu.dma_semaphore, #tpu.memory_space<semaphore_mem>>)
    %add3A_746 = arith.constant 0 : i32
    %add3A_747 = arith.addi %add3A_746, %mul3A_2 : i32
    %add3A_748 = arith.constant 192 : i32
    %add3A_749 = arith.addi %add3A_747, %add3A_748 : i32
    %dma_wait3A_750 = arith.constant 0 : i32
    %dma_wait3A_751 = tpu.memref_slice %arg4[%add3A_749, %dma_wait3A_750] : memref<32768x1024xf32, #tpu.memory_space<hbm>> -> memref<32x1024xf32, #tpu.memory_space<hbm>>
    %dma_wait3A_752 = arith.constant 0 : i32
    %dma_wait3A_753 = tpu.memref_slice %arg4[%add3A_749, %dma_wait3A_752] : memref<32768x1024xf32, #tpu.memory_space<hbm>> -> memref<32x1024xf32, #tpu.memory_space<hbm>>
    tpu.wait_dma2 semaphore(%arg11 : memref<!tpu.dma_semaphore, #tpu.memory_space<semaphore_mem>>) src(%arg7 : memref<32x1024xf32, #tpu.memory_space<vmem>>) dst(%dma_wait3A_753 : memref<32x1024xf32, #tpu.memory_space<hbm>>)
    %add3A_754 = arith.constant 8192 : i32
    %add3A_755 = arith.addi %add3A_754, %mul3A_2 : i32
    %add3A_756 = arith.constant 192 : i32
    %add3A_757 = arith.addi %add3A_755, %add3A_756 : i32
    %dma_wait3A_758 = arith.constant 0 : i32
    %dma_wait3A_759 = tpu.memref_slice %arg4[%add3A_757, %dma_wait3A_758] : memref<32768x1024xf32, #tpu.memory_space<hbm>> -> memref<32x1024xf32, #tpu.memory_space<hbm>>
    %dma_wait3A_760 = arith.constant 0 : i32
    %dma_wait3A_761 = tpu.memref_slice %arg4[%add3A_757, %dma_wait3A_760] : memref<32768x1024xf32, #tpu.memory_space<hbm>> -> memref<32x1024xf32, #tpu.memory_space<hbm>>
    tpu.wait_dma2 semaphore(%arg11 : memref<!tpu.dma_semaphore, #tpu.memory_space<semaphore_mem>>) src(%arg7 : memref<32x1024xf32, #tpu.memory_space<vmem>>) dst(%dma_wait3A_761 : memref<32x1024xf32, #tpu.memory_space<hbm>>)
    %add3A_762 = arith.constant 16384 : i32
    %add3A_763 = arith.addi %add3A_762, %mul3A_2 : i32
    %add3A_764 = arith.constant 192 : i32
    %add3A_765 = arith.addi %add3A_763, %add3A_764 : i32
    %dma_wait3A_766 = arith.constant 0 : i32
    %dma_wait3A_767 = tpu.memref_slice %arg4[%add3A_765, %dma_wait3A_766] : memref<32768x1024xf32, #tpu.memory_space<hbm>> -> memref<32x1024xf32, #tpu.memory_space<hbm>>
    %dma_wait3A_768 = arith.constant 0 : i32
    %dma_wait3A_769 = tpu.memref_slice %arg4[%add3A_765, %dma_wait3A_768] : memref<32768x1024xf32, #tpu.memory_space<hbm>> -> memref<32x1024xf32, #tpu.memory_space<hbm>>
    tpu.wait_dma2 semaphore(%arg11 : memref<!tpu.dma_semaphore, #tpu.memory_space<semaphore_mem>>) src(%arg7 : memref<32x1024xf32, #tpu.memory_space<vmem>>) dst(%dma_wait3A_769 : memref<32x1024xf32, #tpu.memory_space<hbm>>)
    %add3A_770 = arith.constant 24576 : i32
    %add3A_771 = arith.addi %add3A_770, %mul3A_2 : i32
    %add3A_772 = arith.constant 192 : i32
    %add3A_773 = arith.addi %add3A_771, %add3A_772 : i32
    %dma_wait3A_774 = arith.constant 0 : i32
    %dma_wait3A_775 = tpu.memref_slice %arg4[%add3A_773, %dma_wait3A_774] : memref<32768x1024xf32, #tpu.memory_space<hbm>> -> memref<32x1024xf32, #tpu.memory_space<hbm>>
    %dma_wait3A_776 = arith.constant 0 : i32
    %dma_wait3A_777 = tpu.memref_slice %arg4[%add3A_773, %dma_wait3A_776] : memref<32768x1024xf32, #tpu.memory_space<hbm>> -> memref<32x1024xf32, #tpu.memory_space<hbm>>
    tpu.wait_dma2 semaphore(%arg11 : memref<!tpu.dma_semaphore, #tpu.memory_space<semaphore_mem>>) src(%arg7 : memref<32x1024xf32, #tpu.memory_space<vmem>>) dst(%dma_wait3A_777 : memref<32x1024xf32, #tpu.memory_space<hbm>>)
    %add3A_778 = arith.constant 0 : i32
    %add3A_779 = arith.addi %add3A_778, %mul3A_2 : i32
    %add3A_780 = arith.constant 224 : i32
    %add3A_781 = arith.addi %add3A_779, %add3A_780 : i32
    %dma_wait3A_782 = arith.constant 0 : i32
    %dma_wait3A_783 = tpu.memref_slice %arg4[%add3A_781, %dma_wait3A_782] : memref<32768x1024xf32, #tpu.memory_space<hbm>> -> memref<32x1024xf32, #tpu.memory_space<hbm>>
    %dma_wait3A_784 = arith.constant 0 : i32
    %dma_wait3A_785 = tpu.memref_slice %arg4[%add3A_781, %dma_wait3A_784] : memref<32768x1024xf32, #tpu.memory_space<hbm>> -> memref<32x1024xf32, #tpu.memory_space<hbm>>
    tpu.wait_dma2 semaphore(%arg12 : memref<!tpu.dma_semaphore, #tpu.memory_space<semaphore_mem>>) src(%arg8 : memref<32x1024xf32, #tpu.memory_space<vmem>>) dst(%dma_wait3A_785 : memref<32x1024xf32, #tpu.memory_space<hbm>>)
    %add3A_786 = arith.constant 8192 : i32
    %add3A_787 = arith.addi %add3A_786, %mul3A_2 : i32
    %add3A_788 = arith.constant 224 : i32
    %add3A_789 = arith.addi %add3A_787, %add3A_788 : i32
    %dma_wait3A_790 = arith.constant 0 : i32
    %dma_wait3A_791 = tpu.memref_slice %arg4[%add3A_789, %dma_wait3A_790] : memref<32768x1024xf32, #tpu.memory_space<hbm>> -> memref<32x1024xf32, #tpu.memory_space<hbm>>
    %dma_wait3A_792 = arith.constant 0 : i32
    %dma_wait3A_793 = tpu.memref_slice %arg4[%add3A_789, %dma_wait3A_792] : memref<32768x1024xf32, #tpu.memory_space<hbm>> -> memref<32x1024xf32, #tpu.memory_space<hbm>>
    tpu.wait_dma2 semaphore(%arg12 : memref<!tpu.dma_semaphore, #tpu.memory_space<semaphore_mem>>) src(%arg8 : memref<32x1024xf32, #tpu.memory_space<vmem>>) dst(%dma_wait3A_793 : memref<32x1024xf32, #tpu.memory_space<hbm>>)
    %add3A_794 = arith.constant 16384 : i32
    %add3A_795 = arith.addi %add3A_794, %mul3A_2 : i32
    %add3A_796 = arith.constant 224 : i32
    %add3A_797 = arith.addi %add3A_795, %add3A_796 : i32
    %dma_wait3A_798 = arith.constant 0 : i32
    %dma_wait3A_799 = tpu.memref_slice %arg4[%add3A_797, %dma_wait3A_798] : memref<32768x1024xf32, #tpu.memory_space<hbm>> -> memref<32x1024xf32, #tpu.memory_space<hbm>>
    %dma_wait3A_800 = arith.constant 0 : i32
    %dma_wait3A_801 = tpu.memref_slice %arg4[%add3A_797, %dma_wait3A_800] : memref<32768x1024xf32, #tpu.memory_space<hbm>> -> memref<32x1024xf32, #tpu.memory_space<hbm>>
    tpu.wait_dma2 semaphore(%arg12 : memref<!tpu.dma_semaphore, #tpu.memory_space<semaphore_mem>>) src(%arg8 : memref<32x1024xf32, #tpu.memory_space<vmem>>) dst(%dma_wait3A_801 : memref<32x1024xf32, #tpu.memory_space<hbm>>)
    %add3A_802 = arith.constant 24576 : i32
    %add3A_803 = arith.addi %add3A_802, %mul3A_2 : i32
    %add3A_804 = arith.constant 224 : i32
    %add3A_805 = arith.addi %add3A_803, %add3A_804 : i32
    %dma_wait3A_806 = arith.constant 0 : i32
    %dma_wait3A_807 = tpu.memref_slice %arg4[%add3A_805, %dma_wait3A_806] : memref<32768x1024xf32, #tpu.memory_space<hbm>> -> memref<32x1024xf32, #tpu.memory_space<hbm>>
    %dma_wait3A_808 = arith.constant 0 : i32
    %dma_wait3A_809 = tpu.memref_slice %arg4[%add3A_805, %dma_wait3A_808] : memref<32768x1024xf32, #tpu.memory_space<hbm>> -> memref<32x1024xf32, #tpu.memory_space<hbm>>
    tpu.wait_dma2 semaphore(%arg12 : memref<!tpu.dma_semaphore, #tpu.memory_space<semaphore_mem>>) src(%arg8 : memref<32x1024xf32, #tpu.memory_space<vmem>>) dst(%dma_wait3A_809 : memref<32x1024xf32, #tpu.memory_space<hbm>>)
    %get3A = arith.constant 0 : i32
    %get3A_810 = arith.index_cast %get3A : i32 to index
    %get3A_811 = arith.constant 16 : index
    %get3A_812 = tpu.vector_load %arg5[%get3A_810, %get3A_811] {strides = array<i32>} : memref<4x256xi32, #tpu.memory_space<vmem>>, vector<1x16xi32>,
    %get3A_813 = vector.shape_cast %get3A_812 : vector<1x16xi32> to vector<16xi32>
    %slice3A = vector.extract_strided_slice %get3A_813 {offsets = [15], sizes = [1], strides = [1]} : vector<16xi32> to vector<1xi32>
    %squeeze3A = vector.extract %slice3A[0] : i32 from vector<1xi32>
    %add3A_814 = arith.constant 0 : i32
    %add3A_815 = arith.addi %mul3A_2, %add3A_814 : i32
    %add3A_816 = arith.constant 32 : i32
    %add3A_817 = arith.addi %add3A_815, %add3A_816 : i32
    %add3A_818 = arith.constant 1 : i32
    %add3A_819 = arith.addi %add3A_817, %add3A_818 : i32
    %ne3A = arith.cmpi ne, %squeeze3A, %add3A_819 : i32
    %convert_element_type3A = arith.extui %ne3A : i1 to i32
    %cond3A = arith.constant 0 : i32
    %cond3A_820 = arith.cmpi ne, %convert_element_type3A, %cond3A : i32
    scf.if %cond3A_820 {
      %dma_start3A_1348 = arith.constant 0 : i32
      %dma_start3A_1349 = arith.constant 0 : i32
      %dma_start3A_1350 = tpu.memref_slice %arg5[%dma_start3A_1348, %dma_start3A_1349] : memref<4x256xi32, #tpu.memory_space<vmem>> -> memref<1x32xi32, #tpu.memory_space<vmem>>
      %dma_start3A_1351 = tpu.memref_squeeze %dma_start3A_1350 : memref<1x32xi32, #tpu.memory_space<vmem>> -> memref<32xi32, #tpu.memory_space<vmem>>
      %dma_start3A_1352 = arith.constant 0 : i32
      %dma_start3A_1353 = arith.constant 0 : i32
      %dma_start3A_1354 = tpu.memref_slice %arg2[%dma_start3A_1352, %dma_start3A_1353] : memref<8194x1024xf32, #tpu.memory_space<hbm>> -> memref<8194x1024xf32, #tpu.memory_space<hbm>>
      tpu.enqueue_indirect_dma source(%dma_start3A_1354 : memref<8194x1024xf32, #tpu.memory_space<hbm>>) target(%arg7 : memref<32x1024xf32, #tpu.memory_space<vmem>>) offsets(%dma_start3A_1351 : memref<32xi32, #tpu.memory_space<vmem>>) semaphore(%arg13 : memref<!tpu.dma_semaphore, #tpu.memory_space<semaphore_mem>>)
      %dma_wait3A_1355 = arith.constant 0 : i32
      %dma_wait3A_1356 = arith.constant 0 : i32
      %dma_wait3A_1357 = tpu.memref_slice %arg5[%dma_wait3A_1355, %dma_wait3A_1356] : memref<4x256xi32, #tpu.memory_space<vmem>> -> memref<1x32xi32, #tpu.memory_space<vmem>>
      %dma_wait3A_1358 = tpu.memref_squeeze %dma_wait3A_1357 : memref<1x32xi32, #tpu.memory_space<vmem>> -> memref<32xi32, #tpu.memory_space<vmem>>
      %dma_wait3A_1359 = arith.constant 0 : i32
      %dma_wait3A_1360 = arith.constant 0 : i32
      %dma_wait3A_1361 = tpu.memref_slice %arg2[%dma_wait3A_1359, %dma_wait3A_1360] : memref<8194x1024xf32, #tpu.memory_space<hbm>> -> memref<8194x1024xf32, #tpu.memory_space<hbm>>
      tpu.wait_indirect_dma semaphore(%arg13 : memref<!tpu.dma_semaphore, #tpu.memory_space<semaphore_mem>>) src(%dma_wait3A_1361 : memref<8194x1024xf32, #tpu.memory_space<hbm>>) dst(%arg7 : memref<32x1024xf32, #tpu.memory_space<vmem>>)
      %add3A_1362 = arith.constant 0 : i32
      %add3A_1363 = arith.addi %add3A_1362, %mul3A_2 : i32
      %add3A_1364 = arith.constant 0 : i32
      %add3A_1365 = arith.addi %add3A_1363, %add3A_1364 : i32
      "tpu.region"() ({
        %run_scoped3A_1366 = tpu.sem_alloc : memref<!tpu.dma_semaphore, #tpu.memory_space<semaphore_mem>>
        %dma_start3A_1367 = arith.constant 0 : i32
        %dma_start3A_1368 = tpu.memref_slice %arg4[%add3A_1365, %dma_start3A_1367] : memref<32768x1024xf32, #tpu.memory_space<hbm>> -> memref<32x1024xf32, #tpu.memory_space<hbm>>
        %dma_start3A_1369 = arith.constant 0 : i32
        %dma_start3A_1370 = tpu.memref_slice %arg4[%add3A_1365, %dma_start3A_1369] : memref<32768x1024xf32, #tpu.memory_space<hbm>> -> memref<32x1024xf32, #tpu.memory_space<hbm>>
        tpu.enqueue_dma source(%arg7 : memref<32x1024xf32, #tpu.memory_space<vmem>>) target(%dma_start3A_1370 : memref<32x1024xf32, #tpu.memory_space<hbm>>) target_semaphore(%run_scoped3A_1366 : memref<!tpu.dma_semaphore, #tpu.memory_space<semaphore_mem>>)
        %dma_wait3A_1371 = arith.constant 0 : i32
        %dma_wait3A_1372 = tpu.memref_slice %arg4[%add3A_1365, %dma_wait3A_1371] : memref<32768x1024xf32, #tpu.memory_space<hbm>> -> memref<32x1024xf32, #tpu.memory_space<hbm>>
        %dma_wait3A_1373 = arith.constant 0 : i32
        %dma_wait3A_1374 = tpu.memref_slice %arg4[%add3A_1365, %dma_wait3A_1373] : memref<32768x1024xf32, #tpu.memory_space<hbm>> -> memref<32x1024xf32, #tpu.memory_space<hbm>>
        tpu.wait_dma2 semaphore(%run_scoped3A_1366 : memref<!tpu.dma_semaphore, #tpu.memory_space<semaphore_mem>>) src(%arg7 : memref<32x1024xf32, #tpu.memory_space<vmem>>) dst(%dma_wait3A_1374 : memref<32x1024xf32, #tpu.memory_space<hbm>>)
        tpu.yield
      }) : () -> ()
    } else {
    }
    %get3A_821 = arith.constant 1 : i32
    %get3A_822 = arith.index_cast %get3A_821 : i32 to index
    %get3A_823 = arith.constant 16 : index
    %get3A_824 = tpu.vector_load %arg5[%get3A_822, %get3A_823] {strides = array<i32>} : memref<4x256xi32, #tpu.memory_space<vmem>>, vector<1x16xi32>,
    %get3A_825 = vector.shape_cast %get3A_824 : vector<1x16xi32> to vector<16xi32>
    %slice3A_826 = vector.extract_strided_slice %get3A_825 {offsets = [15], sizes = [1], strides = [1]} : vector<16xi32> to vector<1xi32>
    %squeeze3A_827 = vector.extract %slice3A_826[0] : i32 from vector<1xi32>
    %add3A_828 = arith.constant 0 : i32
    %add3A_829 = arith.addi %mul3A_2, %add3A_828 : i32
    %add3A_830 = arith.constant 32 : i32
    %add3A_831 = arith.addi %add3A_829, %add3A_830 : i32
    %add3A_832 = arith.constant 1 : i32
    %add3A_833 = arith.addi %add3A_831, %add3A_832 : i32
    %ne3A_834 = arith.cmpi ne, %squeeze3A_827, %add3A_833 : i32
    %convert_element_type3A_835 = arith.extui %ne3A_834 : i1 to i32
    %cond3A_836 = arith.constant 0 : i32
    %cond3A_837 = arith.cmpi ne, %convert_element_type3A_835, %cond3A_836 : i32
    scf.if %cond3A_837 {
      %dma_start3A_1348 = arith.constant 1 : i32
      %dma_start3A_1349 = arith.constant 0 : i32
      %dma_start3A_1350 = tpu.memref_slice %arg5[%dma_start3A_1348, %dma_start3A_1349] : memref<4x256xi32, #tpu.memory_space<vmem>> -> memref<1x32xi32, #tpu.memory_space<vmem>>
      %dma_start3A_1351 = tpu.memref_squeeze %dma_start3A_1350 : memref<1x32xi32, #tpu.memory_space<vmem>> -> memref<32xi32, #tpu.memory_space<vmem>>
      %dma_start3A_1352 = arith.constant 0 : i32
      %dma_start3A_1353 = arith.constant 0 : i32
      %dma_start3A_1354 = tpu.memref_slice %arg2[%dma_start3A_1352, %dma_start3A_1353] : memref<8194x1024xf32, #tpu.memory_space<hbm>> -> memref<8194x1024xf32, #tpu.memory_space<hbm>>
      tpu.enqueue_indirect_dma source(%dma_start3A_1354 : memref<8194x1024xf32, #tpu.memory_space<hbm>>) target(%arg7 : memref<32x1024xf32, #tpu.memory_space<vmem>>) offsets(%dma_start3A_1351 : memref<32xi32, #tpu.memory_space<vmem>>) semaphore(%arg13 : memref<!tpu.dma_semaphore, #tpu.memory_space<semaphore_mem>>)
      %dma_wait3A_1355 = arith.constant 1 : i32
      %dma_wait3A_1356 = arith.constant 0 : i32
      %dma_wait3A_1357 = tpu.memref_slice %arg5[%dma_wait3A_1355, %dma_wait3A_1356] : memref<4x256xi32, #tpu.memory_space<vmem>> -> memref<1x32xi32, #tpu.memory_space<vmem>>
      %dma_wait3A_1358 = tpu.memref_squeeze %dma_wait3A_1357 : memref<1x32xi32, #tpu.memory_space<vmem>> -> memref<32xi32, #tpu.memory_space<vmem>>
      %dma_wait3A_1359 = arith.constant 0 : i32
      %dma_wait3A_1360 = arith.constant 0 : i32
      %dma_wait3A_1361 = tpu.memref_slice %arg2[%dma_wait3A_1359, %dma_wait3A_1360] : memref<8194x1024xf32, #tpu.memory_space<hbm>> -> memref<8194x1024xf32, #tpu.memory_space<hbm>>
      tpu.wait_indirect_dma semaphore(%arg13 : memref<!tpu.dma_semaphore, #tpu.memory_space<semaphore_mem>>) src(%dma_wait3A_1361 : memref<8194x1024xf32, #tpu.memory_space<hbm>>) dst(%arg7 : memref<32x1024xf32, #tpu.memory_space<vmem>>)
      %add3A_1362 = arith.constant 8192 : i32
      %add3A_1363 = arith.addi %add3A_1362, %mul3A_2 : i32
      %add3A_1364 = arith.constant 0 : i32
      %add3A_1365 = arith.addi %add3A_1363, %add3A_1364 : i32
      "tpu.region"() ({
        %run_scoped3A_1366 = tpu.sem_alloc : memref<!tpu.dma_semaphore, #tpu.memory_space<semaphore_mem>>
        %dma_start3A_1367 = arith.constant 0 : i32
        %dma_start3A_1368 = tpu.memref_slice %arg4[%add3A_1365, %dma_start3A_1367] : memref<32768x1024xf32, #tpu.memory_space<hbm>> -> memref<32x1024xf32, #tpu.memory_space<hbm>>
        %dma_start3A_1369 = arith.constant 0 : i32
        %dma_start3A_1370 = tpu.memref_slice %arg4[%add3A_1365, %dma_start3A_1369] : memref<32768x1024xf32, #tpu.memory_space<hbm>> -> memref<32x1024xf32, #tpu.memory_space<hbm>>
        tpu.enqueue_dma source(%arg7 : memref<32x1024xf32, #tpu.memory_space<vmem>>) target(%dma_start3A_1370 : memref<32x1024xf32, #tpu.memory_space<hbm>>) target_semaphore(%run_scoped3A_1366 : memref<!tpu.dma_semaphore, #tpu.memory_space<semaphore_mem>>)
        %dma_wait3A_1371 = arith.constant 0 : i32
        %dma_wait3A_1372 = tpu.memref_slice %arg4[%add3A_1365, %dma_wait3A_1371] : memref<32768x1024xf32, #tpu.memory_space<hbm>> -> memref<32x1024xf32, #tpu.memory_space<hbm>>
        %dma_wait3A_1373 = arith.constant 0 : i32
        %dma_wait3A_1374 = tpu.memref_slice %arg4[%add3A_1365, %dma_wait3A_1373] : memref<32768x1024xf32, #tpu.memory_space<hbm>> -> memref<32x1024xf32, #tpu.memory_space<hbm>>
        tpu.wait_dma2 semaphore(%run_scoped3A_1366 : memref<!tpu.dma_semaphore, #tpu.memory_space<semaphore_mem>>) src(%arg7 : memref<32x1024xf32, #tpu.memory_space<vmem>>) dst(%dma_wait3A_1374 : memref<32x1024xf32, #tpu.memory_space<hbm>>)
        tpu.yield
      }) : () -> ()
    } else {
    }
    %get3A_838 = arith.constant 2 : i32
    %get3A_839 = arith.index_cast %get3A_838 : i32 to index
    %get3A_840 = arith.constant 16 : index
    %get3A_841 = tpu.vector_load %arg5[%get3A_839, %get3A_840] {strides = array<i32>} : memref<4x256xi32, #tpu.memory_space<vmem>>, vector<1x16xi32>,
    %get3A_842 = vector.shape_cast %get3A_841 : vector<1x16xi32> to vector<16xi32>
    %slice3A_843 = vector.extract_strided_slice %get3A_842 {offsets = [15], sizes = [1], strides = [1]} : vector<16xi32> to vector<1xi32>
    %squeeze3A_844 = vector.extract %slice3A_843[0] : i32 from vector<1xi32>
    %add3A_845 = arith.constant 0 : i32
    %add3A_846 = arith.addi %mul3A_2, %add3A_845 : i32
    %add3A_847 = arith.constant 32 : i32
    %add3A_848 = arith.addi %add3A_846, %add3A_847 : i32
    %add3A_849 = arith.constant 1 : i32
    %add3A_850 = arith.addi %add3A_848, %add3A_849 : i32
    %ne3A_851 = arith.cmpi ne, %squeeze3A_844, %add3A_850 : i32
    %convert_element_type3A_852 = arith.extui %ne3A_851 : i1 to i32
    %cond3A_853 = arith.constant 0 : i32
    %cond3A_854 = arith.cmpi ne, %convert_element_type3A_852, %cond3A_853 : i32
    scf.if %cond3A_854 {
      %dma_start3A_1348 = arith.constant 2 : i32
      %dma_start3A_1349 = arith.constant 0 : i32
      %dma_start3A_1350 = tpu.memref_slice %arg5[%dma_start3A_1348, %dma_start3A_1349] : memref<4x256xi32, #tpu.memory_space<vmem>> -> memref<1x32xi32, #tpu.memory_space<vmem>>
      %dma_start3A_1351 = tpu.memref_squeeze %dma_start3A_1350 : memref<1x32xi32, #tpu.memory_space<vmem>> -> memref<32xi32, #tpu.memory_space<vmem>>
      %dma_start3A_1352 = arith.constant 0 : i32
      %dma_start3A_1353 = arith.constant 0 : i32
      %dma_start3A_1354 = tpu.memref_slice %arg2[%dma_start3A_1352, %dma_start3A_1353] : memref<8194x1024xf32, #tpu.memory_space<hbm>> -> memref<8194x1024xf32, #tpu.memory_space<hbm>>
      tpu.enqueue_indirect_dma source(%dma_start3A_1354 : memref<8194x1024xf32, #tpu.memory_space<hbm>>) target(%arg7 : memref<32x1024xf32, #tpu.memory_space<vmem>>) offsets(%dma_start3A_1351 : memref<32xi32, #tpu.memory_space<vmem>>) semaphore(%arg13 : memref<!tpu.dma_semaphore, #tpu.memory_space<semaphore_mem>>)
      %dma_wait3A_1355 = arith.constant 2 : i32
      %dma_wait3A_1356 = arith.constant 0 : i32
      %dma_wait3A_1357 = tpu.memref_slice %arg5[%dma_wait3A_1355, %dma_wait3A_1356] : memref<4x256xi32, #tpu.memory_space<vmem>> -> memref<1x32xi32, #tpu.memory_space<vmem>>
      %dma_wait3A_1358 = tpu.memref_squeeze %dma_wait3A_1357 : memref<1x32xi32, #tpu.memory_space<vmem>> -> memref<32xi32, #tpu.memory_space<vmem>>
      %dma_wait3A_1359 = arith.constant 0 : i32
      %dma_wait3A_1360 = arith.constant 0 : i32
      %dma_wait3A_1361 = tpu.memref_slice %arg2[%dma_wait3A_1359, %dma_wait3A_1360] : memref<8194x1024xf32, #tpu.memory_space<hbm>> -> memref<8194x1024xf32, #tpu.memory_space<hbm>>
      tpu.wait_indirect_dma semaphore(%arg13 : memref<!tpu.dma_semaphore, #tpu.memory_space<semaphore_mem>>) src(%dma_wait3A_1361 : memref<8194x1024xf32, #tpu.memory_space<hbm>>) dst(%arg7 : memref<32x1024xf32, #tpu.memory_space<vmem>>)
      %add3A_1362 = arith.constant 16384 : i32
      %add3A_1363 = arith.addi %add3A_1362, %mul3A_2 : i32
      %add3A_1364 = arith.constant 0 : i32
      %add3A_1365 = arith.addi %add3A_1363, %add3A_1364 : i32
      "tpu.region"() ({
        %run_scoped3A_1366 = tpu.sem_alloc : memref<!tpu.dma_semaphore, #tpu.memory_space<semaphore_mem>>
        %dma_start3A_1367 = arith.constant 0 : i32
        %dma_start3A_1368 = tpu.memref_slice %arg4[%add3A_1365, %dma_start3A_1367] : memref<32768x1024xf32, #tpu.memory_space<hbm>> -> memref<32x1024xf32, #tpu.memory_space<hbm>>
        %dma_start3A_1369 = arith.constant 0 : i32
        %dma_start3A_1370 = tpu.memref_slice %arg4[%add3A_1365, %dma_start3A_1369] : memref<32768x1024xf32, #tpu.memory_space<hbm>> -> memref<32x1024xf32, #tpu.memory_space<hbm>>
        tpu.enqueue_dma source(%arg7 : memref<32x1024xf32, #tpu.memory_space<vmem>>) target(%dma_start3A_1370 : memref<32x1024xf32, #tpu.memory_space<hbm>>) target_semaphore(%run_scoped3A_1366 : memref<!tpu.dma_semaphore, #tpu.memory_space<semaphore_mem>>)
        %dma_wait3A_1371 = arith.constant 0 : i32
        %dma_wait3A_1372 = tpu.memref_slice %arg4[%add3A_1365, %dma_wait3A_1371] : memref<32768x1024xf32, #tpu.memory_space<hbm>> -> memref<32x1024xf32, #tpu.memory_space<hbm>>
        %dma_wait3A_1373 = arith.constant 0 : i32
        %dma_wait3A_1374 = tpu.memref_slice %arg4[%add3A_1365, %dma_wait3A_1373] : memref<32768x1024xf32, #tpu.memory_space<hbm>> -> memref<32x1024xf32, #tpu.memory_space<hbm>>
        tpu.wait_dma2 semaphore(%run_scoped3A_1366 : memref<!tpu.dma_semaphore, #tpu.memory_space<semaphore_mem>>) src(%arg7 : memref<32x1024xf32, #tpu.memory_space<vmem>>) dst(%dma_wait3A_1374 : memref<32x1024xf32, #tpu.memory_space<hbm>>)
        tpu.yield
      }) : () -> ()
    } else {
    }
    %get3A_855 = arith.constant 3 : i32
    %get3A_856 = arith.index_cast %get3A_855 : i32 to index
    %get3A_857 = arith.constant 16 : index
    %get3A_858 = tpu.vector_load %arg5[%get3A_856, %get3A_857] {strides = array<i32>} : memref<4x256xi32, #tpu.memory_space<vmem>>, vector<1x16xi32>,
    %get3A_859 = vector.shape_cast %get3A_858 : vector<1x16xi32> to vector<16xi32>
    %slice3A_860 = vector.extract_strided_slice %get3A_859 {offsets = [15], sizes = [1], strides = [1]} : vector<16xi32> to vector<1xi32>
    %squeeze3A_861 = vector.extract %slice3A_860[0] : i32 from vector<1xi32>
    %add3A_862 = arith.constant 0 : i32
    %add3A_863 = arith.addi %mul3A_2, %add3A_862 : i32
    %add3A_864 = arith.constant 32 : i32
    %add3A_865 = arith.addi %add3A_863, %add3A_864 : i32
    %add3A_866 = arith.constant 1 : i32
    %add3A_867 = arith.addi %add3A_865, %add3A_866 : i32
    %ne3A_868 = arith.cmpi ne, %squeeze3A_861, %add3A_867 : i32
    %convert_element_type3A_869 = arith.extui %ne3A_868 : i1 to i32
    %cond3A_870 = arith.constant 0 : i32
    %cond3A_871 = arith.cmpi ne, %convert_element_type3A_869, %cond3A_870 : i32
    scf.if %cond3A_871 {
      %dma_start3A_1348 = arith.constant 3 : i32
      %dma_start3A_1349 = arith.constant 0 : i32
      %dma_start3A_1350 = tpu.memref_slice %arg5[%dma_start3A_1348, %dma_start3A_1349] : memref<4x256xi32, #tpu.memory_space<vmem>> -> memref<1x32xi32, #tpu.memory_space<vmem>>
      %dma_start3A_1351 = tpu.memref_squeeze %dma_start3A_1350 : memref<1x32xi32, #tpu.memory_space<vmem>> -> memref<32xi32, #tpu.memory_space<vmem>>
      %dma_start3A_1352 = arith.constant 0 : i32
      %dma_start3A_1353 = arith.constant 0 : i32
      %dma_start3A_1354 = tpu.memref_slice %arg2[%dma_start3A_1352, %dma_start3A_1353] : memref<8194x1024xf32, #tpu.memory_space<hbm>> -> memref<8194x1024xf32, #tpu.memory_space<hbm>>
      tpu.enqueue_indirect_dma source(%dma_start3A_1354 : memref<8194x1024xf32, #tpu.memory_space<hbm>>) target(%arg7 : memref<32x1024xf32, #tpu.memory_space<vmem>>) offsets(%dma_start3A_1351 : memref<32xi32, #tpu.memory_space<vmem>>) semaphore(%arg13 : memref<!tpu.dma_semaphore, #tpu.memory_space<semaphore_mem>>)
      %dma_wait3A_1355 = arith.constant 3 : i32
      %dma_wait3A_1356 = arith.constant 0 : i32
      %dma_wait3A_1357 = tpu.memref_slice %arg5[%dma_wait3A_1355, %dma_wait3A_1356] : memref<4x256xi32, #tpu.memory_space<vmem>> -> memref<1x32xi32, #tpu.memory_space<vmem>>
      %dma_wait3A_1358 = tpu.memref_squeeze %dma_wait3A_1357 : memref<1x32xi32, #tpu.memory_space<vmem>> -> memref<32xi32, #tpu.memory_space<vmem>>
      %dma_wait3A_1359 = arith.constant 0 : i32
      %dma_wait3A_1360 = arith.constant 0 : i32
      %dma_wait3A_1361 = tpu.memref_slice %arg2[%dma_wait3A_1359, %dma_wait3A_1360] : memref<8194x1024xf32, #tpu.memory_space<hbm>> -> memref<8194x1024xf32, #tpu.memory_space<hbm>>
      tpu.wait_indirect_dma semaphore(%arg13 : memref<!tpu.dma_semaphore, #tpu.memory_space<semaphore_mem>>) src(%dma_wait3A_1361 : memref<8194x1024xf32, #tpu.memory_space<hbm>>) dst(%arg7 : memref<32x1024xf32, #tpu.memory_space<vmem>>)
      %add3A_1362 = arith.constant 24576 : i32
      %add3A_1363 = arith.addi %add3A_1362, %mul3A_2 : i32
      %add3A_1364 = arith.constant 0 : i32
      %add3A_1365 = arith.addi %add3A_1363, %add3A_1364 : i32
      "tpu.region"() ({
        %run_scoped3A_1366 = tpu.sem_alloc : memref<!tpu.dma_semaphore, #tpu.memory_space<semaphore_mem>>
        %dma_start3A_1367 = arith.constant 0 : i32
        %dma_start3A_1368 = tpu.memref_slice %arg4[%add3A_1365, %dma_start3A_1367] : memref<32768x1024xf32, #tpu.memory_space<hbm>> -> memref<32x1024xf32, #tpu.memory_space<hbm>>
        %dma_start3A_1369 = arith.constant 0 : i32
        %dma_start3A_1370 = tpu.memref_slice %arg4[%add3A_1365, %dma_start3A_1369] : memref<32768x1024xf32, #tpu.memory_space<hbm>> -> memref<32x1024xf32, #tpu.memory_space<hbm>>
        tpu.enqueue_dma source(%arg7 : memref<32x1024xf32, #tpu.memory_space<vmem>>) target(%dma_start3A_1370 : memref<32x1024xf32, #tpu.memory_space<hbm>>) target_semaphore(%run_scoped3A_1366 : memref<!tpu.dma_semaphore, #tpu.memory_space<semaphore_mem>>)
        %dma_wait3A_1371 = arith.constant 0 : i32
        %dma_wait3A_1372 = tpu.memref_slice %arg4[%add3A_1365, %dma_wait3A_1371] : memref<32768x1024xf32, #tpu.memory_space<hbm>> -> memref<32x1024xf32, #tpu.memory_space<hbm>>
        %dma_wait3A_1373 = arith.constant 0 : i32
        %dma_wait3A_1374 = tpu.memref_slice %arg4[%add3A_1365, %dma_wait3A_1373] : memref<32768x1024xf32, #tpu.memory_space<hbm>> -> memref<32x1024xf32, #tpu.memory_space<hbm>>
        tpu.wait_dma2 semaphore(%run_scoped3A_1366 : memref<!tpu.dma_semaphore, #tpu.memory_space<semaphore_mem>>) src(%arg7 : memref<32x1024xf32, #tpu.memory_space<vmem>>) dst(%dma_wait3A_1374 : memref<32x1024xf32, #tpu.memory_space<hbm>>)
        tpu.yield
      }) : () -> ()
    } else {
    }
    %get3A_872 = arith.constant 0 : i32
    %get3A_873 = arith.index_cast %get3A_872 : i32 to index
    %get3A_874 = arith.constant 48 : index
    %get3A_875 = tpu.vector_load %arg5[%get3A_873, %get3A_874] {strides = array<i32>} : memref<4x256xi32, #tpu.memory_space<vmem>>, vector<1x16xi32>,
    %get3A_876 = vector.shape_cast %get3A_875 : vector<1x16xi32> to vector<16xi32>
    %slice3A_877 = vector.extract_strided_slice %get3A_876 {offsets = [15], sizes = [1], strides = [1]} : vector<16xi32> to vector<1xi32>
    %squeeze3A_878 = vector.extract %slice3A_877[0] : i32 from vector<1xi32>
    %add3A_879 = arith.constant 32 : i32
    %add3A_880 = arith.addi %mul3A_2, %add3A_879 : i32
    %add3A_881 = arith.constant 32 : i32
    %add3A_882 = arith.addi %add3A_880, %add3A_881 : i32
    %add3A_883 = arith.constant 1 : i32
    %add3A_884 = arith.addi %add3A_882, %add3A_883 : i32
    %ne3A_885 = arith.cmpi ne, %squeeze3A_878, %add3A_884 : i32
    %convert_element_type3A_886 = arith.extui %ne3A_885 : i1 to i32
    %cond3A_887 = arith.constant 0 : i32
    %cond3A_888 = arith.cmpi ne, %convert_element_type3A_886, %cond3A_887 : i32
    scf.if %cond3A_888 {
      %dma_start3A_1348 = arith.constant 0 : i32
      %dma_start3A_1349 = arith.constant 32 : i32
      %dma_start3A_1350 = tpu.memref_slice %arg5[%dma_start3A_1348, %dma_start3A_1349] : memref<4x256xi32, #tpu.memory_space<vmem>> -> memref<1x32xi32, #tpu.memory_space<vmem>>
      %dma_start3A_1351 = tpu.memref_squeeze %dma_start3A_1350 : memref<1x32xi32, #tpu.memory_space<vmem>> -> memref<32xi32, #tpu.memory_space<vmem>>
      %dma_start3A_1352 = arith.constant 0 : i32
      %dma_start3A_1353 = arith.constant 0 : i32
      %dma_start3A_1354 = tpu.memref_slice %arg2[%dma_start3A_1352, %dma_start3A_1353] : memref<8194x1024xf32, #tpu.memory_space<hbm>> -> memref<8194x1024xf32, #tpu.memory_space<hbm>>
      tpu.enqueue_indirect_dma source(%dma_start3A_1354 : memref<8194x1024xf32, #tpu.memory_space<hbm>>) target(%arg7 : memref<32x1024xf32, #tpu.memory_space<vmem>>) offsets(%dma_start3A_1351 : memref<32xi32, #tpu.memory_space<vmem>>) semaphore(%arg13 : memref<!tpu.dma_semaphore, #tpu.memory_space<semaphore_mem>>)
      %dma_wait3A_1355 = arith.constant 0 : i32
      %dma_wait3A_1356 = arith.constant 32 : i32
      %dma_wait3A_1357 = tpu.memref_slice %arg5[%dma_wait3A_1355, %dma_wait3A_1356] : memref<4x256xi32, #tpu.memory_space<vmem>> -> memref<1x32xi32, #tpu.memory_space<vmem>>
      %dma_wait3A_1358 = tpu.memref_squeeze %dma_wait3A_1357 : memref<1x32xi32, #tpu.memory_space<vmem>> -> memref<32xi32, #tpu.memory_space<vmem>>
      %dma_wait3A_1359 = arith.constant 0 : i32
      %dma_wait3A_1360 = arith.constant 0 : i32
      %dma_wait3A_1361 = tpu.memref_slice %arg2[%dma_wait3A_1359, %dma_wait3A_1360] : memref<8194x1024xf32, #tpu.memory_space<hbm>> -> memref<8194x1024xf32, #tpu.memory_space<hbm>>
      tpu.wait_indirect_dma semaphore(%arg13 : memref<!tpu.dma_semaphore, #tpu.memory_space<semaphore_mem>>) src(%dma_wait3A_1361 : memref<8194x1024xf32, #tpu.memory_space<hbm>>) dst(%arg7 : memref<32x1024xf32, #tpu.memory_space<vmem>>)
      %add3A_1362 = arith.constant 0 : i32
      %add3A_1363 = arith.addi %add3A_1362, %mul3A_2 : i32
      %add3A_1364 = arith.constant 32 : i32
      %add3A_1365 = arith.addi %add3A_1363, %add3A_1364 : i32
      "tpu.region"() ({
        %run_scoped3A_1366 = tpu.sem_alloc : memref<!tpu.dma_semaphore, #tpu.memory_space<semaphore_mem>>
        %dma_start3A_1367 = arith.constant 0 : i32
        %dma_start3A_1368 = tpu.memref_slice %arg4[%add3A_1365, %dma_start3A_1367] : memref<32768x1024xf32, #tpu.memory_space<hbm>> -> memref<32x1024xf32, #tpu.memory_space<hbm>>
        %dma_start3A_1369 = arith.constant 0 : i32
        %dma_start3A_1370 = tpu.memref_slice %arg4[%add3A_1365, %dma_start3A_1369] : memref<32768x1024xf32, #tpu.memory_space<hbm>> -> memref<32x1024xf32, #tpu.memory_space<hbm>>
        tpu.enqueue_dma source(%arg7 : memref<32x1024xf32, #tpu.memory_space<vmem>>) target(%dma_start3A_1370 : memref<32x1024xf32, #tpu.memory_space<hbm>>) target_semaphore(%run_scoped3A_1366 : memref<!tpu.dma_semaphore, #tpu.memory_space<semaphore_mem>>)
        %dma_wait3A_1371 = arith.constant 0 : i32
        %dma_wait3A_1372 = tpu.memref_slice %arg4[%add3A_1365, %dma_wait3A_1371] : memref<32768x1024xf32, #tpu.memory_space<hbm>> -> memref<32x1024xf32, #tpu.memory_space<hbm>>
        %dma_wait3A_1373 = arith.constant 0 : i32
        %dma_wait3A_1374 = tpu.memref_slice %arg4[%add3A_1365, %dma_wait3A_1373] : memref<32768x1024xf32, #tpu.memory_space<hbm>> -> memref<32x1024xf32, #tpu.memory_space<hbm>>
        tpu.wait_dma2 semaphore(%run_scoped3A_1366 : memref<!tpu.dma_semaphore, #tpu.memory_space<semaphore_mem>>) src(%arg7 : memref<32x1024xf32, #tpu.memory_space<vmem>>) dst(%dma_wait3A_1374 : memref<32x1024xf32, #tpu.memory_space<hbm>>)
        tpu.yield
      }) : () -> ()
    } else {
    }
    %get3A_889 = arith.constant 1 : i32
    %get3A_890 = arith.index_cast %get3A_889 : i32 to index
    %get3A_891 = arith.constant 48 : index
    %get3A_892 = tpu.vector_load %arg5[%get3A_890, %get3A_891] {strides = array<i32>} : memref<4x256xi32, #tpu.memory_space<vmem>>, vector<1x16xi32>,
    %get3A_893 = vector.shape_cast %get3A_892 : vector<1x16xi32> to vector<16xi32>
    %slice3A_894 = vector.extract_strided_slice %get3A_893 {offsets = [15], sizes = [1], strides = [1]} : vector<16xi32> to vector<1xi32>
    %squeeze3A_895 = vector.extract %slice3A_894[0] : i32 from vector<1xi32>
    %add3A_896 = arith.constant 32 : i32
    %add3A_897 = arith.addi %mul3A_2, %add3A_896 : i32
    %add3A_898 = arith.constant 32 : i32
    %add3A_899 = arith.addi %add3A_897, %add3A_898 : i32
    %add3A_900 = arith.constant 1 : i32
    %add3A_901 = arith.addi %add3A_899, %add3A_900 : i32
    %ne3A_902 = arith.cmpi ne, %squeeze3A_895, %add3A_901 : i32
    %convert_element_type3A_903 = arith.extui %ne3A_902 : i1 to i32
    %cond3A_904 = arith.constant 0 : i32
    %cond3A_905 = arith.cmpi ne, %convert_element_type3A_903, %cond3A_904 : i32
    scf.if %cond3A_905 {
      %dma_start3A_1348 = arith.constant 1 : i32
      %dma_start3A_1349 = arith.constant 32 : i32
      %dma_start3A_1350 = tpu.memref_slice %arg5[%dma_start3A_1348, %dma_start3A_1349] : memref<4x256xi32, #tpu.memory_space<vmem>> -> memref<1x32xi32, #tpu.memory_space<vmem>>
      %dma_start3A_1351 = tpu.memref_squeeze %dma_start3A_1350 : memref<1x32xi32, #tpu.memory_space<vmem>> -> memref<32xi32, #tpu.memory_space<vmem>>
      %dma_start3A_1352 = arith.constant 0 : i32
      %dma_start3A_1353 = arith.constant 0 : i32
      %dma_start3A_1354 = tpu.memref_slice %arg2[%dma_start3A_1352, %dma_start3A_1353] : memref<8194x1024xf32, #tpu.memory_space<hbm>> -> memref<8194x1024xf32, #tpu.memory_space<hbm>>
      tpu.enqueue_indirect_dma source(%dma_start3A_1354 : memref<8194x1024xf32, #tpu.memory_space<hbm>>) target(%arg7 : memref<32x1024xf32, #tpu.memory_space<vmem>>) offsets(%dma_start3A_1351 : memref<32xi32, #tpu.memory_space<vmem>>) semaphore(%arg13 : memref<!tpu.dma_semaphore, #tpu.memory_space<semaphore_mem>>)
      %dma_wait3A_1355 = arith.constant 1 : i32
      %dma_wait3A_1356 = arith.constant 32 : i32
      %dma_wait3A_1357 = tpu.memref_slice %arg5[%dma_wait3A_1355, %dma_wait3A_1356] : memref<4x256xi32, #tpu.memory_space<vmem>> -> memref<1x32xi32, #tpu.memory_space<vmem>>
      %dma_wait3A_1358 = tpu.memref_squeeze %dma_wait3A_1357 : memref<1x32xi32, #tpu.memory_space<vmem>> -> memref<32xi32, #tpu.memory_space<vmem>>
      %dma_wait3A_1359 = arith.constant 0 : i32
      %dma_wait3A_1360 = arith.constant 0 : i32
      %dma_wait3A_1361 = tpu.memref_slice %arg2[%dma_wait3A_1359, %dma_wait3A_1360] : memref<8194x1024xf32, #tpu.memory_space<hbm>> -> memref<8194x1024xf32, #tpu.memory_space<hbm>>
      tpu.wait_indirect_dma semaphore(%arg13 : memref<!tpu.dma_semaphore, #tpu.memory_space<semaphore_mem>>) src(%dma_wait3A_1361 : memref<8194x1024xf32, #tpu.memory_space<hbm>>) dst(%arg7 : memref<32x1024xf32, #tpu.memory_space<vmem>>)
      %add3A_1362 = arith.constant 8192 : i32
      %add3A_1363 = arith.addi %add3A_1362, %mul3A_2 : i32
      %add3A_1364 = arith.constant 32 : i32
      %add3A_1365 = arith.addi %add3A_1363, %add3A_1364 : i32
      "tpu.region"() ({
        %run_scoped3A_1366 = tpu.sem_alloc : memref<!tpu.dma_semaphore, #tpu.memory_space<semaphore_mem>>
        %dma_start3A_1367 = arith.constant 0 : i32
        %dma_start3A_1368 = tpu.memref_slice %arg4[%add3A_1365, %dma_start3A_1367] : memref<32768x1024xf32, #tpu.memory_space<hbm>> -> memref<32x1024xf32, #tpu.memory_space<hbm>>
        %dma_start3A_1369 = arith.constant 0 : i32
        %dma_start3A_1370 = tpu.memref_slice %arg4[%add3A_1365, %dma_start3A_1369] : memref<32768x1024xf32, #tpu.memory_space<hbm>> -> memref<32x1024xf32, #tpu.memory_space<hbm>>
        tpu.enqueue_dma source(%arg7 : memref<32x1024xf32, #tpu.memory_space<vmem>>) target(%dma_start3A_1370 : memref<32x1024xf32, #tpu.memory_space<hbm>>) target_semaphore(%run_scoped3A_1366 : memref<!tpu.dma_semaphore, #tpu.memory_space<semaphore_mem>>)
        %dma_wait3A_1371 = arith.constant 0 : i32
        %dma_wait3A_1372 = tpu.memref_slice %arg4[%add3A_1365, %dma_wait3A_1371] : memref<32768x1024xf32, #tpu.memory_space<hbm>> -> memref<32x1024xf32, #tpu.memory_space<hbm>>
        %dma_wait3A_1373 = arith.constant 0 : i32
        %dma_wait3A_1374 = tpu.memref_slice %arg4[%add3A_1365, %dma_wait3A_1373] : memref<32768x1024xf32, #tpu.memory_space<hbm>> -> memref<32x1024xf32, #tpu.memory_space<hbm>>
        tpu.wait_dma2 semaphore(%run_scoped3A_1366 : memref<!tpu.dma_semaphore, #tpu.memory_space<semaphore_mem>>) src(%arg7 : memref<32x1024xf32, #tpu.memory_space<vmem>>) dst(%dma_wait3A_1374 : memref<32x1024xf32, #tpu.memory_space<hbm>>)
        tpu.yield
      }) : () -> ()
    } else {
    }
    %get3A_906 = arith.constant 2 : i32
    %get3A_907 = arith.index_cast %get3A_906 : i32 to index
    %get3A_908 = arith.constant 48 : index
    %get3A_909 = tpu.vector_load %arg5[%get3A_907, %get3A_908] {strides = array<i32>} : memref<4x256xi32, #tpu.memory_space<vmem>>, vector<1x16xi32>,
    %get3A_910 = vector.shape_cast %get3A_909 : vector<1x16xi32> to vector<16xi32>
    %slice3A_911 = vector.extract_strided_slice %get3A_910 {offsets = [15], sizes = [1], strides = [1]} : vector<16xi32> to vector<1xi32>
    %squeeze3A_912 = vector.extract %slice3A_911[0] : i32 from vector<1xi32>
    %add3A_913 = arith.constant 32 : i32
    %add3A_914 = arith.addi %mul3A_2, %add3A_913 : i32
    %add3A_915 = arith.constant 32 : i32
    %add3A_916 = arith.addi %add3A_914, %add3A_915 : i32
    %add3A_917 = arith.constant 1 : i32
    %add3A_918 = arith.addi %add3A_916, %add3A_917 : i32
    %ne3A_919 = arith.cmpi ne, %squeeze3A_912, %add3A_918 : i32
    %convert_element_type3A_920 = arith.extui %ne3A_919 : i1 to i32
    %cond3A_921 = arith.constant 0 : i32
    %cond3A_922 = arith.cmpi ne, %convert_element_type3A_920, %cond3A_921 : i32
    scf.if %cond3A_922 {
      %dma_start3A_1348 = arith.constant 2 : i32
      %dma_start3A_1349 = arith.constant 32 : i32
      %dma_start3A_1350 = tpu.memref_slice %arg5[%dma_start3A_1348, %dma_start3A_1349] : memref<4x256xi32, #tpu.memory_space<vmem>> -> memref<1x32xi32, #tpu.memory_space<vmem>>
      %dma_start3A_1351 = tpu.memref_squeeze %dma_start3A_1350 : memref<1x32xi32, #tpu.memory_space<vmem>> -> memref<32xi32, #tpu.memory_space<vmem>>
      %dma_start3A_1352 = arith.constant 0 : i32
      %dma_start3A_1353 = arith.constant 0 : i32
      %dma_start3A_1354 = tpu.memref_slice %arg2[%dma_start3A_1352, %dma_start3A_1353] : memref<8194x1024xf32, #tpu.memory_space<hbm>> -> memref<8194x1024xf32, #tpu.memory_space<hbm>>
      tpu.enqueue_indirect_dma source(%dma_start3A_1354 : memref<8194x1024xf32, #tpu.memory_space<hbm>>) target(%arg7 : memref<32x1024xf32, #tpu.memory_space<vmem>>) offsets(%dma_start3A_1351 : memref<32xi32, #tpu.memory_space<vmem>>) semaphore(%arg13 : memref<!tpu.dma_semaphore, #tpu.memory_space<semaphore_mem>>)
      %dma_wait3A_1355 = arith.constant 2 : i32
      %dma_wait3A_1356 = arith.constant 32 : i32
      %dma_wait3A_1357 = tpu.memref_slice %arg5[%dma_wait3A_1355, %dma_wait3A_1356] : memref<4x256xi32, #tpu.memory_space<vmem>> -> memref<1x32xi32, #tpu.memory_space<vmem>>
      %dma_wait3A_1358 = tpu.memref_squeeze %dma_wait3A_1357 : memref<1x32xi32, #tpu.memory_space<vmem>> -> memref<32xi32, #tpu.memory_space<vmem>>
      %dma_wait3A_1359 = arith.constant 0 : i32
      %dma_wait3A_1360 = arith.constant 0 : i32
      %dma_wait3A_1361 = tpu.memref_slice %arg2[%dma_wait3A_1359, %dma_wait3A_1360] : memref<8194x1024xf32, #tpu.memory_space<hbm>> -> memref<8194x1024xf32, #tpu.memory_space<hbm>>
      tpu.wait_indirect_dma semaphore(%arg13 : memref<!tpu.dma_semaphore, #tpu.memory_space<semaphore_mem>>) src(%dma_wait3A_1361 : memref<8194x1024xf32, #tpu.memory_space<hbm>>) dst(%arg7 : memref<32x1024xf32, #tpu.memory_space<vmem>>)
      %add3A_1362 = arith.constant 16384 : i32
      %add3A_1363 = arith.addi %add3A_1362, %mul3A_2 : i32
      %add3A_1364 = arith.constant 32 : i32
      %add3A_1365 = arith.addi %add3A_1363, %add3A_1364 : i32
      "tpu.region"() ({
        %run_scoped3A_1366 = tpu.sem_alloc : memref<!tpu.dma_semaphore, #tpu.memory_space<semaphore_mem>>
        %dma_start3A_1367 = arith.constant 0 : i32
        %dma_start3A_1368 = tpu.memref_slice %arg4[%add3A_1365, %dma_start3A_1367] : memref<32768x1024xf32, #tpu.memory_space<hbm>> -> memref<32x1024xf32, #tpu.memory_space<hbm>>
        %dma_start3A_1369 = arith.constant 0 : i32
        %dma_start3A_1370 = tpu.memref_slice %arg4[%add3A_1365, %dma_start3A_1369] : memref<32768x1024xf32, #tpu.memory_space<hbm>> -> memref<32x1024xf32, #tpu.memory_space<hbm>>
        tpu.enqueue_dma source(%arg7 : memref<32x1024xf32, #tpu.memory_space<vmem>>) target(%dma_start3A_1370 : memref<32x1024xf32, #tpu.memory_space<hbm>>) target_semaphore(%run_scoped3A_1366 : memref<!tpu.dma_semaphore, #tpu.memory_space<semaphore_mem>>)
        %dma_wait3A_1371 = arith.constant 0 : i32
        %dma_wait3A_1372 = tpu.memref_slice %arg4[%add3A_1365, %dma_wait3A_1371] : memref<32768x1024xf32, #tpu.memory_space<hbm>> -> memref<32x1024xf32, #tpu.memory_space<hbm>>
        %dma_wait3A_1373 = arith.constant 0 : i32
        %dma_wait3A_1374 = tpu.memref_slice %arg4[%add3A_1365, %dma_wait3A_1373] : memref<32768x1024xf32, #tpu.memory_space<hbm>> -> memref<32x1024xf32, #tpu.memory_space<hbm>>
        tpu.wait_dma2 semaphore(%run_scoped3A_1366 : memref<!tpu.dma_semaphore, #tpu.memory_space<semaphore_mem>>) src(%arg7 : memref<32x1024xf32, #tpu.memory_space<vmem>>) dst(%dma_wait3A_1374 : memref<32x1024xf32, #tpu.memory_space<hbm>>)
        tpu.yield
      }) : () -> ()
    } else {
    }
    %get3A_923 = arith.constant 3 : i32
    %get3A_924 = arith.index_cast %get3A_923 : i32 to index
    %get3A_925 = arith.constant 48 : index
    %get3A_926 = tpu.vector_load %arg5[%get3A_924, %get3A_925] {strides = array<i32>} : memref<4x256xi32, #tpu.memory_space<vmem>>, vector<1x16xi32>,
    %get3A_927 = vector.shape_cast %get3A_926 : vector<1x16xi32> to vector<16xi32>
    %slice3A_928 = vector.extract_strided_slice %get3A_927 {offsets = [15], sizes = [1], strides = [1]} : vector<16xi32> to vector<1xi32>
    %squeeze3A_929 = vector.extract %slice3A_928[0] : i32 from vector<1xi32>
    %add3A_930 = arith.constant 32 : i32
    %add3A_931 = arith.addi %mul3A_2, %add3A_930 : i32
    %add3A_932 = arith.constant 32 : i32
    %add3A_933 = arith.addi %add3A_931, %add3A_932 : i32
    %add3A_934 = arith.constant 1 : i32
    %add3A_935 = arith.addi %add3A_933, %add3A_934 : i32
    %ne3A_936 = arith.cmpi ne, %squeeze3A_929, %add3A_935 : i32
    %convert_element_type3A_937 = arith.extui %ne3A_936 : i1 to i32
    %cond3A_938 = arith.constant 0 : i32
    %cond3A_939 = arith.cmpi ne, %convert_element_type3A_937, %cond3A_938 : i32
    scf.if %cond3A_939 {
      %dma_start3A_1348 = arith.constant 3 : i32
      %dma_start3A_1349 = arith.constant 32 : i32
      %dma_start3A_1350 = tpu.memref_slice %arg5[%dma_start3A_1348, %dma_start3A_1349] : memref<4x256xi32, #tpu.memory_space<vmem>> -> memref<1x32xi32, #tpu.memory_space<vmem>>
      %dma_start3A_1351 = tpu.memref_squeeze %dma_start3A_1350 : memref<1x32xi32, #tpu.memory_space<vmem>> -> memref<32xi32, #tpu.memory_space<vmem>>
      %dma_start3A_1352 = arith.constant 0 : i32
      %dma_start3A_1353 = arith.constant 0 : i32
      %dma_start3A_1354 = tpu.memref_slice %arg2[%dma_start3A_1352, %dma_start3A_1353] : memref<8194x1024xf32, #tpu.memory_space<hbm>> -> memref<8194x1024xf32, #tpu.memory_space<hbm>>
      tpu.enqueue_indirect_dma source(%dma_start3A_1354 : memref<8194x1024xf32, #tpu.memory_space<hbm>>) target(%arg7 : memref<32x1024xf32, #tpu.memory_space<vmem>>) offsets(%dma_start3A_1351 : memref<32xi32, #tpu.memory_space<vmem>>) semaphore(%arg13 : memref<!tpu.dma_semaphore, #tpu.memory_space<semaphore_mem>>)
      %dma_wait3A_1355 = arith.constant 3 : i32
      %dma_wait3A_1356 = arith.constant 32 : i32
      %dma_wait3A_1357 = tpu.memref_slice %arg5[%dma_wait3A_1355, %dma_wait3A_1356] : memref<4x256xi32, #tpu.memory_space<vmem>> -> memref<1x32xi32, #tpu.memory_space<vmem>>
      %dma_wait3A_1358 = tpu.memref_squeeze %dma_wait3A_1357 : memref<1x32xi32, #tpu.memory_space<vmem>> -> memref<32xi32, #tpu.memory_space<vmem>>
      %dma_wait3A_1359 = arith.constant 0 : i32
      %dma_wait3A_1360 = arith.constant 0 : i32
      %dma_wait3A_1361 = tpu.memref_slice %arg2[%dma_wait3A_1359, %dma_wait3A_1360] : memref<8194x1024xf32, #tpu.memory_space<hbm>> -> memref<8194x1024xf32, #tpu.memory_space<hbm>>
      tpu.wait_indirect_dma semaphore(%arg13 : memref<!tpu.dma_semaphore, #tpu.memory_space<semaphore_mem>>) src(%dma_wait3A_1361 : memref<8194x1024xf32, #tpu.memory_space<hbm>>) dst(%arg7 : memref<32x1024xf32, #tpu.memory_space<vmem>>)
      %add3A_1362 = arith.constant 24576 : i32
      %add3A_1363 = arith.addi %add3A_1362, %mul3A_2 : i32
      %add3A_1364 = arith.constant 32 : i32
      %add3A_1365 = arith.addi %add3A_1363, %add3A_1364 : i32
      "tpu.region"() ({
        %run_scoped3A_1366 = tpu.sem_alloc : memref<!tpu.dma_semaphore, #tpu.memory_space<semaphore_mem>>
        %dma_start3A_1367 = arith.constant 0 : i32
        %dma_start3A_1368 = tpu.memref_slice %arg4[%add3A_1365, %dma_start3A_1367] : memref<32768x1024xf32, #tpu.memory_space<hbm>> -> memref<32x1024xf32, #tpu.memory_space<hbm>>
        %dma_start3A_1369 = arith.constant 0 : i32
        %dma_start3A_1370 = tpu.memref_slice %arg4[%add3A_1365, %dma_start3A_1369] : memref<32768x1024xf32, #tpu.memory_space<hbm>> -> memref<32x1024xf32, #tpu.memory_space<hbm>>
        tpu.enqueue_dma source(%arg7 : memref<32x1024xf32, #tpu.memory_space<vmem>>) target(%dma_start3A_1370 : memref<32x1024xf32, #tpu.memory_space<hbm>>) target_semaphore(%run_scoped3A_1366 : memref<!tpu.dma_semaphore, #tpu.memory_space<semaphore_mem>>)
        %dma_wait3A_1371 = arith.constant 0 : i32
        %dma_wait3A_1372 = tpu.memref_slice %arg4[%add3A_1365, %dma_wait3A_1371] : memref<32768x1024xf32, #tpu.memory_space<hbm>> -> memref<32x1024xf32, #tpu.memory_space<hbm>>
        %dma_wait3A_1373 = arith.constant 0 : i32
        %dma_wait3A_1374 = tpu.memref_slice %arg4[%add3A_1365, %dma_wait3A_1373] : memref<32768x1024xf32, #tpu.memory_space<hbm>> -> memref<32x1024xf32, #tpu.memory_space<hbm>>
        tpu.wait_dma2 semaphore(%run_scoped3A_1366 : memref<!tpu.dma_semaphore, #tpu.memory_space<semaphore_mem>>) src(%arg7 : memref<32x1024xf32, #tpu.memory_space<vmem>>) dst(%dma_wait3A_1374 : memref<32x1024xf32, #tpu.memory_space<hbm>>)
        tpu.yield
      }) : () -> ()
    } else {
    }
    %get3A_940 = arith.constant 0 : i32
    %get3A_941 = arith.index_cast %get3A_940 : i32 to index
    %get3A_942 = arith.constant 80 : index
    %get3A_943 = tpu.vector_load %arg5[%get3A_941, %get3A_942] {strides = array<i32>} : memref<4x256xi32, #tpu.memory_space<vmem>>, vector<1x16xi32>,
    %get3A_944 = vector.shape_cast %get3A_943 : vector<1x16xi32> to vector<16xi32>
    %slice3A_945 = vector.extract_strided_slice %get3A_944 {offsets = [15], sizes = [1], strides = [1]} : vector<16xi32> to vector<1xi32>
    %squeeze3A_946 = vector.extract %slice3A_945[0] : i32 from vector<1xi32>
    %add3A_947 = arith.constant 64 : i32
    %add3A_948 = arith.addi %mul3A_2, %add3A_947 : i32
    %add3A_949 = arith.constant 32 : i32
    %add3A_950 = arith.addi %add3A_948, %add3A_949 : i32
    %add3A_951 = arith.constant 1 : i32
    %add3A_952 = arith.addi %add3A_950, %add3A_951 : i32
    %ne3A_953 = arith.cmpi ne, %squeeze3A_946, %add3A_952 : i32
    %convert_element_type3A_954 = arith.extui %ne3A_953 : i1 to i32
    %cond3A_955 = arith.constant 0 : i32
    %cond3A_956 = arith.cmpi ne, %convert_element_type3A_954, %cond3A_955 : i32
    scf.if %cond3A_956 {
      %dma_start3A_1348 = arith.constant 0 : i32
      %dma_start3A_1349 = arith.constant 64 : i32
      %dma_start3A_1350 = tpu.memref_slice %arg5[%dma_start3A_1348, %dma_start3A_1349] : memref<4x256xi32, #tpu.memory_space<vmem>> -> memref<1x32xi32, #tpu.memory_space<vmem>>
      %dma_start3A_1351 = tpu.memref_squeeze %dma_start3A_1350 : memref<1x32xi32, #tpu.memory_space<vmem>> -> memref<32xi32, #tpu.memory_space<vmem>>
      %dma_start3A_1352 = arith.constant 0 : i32
      %dma_start3A_1353 = arith.constant 0 : i32
      %dma_start3A_1354 = tpu.memref_slice %arg2[%dma_start3A_1352, %dma_start3A_1353] : memref<8194x1024xf32, #tpu.memory_space<hbm>> -> memref<8194x1024xf32, #tpu.memory_space<hbm>>
      tpu.enqueue_indirect_dma source(%dma_start3A_1354 : memref<8194x1024xf32, #tpu.memory_space<hbm>>) target(%arg7 : memref<32x1024xf32, #tpu.memory_space<vmem>>) offsets(%dma_start3A_1351 : memref<32xi32, #tpu.memory_space<vmem>>) semaphore(%arg13 : memref<!tpu.dma_semaphore, #tpu.memory_space<semaphore_mem>>)
      %dma_wait3A_1355 = arith.constant 0 : i32
      %dma_wait3A_1356 = arith.constant 64 : i32
      %dma_wait3A_1357 = tpu.memref_slice %arg5[%dma_wait3A_1355, %dma_wait3A_1356] : memref<4x256xi32, #tpu.memory_space<vmem>> -> memref<1x32xi32, #tpu.memory_space<vmem>>
      %dma_wait3A_1358 = tpu.memref_squeeze %dma_wait3A_1357 : memref<1x32xi32, #tpu.memory_space<vmem>> -> memref<32xi32, #tpu.memory_space<vmem>>
      %dma_wait3A_1359 = arith.constant 0 : i32
      %dma_wait3A_1360 = arith.constant 0 : i32
      %dma_wait3A_1361 = tpu.memref_slice %arg2[%dma_wait3A_1359, %dma_wait3A_1360] : memref<8194x1024xf32, #tpu.memory_space<hbm>> -> memref<8194x1024xf32, #tpu.memory_space<hbm>>
      tpu.wait_indirect_dma semaphore(%arg13 : memref<!tpu.dma_semaphore, #tpu.memory_space<semaphore_mem>>) src(%dma_wait3A_1361 : memref<8194x1024xf32, #tpu.memory_space<hbm>>) dst(%arg7 : memref<32x1024xf32, #tpu.memory_space<vmem>>)
      %add3A_1362 = arith.constant 0 : i32
      %add3A_1363 = arith.addi %add3A_1362, %mul3A_2 : i32
      %add3A_1364 = arith.constant 64 : i32
      %add3A_1365 = arith.addi %add3A_1363, %add3A_1364 : i32
      "tpu.region"() ({
        %run_scoped3A_1366 = tpu.sem_alloc : memref<!tpu.dma_semaphore, #tpu.memory_space<semaphore_mem>>
        %dma_start3A_1367 = arith.constant 0 : i32
        %dma_start3A_1368 = tpu.memref_slice %arg4[%add3A_1365, %dma_start3A_1367] : memref<32768x1024xf32, #tpu.memory_space<hbm>> -> memref<32x1024xf32, #tpu.memory_space<hbm>>
        %dma_start3A_1369 = arith.constant 0 : i32
        %dma_start3A_1370 = tpu.memref_slice %arg4[%add3A_1365, %dma_start3A_1369] : memref<32768x1024xf32, #tpu.memory_space<hbm>> -> memref<32x1024xf32, #tpu.memory_space<hbm>>
        tpu.enqueue_dma source(%arg7 : memref<32x1024xf32, #tpu.memory_space<vmem>>) target(%dma_start3A_1370 : memref<32x1024xf32, #tpu.memory_space<hbm>>) target_semaphore(%run_scoped3A_1366 : memref<!tpu.dma_semaphore, #tpu.memory_space<semaphore_mem>>)
        %dma_wait3A_1371 = arith.constant 0 : i32
        %dma_wait3A_1372 = tpu.memref_slice %arg4[%add3A_1365, %dma_wait3A_1371] : memref<32768x1024xf32, #tpu.memory_space<hbm>> -> memref<32x1024xf32, #tpu.memory_space<hbm>>
        %dma_wait3A_1373 = arith.constant 0 : i32
        %dma_wait3A_1374 = tpu.memref_slice %arg4[%add3A_1365, %dma_wait3A_1373] : memref<32768x1024xf32, #tpu.memory_space<hbm>> -> memref<32x1024xf32, #tpu.memory_space<hbm>>
        tpu.wait_dma2 semaphore(%run_scoped3A_1366 : memref<!tpu.dma_semaphore, #tpu.memory_space<semaphore_mem>>) src(%arg7 : memref<32x1024xf32, #tpu.memory_space<vmem>>) dst(%dma_wait3A_1374 : memref<32x1024xf32, #tpu.memory_space<hbm>>)
        tpu.yield
      }) : () -> ()
    } else {
    }
    %get3A_957 = arith.constant 1 : i32
    %get3A_958 = arith.index_cast %get3A_957 : i32 to index
    %get3A_959 = arith.constant 80 : index
    %get3A_960 = tpu.vector_load %arg5[%get3A_958, %get3A_959] {strides = array<i32>} : memref<4x256xi32, #tpu.memory_space<vmem>>, vector<1x16xi32>,
    %get3A_961 = vector.shape_cast %get3A_960 : vector<1x16xi32> to vector<16xi32>
    %slice3A_962 = vector.extract_strided_slice %get3A_961 {offsets = [15], sizes = [1], strides = [1]} : vector<16xi32> to vector<1xi32>
    %squeeze3A_963 = vector.extract %slice3A_962[0] : i32 from vector<1xi32>
    %add3A_964 = arith.constant 64 : i32
    %add3A_965 = arith.addi %mul3A_2, %add3A_964 : i32
    %add3A_966 = arith.constant 32 : i32
    %add3A_967 = arith.addi %add3A_965, %add3A_966 : i32
    %add3A_968 = arith.constant 1 : i32
    %add3A_969 = arith.addi %add3A_967, %add3A_968 : i32
    %ne3A_970 = arith.cmpi ne, %squeeze3A_963, %add3A_969 : i32
    %convert_element_type3A_971 = arith.extui %ne3A_970 : i1 to i32
    %cond3A_972 = arith.constant 0 : i32
    %cond3A_973 = arith.cmpi ne, %convert_element_type3A_971, %cond3A_972 : i32
    scf.if %cond3A_973 {
      %dma_start3A_1348 = arith.constant 1 : i32
      %dma_start3A_1349 = arith.constant 64 : i32
      %dma_start3A_1350 = tpu.memref_slice %arg5[%dma_start3A_1348, %dma_start3A_1349] : memref<4x256xi32, #tpu.memory_space<vmem>> -> memref<1x32xi32, #tpu.memory_space<vmem>>
      %dma_start3A_1351 = tpu.memref_squeeze %dma_start3A_1350 : memref<1x32xi32, #tpu.memory_space<vmem>> -> memref<32xi32, #tpu.memory_space<vmem>>
      %dma_start3A_1352 = arith.constant 0 : i32
      %dma_start3A_1353 = arith.constant 0 : i32
      %dma_start3A_1354 = tpu.memref_slice %arg2[%dma_start3A_1352, %dma_start3A_1353] : memref<8194x1024xf32, #tpu.memory_space<hbm>> -> memref<8194x1024xf32, #tpu.memory_space<hbm>>
      tpu.enqueue_indirect_dma source(%dma_start3A_1354 : memref<8194x1024xf32, #tpu.memory_space<hbm>>) target(%arg7 : memref<32x1024xf32, #tpu.memory_space<vmem>>) offsets(%dma_start3A_1351 : memref<32xi32, #tpu.memory_space<vmem>>) semaphore(%arg13 : memref<!tpu.dma_semaphore, #tpu.memory_space<semaphore_mem>>)
      %dma_wait3A_1355 = arith.constant 1 : i32
      %dma_wait3A_1356 = arith.constant 64 : i32
      %dma_wait3A_1357 = tpu.memref_slice %arg5[%dma_wait3A_1355, %dma_wait3A_1356] : memref<4x256xi32, #tpu.memory_space<vmem>> -> memref<1x32xi32, #tpu.memory_space<vmem>>
      %dma_wait3A_1358 = tpu.memref_squeeze %dma_wait3A_1357 : memref<1x32xi32, #tpu.memory_space<vmem>> -> memref<32xi32, #tpu.memory_space<vmem>>
      %dma_wait3A_1359 = arith.constant 0 : i32
      %dma_wait3A_1360 = arith.constant 0 : i32
      %dma_wait3A_1361 = tpu.memref_slice %arg2[%dma_wait3A_1359, %dma_wait3A_1360] : memref<8194x1024xf32, #tpu.memory_space<hbm>> -> memref<8194x1024xf32, #tpu.memory_space<hbm>>
      tpu.wait_indirect_dma semaphore(%arg13 : memref<!tpu.dma_semaphore, #tpu.memory_space<semaphore_mem>>) src(%dma_wait3A_1361 : memref<8194x1024xf32, #tpu.memory_space<hbm>>) dst(%arg7 : memref<32x1024xf32, #tpu.memory_space<vmem>>)
      %add3A_1362 = arith.constant 8192 : i32
      %add3A_1363 = arith.addi %add3A_1362, %mul3A_2 : i32
      %add3A_1364 = arith.constant 64 : i32
      %add3A_1365 = arith.addi %add3A_1363, %add3A_1364 : i32
      "tpu.region"() ({
        %run_scoped3A_1366 = tpu.sem_alloc : memref<!tpu.dma_semaphore, #tpu.memory_space<semaphore_mem>>
        %dma_start3A_1367 = arith.constant 0 : i32
        %dma_start3A_1368 = tpu.memref_slice %arg4[%add3A_1365, %dma_start3A_1367] : memref<32768x1024xf32, #tpu.memory_space<hbm>> -> memref<32x1024xf32, #tpu.memory_space<hbm>>
        %dma_start3A_1369 = arith.constant 0 : i32
        %dma_start3A_1370 = tpu.memref_slice %arg4[%add3A_1365, %dma_start3A_1369] : memref<32768x1024xf32, #tpu.memory_space<hbm>> -> memref<32x1024xf32, #tpu.memory_space<hbm>>
        tpu.enqueue_dma source(%arg7 : memref<32x1024xf32, #tpu.memory_space<vmem>>) target(%dma_start3A_1370 : memref<32x1024xf32, #tpu.memory_space<hbm>>) target_semaphore(%run_scoped3A_1366 : memref<!tpu.dma_semaphore, #tpu.memory_space<semaphore_mem>>)
        %dma_wait3A_1371 = arith.constant 0 : i32
        %dma_wait3A_1372 = tpu.memref_slice %arg4[%add3A_1365, %dma_wait3A_1371] : memref<32768x1024xf32, #tpu.memory_space<hbm>> -> memref<32x1024xf32, #tpu.memory_space<hbm>>
        %dma_wait3A_1373 = arith.constant 0 : i32
        %dma_wait3A_1374 = tpu.memref_slice %arg4[%add3A_1365, %dma_wait3A_1373] : memref<32768x1024xf32, #tpu.memory_space<hbm>> -> memref<32x1024xf32, #tpu.memory_space<hbm>>
        tpu.wait_dma2 semaphore(%run_scoped3A_1366 : memref<!tpu.dma_semaphore, #tpu.memory_space<semaphore_mem>>) src(%arg7 : memref<32x1024xf32, #tpu.memory_space<vmem>>) dst(%dma_wait3A_1374 : memref<32x1024xf32, #tpu.memory_space<hbm>>)
        tpu.yield
      }) : () -> ()
    } else {
    }
    %get3A_974 = arith.constant 2 : i32
    %get3A_975 = arith.index_cast %get3A_974 : i32 to index
    %get3A_976 = arith.constant 80 : index
    %get3A_977 = tpu.vector_load %arg5[%get3A_975, %get3A_976] {strides = array<i32>} : memref<4x256xi32, #tpu.memory_space<vmem>>, vector<1x16xi32>,
    %get3A_978 = vector.shape_cast %get3A_977 : vector<1x16xi32> to vector<16xi32>
    %slice3A_979 = vector.extract_strided_slice %get3A_978 {offsets = [15], sizes = [1], strides = [1]} : vector<16xi32> to vector<1xi32>
    %squeeze3A_980 = vector.extract %slice3A_979[0] : i32 from vector<1xi32>
    %add3A_981 = arith.constant 64 : i32
    %add3A_982 = arith.addi %mul3A_2, %add3A_981 : i32
    %add3A_983 = arith.constant 32 : i32
    %add3A_984 = arith.addi %add3A_982, %add3A_983 : i32
    %add3A_985 = arith.constant 1 : i32
    %add3A_986 = arith.addi %add3A_984, %add3A_985 : i32
    %ne3A_987 = arith.cmpi ne, %squeeze3A_980, %add3A_986 : i32
    %convert_element_type3A_988 = arith.extui %ne3A_987 : i1 to i32
    %cond3A_989 = arith.constant 0 : i32
    %cond3A_990 = arith.cmpi ne, %convert_element_type3A_988, %cond3A_989 : i32
    scf.if %cond3A_990 {
      %dma_start3A_1348 = arith.constant 2 : i32
      %dma_start3A_1349 = arith.constant 64 : i32
      %dma_start3A_1350 = tpu.memref_slice %arg5[%dma_start3A_1348, %dma_start3A_1349] : memref<4x256xi32, #tpu.memory_space<vmem>> -> memref<1x32xi32, #tpu.memory_space<vmem>>
      %dma_start3A_1351 = tpu.memref_squeeze %dma_start3A_1350 : memref<1x32xi32, #tpu.memory_space<vmem>> -> memref<32xi32, #tpu.memory_space<vmem>>
      %dma_start3A_1352 = arith.constant 0 : i32
      %dma_start3A_1353 = arith.constant 0 : i32
      %dma_start3A_1354 = tpu.memref_slice %arg2[%dma_start3A_1352, %dma_start3A_1353] : memref<8194x1024xf32, #tpu.memory_space<hbm>> -> memref<8194x1024xf32, #tpu.memory_space<hbm>>
      tpu.enqueue_indirect_dma source(%dma_start3A_1354 : memref<8194x1024xf32, #tpu.memory_space<hbm>>) target(%arg7 : memref<32x1024xf32, #tpu.memory_space<vmem>>) offsets(%dma_start3A_1351 : memref<32xi32, #tpu.memory_space<vmem>>) semaphore(%arg13 : memref<!tpu.dma_semaphore, #tpu.memory_space<semaphore_mem>>)
      %dma_wait3A_1355 = arith.constant 2 : i32
      %dma_wait3A_1356 = arith.constant 64 : i32
      %dma_wait3A_1357 = tpu.memref_slice %arg5[%dma_wait3A_1355, %dma_wait3A_1356] : memref<4x256xi32, #tpu.memory_space<vmem>> -> memref<1x32xi32, #tpu.memory_space<vmem>>
      %dma_wait3A_1358 = tpu.memref_squeeze %dma_wait3A_1357 : memref<1x32xi32, #tpu.memory_space<vmem>> -> memref<32xi32, #tpu.memory_space<vmem>>
      %dma_wait3A_1359 = arith.constant 0 : i32
      %dma_wait3A_1360 = arith.constant 0 : i32
      %dma_wait3A_1361 = tpu.memref_slice %arg2[%dma_wait3A_1359, %dma_wait3A_1360] : memref<8194x1024xf32, #tpu.memory_space<hbm>> -> memref<8194x1024xf32, #tpu.memory_space<hbm>>
      tpu.wait_indirect_dma semaphore(%arg13 : memref<!tpu.dma_semaphore, #tpu.memory_space<semaphore_mem>>) src(%dma_wait3A_1361 : memref<8194x1024xf32, #tpu.memory_space<hbm>>) dst(%arg7 : memref<32x1024xf32, #tpu.memory_space<vmem>>)
      %add3A_1362 = arith.constant 16384 : i32
      %add3A_1363 = arith.addi %add3A_1362, %mul3A_2 : i32
      %add3A_1364 = arith.constant 64 : i32
      %add3A_1365 = arith.addi %add3A_1363, %add3A_1364 : i32
      "tpu.region"() ({
        %run_scoped3A_1366 = tpu.sem_alloc : memref<!tpu.dma_semaphore, #tpu.memory_space<semaphore_mem>>
        %dma_start3A_1367 = arith.constant 0 : i32
        %dma_start3A_1368 = tpu.memref_slice %arg4[%add3A_1365, %dma_start3A_1367] : memref<32768x1024xf32, #tpu.memory_space<hbm>> -> memref<32x1024xf32, #tpu.memory_space<hbm>>
        %dma_start3A_1369 = arith.constant 0 : i32
        %dma_start3A_1370 = tpu.memref_slice %arg4[%add3A_1365, %dma_start3A_1369] : memref<32768x1024xf32, #tpu.memory_space<hbm>> -> memref<32x1024xf32, #tpu.memory_space<hbm>>
        tpu.enqueue_dma source(%arg7 : memref<32x1024xf32, #tpu.memory_space<vmem>>) target(%dma_start3A_1370 : memref<32x1024xf32, #tpu.memory_space<hbm>>) target_semaphore(%run_scoped3A_1366 : memref<!tpu.dma_semaphore, #tpu.memory_space<semaphore_mem>>)
        %dma_wait3A_1371 = arith.constant 0 : i32
        %dma_wait3A_1372 = tpu.memref_slice %arg4[%add3A_1365, %dma_wait3A_1371] : memref<32768x1024xf32, #tpu.memory_space<hbm>> -> memref<32x1024xf32, #tpu.memory_space<hbm>>
        %dma_wait3A_1373 = arith.constant 0 : i32
        %dma_wait3A_1374 = tpu.memref_slice %arg4[%add3A_1365, %dma_wait3A_1373] : memref<32768x1024xf32, #tpu.memory_space<hbm>> -> memref<32x1024xf32, #tpu.memory_space<hbm>>
        tpu.wait_dma2 semaphore(%run_scoped3A_1366 : memref<!tpu.dma_semaphore, #tpu.memory_space<semaphore_mem>>) src(%arg7 : memref<32x1024xf32, #tpu.memory_space<vmem>>) dst(%dma_wait3A_1374 : memref<32x1024xf32, #tpu.memory_space<hbm>>)
        tpu.yield
      }) : () -> ()
    } else {
    }
    %get3A_991 = arith.constant 3 : i32
    %get3A_992 = arith.index_cast %get3A_991 : i32 to index
    %get3A_993 = arith.constant 80 : index
    %get3A_994 = tpu.vector_load %arg5[%get3A_992, %get3A_993] {strides = array<i32>} : memref<4x256xi32, #tpu.memory_space<vmem>>, vector<1x16xi32>,
    %get3A_995 = vector.shape_cast %get3A_994 : vector<1x16xi32> to vector<16xi32>
    %slice3A_996 = vector.extract_strided_slice %get3A_995 {offsets = [15], sizes = [1], strides = [1]} : vector<16xi32> to vector<1xi32>
    %squeeze3A_997 = vector.extract %slice3A_996[0] : i32 from vector<1xi32>
    %add3A_998 = arith.constant 64 : i32
    %add3A_999 = arith.addi %mul3A_2, %add3A_998 : i32
    %add3A_1000 = arith.constant 32 : i32
    %add3A_1001 = arith.addi %add3A_999, %add3A_1000 : i32
    %add3A_1002 = arith.constant 1 : i32
    %add3A_1003 = arith.addi %add3A_1001, %add3A_1002 : i32
    %ne3A_1004 = arith.cmpi ne, %squeeze3A_997, %add3A_1003 : i32
    %convert_element_type3A_1005 = arith.extui %ne3A_1004 : i1 to i32
    %cond3A_1006 = arith.constant 0 : i32
    %cond3A_1007 = arith.cmpi ne, %convert_element_type3A_1005, %cond3A_1006 : i32
    scf.if %cond3A_1007 {
      %dma_start3A_1348 = arith.constant 3 : i32
      %dma_start3A_1349 = arith.constant 64 : i32
      %dma_start3A_1350 = tpu.memref_slice %arg5[%dma_start3A_1348, %dma_start3A_1349] : memref<4x256xi32, #tpu.memory_space<vmem>> -> memref<1x32xi32, #tpu.memory_space<vmem>>
      %dma_start3A_1351 = tpu.memref_squeeze %dma_start3A_1350 : memref<1x32xi32, #tpu.memory_space<vmem>> -> memref<32xi32, #tpu.memory_space<vmem>>
      %dma_start3A_1352 = arith.constant 0 : i32
      %dma_start3A_1353 = arith.constant 0 : i32
      %dma_start3A_1354 = tpu.memref_slice %arg2[%dma_start3A_1352, %dma_start3A_1353] : memref<8194x1024xf32, #tpu.memory_space<hbm>> -> memref<8194x1024xf32, #tpu.memory_space<hbm>>
      tpu.enqueue_indirect_dma source(%dma_start3A_1354 : memref<8194x1024xf32, #tpu.memory_space<hbm>>) target(%arg7 : memref<32x1024xf32, #tpu.memory_space<vmem>>) offsets(%dma_start3A_1351 : memref<32xi32, #tpu.memory_space<vmem>>) semaphore(%arg13 : memref<!tpu.dma_semaphore, #tpu.memory_space<semaphore_mem>>)
      %dma_wait3A_1355 = arith.constant 3 : i32
      %dma_wait3A_1356 = arith.constant 64 : i32
      %dma_wait3A_1357 = tpu.memref_slice %arg5[%dma_wait3A_1355, %dma_wait3A_1356] : memref<4x256xi32, #tpu.memory_space<vmem>> -> memref<1x32xi32, #tpu.memory_space<vmem>>
      %dma_wait3A_1358 = tpu.memref_squeeze %dma_wait3A_1357 : memref<1x32xi32, #tpu.memory_space<vmem>> -> memref<32xi32, #tpu.memory_space<vmem>>
      %dma_wait3A_1359 = arith.constant 0 : i32
      %dma_wait3A_1360 = arith.constant 0 : i32
      %dma_wait3A_1361 = tpu.memref_slice %arg2[%dma_wait3A_1359, %dma_wait3A_1360] : memref<8194x1024xf32, #tpu.memory_space<hbm>> -> memref<8194x1024xf32, #tpu.memory_space<hbm>>
      tpu.wait_indirect_dma semaphore(%arg13 : memref<!tpu.dma_semaphore, #tpu.memory_space<semaphore_mem>>) src(%dma_wait3A_1361 : memref<8194x1024xf32, #tpu.memory_space<hbm>>) dst(%arg7 : memref<32x1024xf32, #tpu.memory_space<vmem>>)
      %add3A_1362 = arith.constant 24576 : i32
      %add3A_1363 = arith.addi %add3A_1362, %mul3A_2 : i32
      %add3A_1364 = arith.constant 64 : i32
      %add3A_1365 = arith.addi %add3A_1363, %add3A_1364 : i32
      "tpu.region"() ({
        %run_scoped3A_1366 = tpu.sem_alloc : memref<!tpu.dma_semaphore, #tpu.memory_space<semaphore_mem>>
        %dma_start3A_1367 = arith.constant 0 : i32
        %dma_start3A_1368 = tpu.memref_slice %arg4[%add3A_1365, %dma_start3A_1367] : memref<32768x1024xf32, #tpu.memory_space<hbm>> -> memref<32x1024xf32, #tpu.memory_space<hbm>>
        %dma_start3A_1369 = arith.constant 0 : i32
        %dma_start3A_1370 = tpu.memref_slice %arg4[%add3A_1365, %dma_start3A_1369] : memref<32768x1024xf32, #tpu.memory_space<hbm>> -> memref<32x1024xf32, #tpu.memory_space<hbm>>
        tpu.enqueue_dma source(%arg7 : memref<32x1024xf32, #tpu.memory_space<vmem>>) target(%dma_start3A_1370 : memref<32x1024xf32, #tpu.memory_space<hbm>>) target_semaphore(%run_scoped3A_1366 : memref<!tpu.dma_semaphore, #tpu.memory_space<semaphore_mem>>)
        %dma_wait3A_1371 = arith.constant 0 : i32
        %dma_wait3A_1372 = tpu.memref_slice %arg4[%add3A_1365, %dma_wait3A_1371] : memref<32768x1024xf32, #tpu.memory_space<hbm>> -> memref<32x1024xf32, #tpu.memory_space<hbm>>
        %dma_wait3A_1373 = arith.constant 0 : i32
        %dma_wait3A_1374 = tpu.memref_slice %arg4[%add3A_1365, %dma_wait3A_1373] : memref<32768x1024xf32, #tpu.memory_space<hbm>> -> memref<32x1024xf32, #tpu.memory_space<hbm>>
        tpu.wait_dma2 semaphore(%run_scoped3A_1366 : memref<!tpu.dma_semaphore, #tpu.memory_space<semaphore_mem>>) src(%arg7 : memref<32x1024xf32, #tpu.memory_space<vmem>>) dst(%dma_wait3A_1374 : memref<32x1024xf32, #tpu.memory_space<hbm>>)
        tpu.yield
      }) : () -> ()
    } else {
    }
    %get3A_1008 = arith.constant 0 : i32
    %get3A_1009 = arith.index_cast %get3A_1008 : i32 to index
    %get3A_1010 = arith.constant 112 : index
    %get3A_1011 = tpu.vector_load %arg5[%get3A_1009, %get3A_1010] {strides = array<i32>} : memref<4x256xi32, #tpu.memory_space<vmem>>, vector<1x16xi32>,
    %get3A_1012 = vector.shape_cast %get3A_1011 : vector<1x16xi32> to vector<16xi32>
    %slice3A_1013 = vector.extract_strided_slice %get3A_1012 {offsets = [15], sizes = [1], strides = [1]} : vector<16xi32> to vector<1xi32>
    %squeeze3A_1014 = vector.extract %slice3A_1013[0] : i32 from vector<1xi32>
    %add3A_1015 = arith.constant 96 : i32
    %add3A_1016 = arith.addi %mul3A_2, %add3A_1015 : i32
    %add3A_1017 = arith.constant 32 : i32
    %add3A_1018 = arith.addi %add3A_1016, %add3A_1017 : i32
    %add3A_1019 = arith.constant 1 : i32
    %add3A_1020 = arith.addi %add3A_1018, %add3A_1019 : i32
    %ne3A_1021 = arith.cmpi ne, %squeeze3A_1014, %add3A_1020 : i32
    %convert_element_type3A_1022 = arith.extui %ne3A_1021 : i1 to i32
    %cond3A_1023 = arith.constant 0 : i32
    %cond3A_1024 = arith.cmpi ne, %convert_element_type3A_1022, %cond3A_1023 : i32
    scf.if %cond3A_1024 {
      %dma_start3A_1348 = arith.constant 0 : i32
      %dma_start3A_1349 = arith.constant 96 : i32
      %dma_start3A_1350 = tpu.memref_slice %arg5[%dma_start3A_1348, %dma_start3A_1349] : memref<4x256xi32, #tpu.memory_space<vmem>> -> memref<1x32xi32, #tpu.memory_space<vmem>>
      %dma_start3A_1351 = tpu.memref_squeeze %dma_start3A_1350 : memref<1x32xi32, #tpu.memory_space<vmem>> -> memref<32xi32, #tpu.memory_space<vmem>>
      %dma_start3A_1352 = arith.constant 0 : i32
      %dma_start3A_1353 = arith.constant 0 : i32
      %dma_start3A_1354 = tpu.memref_slice %arg2[%dma_start3A_1352, %dma_start3A_1353] : memref<8194x1024xf32, #tpu.memory_space<hbm>> -> memref<8194x1024xf32, #tpu.memory_space<hbm>>
      tpu.enqueue_indirect_dma source(%dma_start3A_1354 : memref<8194x1024xf32, #tpu.memory_space<hbm>>) target(%arg7 : memref<32x1024xf32, #tpu.memory_space<vmem>>) offsets(%dma_start3A_1351 : memref<32xi32, #tpu.memory_space<vmem>>) semaphore(%arg13 : memref<!tpu.dma_semaphore, #tpu.memory_space<semaphore_mem>>)
      %dma_wait3A_1355 = arith.constant 0 : i32
      %dma_wait3A_1356 = arith.constant 96 : i32
      %dma_wait3A_1357 = tpu.memref_slice %arg5[%dma_wait3A_1355, %dma_wait3A_1356] : memref<4x256xi32, #tpu.memory_space<vmem>> -> memref<1x32xi32, #tpu.memory_space<vmem>>
      %dma_wait3A_1358 = tpu.memref_squeeze %dma_wait3A_1357 : memref<1x32xi32, #tpu.memory_space<vmem>> -> memref<32xi32, #tpu.memory_space<vmem>>
      %dma_wait3A_1359 = arith.constant 0 : i32
      %dma_wait3A_1360 = arith.constant 0 : i32
      %dma_wait3A_1361 = tpu.memref_slice %arg2[%dma_wait3A_1359, %dma_wait3A_1360] : memref<8194x1024xf32, #tpu.memory_space<hbm>> -> memref<8194x1024xf32, #tpu.memory_space<hbm>>
      tpu.wait_indirect_dma semaphore(%arg13 : memref<!tpu.dma_semaphore, #tpu.memory_space<semaphore_mem>>) src(%dma_wait3A_1361 : memref<8194x1024xf32, #tpu.memory_space<hbm>>) dst(%arg7 : memref<32x1024xf32, #tpu.memory_space<vmem>>)
      %add3A_1362 = arith.constant 0 : i32
      %add3A_1363 = arith.addi %add3A_1362, %mul3A_2 : i32
      %add3A_1364 = arith.constant 96 : i32
      %add3A_1365 = arith.addi %add3A_1363, %add3A_1364 : i32
      "tpu.region"() ({
        %run_scoped3A_1366 = tpu.sem_alloc : memref<!tpu.dma_semaphore, #tpu.memory_space<semaphore_mem>>
        %dma_start3A_1367 = arith.constant 0 : i32
        %dma_start3A_1368 = tpu.memref_slice %arg4[%add3A_1365, %dma_start3A_1367] : memref<32768x1024xf32, #tpu.memory_space<hbm>> -> memref<32x1024xf32, #tpu.memory_space<hbm>>
        %dma_start3A_1369 = arith.constant 0 : i32
        %dma_start3A_1370 = tpu.memref_slice %arg4[%add3A_1365, %dma_start3A_1369] : memref<32768x1024xf32, #tpu.memory_space<hbm>> -> memref<32x1024xf32, #tpu.memory_space<hbm>>
        tpu.enqueue_dma source(%arg7 : memref<32x1024xf32, #tpu.memory_space<vmem>>) target(%dma_start3A_1370 : memref<32x1024xf32, #tpu.memory_space<hbm>>) target_semaphore(%run_scoped3A_1366 : memref<!tpu.dma_semaphore, #tpu.memory_space<semaphore_mem>>)
        %dma_wait3A_1371 = arith.constant 0 : i32
        %dma_wait3A_1372 = tpu.memref_slice %arg4[%add3A_1365, %dma_wait3A_1371] : memref<32768x1024xf32, #tpu.memory_space<hbm>> -> memref<32x1024xf32, #tpu.memory_space<hbm>>
        %dma_wait3A_1373 = arith.constant 0 : i32
        %dma_wait3A_1374 = tpu.memref_slice %arg4[%add3A_1365, %dma_wait3A_1373] : memref<32768x1024xf32, #tpu.memory_space<hbm>> -> memref<32x1024xf32, #tpu.memory_space<hbm>>
        tpu.wait_dma2 semaphore(%run_scoped3A_1366 : memref<!tpu.dma_semaphore, #tpu.memory_space<semaphore_mem>>) src(%arg7 : memref<32x1024xf32, #tpu.memory_space<vmem>>) dst(%dma_wait3A_1374 : memref<32x1024xf32, #tpu.memory_space<hbm>>)
        tpu.yield
      }) : () -> ()
    } else {
    }
    %get3A_1025 = arith.constant 1 : i32
    %get3A_1026 = arith.index_cast %get3A_1025 : i32 to index
    %get3A_1027 = arith.constant 112 : index
    %get3A_1028 = tpu.vector_load %arg5[%get3A_1026, %get3A_1027] {strides = array<i32>} : memref<4x256xi32, #tpu.memory_space<vmem>>, vector<1x16xi32>,
    %get3A_1029 = vector.shape_cast %get3A_1028 : vector<1x16xi32> to vector<16xi32>
    %slice3A_1030 = vector.extract_strided_slice %get3A_1029 {offsets = [15], sizes = [1], strides = [1]} : vector<16xi32> to vector<1xi32>
    %squeeze3A_1031 = vector.extract %slice3A_1030[0] : i32 from vector<1xi32>
    %add3A_1032 = arith.constant 96 : i32
    %add3A_1033 = arith.addi %mul3A_2, %add3A_1032 : i32
    %add3A_1034 = arith.constant 32 : i32
    %add3A_1035 = arith.addi %add3A_1033, %add3A_1034 : i32
    %add3A_1036 = arith.constant 1 : i32
    %add3A_1037 = arith.addi %add3A_1035, %add3A_1036 : i32
    %ne3A_1038 = arith.cmpi ne, %squeeze3A_1031, %add3A_1037 : i32
    %convert_element_type3A_1039 = arith.extui %ne3A_1038 : i1 to i32
    %cond3A_1040 = arith.constant 0 : i32
    %cond3A_1041 = arith.cmpi ne, %convert_element_type3A_1039, %cond3A_1040 : i32
    scf.if %cond3A_1041 {
      %dma_start3A_1348 = arith.constant 1 : i32
      %dma_start3A_1349 = arith.constant 96 : i32
      %dma_start3A_1350 = tpu.memref_slice %arg5[%dma_start3A_1348, %dma_start3A_1349] : memref<4x256xi32, #tpu.memory_space<vmem>> -> memref<1x32xi32, #tpu.memory_space<vmem>>
      %dma_start3A_1351 = tpu.memref_squeeze %dma_start3A_1350 : memref<1x32xi32, #tpu.memory_space<vmem>> -> memref<32xi32, #tpu.memory_space<vmem>>
      %dma_start3A_1352 = arith.constant 0 : i32
      %dma_start3A_1353 = arith.constant 0 : i32
      %dma_start3A_1354 = tpu.memref_slice %arg2[%dma_start3A_1352, %dma_start3A_1353] : memref<8194x1024xf32, #tpu.memory_space<hbm>> -> memref<8194x1024xf32, #tpu.memory_space<hbm>>
      tpu.enqueue_indirect_dma source(%dma_start3A_1354 : memref<8194x1024xf32, #tpu.memory_space<hbm>>) target(%arg7 : memref<32x1024xf32, #tpu.memory_space<vmem>>) offsets(%dma_start3A_1351 : memref<32xi32, #tpu.memory_space<vmem>>) semaphore(%arg13 : memref<!tpu.dma_semaphore, #tpu.memory_space<semaphore_mem>>)
      %dma_wait3A_1355 = arith.constant 1 : i32
      %dma_wait3A_1356 = arith.constant 96 : i32
      %dma_wait3A_1357 = tpu.memref_slice %arg5[%dma_wait3A_1355, %dma_wait3A_1356] : memref<4x256xi32, #tpu.memory_space<vmem>> -> memref<1x32xi32, #tpu.memory_space<vmem>>
      %dma_wait3A_1358 = tpu.memref_squeeze %dma_wait3A_1357 : memref<1x32xi32, #tpu.memory_space<vmem>> -> memref<32xi32, #tpu.memory_space<vmem>>
      %dma_wait3A_1359 = arith.constant 0 : i32
      %dma_wait3A_1360 = arith.constant 0 : i32
      %dma_wait3A_1361 = tpu.memref_slice %arg2[%dma_wait3A_1359, %dma_wait3A_1360] : memref<8194x1024xf32, #tpu.memory_space<hbm>> -> memref<8194x1024xf32, #tpu.memory_space<hbm>>
      tpu.wait_indirect_dma semaphore(%arg13 : memref<!tpu.dma_semaphore, #tpu.memory_space<semaphore_mem>>) src(%dma_wait3A_1361 : memref<8194x1024xf32, #tpu.memory_space<hbm>>) dst(%arg7 : memref<32x1024xf32, #tpu.memory_space<vmem>>)
      %add3A_1362 = arith.constant 8192 : i32
      %add3A_1363 = arith.addi %add3A_1362, %mul3A_2 : i32
      %add3A_1364 = arith.constant 96 : i32
      %add3A_1365 = arith.addi %add3A_1363, %add3A_1364 : i32
      "tpu.region"() ({
        %run_scoped3A_1366 = tpu.sem_alloc : memref<!tpu.dma_semaphore, #tpu.memory_space<semaphore_mem>>
        %dma_start3A_1367 = arith.constant 0 : i32
        %dma_start3A_1368 = tpu.memref_slice %arg4[%add3A_1365, %dma_start3A_1367] : memref<32768x1024xf32, #tpu.memory_space<hbm>> -> memref<32x1024xf32, #tpu.memory_space<hbm>>
        %dma_start3A_1369 = arith.constant 0 : i32
        %dma_start3A_1370 = tpu.memref_slice %arg4[%add3A_1365, %dma_start3A_1369] : memref<32768x1024xf32, #tpu.memory_space<hbm>> -> memref<32x1024xf32, #tpu.memory_space<hbm>>
        tpu.enqueue_dma source(%arg7 : memref<32x1024xf32, #tpu.memory_space<vmem>>) target(%dma_start3A_1370 : memref<32x1024xf32, #tpu.memory_space<hbm>>) target_semaphore(%run_scoped3A_1366 : memref<!tpu.dma_semaphore, #tpu.memory_space<semaphore_mem>>)
        %dma_wait3A_1371 = arith.constant 0 : i32
        %dma_wait3A_1372 = tpu.memref_slice %arg4[%add3A_1365, %dma_wait3A_1371] : memref<32768x1024xf32, #tpu.memory_space<hbm>> -> memref<32x1024xf32, #tpu.memory_space<hbm>>
        %dma_wait3A_1373 = arith.constant 0 : i32
        %dma_wait3A_1374 = tpu.memref_slice %arg4[%add3A_1365, %dma_wait3A_1373] : memref<32768x1024xf32, #tpu.memory_space<hbm>> -> memref<32x1024xf32, #tpu.memory_space<hbm>>
        tpu.wait_dma2 semaphore(%run_scoped3A_1366 : memref<!tpu.dma_semaphore, #tpu.memory_space<semaphore_mem>>) src(%arg7 : memref<32x1024xf32, #tpu.memory_space<vmem>>) dst(%dma_wait3A_1374 : memref<32x1024xf32, #tpu.memory_space<hbm>>)
        tpu.yield
      }) : () -> ()
    } else {
    }
    %get3A_1042 = arith.constant 2 : i32
    %get3A_1043 = arith.index_cast %get3A_1042 : i32 to index
    %get3A_1044 = arith.constant 112 : index
    %get3A_1045 = tpu.vector_load %arg5[%get3A_1043, %get3A_1044] {strides = array<i32>} : memref<4x256xi32, #tpu.memory_space<vmem>>, vector<1x16xi32>,
    %get3A_1046 = vector.shape_cast %get3A_1045 : vector<1x16xi32> to vector<16xi32>
    %slice3A_1047 = vector.extract_strided_slice %get3A_1046 {offsets = [15], sizes = [1], strides = [1]} : vector<16xi32> to vector<1xi32>
    %squeeze3A_1048 = vector.extract %slice3A_1047[0] : i32 from vector<1xi32>
    %add3A_1049 = arith.constant 96 : i32
    %add3A_1050 = arith.addi %mul3A_2, %add3A_1049 : i32
    %add3A_1051 = arith.constant 32 : i32
    %add3A_1052 = arith.addi %add3A_1050, %add3A_1051 : i32
    %add3A_1053 = arith.constant 1 : i32
    %add3A_1054 = arith.addi %add3A_1052, %add3A_1053 : i32
    %ne3A_1055 = arith.cmpi ne, %squeeze3A_1048, %add3A_1054 : i32
    %convert_element_type3A_1056 = arith.extui %ne3A_1055 : i1 to i32
    %cond3A_1057 = arith.constant 0 : i32
    %cond3A_1058 = arith.cmpi ne, %convert_element_type3A_1056, %cond3A_1057 : i32
    scf.if %cond3A_1058 {
      %dma_start3A_1348 = arith.constant 2 : i32
      %dma_start3A_1349 = arith.constant 96 : i32
      %dma_start3A_1350 = tpu.memref_slice %arg5[%dma_start3A_1348, %dma_start3A_1349] : memref<4x256xi32, #tpu.memory_space<vmem>> -> memref<1x32xi32, #tpu.memory_space<vmem>>
      %dma_start3A_1351 = tpu.memref_squeeze %dma_start3A_1350 : memref<1x32xi32, #tpu.memory_space<vmem>> -> memref<32xi32, #tpu.memory_space<vmem>>
      %dma_start3A_1352 = arith.constant 0 : i32
      %dma_start3A_1353 = arith.constant 0 : i32
      %dma_start3A_1354 = tpu.memref_slice %arg2[%dma_start3A_1352, %dma_start3A_1353] : memref<8194x1024xf32, #tpu.memory_space<hbm>> -> memref<8194x1024xf32, #tpu.memory_space<hbm>>
      tpu.enqueue_indirect_dma source(%dma_start3A_1354 : memref<8194x1024xf32, #tpu.memory_space<hbm>>) target(%arg7 : memref<32x1024xf32, #tpu.memory_space<vmem>>) offsets(%dma_start3A_1351 : memref<32xi32, #tpu.memory_space<vmem>>) semaphore(%arg13 : memref<!tpu.dma_semaphore, #tpu.memory_space<semaphore_mem>>)
      %dma_wait3A_1355 = arith.constant 2 : i32
      %dma_wait3A_1356 = arith.constant 96 : i32
      %dma_wait3A_1357 = tpu.memref_slice %arg5[%dma_wait3A_1355, %dma_wait3A_1356] : memref<4x256xi32, #tpu.memory_space<vmem>> -> memref<1x32xi32, #tpu.memory_space<vmem>>
      %dma_wait3A_1358 = tpu.memref_squeeze %dma_wait3A_1357 : memref<1x32xi32, #tpu.memory_space<vmem>> -> memref<32xi32, #tpu.memory_space<vmem>>
      %dma_wait3A_1359 = arith.constant 0 : i32
      %dma_wait3A_1360 = arith.constant 0 : i32
      %dma_wait3A_1361 = tpu.memref_slice %arg2[%dma_wait3A_1359, %dma_wait3A_1360] : memref<8194x1024xf32, #tpu.memory_space<hbm>> -> memref<8194x1024xf32, #tpu.memory_space<hbm>>
      tpu.wait_indirect_dma semaphore(%arg13 : memref<!tpu.dma_semaphore, #tpu.memory_space<semaphore_mem>>) src(%dma_wait3A_1361 : memref<8194x1024xf32, #tpu.memory_space<hbm>>) dst(%arg7 : memref<32x1024xf32, #tpu.memory_space<vmem>>)
      %add3A_1362 = arith.constant 16384 : i32
      %add3A_1363 = arith.addi %add3A_1362, %mul3A_2 : i32
      %add3A_1364 = arith.constant 96 : i32
      %add3A_1365 = arith.addi %add3A_1363, %add3A_1364 : i32
      "tpu.region"() ({
        %run_scoped3A_1366 = tpu.sem_alloc : memref<!tpu.dma_semaphore, #tpu.memory_space<semaphore_mem>>
        %dma_start3A_1367 = arith.constant 0 : i32
        %dma_start3A_1368 = tpu.memref_slice %arg4[%add3A_1365, %dma_start3A_1367] : memref<32768x1024xf32, #tpu.memory_space<hbm>> -> memref<32x1024xf32, #tpu.memory_space<hbm>>
        %dma_start3A_1369 = arith.constant 0 : i32
        %dma_start3A_1370 = tpu.memref_slice %arg4[%add3A_1365, %dma_start3A_1369] : memref<32768x1024xf32, #tpu.memory_space<hbm>> -> memref<32x1024xf32, #tpu.memory_space<hbm>>
        tpu.enqueue_dma source(%arg7 : memref<32x1024xf32, #tpu.memory_space<vmem>>) target(%dma_start3A_1370 : memref<32x1024xf32, #tpu.memory_space<hbm>>) target_semaphore(%run_scoped3A_1366 : memref<!tpu.dma_semaphore, #tpu.memory_space<semaphore_mem>>)
        %dma_wait3A_1371 = arith.constant 0 : i32
        %dma_wait3A_1372 = tpu.memref_slice %arg4[%add3A_1365, %dma_wait3A_1371] : memref<32768x1024xf32, #tpu.memory_space<hbm>> -> memref<32x1024xf32, #tpu.memory_space<hbm>>
        %dma_wait3A_1373 = arith.constant 0 : i32
        %dma_wait3A_1374 = tpu.memref_slice %arg4[%add3A_1365, %dma_wait3A_1373] : memref<32768x1024xf32, #tpu.memory_space<hbm>> -> memref<32x1024xf32, #tpu.memory_space<hbm>>
        tpu.wait_dma2 semaphore(%run_scoped3A_1366 : memref<!tpu.dma_semaphore, #tpu.memory_space<semaphore_mem>>) src(%arg7 : memref<32x1024xf32, #tpu.memory_space<vmem>>) dst(%dma_wait3A_1374 : memref<32x1024xf32, #tpu.memory_space<hbm>>)
        tpu.yield
      }) : () -> ()
    } else {
    }
    %get3A_1059 = arith.constant 3 : i32
    %get3A_1060 = arith.index_cast %get3A_1059 : i32 to index
    %get3A_1061 = arith.constant 112 : index
    %get3A_1062 = tpu.vector_load %arg5[%get3A_1060, %get3A_1061] {strides = array<i32>} : memref<4x256xi32, #tpu.memory_space<vmem>>, vector<1x16xi32>,
    %get3A_1063 = vector.shape_cast %get3A_1062 : vector<1x16xi32> to vector<16xi32>
    %slice3A_1064 = vector.extract_strided_slice %get3A_1063 {offsets = [15], sizes = [1], strides = [1]} : vector<16xi32> to vector<1xi32>
    %squeeze3A_1065 = vector.extract %slice3A_1064[0] : i32 from vector<1xi32>
    %add3A_1066 = arith.constant 96 : i32
    %add3A_1067 = arith.addi %mul3A_2, %add3A_1066 : i32
    %add3A_1068 = arith.constant 32 : i32
    %add3A_1069 = arith.addi %add3A_1067, %add3A_1068 : i32
    %add3A_1070 = arith.constant 1 : i32
    %add3A_1071 = arith.addi %add3A_1069, %add3A_1070 : i32
    %ne3A_1072 = arith.cmpi ne, %squeeze3A_1065, %add3A_1071 : i32
    %convert_element_type3A_1073 = arith.extui %ne3A_1072 : i1 to i32
    %cond3A_1074 = arith.constant 0 : i32
    %cond3A_1075 = arith.cmpi ne, %convert_element_type3A_1073, %cond3A_1074 : i32
    scf.if %cond3A_1075 {
      %dma_start3A_1348 = arith.constant 3 : i32
      %dma_start3A_1349 = arith.constant 96 : i32
      %dma_start3A_1350 = tpu.memref_slice %arg5[%dma_start3A_1348, %dma_start3A_1349] : memref<4x256xi32, #tpu.memory_space<vmem>> -> memref<1x32xi32, #tpu.memory_space<vmem>>
      %dma_start3A_1351 = tpu.memref_squeeze %dma_start3A_1350 : memref<1x32xi32, #tpu.memory_space<vmem>> -> memref<32xi32, #tpu.memory_space<vmem>>
      %dma_start3A_1352 = arith.constant 0 : i32
      %dma_start3A_1353 = arith.constant 0 : i32
      %dma_start3A_1354 = tpu.memref_slice %arg2[%dma_start3A_1352, %dma_start3A_1353] : memref<8194x1024xf32, #tpu.memory_space<hbm>> -> memref<8194x1024xf32, #tpu.memory_space<hbm>>
      tpu.enqueue_indirect_dma source(%dma_start3A_1354 : memref<8194x1024xf32, #tpu.memory_space<hbm>>) target(%arg7 : memref<32x1024xf32, #tpu.memory_space<vmem>>) offsets(%dma_start3A_1351 : memref<32xi32, #tpu.memory_space<vmem>>) semaphore(%arg13 : memref<!tpu.dma_semaphore, #tpu.memory_space<semaphore_mem>>)
      %dma_wait3A_1355 = arith.constant 3 : i32
      %dma_wait3A_1356 = arith.constant 96 : i32
      %dma_wait3A_1357 = tpu.memref_slice %arg5[%dma_wait3A_1355, %dma_wait3A_1356] : memref<4x256xi32, #tpu.memory_space<vmem>> -> memref<1x32xi32, #tpu.memory_space<vmem>>
      %dma_wait3A_1358 = tpu.memref_squeeze %dma_wait3A_1357 : memref<1x32xi32, #tpu.memory_space<vmem>> -> memref<32xi32, #tpu.memory_space<vmem>>
      %dma_wait3A_1359 = arith.constant 0 : i32
      %dma_wait3A_1360 = arith.constant 0 : i32
      %dma_wait3A_1361 = tpu.memref_slice %arg2[%dma_wait3A_1359, %dma_wait3A_1360] : memref<8194x1024xf32, #tpu.memory_space<hbm>> -> memref<8194x1024xf32, #tpu.memory_space<hbm>>
      tpu.wait_indirect_dma semaphore(%arg13 : memref<!tpu.dma_semaphore, #tpu.memory_space<semaphore_mem>>) src(%dma_wait3A_1361 : memref<8194x1024xf32, #tpu.memory_space<hbm>>) dst(%arg7 : memref<32x1024xf32, #tpu.memory_space<vmem>>)
      %add3A_1362 = arith.constant 24576 : i32
      %add3A_1363 = arith.addi %add3A_1362, %mul3A_2 : i32
      %add3A_1364 = arith.constant 96 : i32
      %add3A_1365 = arith.addi %add3A_1363, %add3A_1364 : i32
      "tpu.region"() ({
        %run_scoped3A_1366 = tpu.sem_alloc : memref<!tpu.dma_semaphore, #tpu.memory_space<semaphore_mem>>
        %dma_start3A_1367 = arith.constant 0 : i32
        %dma_start3A_1368 = tpu.memref_slice %arg4[%add3A_1365, %dma_start3A_1367] : memref<32768x1024xf32, #tpu.memory_space<hbm>> -> memref<32x1024xf32, #tpu.memory_space<hbm>>
        %dma_start3A_1369 = arith.constant 0 : i32
        %dma_start3A_1370 = tpu.memref_slice %arg4[%add3A_1365, %dma_start3A_1369] : memref<32768x1024xf32, #tpu.memory_space<hbm>> -> memref<32x1024xf32, #tpu.memory_space<hbm>>
        tpu.enqueue_dma source(%arg7 : memref<32x1024xf32, #tpu.memory_space<vmem>>) target(%dma_start3A_1370 : memref<32x1024xf32, #tpu.memory_space<hbm>>) target_semaphore(%run_scoped3A_1366 : memref<!tpu.dma_semaphore, #tpu.memory_space<semaphore_mem>>)
        %dma_wait3A_1371 = arith.constant 0 : i32
        %dma_wait3A_1372 = tpu.memref_slice %arg4[%add3A_1365, %dma_wait3A_1371] : memref<32768x1024xf32, #tpu.memory_space<hbm>> -> memref<32x1024xf32, #tpu.memory_space<hbm>>
        %dma_wait3A_1373 = arith.constant 0 : i32
        %dma_wait3A_1374 = tpu.memref_slice %arg4[%add3A_1365, %dma_wait3A_1373] : memref<32768x1024xf32, #tpu.memory_space<hbm>> -> memref<32x1024xf32, #tpu.memory_space<hbm>>
        tpu.wait_dma2 semaphore(%run_scoped3A_1366 : memref<!tpu.dma_semaphore, #tpu.memory_space<semaphore_mem>>) src(%arg7 : memref<32x1024xf32, #tpu.memory_space<vmem>>) dst(%dma_wait3A_1374 : memref<32x1024xf32, #tpu.memory_space<hbm>>)
        tpu.yield
      }) : () -> ()
    } else {
    }
    %get3A_1076 = arith.constant 0 : i32
    %get3A_1077 = arith.index_cast %get3A_1076 : i32 to index
    %get3A_1078 = arith.constant 144 : index
    %get3A_1079 = tpu.vector_load %arg5[%get3A_1077, %get3A_1078] {strides = array<i32>} : memref<4x256xi32, #tpu.memory_space<vmem>>, vector<1x16xi32>,
    %get3A_1080 = vector.shape_cast %get3A_1079 : vector<1x16xi32> to vector<16xi32>
    %slice3A_1081 = vector.extract_strided_slice %get3A_1080 {offsets = [15], sizes = [1], strides = [1]} : vector<16xi32> to vector<1xi32>
    %squeeze3A_1082 = vector.extract %slice3A_1081[0] : i32 from vector<1xi32>
    %add3A_1083 = arith.constant 128 : i32
    %add3A_1084 = arith.addi %mul3A_2, %add3A_1083 : i32
    %add3A_1085 = arith.constant 32 : i32
    %add3A_1086 = arith.addi %add3A_1084, %add3A_1085 : i32
    %add3A_1087 = arith.constant 1 : i32
    %add3A_1088 = arith.addi %add3A_1086, %add3A_1087 : i32
    %ne3A_1089 = arith.cmpi ne, %squeeze3A_1082, %add3A_1088 : i32
    %convert_element_type3A_1090 = arith.extui %ne3A_1089 : i1 to i32
    %cond3A_1091 = arith.constant 0 : i32
    %cond3A_1092 = arith.cmpi ne, %convert_element_type3A_1090, %cond3A_1091 : i32
    scf.if %cond3A_1092 {
      %dma_start3A_1348 = arith.constant 0 : i32
      %dma_start3A_1349 = arith.constant 128 : i32
      %dma_start3A_1350 = tpu.memref_slice %arg5[%dma_start3A_1348, %dma_start3A_1349] : memref<4x256xi32, #tpu.memory_space<vmem>> -> memref<1x32xi32, #tpu.memory_space<vmem>>
      %dma_start3A_1351 = tpu.memref_squeeze %dma_start3A_1350 : memref<1x32xi32, #tpu.memory_space<vmem>> -> memref<32xi32, #tpu.memory_space<vmem>>
      %dma_start3A_1352 = arith.constant 0 : i32
      %dma_start3A_1353 = arith.constant 0 : i32
      %dma_start3A_1354 = tpu.memref_slice %arg2[%dma_start3A_1352, %dma_start3A_1353] : memref<8194x1024xf32, #tpu.memory_space<hbm>> -> memref<8194x1024xf32, #tpu.memory_space<hbm>>
      tpu.enqueue_indirect_dma source(%dma_start3A_1354 : memref<8194x1024xf32, #tpu.memory_space<hbm>>) target(%arg7 : memref<32x1024xf32, #tpu.memory_space<vmem>>) offsets(%dma_start3A_1351 : memref<32xi32, #tpu.memory_space<vmem>>) semaphore(%arg13 : memref<!tpu.dma_semaphore, #tpu.memory_space<semaphore_mem>>)
      %dma_wait3A_1355 = arith.constant 0 : i32
      %dma_wait3A_1356 = arith.constant 128 : i32
      %dma_wait3A_1357 = tpu.memref_slice %arg5[%dma_wait3A_1355, %dma_wait3A_1356] : memref<4x256xi32, #tpu.memory_space<vmem>> -> memref<1x32xi32, #tpu.memory_space<vmem>>
      %dma_wait3A_1358 = tpu.memref_squeeze %dma_wait3A_1357 : memref<1x32xi32, #tpu.memory_space<vmem>> -> memref<32xi32, #tpu.memory_space<vmem>>
      %dma_wait3A_1359 = arith.constant 0 : i32
      %dma_wait3A_1360 = arith.constant 0 : i32
      %dma_wait3A_1361 = tpu.memref_slice %arg2[%dma_wait3A_1359, %dma_wait3A_1360] : memref<8194x1024xf32, #tpu.memory_space<hbm>> -> memref<8194x1024xf32, #tpu.memory_space<hbm>>
      tpu.wait_indirect_dma semaphore(%arg13 : memref<!tpu.dma_semaphore, #tpu.memory_space<semaphore_mem>>) src(%dma_wait3A_1361 : memref<8194x1024xf32, #tpu.memory_space<hbm>>) dst(%arg7 : memref<32x1024xf32, #tpu.memory_space<vmem>>)
      %add3A_1362 = arith.constant 0 : i32
      %add3A_1363 = arith.addi %add3A_1362, %mul3A_2 : i32
      %add3A_1364 = arith.constant 128 : i32
      %add3A_1365 = arith.addi %add3A_1363, %add3A_1364 : i32
      "tpu.region"() ({
        %run_scoped3A_1366 = tpu.sem_alloc : memref<!tpu.dma_semaphore, #tpu.memory_space<semaphore_mem>>
        %dma_start3A_1367 = arith.constant 0 : i32
        %dma_start3A_1368 = tpu.memref_slice %arg4[%add3A_1365, %dma_start3A_1367] : memref<32768x1024xf32, #tpu.memory_space<hbm>> -> memref<32x1024xf32, #tpu.memory_space<hbm>>
        %dma_start3A_1369 = arith.constant 0 : i32
        %dma_start3A_1370 = tpu.memref_slice %arg4[%add3A_1365, %dma_start3A_1369] : memref<32768x1024xf32, #tpu.memory_space<hbm>> -> memref<32x1024xf32, #tpu.memory_space<hbm>>
        tpu.enqueue_dma source(%arg7 : memref<32x1024xf32, #tpu.memory_space<vmem>>) target(%dma_start3A_1370 : memref<32x1024xf32, #tpu.memory_space<hbm>>) target_semaphore(%run_scoped3A_1366 : memref<!tpu.dma_semaphore, #tpu.memory_space<semaphore_mem>>)
        %dma_wait3A_1371 = arith.constant 0 : i32
        %dma_wait3A_1372 = tpu.memref_slice %arg4[%add3A_1365, %dma_wait3A_1371] : memref<32768x1024xf32, #tpu.memory_space<hbm>> -> memref<32x1024xf32, #tpu.memory_space<hbm>>
        %dma_wait3A_1373 = arith.constant 0 : i32
        %dma_wait3A_1374 = tpu.memref_slice %arg4[%add3A_1365, %dma_wait3A_1373] : memref<32768x1024xf32, #tpu.memory_space<hbm>> -> memref<32x1024xf32, #tpu.memory_space<hbm>>
        tpu.wait_dma2 semaphore(%run_scoped3A_1366 : memref<!tpu.dma_semaphore, #tpu.memory_space<semaphore_mem>>) src(%arg7 : memref<32x1024xf32, #tpu.memory_space<vmem>>) dst(%dma_wait3A_1374 : memref<32x1024xf32, #tpu.memory_space<hbm>>)
        tpu.yield
      }) : () -> ()
    } else {
    }
    %get3A_1093 = arith.constant 1 : i32
    %get3A_1094 = arith.index_cast %get3A_1093 : i32 to index
    %get3A_1095 = arith.constant 144 : index
    %get3A_1096 = tpu.vector_load %arg5[%get3A_1094, %get3A_1095] {strides = array<i32>} : memref<4x256xi32, #tpu.memory_space<vmem>>, vector<1x16xi32>,
    %get3A_1097 = vector.shape_cast %get3A_1096 : vector<1x16xi32> to vector<16xi32>
    %slice3A_1098 = vector.extract_strided_slice %get3A_1097 {offsets = [15], sizes = [1], strides = [1]} : vector<16xi32> to vector<1xi32>
    %squeeze3A_1099 = vector.extract %slice3A_1098[0] : i32 from vector<1xi32>
    %add3A_1100 = arith.constant 128 : i32
    %add3A_1101 = arith.addi %mul3A_2, %add3A_1100 : i32
    %add3A_1102 = arith.constant 32 : i32
    %add3A_1103 = arith.addi %add3A_1101, %add3A_1102 : i32
    %add3A_1104 = arith.constant 1 : i32
    %add3A_1105 = arith.addi %add3A_1103, %add3A_1104 : i32
    %ne3A_1106 = arith.cmpi ne, %squeeze3A_1099, %add3A_1105 : i32
    %convert_element_type3A_1107 = arith.extui %ne3A_1106 : i1 to i32
    %cond3A_1108 = arith.constant 0 : i32
    %cond3A_1109 = arith.cmpi ne, %convert_element_type3A_1107, %cond3A_1108 : i32
    scf.if %cond3A_1109 {
      %dma_start3A_1348 = arith.constant 1 : i32
      %dma_start3A_1349 = arith.constant 128 : i32
      %dma_start3A_1350 = tpu.memref_slice %arg5[%dma_start3A_1348, %dma_start3A_1349] : memref<4x256xi32, #tpu.memory_space<vmem>> -> memref<1x32xi32, #tpu.memory_space<vmem>>
      %dma_start3A_1351 = tpu.memref_squeeze %dma_start3A_1350 : memref<1x32xi32, #tpu.memory_space<vmem>> -> memref<32xi32, #tpu.memory_space<vmem>>
      %dma_start3A_1352 = arith.constant 0 : i32
      %dma_start3A_1353 = arith.constant 0 : i32
      %dma_start3A_1354 = tpu.memref_slice %arg2[%dma_start3A_1352, %dma_start3A_1353] : memref<8194x1024xf32, #tpu.memory_space<hbm>> -> memref<8194x1024xf32, #tpu.memory_space<hbm>>
      tpu.enqueue_indirect_dma source(%dma_start3A_1354 : memref<8194x1024xf32, #tpu.memory_space<hbm>>) target(%arg7 : memref<32x1024xf32, #tpu.memory_space<vmem>>) offsets(%dma_start3A_1351 : memref<32xi32, #tpu.memory_space<vmem>>) semaphore(%arg13 : memref<!tpu.dma_semaphore, #tpu.memory_space<semaphore_mem>>)
      %dma_wait3A_1355 = arith.constant 1 : i32
      %dma_wait3A_1356 = arith.constant 128 : i32
      %dma_wait3A_1357 = tpu.memref_slice %arg5[%dma_wait3A_1355, %dma_wait3A_1356] : memref<4x256xi32, #tpu.memory_space<vmem>> -> memref<1x32xi32, #tpu.memory_space<vmem>>
      %dma_wait3A_1358 = tpu.memref_squeeze %dma_wait3A_1357 : memref<1x32xi32, #tpu.memory_space<vmem>> -> memref<32xi32, #tpu.memory_space<vmem>>
      %dma_wait3A_1359 = arith.constant 0 : i32
      %dma_wait3A_1360 = arith.constant 0 : i32
      %dma_wait3A_1361 = tpu.memref_slice %arg2[%dma_wait3A_1359, %dma_wait3A_1360] : memref<8194x1024xf32, #tpu.memory_space<hbm>> -> memref<8194x1024xf32, #tpu.memory_space<hbm>>
      tpu.wait_indirect_dma semaphore(%arg13 : memref<!tpu.dma_semaphore, #tpu.memory_space<semaphore_mem>>) src(%dma_wait3A_1361 : memref<8194x1024xf32, #tpu.memory_space<hbm>>) dst(%arg7 : memref<32x1024xf32, #tpu.memory_space<vmem>>)
      %add3A_1362 = arith.constant 8192 : i32
      %add3A_1363 = arith.addi %add3A_1362, %mul3A_2 : i32
      %add3A_1364 = arith.constant 128 : i32
      %add3A_1365 = arith.addi %add3A_1363, %add3A_1364 : i32
      "tpu.region"() ({
        %run_scoped3A_1366 = tpu.sem_alloc : memref<!tpu.dma_semaphore, #tpu.memory_space<semaphore_mem>>
        %dma_start3A_1367 = arith.constant 0 : i32
        %dma_start3A_1368 = tpu.memref_slice %arg4[%add3A_1365, %dma_start3A_1367] : memref<32768x1024xf32, #tpu.memory_space<hbm>> -> memref<32x1024xf32, #tpu.memory_space<hbm>>
        %dma_start3A_1369 = arith.constant 0 : i32
        %dma_start3A_1370 = tpu.memref_slice %arg4[%add3A_1365, %dma_start3A_1369] : memref<32768x1024xf32, #tpu.memory_space<hbm>> -> memref<32x1024xf32, #tpu.memory_space<hbm>>
        tpu.enqueue_dma source(%arg7 : memref<32x1024xf32, #tpu.memory_space<vmem>>) target(%dma_start3A_1370 : memref<32x1024xf32, #tpu.memory_space<hbm>>) target_semaphore(%run_scoped3A_1366 : memref<!tpu.dma_semaphore, #tpu.memory_space<semaphore_mem>>)
        %dma_wait3A_1371 = arith.constant 0 : i32
        %dma_wait3A_1372 = tpu.memref_slice %arg4[%add3A_1365, %dma_wait3A_1371] : memref<32768x1024xf32, #tpu.memory_space<hbm>> -> memref<32x1024xf32, #tpu.memory_space<hbm>>
        %dma_wait3A_1373 = arith.constant 0 : i32
        %dma_wait3A_1374 = tpu.memref_slice %arg4[%add3A_1365, %dma_wait3A_1373] : memref<32768x1024xf32, #tpu.memory_space<hbm>> -> memref<32x1024xf32, #tpu.memory_space<hbm>>
        tpu.wait_dma2 semaphore(%run_scoped3A_1366 : memref<!tpu.dma_semaphore, #tpu.memory_space<semaphore_mem>>) src(%arg7 : memref<32x1024xf32, #tpu.memory_space<vmem>>) dst(%dma_wait3A_1374 : memref<32x1024xf32, #tpu.memory_space<hbm>>)
        tpu.yield
      }) : () -> ()
    } else {
    }
    %get3A_1110 = arith.constant 2 : i32
    %get3A_1111 = arith.index_cast %get3A_1110 : i32 to index
    %get3A_1112 = arith.constant 144 : index
    %get3A_1113 = tpu.vector_load %arg5[%get3A_1111, %get3A_1112] {strides = array<i32>} : memref<4x256xi32, #tpu.memory_space<vmem>>, vector<1x16xi32>,
    %get3A_1114 = vector.shape_cast %get3A_1113 : vector<1x16xi32> to vector<16xi32>
    %slice3A_1115 = vector.extract_strided_slice %get3A_1114 {offsets = [15], sizes = [1], strides = [1]} : vector<16xi32> to vector<1xi32>
    %squeeze3A_1116 = vector.extract %slice3A_1115[0] : i32 from vector<1xi32>
    %add3A_1117 = arith.constant 128 : i32
    %add3A_1118 = arith.addi %mul3A_2, %add3A_1117 : i32
    %add3A_1119 = arith.constant 32 : i32
    %add3A_1120 = arith.addi %add3A_1118, %add3A_1119 : i32
    %add3A_1121 = arith.constant 1 : i32
    %add3A_1122 = arith.addi %add3A_1120, %add3A_1121 : i32
    %ne3A_1123 = arith.cmpi ne, %squeeze3A_1116, %add3A_1122 : i32
    %convert_element_type3A_1124 = arith.extui %ne3A_1123 : i1 to i32
    %cond3A_1125 = arith.constant 0 : i32
    %cond3A_1126 = arith.cmpi ne, %convert_element_type3A_1124, %cond3A_1125 : i32
    scf.if %cond3A_1126 {
      %dma_start3A_1348 = arith.constant 2 : i32
      %dma_start3A_1349 = arith.constant 128 : i32
      %dma_start3A_1350 = tpu.memref_slice %arg5[%dma_start3A_1348, %dma_start3A_1349] : memref<4x256xi32, #tpu.memory_space<vmem>> -> memref<1x32xi32, #tpu.memory_space<vmem>>
      %dma_start3A_1351 = tpu.memref_squeeze %dma_start3A_1350 : memref<1x32xi32, #tpu.memory_space<vmem>> -> memref<32xi32, #tpu.memory_space<vmem>>
      %dma_start3A_1352 = arith.constant 0 : i32
      %dma_start3A_1353 = arith.constant 0 : i32
      %dma_start3A_1354 = tpu.memref_slice %arg2[%dma_start3A_1352, %dma_start3A_1353] : memref<8194x1024xf32, #tpu.memory_space<hbm>> -> memref<8194x1024xf32, #tpu.memory_space<hbm>>
      tpu.enqueue_indirect_dma source(%dma_start3A_1354 : memref<8194x1024xf32, #tpu.memory_space<hbm>>) target(%arg7 : memref<32x1024xf32, #tpu.memory_space<vmem>>) offsets(%dma_start3A_1351 : memref<32xi32, #tpu.memory_space<vmem>>) semaphore(%arg13 : memref<!tpu.dma_semaphore, #tpu.memory_space<semaphore_mem>>)
      %dma_wait3A_1355 = arith.constant 2 : i32
      %dma_wait3A_1356 = arith.constant 128 : i32
      %dma_wait3A_1357 = tpu.memref_slice %arg5[%dma_wait3A_1355, %dma_wait3A_1356] : memref<4x256xi32, #tpu.memory_space<vmem>> -> memref<1x32xi32, #tpu.memory_space<vmem>>
      %dma_wait3A_1358 = tpu.memref_squeeze %dma_wait3A_1357 : memref<1x32xi32, #tpu.memory_space<vmem>> -> memref<32xi32, #tpu.memory_space<vmem>>
      %dma_wait3A_1359 = arith.constant 0 : i32
      %dma_wait3A_1360 = arith.constant 0 : i32
      %dma_wait3A_1361 = tpu.memref_slice %arg2[%dma_wait3A_1359, %dma_wait3A_1360] : memref<8194x1024xf32, #tpu.memory_space<hbm>> -> memref<8194x1024xf32, #tpu.memory_space<hbm>>
      tpu.wait_indirect_dma semaphore(%arg13 : memref<!tpu.dma_semaphore, #tpu.memory_space<semaphore_mem>>) src(%dma_wait3A_1361 : memref<8194x1024xf32, #tpu.memory_space<hbm>>) dst(%arg7 : memref<32x1024xf32, #tpu.memory_space<vmem>>)
      %add3A_1362 = arith.constant 16384 : i32
      %add3A_1363 = arith.addi %add3A_1362, %mul3A_2 : i32
      %add3A_1364 = arith.constant 128 : i32
      %add3A_1365 = arith.addi %add3A_1363, %add3A_1364 : i32
      "tpu.region"() ({
        %run_scoped3A_1366 = tpu.sem_alloc : memref<!tpu.dma_semaphore, #tpu.memory_space<semaphore_mem>>
        %dma_start3A_1367 = arith.constant 0 : i32
        %dma_start3A_1368 = tpu.memref_slice %arg4[%add3A_1365, %dma_start3A_1367] : memref<32768x1024xf32, #tpu.memory_space<hbm>> -> memref<32x1024xf32, #tpu.memory_space<hbm>>
        %dma_start3A_1369 = arith.constant 0 : i32
        %dma_start3A_1370 = tpu.memref_slice %arg4[%add3A_1365, %dma_start3A_1369] : memref<32768x1024xf32, #tpu.memory_space<hbm>> -> memref<32x1024xf32, #tpu.memory_space<hbm>>
        tpu.enqueue_dma source(%arg7 : memref<32x1024xf32, #tpu.memory_space<vmem>>) target(%dma_start3A_1370 : memref<32x1024xf32, #tpu.memory_space<hbm>>) target_semaphore(%run_scoped3A_1366 : memref<!tpu.dma_semaphore, #tpu.memory_space<semaphore_mem>>)
        %dma_wait3A_1371 = arith.constant 0 : i32
        %dma_wait3A_1372 = tpu.memref_slice %arg4[%add3A_1365, %dma_wait3A_1371] : memref<32768x1024xf32, #tpu.memory_space<hbm>> -> memref<32x1024xf32, #tpu.memory_space<hbm>>
        %dma_wait3A_1373 = arith.constant 0 : i32
        %dma_wait3A_1374 = tpu.memref_slice %arg4[%add3A_1365, %dma_wait3A_1373] : memref<32768x1024xf32, #tpu.memory_space<hbm>> -> memref<32x1024xf32, #tpu.memory_space<hbm>>
        tpu.wait_dma2 semaphore(%run_scoped3A_1366 : memref<!tpu.dma_semaphore, #tpu.memory_space<semaphore_mem>>) src(%arg7 : memref<32x1024xf32, #tpu.memory_space<vmem>>) dst(%dma_wait3A_1374 : memref<32x1024xf32, #tpu.memory_space<hbm>>)
        tpu.yield
      }) : () -> ()
    } else {
    }
    %get3A_1127 = arith.constant 3 : i32
    %get3A_1128 = arith.index_cast %get3A_1127 : i32 to index
    %get3A_1129 = arith.constant 144 : index
    %get3A_1130 = tpu.vector_load %arg5[%get3A_1128, %get3A_1129] {strides = array<i32>} : memref<4x256xi32, #tpu.memory_space<vmem>>, vector<1x16xi32>,
    %get3A_1131 = vector.shape_cast %get3A_1130 : vector<1x16xi32> to vector<16xi32>
    %slice3A_1132 = vector.extract_strided_slice %get3A_1131 {offsets = [15], sizes = [1], strides = [1]} : vector<16xi32> to vector<1xi32>
    %squeeze3A_1133 = vector.extract %slice3A_1132[0] : i32 from vector<1xi32>
    %add3A_1134 = arith.constant 128 : i32
    %add3A_1135 = arith.addi %mul3A_2, %add3A_1134 : i32
    %add3A_1136 = arith.constant 32 : i32
    %add3A_1137 = arith.addi %add3A_1135, %add3A_1136 : i32
    %add3A_1138 = arith.constant 1 : i32
    %add3A_1139 = arith.addi %add3A_1137, %add3A_1138 : i32
    %ne3A_1140 = arith.cmpi ne, %squeeze3A_1133, %add3A_1139 : i32
    %convert_element_type3A_1141 = arith.extui %ne3A_1140 : i1 to i32
    %cond3A_1142 = arith.constant 0 : i32
    %cond3A_1143 = arith.cmpi ne, %convert_element_type3A_1141, %cond3A_1142 : i32
    scf.if %cond3A_1143 {
      %dma_start3A_1348 = arith.constant 3 : i32
      %dma_start3A_1349 = arith.constant 128 : i32
      %dma_start3A_1350 = tpu.memref_slice %arg5[%dma_start3A_1348, %dma_start3A_1349] : memref<4x256xi32, #tpu.memory_space<vmem>> -> memref<1x32xi32, #tpu.memory_space<vmem>>
      %dma_start3A_1351 = tpu.memref_squeeze %dma_start3A_1350 : memref<1x32xi32, #tpu.memory_space<vmem>> -> memref<32xi32, #tpu.memory_space<vmem>>
      %dma_start3A_1352 = arith.constant 0 : i32
      %dma_start3A_1353 = arith.constant 0 : i32
      %dma_start3A_1354 = tpu.memref_slice %arg2[%dma_start3A_1352, %dma_start3A_1353] : memref<8194x1024xf32, #tpu.memory_space<hbm>> -> memref<8194x1024xf32, #tpu.memory_space<hbm>>
      tpu.enqueue_indirect_dma source(%dma_start3A_1354 : memref<8194x1024xf32, #tpu.memory_space<hbm>>) target(%arg7 : memref<32x1024xf32, #tpu.memory_space<vmem>>) offsets(%dma_start3A_1351 : memref<32xi32, #tpu.memory_space<vmem>>) semaphore(%arg13 : memref<!tpu.dma_semaphore, #tpu.memory_space<semaphore_mem>>)
      %dma_wait3A_1355 = arith.constant 3 : i32
      %dma_wait3A_1356 = arith.constant 128 : i32
      %dma_wait3A_1357 = tpu.memref_slice %arg5[%dma_wait3A_1355, %dma_wait3A_1356] : memref<4x256xi32, #tpu.memory_space<vmem>> -> memref<1x32xi32, #tpu.memory_space<vmem>>
      %dma_wait3A_1358 = tpu.memref_squeeze %dma_wait3A_1357 : memref<1x32xi32, #tpu.memory_space<vmem>> -> memref<32xi32, #tpu.memory_space<vmem>>
      %dma_wait3A_1359 = arith.constant 0 : i32
      %dma_wait3A_1360 = arith.constant 0 : i32
      %dma_wait3A_1361 = tpu.memref_slice %arg2[%dma_wait3A_1359, %dma_wait3A_1360] : memref<8194x1024xf32, #tpu.memory_space<hbm>> -> memref<8194x1024xf32, #tpu.memory_space<hbm>>
      tpu.wait_indirect_dma semaphore(%arg13 : memref<!tpu.dma_semaphore, #tpu.memory_space<semaphore_mem>>) src(%dma_wait3A_1361 : memref<8194x1024xf32, #tpu.memory_space<hbm>>) dst(%arg7 : memref<32x1024xf32, #tpu.memory_space<vmem>>)
      %add3A_1362 = arith.constant 24576 : i32
      %add3A_1363 = arith.addi %add3A_1362, %mul3A_2 : i32
      %add3A_1364 = arith.constant 128 : i32
      %add3A_1365 = arith.addi %add3A_1363, %add3A_1364 : i32
      "tpu.region"() ({
        %run_scoped3A_1366 = tpu.sem_alloc : memref<!tpu.dma_semaphore, #tpu.memory_space<semaphore_mem>>
        %dma_start3A_1367 = arith.constant 0 : i32
        %dma_start3A_1368 = tpu.memref_slice %arg4[%add3A_1365, %dma_start3A_1367] : memref<32768x1024xf32, #tpu.memory_space<hbm>> -> memref<32x1024xf32, #tpu.memory_space<hbm>>
        %dma_start3A_1369 = arith.constant 0 : i32
        %dma_start3A_1370 = tpu.memref_slice %arg4[%add3A_1365, %dma_start3A_1369] : memref<32768x1024xf32, #tpu.memory_space<hbm>> -> memref<32x1024xf32, #tpu.memory_space<hbm>>
        tpu.enqueue_dma source(%arg7 : memref<32x1024xf32, #tpu.memory_space<vmem>>) target(%dma_start3A_1370 : memref<32x1024xf32, #tpu.memory_space<hbm>>) target_semaphore(%run_scoped3A_1366 : memref<!tpu.dma_semaphore, #tpu.memory_space<semaphore_mem>>)
        %dma_wait3A_1371 = arith.constant 0 : i32
        %dma_wait3A_1372 = tpu.memref_slice %arg4[%add3A_1365, %dma_wait3A_1371] : memref<32768x1024xf32, #tpu.memory_space<hbm>> -> memref<32x1024xf32, #tpu.memory_space<hbm>>
        %dma_wait3A_1373 = arith.constant 0 : i32
        %dma_wait3A_1374 = tpu.memref_slice %arg4[%add3A_1365, %dma_wait3A_1373] : memref<32768x1024xf32, #tpu.memory_space<hbm>> -> memref<32x1024xf32, #tpu.memory_space<hbm>>
        tpu.wait_dma2 semaphore(%run_scoped3A_1366 : memref<!tpu.dma_semaphore, #tpu.memory_space<semaphore_mem>>) src(%arg7 : memref<32x1024xf32, #tpu.memory_space<vmem>>) dst(%dma_wait3A_1374 : memref<32x1024xf32, #tpu.memory_space<hbm>>)
        tpu.yield
      }) : () -> ()
    } else {
    }
    %get3A_1144 = arith.constant 0 : i32
    %get3A_1145 = arith.index_cast %get3A_1144 : i32 to index
    %get3A_1146 = arith.constant 176 : index
    %get3A_1147 = tpu.vector_load %arg5[%get3A_1145, %get3A_1146] {strides = array<i32>} : memref<4x256xi32, #tpu.memory_space<vmem>>, vector<1x16xi32>,
    %get3A_1148 = vector.shape_cast %get3A_1147 : vector<1x16xi32> to vector<16xi32>
    %slice3A_1149 = vector.extract_strided_slice %get3A_1148 {offsets = [15], sizes = [1], strides = [1]} : vector<16xi32> to vector<1xi32>
    %squeeze3A_1150 = vector.extract %slice3A_1149[0] : i32 from vector<1xi32>
    %add3A_1151 = arith.constant 160 : i32
    %add3A_1152 = arith.addi %mul3A_2, %add3A_1151 : i32
    %add3A_1153 = arith.constant 32 : i32
    %add3A_1154 = arith.addi %add3A_1152, %add3A_1153 : i32
    %add3A_1155 = arith.constant 1 : i32
    %add3A_1156 = arith.addi %add3A_1154, %add3A_1155 : i32
    %ne3A_1157 = arith.cmpi ne, %squeeze3A_1150, %add3A_1156 : i32
    %convert_element_type3A_1158 = arith.extui %ne3A_1157 : i1 to i32
    %cond3A_1159 = arith.constant 0 : i32
    %cond3A_1160 = arith.cmpi ne, %convert_element_type3A_1158, %cond3A_1159 : i32
    scf.if %cond3A_1160 {
      %dma_start3A_1348 = arith.constant 0 : i32
      %dma_start3A_1349 = arith.constant 160 : i32
      %dma_start3A_1350 = tpu.memref_slice %arg5[%dma_start3A_1348, %dma_start3A_1349] : memref<4x256xi32, #tpu.memory_space<vmem>> -> memref<1x32xi32, #tpu.memory_space<vmem>>
      %dma_start3A_1351 = tpu.memref_squeeze %dma_start3A_1350 : memref<1x32xi32, #tpu.memory_space<vmem>> -> memref<32xi32, #tpu.memory_space<vmem>>
      %dma_start3A_1352 = arith.constant 0 : i32
      %dma_start3A_1353 = arith.constant 0 : i32
      %dma_start3A_1354 = tpu.memref_slice %arg2[%dma_start3A_1352, %dma_start3A_1353] : memref<8194x1024xf32, #tpu.memory_space<hbm>> -> memref<8194x1024xf32, #tpu.memory_space<hbm>>
      tpu.enqueue_indirect_dma source(%dma_start3A_1354 : memref<8194x1024xf32, #tpu.memory_space<hbm>>) target(%arg7 : memref<32x1024xf32, #tpu.memory_space<vmem>>) offsets(%dma_start3A_1351 : memref<32xi32, #tpu.memory_space<vmem>>) semaphore(%arg13 : memref<!tpu.dma_semaphore, #tpu.memory_space<semaphore_mem>>)
      %dma_wait3A_1355 = arith.constant 0 : i32
      %dma_wait3A_1356 = arith.constant 160 : i32
      %dma_wait3A_1357 = tpu.memref_slice %arg5[%dma_wait3A_1355, %dma_wait3A_1356] : memref<4x256xi32, #tpu.memory_space<vmem>> -> memref<1x32xi32, #tpu.memory_space<vmem>>
      %dma_wait3A_1358 = tpu.memref_squeeze %dma_wait3A_1357 : memref<1x32xi32, #tpu.memory_space<vmem>> -> memref<32xi32, #tpu.memory_space<vmem>>
      %dma_wait3A_1359 = arith.constant 0 : i32
      %dma_wait3A_1360 = arith.constant 0 : i32
      %dma_wait3A_1361 = tpu.memref_slice %arg2[%dma_wait3A_1359, %dma_wait3A_1360] : memref<8194x1024xf32, #tpu.memory_space<hbm>> -> memref<8194x1024xf32, #tpu.memory_space<hbm>>
      tpu.wait_indirect_dma semaphore(%arg13 : memref<!tpu.dma_semaphore, #tpu.memory_space<semaphore_mem>>) src(%dma_wait3A_1361 : memref<8194x1024xf32, #tpu.memory_space<hbm>>) dst(%arg7 : memref<32x1024xf32, #tpu.memory_space<vmem>>)
      %add3A_1362 = arith.constant 0 : i32
      %add3A_1363 = arith.addi %add3A_1362, %mul3A_2 : i32
      %add3A_1364 = arith.constant 160 : i32
      %add3A_1365 = arith.addi %add3A_1363, %add3A_1364 : i32
      "tpu.region"() ({
        %run_scoped3A_1366 = tpu.sem_alloc : memref<!tpu.dma_semaphore, #tpu.memory_space<semaphore_mem>>
        %dma_start3A_1367 = arith.constant 0 : i32
        %dma_start3A_1368 = tpu.memref_slice %arg4[%add3A_1365, %dma_start3A_1367] : memref<32768x1024xf32, #tpu.memory_space<hbm>> -> memref<32x1024xf32, #tpu.memory_space<hbm>>
        %dma_start3A_1369 = arith.constant 0 : i32
        %dma_start3A_1370 = tpu.memref_slice %arg4[%add3A_1365, %dma_start3A_1369] : memref<32768x1024xf32, #tpu.memory_space<hbm>> -> memref<32x1024xf32, #tpu.memory_space<hbm>>
        tpu.enqueue_dma source(%arg7 : memref<32x1024xf32, #tpu.memory_space<vmem>>) target(%dma_start3A_1370 : memref<32x1024xf32, #tpu.memory_space<hbm>>) target_semaphore(%run_scoped3A_1366 : memref<!tpu.dma_semaphore, #tpu.memory_space<semaphore_mem>>)
        %dma_wait3A_1371 = arith.constant 0 : i32
        %dma_wait3A_1372 = tpu.memref_slice %arg4[%add3A_1365, %dma_wait3A_1371] : memref<32768x1024xf32, #tpu.memory_space<hbm>> -> memref<32x1024xf32, #tpu.memory_space<hbm>>
        %dma_wait3A_1373 = arith.constant 0 : i32
        %dma_wait3A_1374 = tpu.memref_slice %arg4[%add3A_1365, %dma_wait3A_1373] : memref<32768x1024xf32, #tpu.memory_space<hbm>> -> memref<32x1024xf32, #tpu.memory_space<hbm>>
        tpu.wait_dma2 semaphore(%run_scoped3A_1366 : memref<!tpu.dma_semaphore, #tpu.memory_space<semaphore_mem>>) src(%arg7 : memref<32x1024xf32, #tpu.memory_space<vmem>>) dst(%dma_wait3A_1374 : memref<32x1024xf32, #tpu.memory_space<hbm>>)
        tpu.yield
      }) : () -> ()
    } else {
    }
    %get3A_1161 = arith.constant 1 : i32
    %get3A_1162 = arith.index_cast %get3A_1161 : i32 to index
    %get3A_1163 = arith.constant 176 : index
    %get3A_1164 = tpu.vector_load %arg5[%get3A_1162, %get3A_1163] {strides = array<i32>} : memref<4x256xi32, #tpu.memory_space<vmem>>, vector<1x16xi32>,
    %get3A_1165 = vector.shape_cast %get3A_1164 : vector<1x16xi32> to vector<16xi32>
    %slice3A_1166 = vector.extract_strided_slice %get3A_1165 {offsets = [15], sizes = [1], strides = [1]} : vector<16xi32> to vector<1xi32>
    %squeeze3A_1167 = vector.extract %slice3A_1166[0] : i32 from vector<1xi32>
    %add3A_1168 = arith.constant 160 : i32
    %add3A_1169 = arith.addi %mul3A_2, %add3A_1168 : i32
    %add3A_1170 = arith.constant 32 : i32
    %add3A_1171 = arith.addi %add3A_1169, %add3A_1170 : i32
    %add3A_1172 = arith.constant 1 : i32
    %add3A_1173 = arith.addi %add3A_1171, %add3A_1172 : i32
    %ne3A_1174 = arith.cmpi ne, %squeeze3A_1167, %add3A_1173 : i32
    %convert_element_type3A_1175 = arith.extui %ne3A_1174 : i1 to i32
    %cond3A_1176 = arith.constant 0 : i32
    %cond3A_1177 = arith.cmpi ne, %convert_element_type3A_1175, %cond3A_1176 : i32
    scf.if %cond3A_1177 {
      %dma_start3A_1348 = arith.constant 1 : i32
      %dma_start3A_1349 = arith.constant 160 : i32
      %dma_start3A_1350 = tpu.memref_slice %arg5[%dma_start3A_1348, %dma_start3A_1349] : memref<4x256xi32, #tpu.memory_space<vmem>> -> memref<1x32xi32, #tpu.memory_space<vmem>>
      %dma_start3A_1351 = tpu.memref_squeeze %dma_start3A_1350 : memref<1x32xi32, #tpu.memory_space<vmem>> -> memref<32xi32, #tpu.memory_space<vmem>>
      %dma_start3A_1352 = arith.constant 0 : i32
      %dma_start3A_1353 = arith.constant 0 : i32
      %dma_start3A_1354 = tpu.memref_slice %arg2[%dma_start3A_1352, %dma_start3A_1353] : memref<8194x1024xf32, #tpu.memory_space<hbm>> -> memref<8194x1024xf32, #tpu.memory_space<hbm>>
      tpu.enqueue_indirect_dma source(%dma_start3A_1354 : memref<8194x1024xf32, #tpu.memory_space<hbm>>) target(%arg7 : memref<32x1024xf32, #tpu.memory_space<vmem>>) offsets(%dma_start3A_1351 : memref<32xi32, #tpu.memory_space<vmem>>) semaphore(%arg13 : memref<!tpu.dma_semaphore, #tpu.memory_space<semaphore_mem>>)
      %dma_wait3A_1355 = arith.constant 1 : i32
      %dma_wait3A_1356 = arith.constant 160 : i32
      %dma_wait3A_1357 = tpu.memref_slice %arg5[%dma_wait3A_1355, %dma_wait3A_1356] : memref<4x256xi32, #tpu.memory_space<vmem>> -> memref<1x32xi32, #tpu.memory_space<vmem>>
      %dma_wait3A_1358 = tpu.memref_squeeze %dma_wait3A_1357 : memref<1x32xi32, #tpu.memory_space<vmem>> -> memref<32xi32, #tpu.memory_space<vmem>>
      %dma_wait3A_1359 = arith.constant 0 : i32
      %dma_wait3A_1360 = arith.constant 0 : i32
      %dma_wait3A_1361 = tpu.memref_slice %arg2[%dma_wait3A_1359, %dma_wait3A_1360] : memref<8194x1024xf32, #tpu.memory_space<hbm>> -> memref<8194x1024xf32, #tpu.memory_space<hbm>>
      tpu.wait_indirect_dma semaphore(%arg13 : memref<!tpu.dma_semaphore, #tpu.memory_space<semaphore_mem>>) src(%dma_wait3A_1361 : memref<8194x1024xf32, #tpu.memory_space<hbm>>) dst(%arg7 : memref<32x1024xf32, #tpu.memory_space<vmem>>)
      %add3A_1362 = arith.constant 8192 : i32
      %add3A_1363 = arith.addi %add3A_1362, %mul3A_2 : i32
      %add3A_1364 = arith.constant 160 : i32
      %add3A_1365 = arith.addi %add3A_1363, %add3A_1364 : i32
      "tpu.region"() ({
        %run_scoped3A_1366 = tpu.sem_alloc : memref<!tpu.dma_semaphore, #tpu.memory_space<semaphore_mem>>
        %dma_start3A_1367 = arith.constant 0 : i32
        %dma_start3A_1368 = tpu.memref_slice %arg4[%add3A_1365, %dma_start3A_1367] : memref<32768x1024xf32, #tpu.memory_space<hbm>> -> memref<32x1024xf32, #tpu.memory_space<hbm>>
        %dma_start3A_1369 = arith.constant 0 : i32
        %dma_start3A_1370 = tpu.memref_slice %arg4[%add3A_1365, %dma_start3A_1369] : memref<32768x1024xf32, #tpu.memory_space<hbm>> -> memref<32x1024xf32, #tpu.memory_space<hbm>>
        tpu.enqueue_dma source(%arg7 : memref<32x1024xf32, #tpu.memory_space<vmem>>) target(%dma_start3A_1370 : memref<32x1024xf32, #tpu.memory_space<hbm>>) target_semaphore(%run_scoped3A_1366 : memref<!tpu.dma_semaphore, #tpu.memory_space<semaphore_mem>>)
        %dma_wait3A_1371 = arith.constant 0 : i32
        %dma_wait3A_1372 = tpu.memref_slice %arg4[%add3A_1365, %dma_wait3A_1371] : memref<32768x1024xf32, #tpu.memory_space<hbm>> -> memref<32x1024xf32, #tpu.memory_space<hbm>>
        %dma_wait3A_1373 = arith.constant 0 : i32
        %dma_wait3A_1374 = tpu.memref_slice %arg4[%add3A_1365, %dma_wait3A_1373] : memref<32768x1024xf32, #tpu.memory_space<hbm>> -> memref<32x1024xf32, #tpu.memory_space<hbm>>
        tpu.wait_dma2 semaphore(%run_scoped3A_1366 : memref<!tpu.dma_semaphore, #tpu.memory_space<semaphore_mem>>) src(%arg7 : memref<32x1024xf32, #tpu.memory_space<vmem>>) dst(%dma_wait3A_1374 : memref<32x1024xf32, #tpu.memory_space<hbm>>)
        tpu.yield
      }) : () -> ()
    } else {
    }
    %get3A_1178 = arith.constant 2 : i32
    %get3A_1179 = arith.index_cast %get3A_1178 : i32 to index
    %get3A_1180 = arith.constant 176 : index
    %get3A_1181 = tpu.vector_load %arg5[%get3A_1179, %get3A_1180] {strides = array<i32>} : memref<4x256xi32, #tpu.memory_space<vmem>>, vector<1x16xi32>,
    %get3A_1182 = vector.shape_cast %get3A_1181 : vector<1x16xi32> to vector<16xi32>
    %slice3A_1183 = vector.extract_strided_slice %get3A_1182 {offsets = [15], sizes = [1], strides = [1]} : vector<16xi32> to vector<1xi32>
    %squeeze3A_1184 = vector.extract %slice3A_1183[0] : i32 from vector<1xi32>
    %add3A_1185 = arith.constant 160 : i32
    %add3A_1186 = arith.addi %mul3A_2, %add3A_1185 : i32
    %add3A_1187 = arith.constant 32 : i32
    %add3A_1188 = arith.addi %add3A_1186, %add3A_1187 : i32
    %add3A_1189 = arith.constant 1 : i32
    %add3A_1190 = arith.addi %add3A_1188, %add3A_1189 : i32
    %ne3A_1191 = arith.cmpi ne, %squeeze3A_1184, %add3A_1190 : i32
    %convert_element_type3A_1192 = arith.extui %ne3A_1191 : i1 to i32
    %cond3A_1193 = arith.constant 0 : i32
    %cond3A_1194 = arith.cmpi ne, %convert_element_type3A_1192, %cond3A_1193 : i32
    scf.if %cond3A_1194 {
      %dma_start3A_1348 = arith.constant 2 : i32
      %dma_start3A_1349 = arith.constant 160 : i32
      %dma_start3A_1350 = tpu.memref_slice %arg5[%dma_start3A_1348, %dma_start3A_1349] : memref<4x256xi32, #tpu.memory_space<vmem>> -> memref<1x32xi32, #tpu.memory_space<vmem>>
      %dma_start3A_1351 = tpu.memref_squeeze %dma_start3A_1350 : memref<1x32xi32, #tpu.memory_space<vmem>> -> memref<32xi32, #tpu.memory_space<vmem>>
      %dma_start3A_1352 = arith.constant 0 : i32
      %dma_start3A_1353 = arith.constant 0 : i32
      %dma_start3A_1354 = tpu.memref_slice %arg2[%dma_start3A_1352, %dma_start3A_1353] : memref<8194x1024xf32, #tpu.memory_space<hbm>> -> memref<8194x1024xf32, #tpu.memory_space<hbm>>
      tpu.enqueue_indirect_dma source(%dma_start3A_1354 : memref<8194x1024xf32, #tpu.memory_space<hbm>>) target(%arg7 : memref<32x1024xf32, #tpu.memory_space<vmem>>) offsets(%dma_start3A_1351 : memref<32xi32, #tpu.memory_space<vmem>>) semaphore(%arg13 : memref<!tpu.dma_semaphore, #tpu.memory_space<semaphore_mem>>)
      %dma_wait3A_1355 = arith.constant 2 : i32
      %dma_wait3A_1356 = arith.constant 160 : i32
      %dma_wait3A_1357 = tpu.memref_slice %arg5[%dma_wait3A_1355, %dma_wait3A_1356] : memref<4x256xi32, #tpu.memory_space<vmem>> -> memref<1x32xi32, #tpu.memory_space<vmem>>
      %dma_wait3A_1358 = tpu.memref_squeeze %dma_wait3A_1357 : memref<1x32xi32, #tpu.memory_space<vmem>> -> memref<32xi32, #tpu.memory_space<vmem>>
      %dma_wait3A_1359 = arith.constant 0 : i32
      %dma_wait3A_1360 = arith.constant 0 : i32
      %dma_wait3A_1361 = tpu.memref_slice %arg2[%dma_wait3A_1359, %dma_wait3A_1360] : memref<8194x1024xf32, #tpu.memory_space<hbm>> -> memref<8194x1024xf32, #tpu.memory_space<hbm>>
      tpu.wait_indirect_dma semaphore(%arg13 : memref<!tpu.dma_semaphore, #tpu.memory_space<semaphore_mem>>) src(%dma_wait3A_1361 : memref<8194x1024xf32, #tpu.memory_space<hbm>>) dst(%arg7 : memref<32x1024xf32, #tpu.memory_space<vmem>>)
      %add3A_1362 = arith.constant 16384 : i32
      %add3A_1363 = arith.addi %add3A_1362, %mul3A_2 : i32
      %add3A_1364 = arith.constant 160 : i32
      %add3A_1365 = arith.addi %add3A_1363, %add3A_1364 : i32
      "tpu.region"() ({
        %run_scoped3A_1366 = tpu.sem_alloc : memref<!tpu.dma_semaphore, #tpu.memory_space<semaphore_mem>>
        %dma_start3A_1367 = arith.constant 0 : i32
        %dma_start3A_1368 = tpu.memref_slice %arg4[%add3A_1365, %dma_start3A_1367] : memref<32768x1024xf32, #tpu.memory_space<hbm>> -> memref<32x1024xf32, #tpu.memory_space<hbm>>
        %dma_start3A_1369 = arith.constant 0 : i32
        %dma_start3A_1370 = tpu.memref_slice %arg4[%add3A_1365, %dma_start3A_1369] : memref<32768x1024xf32, #tpu.memory_space<hbm>> -> memref<32x1024xf32, #tpu.memory_space<hbm>>
        tpu.enqueue_dma source(%arg7 : memref<32x1024xf32, #tpu.memory_space<vmem>>) target(%dma_start3A_1370 : memref<32x1024xf32, #tpu.memory_space<hbm>>) target_semaphore(%run_scoped3A_1366 : memref<!tpu.dma_semaphore, #tpu.memory_space<semaphore_mem>>)
        %dma_wait3A_1371 = arith.constant 0 : i32
        %dma_wait3A_1372 = tpu.memref_slice %arg4[%add3A_1365, %dma_wait3A_1371] : memref<32768x1024xf32, #tpu.memory_space<hbm>> -> memref<32x1024xf32, #tpu.memory_space<hbm>>
        %dma_wait3A_1373 = arith.constant 0 : i32
        %dma_wait3A_1374 = tpu.memref_slice %arg4[%add3A_1365, %dma_wait3A_1373] : memref<32768x1024xf32, #tpu.memory_space<hbm>> -> memref<32x1024xf32, #tpu.memory_space<hbm>>
        tpu.wait_dma2 semaphore(%run_scoped3A_1366 : memref<!tpu.dma_semaphore, #tpu.memory_space<semaphore_mem>>) src(%arg7 : memref<32x1024xf32, #tpu.memory_space<vmem>>) dst(%dma_wait3A_1374 : memref<32x1024xf32, #tpu.memory_space<hbm>>)
        tpu.yield
      }) : () -> ()
    } else {
    }
    %get3A_1195 = arith.constant 3 : i32
    %get3A_1196 = arith.index_cast %get3A_1195 : i32 to index
    %get3A_1197 = arith.constant 176 : index
    %get3A_1198 = tpu.vector_load %arg5[%get3A_1196, %get3A_1197] {strides = array<i32>} : memref<4x256xi32, #tpu.memory_space<vmem>>, vector<1x16xi32>,
    %get3A_1199 = vector.shape_cast %get3A_1198 : vector<1x16xi32> to vector<16xi32>
    %slice3A_1200 = vector.extract_strided_slice %get3A_1199 {offsets = [15], sizes = [1], strides = [1]} : vector<16xi32> to vector<1xi32>
    %squeeze3A_1201 = vector.extract %slice3A_1200[0] : i32 from vector<1xi32>
    %add3A_1202 = arith.constant 160 : i32
    %add3A_1203 = arith.addi %mul3A_2, %add3A_1202 : i32
    %add3A_1204 = arith.constant 32 : i32
    %add3A_1205 = arith.addi %add3A_1203, %add3A_1204 : i32
    %add3A_1206 = arith.constant 1 : i32
    %add3A_1207 = arith.addi %add3A_1205, %add3A_1206 : i32
    %ne3A_1208 = arith.cmpi ne, %squeeze3A_1201, %add3A_1207 : i32
    %convert_element_type3A_1209 = arith.extui %ne3A_1208 : i1 to i32
    %cond3A_1210 = arith.constant 0 : i32
    %cond3A_1211 = arith.cmpi ne, %convert_element_type3A_1209, %cond3A_1210 : i32
    scf.if %cond3A_1211 {
      %dma_start3A_1348 = arith.constant 3 : i32
      %dma_start3A_1349 = arith.constant 160 : i32
      %dma_start3A_1350 = tpu.memref_slice %arg5[%dma_start3A_1348, %dma_start3A_1349] : memref<4x256xi32, #tpu.memory_space<vmem>> -> memref<1x32xi32, #tpu.memory_space<vmem>>
      %dma_start3A_1351 = tpu.memref_squeeze %dma_start3A_1350 : memref<1x32xi32, #tpu.memory_space<vmem>> -> memref<32xi32, #tpu.memory_space<vmem>>
      %dma_start3A_1352 = arith.constant 0 : i32
      %dma_start3A_1353 = arith.constant 0 : i32
      %dma_start3A_1354 = tpu.memref_slice %arg2[%dma_start3A_1352, %dma_start3A_1353] : memref<8194x1024xf32, #tpu.memory_space<hbm>> -> memref<8194x1024xf32, #tpu.memory_space<hbm>>
      tpu.enqueue_indirect_dma source(%dma_start3A_1354 : memref<8194x1024xf32, #tpu.memory_space<hbm>>) target(%arg7 : memref<32x1024xf32, #tpu.memory_space<vmem>>) offsets(%dma_start3A_1351 : memref<32xi32, #tpu.memory_space<vmem>>) semaphore(%arg13 : memref<!tpu.dma_semaphore, #tpu.memory_space<semaphore_mem>>)
      %dma_wait3A_1355 = arith.constant 3 : i32
      %dma_wait3A_1356 = arith.constant 160 : i32
      %dma_wait3A_1357 = tpu.memref_slice %arg5[%dma_wait3A_1355, %dma_wait3A_1356] : memref<4x256xi32, #tpu.memory_space<vmem>> -> memref<1x32xi32, #tpu.memory_space<vmem>>
      %dma_wait3A_1358 = tpu.memref_squeeze %dma_wait3A_1357 : memref<1x32xi32, #tpu.memory_space<vmem>> -> memref<32xi32, #tpu.memory_space<vmem>>
      %dma_wait3A_1359 = arith.constant 0 : i32
      %dma_wait3A_1360 = arith.constant 0 : i32
      %dma_wait3A_1361 = tpu.memref_slice %arg2[%dma_wait3A_1359, %dma_wait3A_1360] : memref<8194x1024xf32, #tpu.memory_space<hbm>> -> memref<8194x1024xf32, #tpu.memory_space<hbm>>
      tpu.wait_indirect_dma semaphore(%arg13 : memref<!tpu.dma_semaphore, #tpu.memory_space<semaphore_mem>>) src(%dma_wait3A_1361 : memref<8194x1024xf32, #tpu.memory_space<hbm>>) dst(%arg7 : memref<32x1024xf32, #tpu.memory_space<vmem>>)
      %add3A_1362 = arith.constant 24576 : i32
      %add3A_1363 = arith.addi %add3A_1362, %mul3A_2 : i32
      %add3A_1364 = arith.constant 160 : i32
      %add3A_1365 = arith.addi %add3A_1363, %add3A_1364 : i32
      "tpu.region"() ({
        %run_scoped3A_1366 = tpu.sem_alloc : memref<!tpu.dma_semaphore, #tpu.memory_space<semaphore_mem>>
        %dma_start3A_1367 = arith.constant 0 : i32
        %dma_start3A_1368 = tpu.memref_slice %arg4[%add3A_1365, %dma_start3A_1367] : memref<32768x1024xf32, #tpu.memory_space<hbm>> -> memref<32x1024xf32, #tpu.memory_space<hbm>>
        %dma_start3A_1369 = arith.constant 0 : i32
        %dma_start3A_1370 = tpu.memref_slice %arg4[%add3A_1365, %dma_start3A_1369] : memref<32768x1024xf32, #tpu.memory_space<hbm>> -> memref<32x1024xf32, #tpu.memory_space<hbm>>
        tpu.enqueue_dma source(%arg7 : memref<32x1024xf32, #tpu.memory_space<vmem>>) target(%dma_start3A_1370 : memref<32x1024xf32, #tpu.memory_space<hbm>>) target_semaphore(%run_scoped3A_1366 : memref<!tpu.dma_semaphore, #tpu.memory_space<semaphore_mem>>)
        %dma_wait3A_1371 = arith.constant 0 : i32
        %dma_wait3A_1372 = tpu.memref_slice %arg4[%add3A_1365, %dma_wait3A_1371] : memref<32768x1024xf32, #tpu.memory_space<hbm>> -> memref<32x1024xf32, #tpu.memory_space<hbm>>
        %dma_wait3A_1373 = arith.constant 0 : i32
        %dma_wait3A_1374 = tpu.memref_slice %arg4[%add3A_1365, %dma_wait3A_1373] : memref<32768x1024xf32, #tpu.memory_space<hbm>> -> memref<32x1024xf32, #tpu.memory_space<hbm>>
        tpu.wait_dma2 semaphore(%run_scoped3A_1366 : memref<!tpu.dma_semaphore, #tpu.memory_space<semaphore_mem>>) src(%arg7 : memref<32x1024xf32, #tpu.memory_space<vmem>>) dst(%dma_wait3A_1374 : memref<32x1024xf32, #tpu.memory_space<hbm>>)
        tpu.yield
      }) : () -> ()
    } else {
    }
    %get3A_1212 = arith.constant 0 : i32
    %get3A_1213 = arith.index_cast %get3A_1212 : i32 to index
    %get3A_1214 = arith.constant 208 : index
    %get3A_1215 = tpu.vector_load %arg5[%get3A_1213, %get3A_1214] {strides = array<i32>} : memref<4x256xi32, #tpu.memory_space<vmem>>, vector<1x16xi32>,
    %get3A_1216 = vector.shape_cast %get3A_1215 : vector<1x16xi32> to vector<16xi32>
    %slice3A_1217 = vector.extract_strided_slice %get3A_1216 {offsets = [15], sizes = [1], strides = [1]} : vector<16xi32> to vector<1xi32>
    %squeeze3A_1218 = vector.extract %slice3A_1217[0] : i32 from vector<1xi32>
    %add3A_1219 = arith.constant 192 : i32
    %add3A_1220 = arith.addi %mul3A_2, %add3A_1219 : i32
    %add3A_1221 = arith.constant 32 : i32
    %add3A_1222 = arith.addi %add3A_1220, %add3A_1221 : i32
    %add3A_1223 = arith.constant 1 : i32
    %add3A_1224 = arith.addi %add3A_1222, %add3A_1223 : i32
    %ne3A_1225 = arith.cmpi ne, %squeeze3A_1218, %add3A_1224 : i32
    %convert_element_type3A_1226 = arith.extui %ne3A_1225 : i1 to i32
    %cond3A_1227 = arith.constant 0 : i32
    %cond3A_1228 = arith.cmpi ne, %convert_element_type3A_1226, %cond3A_1227 : i32
    scf.if %cond3A_1228 {
      %dma_start3A_1348 = arith.constant 0 : i32
      %dma_start3A_1349 = arith.constant 192 : i32
      %dma_start3A_1350 = tpu.memref_slice %arg5[%dma_start3A_1348, %dma_start3A_1349] : memref<4x256xi32, #tpu.memory_space<vmem>> -> memref<1x32xi32, #tpu.memory_space<vmem>>
      %dma_start3A_1351 = tpu.memref_squeeze %dma_start3A_1350 : memref<1x32xi32, #tpu.memory_space<vmem>> -> memref<32xi32, #tpu.memory_space<vmem>>
      %dma_start3A_1352 = arith.constant 0 : i32
      %dma_start3A_1353 = arith.constant 0 : i32
      %dma_start3A_1354 = tpu.memref_slice %arg2[%dma_start3A_1352, %dma_start3A_1353] : memref<8194x1024xf32, #tpu.memory_space<hbm>> -> memref<8194x1024xf32, #tpu.memory_space<hbm>>
      tpu.enqueue_indirect_dma source(%dma_start3A_1354 : memref<8194x1024xf32, #tpu.memory_space<hbm>>) target(%arg7 : memref<32x1024xf32, #tpu.memory_space<vmem>>) offsets(%dma_start3A_1351 : memref<32xi32, #tpu.memory_space<vmem>>) semaphore(%arg13 : memref<!tpu.dma_semaphore, #tpu.memory_space<semaphore_mem>>)
      %dma_wait3A_1355 = arith.constant 0 : i32
      %dma_wait3A_1356 = arith.constant 192 : i32
      %dma_wait3A_1357 = tpu.memref_slice %arg5[%dma_wait3A_1355, %dma_wait3A_1356] : memref<4x256xi32, #tpu.memory_space<vmem>> -> memref<1x32xi32, #tpu.memory_space<vmem>>
      %dma_wait3A_1358 = tpu.memref_squeeze %dma_wait3A_1357 : memref<1x32xi32, #tpu.memory_space<vmem>> -> memref<32xi32, #tpu.memory_space<vmem>>
      %dma_wait3A_1359 = arith.constant 0 : i32
      %dma_wait3A_1360 = arith.constant 0 : i32
      %dma_wait3A_1361 = tpu.memref_slice %arg2[%dma_wait3A_1359, %dma_wait3A_1360] : memref<8194x1024xf32, #tpu.memory_space<hbm>> -> memref<8194x1024xf32, #tpu.memory_space<hbm>>
      tpu.wait_indirect_dma semaphore(%arg13 : memref<!tpu.dma_semaphore, #tpu.memory_space<semaphore_mem>>) src(%dma_wait3A_1361 : memref<8194x1024xf32, #tpu.memory_space<hbm>>) dst(%arg7 : memref<32x1024xf32, #tpu.memory_space<vmem>>)
      %add3A_1362 = arith.constant 0 : i32
      %add3A_1363 = arith.addi %add3A_1362, %mul3A_2 : i32
      %add3A_1364 = arith.constant 192 : i32
      %add3A_1365 = arith.addi %add3A_1363, %add3A_1364 : i32
      "tpu.region"() ({
        %run_scoped3A_1366 = tpu.sem_alloc : memref<!tpu.dma_semaphore, #tpu.memory_space<semaphore_mem>>
        %dma_start3A_1367 = arith.constant 0 : i32
        %dma_start3A_1368 = tpu.memref_slice %arg4[%add3A_1365, %dma_start3A_1367] : memref<32768x1024xf32, #tpu.memory_space<hbm>> -> memref<32x1024xf32, #tpu.memory_space<hbm>>
        %dma_start3A_1369 = arith.constant 0 : i32
        %dma_start3A_1370 = tpu.memref_slice %arg4[%add3A_1365, %dma_start3A_1369] : memref<32768x1024xf32, #tpu.memory_space<hbm>> -> memref<32x1024xf32, #tpu.memory_space<hbm>>
        tpu.enqueue_dma source(%arg7 : memref<32x1024xf32, #tpu.memory_space<vmem>>) target(%dma_start3A_1370 : memref<32x1024xf32, #tpu.memory_space<hbm>>) target_semaphore(%run_scoped3A_1366 : memref<!tpu.dma_semaphore, #tpu.memory_space<semaphore_mem>>)
        %dma_wait3A_1371 = arith.constant 0 : i32
        %dma_wait3A_1372 = tpu.memref_slice %arg4[%add3A_1365, %dma_wait3A_1371] : memref<32768x1024xf32, #tpu.memory_space<hbm>> -> memref<32x1024xf32, #tpu.memory_space<hbm>>
        %dma_wait3A_1373 = arith.constant 0 : i32
        %dma_wait3A_1374 = tpu.memref_slice %arg4[%add3A_1365, %dma_wait3A_1373] : memref<32768x1024xf32, #tpu.memory_space<hbm>> -> memref<32x1024xf32, #tpu.memory_space<hbm>>
        tpu.wait_dma2 semaphore(%run_scoped3A_1366 : memref<!tpu.dma_semaphore, #tpu.memory_space<semaphore_mem>>) src(%arg7 : memref<32x1024xf32, #tpu.memory_space<vmem>>) dst(%dma_wait3A_1374 : memref<32x1024xf32, #tpu.memory_space<hbm>>)
        tpu.yield
      }) : () -> ()
    } else {
    }
    %get3A_1229 = arith.constant 1 : i32
    %get3A_1230 = arith.index_cast %get3A_1229 : i32 to index
    %get3A_1231 = arith.constant 208 : index
    %get3A_1232 = tpu.vector_load %arg5[%get3A_1230, %get3A_1231] {strides = array<i32>} : memref<4x256xi32, #tpu.memory_space<vmem>>, vector<1x16xi32>,
    %get3A_1233 = vector.shape_cast %get3A_1232 : vector<1x16xi32> to vector<16xi32>
    %slice3A_1234 = vector.extract_strided_slice %get3A_1233 {offsets = [15], sizes = [1], strides = [1]} : vector<16xi32> to vector<1xi32>
    %squeeze3A_1235 = vector.extract %slice3A_1234[0] : i32 from vector<1xi32>
    %add3A_1236 = arith.constant 192 : i32
    %add3A_1237 = arith.addi %mul3A_2, %add3A_1236 : i32
    %add3A_1238 = arith.constant 32 : i32
    %add3A_1239 = arith.addi %add3A_1237, %add3A_1238 : i32
    %add3A_1240 = arith.constant 1 : i32
    %add3A_1241 = arith.addi %add3A_1239, %add3A_1240 : i32
    %ne3A_1242 = arith.cmpi ne, %squeeze3A_1235, %add3A_1241 : i32
    %convert_element_type3A_1243 = arith.extui %ne3A_1242 : i1 to i32
    %cond3A_1244 = arith.constant 0 : i32
    %cond3A_1245 = arith.cmpi ne, %convert_element_type3A_1243, %cond3A_1244 : i32
    scf.if %cond3A_1245 {
      %dma_start3A_1348 = arith.constant 1 : i32
      %dma_start3A_1349 = arith.constant 192 : i32
      %dma_start3A_1350 = tpu.memref_slice %arg5[%dma_start3A_1348, %dma_start3A_1349] : memref<4x256xi32, #tpu.memory_space<vmem>> -> memref<1x32xi32, #tpu.memory_space<vmem>>
      %dma_start3A_1351 = tpu.memref_squeeze %dma_start3A_1350 : memref<1x32xi32, #tpu.memory_space<vmem>> -> memref<32xi32, #tpu.memory_space<vmem>>
      %dma_start3A_1352 = arith.constant 0 : i32
      %dma_start3A_1353 = arith.constant 0 : i32
      %dma_start3A_1354 = tpu.memref_slice %arg2[%dma_start3A_1352, %dma_start3A_1353] : memref<8194x1024xf32, #tpu.memory_space<hbm>> -> memref<8194x1024xf32, #tpu.memory_space<hbm>>
      tpu.enqueue_indirect_dma source(%dma_start3A_1354 : memref<8194x1024xf32, #tpu.memory_space<hbm>>) target(%arg7 : memref<32x1024xf32, #tpu.memory_space<vmem>>) offsets(%dma_start3A_1351 : memref<32xi32, #tpu.memory_space<vmem>>) semaphore(%arg13 : memref<!tpu.dma_semaphore, #tpu.memory_space<semaphore_mem>>)
      %dma_wait3A_1355 = arith.constant 1 : i32
      %dma_wait3A_1356 = arith.constant 192 : i32
      %dma_wait3A_1357 = tpu.memref_slice %arg5[%dma_wait3A_1355, %dma_wait3A_1356] : memref<4x256xi32, #tpu.memory_space<vmem>> -> memref<1x32xi32, #tpu.memory_space<vmem>>
      %dma_wait3A_1358 = tpu.memref_squeeze %dma_wait3A_1357 : memref<1x32xi32, #tpu.memory_space<vmem>> -> memref<32xi32, #tpu.memory_space<vmem>>
      %dma_wait3A_1359 = arith.constant 0 : i32
      %dma_wait3A_1360 = arith.constant 0 : i32
      %dma_wait3A_1361 = tpu.memref_slice %arg2[%dma_wait3A_1359, %dma_wait3A_1360] : memref<8194x1024xf32, #tpu.memory_space<hbm>> -> memref<8194x1024xf32, #tpu.memory_space<hbm>>
      tpu.wait_indirect_dma semaphore(%arg13 : memref<!tpu.dma_semaphore, #tpu.memory_space<semaphore_mem>>) src(%dma_wait3A_1361 : memref<8194x1024xf32, #tpu.memory_space<hbm>>) dst(%arg7 : memref<32x1024xf32, #tpu.memory_space<vmem>>)
      %add3A_1362 = arith.constant 8192 : i32
      %add3A_1363 = arith.addi %add3A_1362, %mul3A_2 : i32
      %add3A_1364 = arith.constant 192 : i32
      %add3A_1365 = arith.addi %add3A_1363, %add3A_1364 : i32
      "tpu.region"() ({
        %run_scoped3A_1366 = tpu.sem_alloc : memref<!tpu.dma_semaphore, #tpu.memory_space<semaphore_mem>>
        %dma_start3A_1367 = arith.constant 0 : i32
        %dma_start3A_1368 = tpu.memref_slice %arg4[%add3A_1365, %dma_start3A_1367] : memref<32768x1024xf32, #tpu.memory_space<hbm>> -> memref<32x1024xf32, #tpu.memory_space<hbm>>
        %dma_start3A_1369 = arith.constant 0 : i32
        %dma_start3A_1370 = tpu.memref_slice %arg4[%add3A_1365, %dma_start3A_1369] : memref<32768x1024xf32, #tpu.memory_space<hbm>> -> memref<32x1024xf32, #tpu.memory_space<hbm>>
        tpu.enqueue_dma source(%arg7 : memref<32x1024xf32, #tpu.memory_space<vmem>>) target(%dma_start3A_1370 : memref<32x1024xf32, #tpu.memory_space<hbm>>) target_semaphore(%run_scoped3A_1366 : memref<!tpu.dma_semaphore, #tpu.memory_space<semaphore_mem>>)
        %dma_wait3A_1371 = arith.constant 0 : i32
        %dma_wait3A_1372 = tpu.memref_slice %arg4[%add3A_1365, %dma_wait3A_1371] : memref<32768x1024xf32, #tpu.memory_space<hbm>> -> memref<32x1024xf32, #tpu.memory_space<hbm>>
        %dma_wait3A_1373 = arith.constant 0 : i32
        %dma_wait3A_1374 = tpu.memref_slice %arg4[%add3A_1365, %dma_wait3A_1373] : memref<32768x1024xf32, #tpu.memory_space<hbm>> -> memref<32x1024xf32, #tpu.memory_space<hbm>>
        tpu.wait_dma2 semaphore(%run_scoped3A_1366 : memref<!tpu.dma_semaphore, #tpu.memory_space<semaphore_mem>>) src(%arg7 : memref<32x1024xf32, #tpu.memory_space<vmem>>) dst(%dma_wait3A_1374 : memref<32x1024xf32, #tpu.memory_space<hbm>>)
        tpu.yield
      }) : () -> ()
    } else {
    }
    %get3A_1246 = arith.constant 2 : i32
    %get3A_1247 = arith.index_cast %get3A_1246 : i32 to index
    %get3A_1248 = arith.constant 208 : index
    %get3A_1249 = tpu.vector_load %arg5[%get3A_1247, %get3A_1248] {strides = array<i32>} : memref<4x256xi32, #tpu.memory_space<vmem>>, vector<1x16xi32>,
    %get3A_1250 = vector.shape_cast %get3A_1249 : vector<1x16xi32> to vector<16xi32>
    %slice3A_1251 = vector.extract_strided_slice %get3A_1250 {offsets = [15], sizes = [1], strides = [1]} : vector<16xi32> to vector<1xi32>
    %squeeze3A_1252 = vector.extract %slice3A_1251[0] : i32 from vector<1xi32>
    %add3A_1253 = arith.constant 192 : i32
    %add3A_1254 = arith.addi %mul3A_2, %add3A_1253 : i32
    %add3A_1255 = arith.constant 32 : i32
    %add3A_1256 = arith.addi %add3A_1254, %add3A_1255 : i32
    %add3A_1257 = arith.constant 1 : i32
    %add3A_1258 = arith.addi %add3A_1256, %add3A_1257 : i32
    %ne3A_1259 = arith.cmpi ne, %squeeze3A_1252, %add3A_1258 : i32
    %convert_element_type3A_1260 = arith.extui %ne3A_1259 : i1 to i32
    %cond3A_1261 = arith.constant 0 : i32
    %cond3A_1262 = arith.cmpi ne, %convert_element_type3A_1260, %cond3A_1261 : i32
    scf.if %cond3A_1262 {
      %dma_start3A_1348 = arith.constant 2 : i32
      %dma_start3A_1349 = arith.constant 192 : i32
      %dma_start3A_1350 = tpu.memref_slice %arg5[%dma_start3A_1348, %dma_start3A_1349] : memref<4x256xi32, #tpu.memory_space<vmem>> -> memref<1x32xi32, #tpu.memory_space<vmem>>
      %dma_start3A_1351 = tpu.memref_squeeze %dma_start3A_1350 : memref<1x32xi32, #tpu.memory_space<vmem>> -> memref<32xi32, #tpu.memory_space<vmem>>
      %dma_start3A_1352 = arith.constant 0 : i32
      %dma_start3A_1353 = arith.constant 0 : i32
      %dma_start3A_1354 = tpu.memref_slice %arg2[%dma_start3A_1352, %dma_start3A_1353] : memref<8194x1024xf32, #tpu.memory_space<hbm>> -> memref<8194x1024xf32, #tpu.memory_space<hbm>>
      tpu.enqueue_indirect_dma source(%dma_start3A_1354 : memref<8194x1024xf32, #tpu.memory_space<hbm>>) target(%arg7 : memref<32x1024xf32, #tpu.memory_space<vmem>>) offsets(%dma_start3A_1351 : memref<32xi32, #tpu.memory_space<vmem>>) semaphore(%arg13 : memref<!tpu.dma_semaphore, #tpu.memory_space<semaphore_mem>>)
      %dma_wait3A_1355 = arith.constant 2 : i32
      %dma_wait3A_1356 = arith.constant 192 : i32
      %dma_wait3A_1357 = tpu.memref_slice %arg5[%dma_wait3A_1355, %dma_wait3A_1356] : memref<4x256xi32, #tpu.memory_space<vmem>> -> memref<1x32xi32, #tpu.memory_space<vmem>>
      %dma_wait3A_1358 = tpu.memref_squeeze %dma_wait3A_1357 : memref<1x32xi32, #tpu.memory_space<vmem>> -> memref<32xi32, #tpu.memory_space<vmem>>
      %dma_wait3A_1359 = arith.constant 0 : i32
      %dma_wait3A_1360 = arith.constant 0 : i32
      %dma_wait3A_1361 = tpu.memref_slice %arg2[%dma_wait3A_1359, %dma_wait3A_1360] : memref<8194x1024xf32, #tpu.memory_space<hbm>> -> memref<8194x1024xf32, #tpu.memory_space<hbm>>
      tpu.wait_indirect_dma semaphore(%arg13 : memref<!tpu.dma_semaphore, #tpu.memory_space<semaphore_mem>>) src(%dma_wait3A_1361 : memref<8194x1024xf32, #tpu.memory_space<hbm>>) dst(%arg7 : memref<32x1024xf32, #tpu.memory_space<vmem>>)
      %add3A_1362 = arith.constant 16384 : i32
      %add3A_1363 = arith.addi %add3A_1362, %mul3A_2 : i32
      %add3A_1364 = arith.constant 192 : i32
      %add3A_1365 = arith.addi %add3A_1363, %add3A_1364 : i32
      "tpu.region"() ({
        %run_scoped3A_1366 = tpu.sem_alloc : memref<!tpu.dma_semaphore, #tpu.memory_space<semaphore_mem>>
        %dma_start3A_1367 = arith.constant 0 : i32
        %dma_start3A_1368 = tpu.memref_slice %arg4[%add3A_1365, %dma_start3A_1367] : memref<32768x1024xf32, #tpu.memory_space<hbm>> -> memref<32x1024xf32, #tpu.memory_space<hbm>>
        %dma_start3A_1369 = arith.constant 0 : i32
        %dma_start3A_1370 = tpu.memref_slice %arg4[%add3A_1365, %dma_start3A_1369] : memref<32768x1024xf32, #tpu.memory_space<hbm>> -> memref<32x1024xf32, #tpu.memory_space<hbm>>
        tpu.enqueue_dma source(%arg7 : memref<32x1024xf32, #tpu.memory_space<vmem>>) target(%dma_start3A_1370 : memref<32x1024xf32, #tpu.memory_space<hbm>>) target_semaphore(%run_scoped3A_1366 : memref<!tpu.dma_semaphore, #tpu.memory_space<semaphore_mem>>)
        %dma_wait3A_1371 = arith.constant 0 : i32
        %dma_wait3A_1372 = tpu.memref_slice %arg4[%add3A_1365, %dma_wait3A_1371] : memref<32768x1024xf32, #tpu.memory_space<hbm>> -> memref<32x1024xf32, #tpu.memory_space<hbm>>
        %dma_wait3A_1373 = arith.constant 0 : i32
        %dma_wait3A_1374 = tpu.memref_slice %arg4[%add3A_1365, %dma_wait3A_1373] : memref<32768x1024xf32, #tpu.memory_space<hbm>> -> memref<32x1024xf32, #tpu.memory_space<hbm>>
        tpu.wait_dma2 semaphore(%run_scoped3A_1366 : memref<!tpu.dma_semaphore, #tpu.memory_space<semaphore_mem>>) src(%arg7 : memref<32x1024xf32, #tpu.memory_space<vmem>>) dst(%dma_wait3A_1374 : memref<32x1024xf32, #tpu.memory_space<hbm>>)
        tpu.yield
      }) : () -> ()
    } else {
    }
    %get3A_1263 = arith.constant 3 : i32
    %get3A_1264 = arith.index_cast %get3A_1263 : i32 to index
    %get3A_1265 = arith.constant 208 : index
    %get3A_1266 = tpu.vector_load %arg5[%get3A_1264, %get3A_1265] {strides = array<i32>} : memref<4x256xi32, #tpu.memory_space<vmem>>, vector<1x16xi32>,
    %get3A_1267 = vector.shape_cast %get3A_1266 : vector<1x16xi32> to vector<16xi32>
    %slice3A_1268 = vector.extract_strided_slice %get3A_1267 {offsets = [15], sizes = [1], strides = [1]} : vector<16xi32> to vector<1xi32>
    %squeeze3A_1269 = vector.extract %slice3A_1268[0] : i32 from vector<1xi32>
    %add3A_1270 = arith.constant 192 : i32
    %add3A_1271 = arith.addi %mul3A_2, %add3A_1270 : i32
    %add3A_1272 = arith.constant 32 : i32
    %add3A_1273 = arith.addi %add3A_1271, %add3A_1272 : i32
    %add3A_1274 = arith.constant 1 : i32
    %add3A_1275 = arith.addi %add3A_1273, %add3A_1274 : i32
    %ne3A_1276 = arith.cmpi ne, %squeeze3A_1269, %add3A_1275 : i32
    %convert_element_type3A_1277 = arith.extui %ne3A_1276 : i1 to i32
    %cond3A_1278 = arith.constant 0 : i32
    %cond3A_1279 = arith.cmpi ne, %convert_element_type3A_1277, %cond3A_1278 : i32
    scf.if %cond3A_1279 {
      %dma_start3A_1348 = arith.constant 3 : i32
      %dma_start3A_1349 = arith.constant 192 : i32
      %dma_start3A_1350 = tpu.memref_slice %arg5[%dma_start3A_1348, %dma_start3A_1349] : memref<4x256xi32, #tpu.memory_space<vmem>> -> memref<1x32xi32, #tpu.memory_space<vmem>>
      %dma_start3A_1351 = tpu.memref_squeeze %dma_start3A_1350 : memref<1x32xi32, #tpu.memory_space<vmem>> -> memref<32xi32, #tpu.memory_space<vmem>>
      %dma_start3A_1352 = arith.constant 0 : i32
      %dma_start3A_1353 = arith.constant 0 : i32
      %dma_start3A_1354 = tpu.memref_slice %arg2[%dma_start3A_1352, %dma_start3A_1353] : memref<8194x1024xf32, #tpu.memory_space<hbm>> -> memref<8194x1024xf32, #tpu.memory_space<hbm>>
      tpu.enqueue_indirect_dma source(%dma_start3A_1354 : memref<8194x1024xf32, #tpu.memory_space<hbm>>) target(%arg7 : memref<32x1024xf32, #tpu.memory_space<vmem>>) offsets(%dma_start3A_1351 : memref<32xi32, #tpu.memory_space<vmem>>) semaphore(%arg13 : memref<!tpu.dma_semaphore, #tpu.memory_space<semaphore_mem>>)
      %dma_wait3A_1355 = arith.constant 3 : i32
      %dma_wait3A_1356 = arith.constant 192 : i32
      %dma_wait3A_1357 = tpu.memref_slice %arg5[%dma_wait3A_1355, %dma_wait3A_1356] : memref<4x256xi32, #tpu.memory_space<vmem>> -> memref<1x32xi32, #tpu.memory_space<vmem>>
      %dma_wait3A_1358 = tpu.memref_squeeze %dma_wait3A_1357 : memref<1x32xi32, #tpu.memory_space<vmem>> -> memref<32xi32, #tpu.memory_space<vmem>>
      %dma_wait3A_1359 = arith.constant 0 : i32
      %dma_wait3A_1360 = arith.constant 0 : i32
      %dma_wait3A_1361 = tpu.memref_slice %arg2[%dma_wait3A_1359, %dma_wait3A_1360] : memref<8194x1024xf32, #tpu.memory_space<hbm>> -> memref<8194x1024xf32, #tpu.memory_space<hbm>>
      tpu.wait_indirect_dma semaphore(%arg13 : memref<!tpu.dma_semaphore, #tpu.memory_space<semaphore_mem>>) src(%dma_wait3A_1361 : memref<8194x1024xf32, #tpu.memory_space<hbm>>) dst(%arg7 : memref<32x1024xf32, #tpu.memory_space<vmem>>)
      %add3A_1362 = arith.constant 24576 : i32
      %add3A_1363 = arith.addi %add3A_1362, %mul3A_2 : i32
      %add3A_1364 = arith.constant 192 : i32
      %add3A_1365 = arith.addi %add3A_1363, %add3A_1364 : i32
      "tpu.region"() ({
        %run_scoped3A_1366 = tpu.sem_alloc : memref<!tpu.dma_semaphore, #tpu.memory_space<semaphore_mem>>
        %dma_start3A_1367 = arith.constant 0 : i32
        %dma_start3A_1368 = tpu.memref_slice %arg4[%add3A_1365, %dma_start3A_1367] : memref<32768x1024xf32, #tpu.memory_space<hbm>> -> memref<32x1024xf32, #tpu.memory_space<hbm>>
        %dma_start3A_1369 = arith.constant 0 : i32
        %dma_start3A_1370 = tpu.memref_slice %arg4[%add3A_1365, %dma_start3A_1369] : memref<32768x1024xf32, #tpu.memory_space<hbm>> -> memref<32x1024xf32, #tpu.memory_space<hbm>>
        tpu.enqueue_dma source(%arg7 : memref<32x1024xf32, #tpu.memory_space<vmem>>) target(%dma_start3A_1370 : memref<32x1024xf32, #tpu.memory_space<hbm>>) target_semaphore(%run_scoped3A_1366 : memref<!tpu.dma_semaphore, #tpu.memory_space<semaphore_mem>>)
        %dma_wait3A_1371 = arith.constant 0 : i32
        %dma_wait3A_1372 = tpu.memref_slice %arg4[%add3A_1365, %dma_wait3A_1371] : memref<32768x1024xf32, #tpu.memory_space<hbm>> -> memref<32x1024xf32, #tpu.memory_space<hbm>>
        %dma_wait3A_1373 = arith.constant 0 : i32
        %dma_wait3A_1374 = tpu.memref_slice %arg4[%add3A_1365, %dma_wait3A_1373] : memref<32768x1024xf32, #tpu.memory_space<hbm>> -> memref<32x1024xf32, #tpu.memory_space<hbm>>
        tpu.wait_dma2 semaphore(%run_scoped3A_1366 : memref<!tpu.dma_semaphore, #tpu.memory_space<semaphore_mem>>) src(%arg7 : memref<32x1024xf32, #tpu.memory_space<vmem>>) dst(%dma_wait3A_1374 : memref<32x1024xf32, #tpu.memory_space<hbm>>)
        tpu.yield
      }) : () -> ()
    } else {
    }
    %get3A_1280 = arith.constant 0 : i32
    %get3A_1281 = arith.index_cast %get3A_1280 : i32 to index
    %get3A_1282 = arith.constant 240 : index
    %get3A_1283 = tpu.vector_load %arg5[%get3A_1281, %get3A_1282] {strides = array<i32>} : memref<4x256xi32, #tpu.memory_space<vmem>>, vector<1x16xi32>,
    %get3A_1284 = vector.shape_cast %get3A_1283 : vector<1x16xi32> to vector<16xi32>
    %slice3A_1285 = vector.extract_strided_slice %get3A_1284 {offsets = [15], sizes = [1], strides = [1]} : vector<16xi32> to vector<1xi32>
    %squeeze3A_1286 = vector.extract %slice3A_1285[0] : i32 from vector<1xi32>
    %add3A_1287 = arith.constant 224 : i32
    %add3A_1288 = arith.addi %mul3A_2, %add3A_1287 : i32
    %add3A_1289 = arith.constant 32 : i32
    %add3A_1290 = arith.addi %add3A_1288, %add3A_1289 : i32
    %add3A_1291 = arith.constant 1 : i32
    %add3A_1292 = arith.addi %add3A_1290, %add3A_1291 : i32
    %ne3A_1293 = arith.cmpi ne, %squeeze3A_1286, %add3A_1292 : i32
    %convert_element_type3A_1294 = arith.extui %ne3A_1293 : i1 to i32
    %cond3A_1295 = arith.constant 0 : i32
    %cond3A_1296 = arith.cmpi ne, %convert_element_type3A_1294, %cond3A_1295 : i32
    scf.if %cond3A_1296 {
      %dma_start3A_1348 = arith.constant 0 : i32
      %dma_start3A_1349 = arith.constant 224 : i32
      %dma_start3A_1350 = tpu.memref_slice %arg5[%dma_start3A_1348, %dma_start3A_1349] : memref<4x256xi32, #tpu.memory_space<vmem>> -> memref<1x32xi32, #tpu.memory_space<vmem>>
      %dma_start3A_1351 = tpu.memref_squeeze %dma_start3A_1350 : memref<1x32xi32, #tpu.memory_space<vmem>> -> memref<32xi32, #tpu.memory_space<vmem>>
      %dma_start3A_1352 = arith.constant 0 : i32
      %dma_start3A_1353 = arith.constant 0 : i32
      %dma_start3A_1354 = tpu.memref_slice %arg2[%dma_start3A_1352, %dma_start3A_1353] : memref<8194x1024xf32, #tpu.memory_space<hbm>> -> memref<8194x1024xf32, #tpu.memory_space<hbm>>
      tpu.enqueue_indirect_dma source(%dma_start3A_1354 : memref<8194x1024xf32, #tpu.memory_space<hbm>>) target(%arg7 : memref<32x1024xf32, #tpu.memory_space<vmem>>) offsets(%dma_start3A_1351 : memref<32xi32, #tpu.memory_space<vmem>>) semaphore(%arg13 : memref<!tpu.dma_semaphore, #tpu.memory_space<semaphore_mem>>)
      %dma_wait3A_1355 = arith.constant 0 : i32
      %dma_wait3A_1356 = arith.constant 224 : i32
      %dma_wait3A_1357 = tpu.memref_slice %arg5[%dma_wait3A_1355, %dma_wait3A_1356] : memref<4x256xi32, #tpu.memory_space<vmem>> -> memref<1x32xi32, #tpu.memory_space<vmem>>
      %dma_wait3A_1358 = tpu.memref_squeeze %dma_wait3A_1357 : memref<1x32xi32, #tpu.memory_space<vmem>> -> memref<32xi32, #tpu.memory_space<vmem>>
      %dma_wait3A_1359 = arith.constant 0 : i32
      %dma_wait3A_1360 = arith.constant 0 : i32
      %dma_wait3A_1361 = tpu.memref_slice %arg2[%dma_wait3A_1359, %dma_wait3A_1360] : memref<8194x1024xf32, #tpu.memory_space<hbm>> -> memref<8194x1024xf32, #tpu.memory_space<hbm>>
      tpu.wait_indirect_dma semaphore(%arg13 : memref<!tpu.dma_semaphore, #tpu.memory_space<semaphore_mem>>) src(%dma_wait3A_1361 : memref<8194x1024xf32, #tpu.memory_space<hbm>>) dst(%arg7 : memref<32x1024xf32, #tpu.memory_space<vmem>>)
      %add3A_1362 = arith.constant 0 : i32
      %add3A_1363 = arith.addi %add3A_1362, %mul3A_2 : i32
      %add3A_1364 = arith.constant 224 : i32
      %add3A_1365 = arith.addi %add3A_1363, %add3A_1364 : i32
      "tpu.region"() ({
        %run_scoped3A_1366 = tpu.sem_alloc : memref<!tpu.dma_semaphore, #tpu.memory_space<semaphore_mem>>
        %dma_start3A_1367 = arith.constant 0 : i32
        %dma_start3A_1368 = tpu.memref_slice %arg4[%add3A_1365, %dma_start3A_1367] : memref<32768x1024xf32, #tpu.memory_space<hbm>> -> memref<32x1024xf32, #tpu.memory_space<hbm>>
        %dma_start3A_1369 = arith.constant 0 : i32
        %dma_start3A_1370 = tpu.memref_slice %arg4[%add3A_1365, %dma_start3A_1369] : memref<32768x1024xf32, #tpu.memory_space<hbm>> -> memref<32x1024xf32, #tpu.memory_space<hbm>>
        tpu.enqueue_dma source(%arg7 : memref<32x1024xf32, #tpu.memory_space<vmem>>) target(%dma_start3A_1370 : memref<32x1024xf32, #tpu.memory_space<hbm>>) target_semaphore(%run_scoped3A_1366 : memref<!tpu.dma_semaphore, #tpu.memory_space<semaphore_mem>>)
        %dma_wait3A_1371 = arith.constant 0 : i32
        %dma_wait3A_1372 = tpu.memref_slice %arg4[%add3A_1365, %dma_wait3A_1371] : memref<32768x1024xf32, #tpu.memory_space<hbm>> -> memref<32x1024xf32, #tpu.memory_space<hbm>>
        %dma_wait3A_1373 = arith.constant 0 : i32
        %dma_wait3A_1374 = tpu.memref_slice %arg4[%add3A_1365, %dma_wait3A_1373] : memref<32768x1024xf32, #tpu.memory_space<hbm>> -> memref<32x1024xf32, #tpu.memory_space<hbm>>
        tpu.wait_dma2 semaphore(%run_scoped3A_1366 : memref<!tpu.dma_semaphore, #tpu.memory_space<semaphore_mem>>) src(%arg7 : memref<32x1024xf32, #tpu.memory_space<vmem>>) dst(%dma_wait3A_1374 : memref<32x1024xf32, #tpu.memory_space<hbm>>)
        tpu.yield
      }) : () -> ()
    } else {
    }
    %get3A_1297 = arith.constant 1 : i32
    %get3A_1298 = arith.index_cast %get3A_1297 : i32 to index
    %get3A_1299 = arith.constant 240 : index
    %get3A_1300 = tpu.vector_load %arg5[%get3A_1298, %get3A_1299] {strides = array<i32>} : memref<4x256xi32, #tpu.memory_space<vmem>>, vector<1x16xi32>,
    %get3A_1301 = vector.shape_cast %get3A_1300 : vector<1x16xi32> to vector<16xi32>
    %slice3A_1302 = vector.extract_strided_slice %get3A_1301 {offsets = [15], sizes = [1], strides = [1]} : vector<16xi32> to vector<1xi32>
    %squeeze3A_1303 = vector.extract %slice3A_1302[0] : i32 from vector<1xi32>
    %add3A_1304 = arith.constant 224 : i32
    %add3A_1305 = arith.addi %mul3A_2, %add3A_1304 : i32
    %add3A_1306 = arith.constant 32 : i32
    %add3A_1307 = arith.addi %add3A_1305, %add3A_1306 : i32
    %add3A_1308 = arith.constant 1 : i32
    %add3A_1309 = arith.addi %add3A_1307, %add3A_1308 : i32
    %ne3A_1310 = arith.cmpi ne, %squeeze3A_1303, %add3A_1309 : i32
    %convert_element_type3A_1311 = arith.extui %ne3A_1310 : i1 to i32
    %cond3A_1312 = arith.constant 0 : i32
    %cond3A_1313 = arith.cmpi ne, %convert_element_type3A_1311, %cond3A_1312 : i32
    scf.if %cond3A_1313 {
      %dma_start3A_1348 = arith.constant 1 : i32
      %dma_start3A_1349 = arith.constant 224 : i32
      %dma_start3A_1350 = tpu.memref_slice %arg5[%dma_start3A_1348, %dma_start3A_1349] : memref<4x256xi32, #tpu.memory_space<vmem>> -> memref<1x32xi32, #tpu.memory_space<vmem>>
      %dma_start3A_1351 = tpu.memref_squeeze %dma_start3A_1350 : memref<1x32xi32, #tpu.memory_space<vmem>> -> memref<32xi32, #tpu.memory_space<vmem>>
      %dma_start3A_1352 = arith.constant 0 : i32
      %dma_start3A_1353 = arith.constant 0 : i32
      %dma_start3A_1354 = tpu.memref_slice %arg2[%dma_start3A_1352, %dma_start3A_1353] : memref<8194x1024xf32, #tpu.memory_space<hbm>> -> memref<8194x1024xf32, #tpu.memory_space<hbm>>
      tpu.enqueue_indirect_dma source(%dma_start3A_1354 : memref<8194x1024xf32, #tpu.memory_space<hbm>>) target(%arg7 : memref<32x1024xf32, #tpu.memory_space<vmem>>) offsets(%dma_start3A_1351 : memref<32xi32, #tpu.memory_space<vmem>>) semaphore(%arg13 : memref<!tpu.dma_semaphore, #tpu.memory_space<semaphore_mem>>)
      %dma_wait3A_1355 = arith.constant 1 : i32
      %dma_wait3A_1356 = arith.constant 224 : i32
      %dma_wait3A_1357 = tpu.memref_slice %arg5[%dma_wait3A_1355, %dma_wait3A_1356] : memref<4x256xi32, #tpu.memory_space<vmem>> -> memref<1x32xi32, #tpu.memory_space<vmem>>
      %dma_wait3A_1358 = tpu.memref_squeeze %dma_wait3A_1357 : memref<1x32xi32, #tpu.memory_space<vmem>> -> memref<32xi32, #tpu.memory_space<vmem>>
      %dma_wait3A_1359 = arith.constant 0 : i32
      %dma_wait3A_1360 = arith.constant 0 : i32
      %dma_wait3A_1361 = tpu.memref_slice %arg2[%dma_wait3A_1359, %dma_wait3A_1360] : memref<8194x1024xf32, #tpu.memory_space<hbm>> -> memref<8194x1024xf32, #tpu.memory_space<hbm>>
      tpu.wait_indirect_dma semaphore(%arg13 : memref<!tpu.dma_semaphore, #tpu.memory_space<semaphore_mem>>) src(%dma_wait3A_1361 : memref<8194x1024xf32, #tpu.memory_space<hbm>>) dst(%arg7 : memref<32x1024xf32, #tpu.memory_space<vmem>>)
      %add3A_1362 = arith.constant 8192 : i32
      %add3A_1363 = arith.addi %add3A_1362, %mul3A_2 : i32
      %add3A_1364 = arith.constant 224 : i32
      %add3A_1365 = arith.addi %add3A_1363, %add3A_1364 : i32
      "tpu.region"() ({
        %run_scoped3A_1366 = tpu.sem_alloc : memref<!tpu.dma_semaphore, #tpu.memory_space<semaphore_mem>>
        %dma_start3A_1367 = arith.constant 0 : i32
        %dma_start3A_1368 = tpu.memref_slice %arg4[%add3A_1365, %dma_start3A_1367] : memref<32768x1024xf32, #tpu.memory_space<hbm>> -> memref<32x1024xf32, #tpu.memory_space<hbm>>
        %dma_start3A_1369 = arith.constant 0 : i32
        %dma_start3A_1370 = tpu.memref_slice %arg4[%add3A_1365, %dma_start3A_1369] : memref<32768x1024xf32, #tpu.memory_space<hbm>> -> memref<32x1024xf32, #tpu.memory_space<hbm>>
        tpu.enqueue_dma source(%arg7 : memref<32x1024xf32, #tpu.memory_space<vmem>>) target(%dma_start3A_1370 : memref<32x1024xf32, #tpu.memory_space<hbm>>) target_semaphore(%run_scoped3A_1366 : memref<!tpu.dma_semaphore, #tpu.memory_space<semaphore_mem>>)
        %dma_wait3A_1371 = arith.constant 0 : i32
        %dma_wait3A_1372 = tpu.memref_slice %arg4[%add3A_1365, %dma_wait3A_1371] : memref<32768x1024xf32, #tpu.memory_space<hbm>> -> memref<32x1024xf32, #tpu.memory_space<hbm>>
        %dma_wait3A_1373 = arith.constant 0 : i32
        %dma_wait3A_1374 = tpu.memref_slice %arg4[%add3A_1365, %dma_wait3A_1373] : memref<32768x1024xf32, #tpu.memory_space<hbm>> -> memref<32x1024xf32, #tpu.memory_space<hbm>>
        tpu.wait_dma2 semaphore(%run_scoped3A_1366 : memref<!tpu.dma_semaphore, #tpu.memory_space<semaphore_mem>>) src(%arg7 : memref<32x1024xf32, #tpu.memory_space<vmem>>) dst(%dma_wait3A_1374 : memref<32x1024xf32, #tpu.memory_space<hbm>>)
        tpu.yield
      }) : () -> ()
    } else {
    }
    %get3A_1314 = arith.constant 2 : i32
    %get3A_1315 = arith.index_cast %get3A_1314 : i32 to index
    %get3A_1316 = arith.constant 240 : index
    %get3A_1317 = tpu.vector_load %arg5[%get3A_1315, %get3A_1316] {strides = array<i32>} : memref<4x256xi32, #tpu.memory_space<vmem>>, vector<1x16xi32>,
    %get3A_1318 = vector.shape_cast %get3A_1317 : vector<1x16xi32> to vector<16xi32>
    %slice3A_1319 = vector.extract_strided_slice %get3A_1318 {offsets = [15], sizes = [1], strides = [1]} : vector<16xi32> to vector<1xi32>
    %squeeze3A_1320 = vector.extract %slice3A_1319[0] : i32 from vector<1xi32>
    %add3A_1321 = arith.constant 224 : i32
    %add3A_1322 = arith.addi %mul3A_2, %add3A_1321 : i32
    %add3A_1323 = arith.constant 32 : i32
    %add3A_1324 = arith.addi %add3A_1322, %add3A_1323 : i32
    %add3A_1325 = arith.constant 1 : i32
    %add3A_1326 = arith.addi %add3A_1324, %add3A_1325 : i32
    %ne3A_1327 = arith.cmpi ne, %squeeze3A_1320, %add3A_1326 : i32
    %convert_element_type3A_1328 = arith.extui %ne3A_1327 : i1 to i32
    %cond3A_1329 = arith.constant 0 : i32
    %cond3A_1330 = arith.cmpi ne, %convert_element_type3A_1328, %cond3A_1329 : i32
    scf.if %cond3A_1330 {
      %dma_start3A_1348 = arith.constant 2 : i32
      %dma_start3A_1349 = arith.constant 224 : i32
      %dma_start3A_1350 = tpu.memref_slice %arg5[%dma_start3A_1348, %dma_start3A_1349] : memref<4x256xi32, #tpu.memory_space<vmem>> -> memref<1x32xi32, #tpu.memory_space<vmem>>
      %dma_start3A_1351 = tpu.memref_squeeze %dma_start3A_1350 : memref<1x32xi32, #tpu.memory_space<vmem>> -> memref<32xi32, #tpu.memory_space<vmem>>
      %dma_start3A_1352 = arith.constant 0 : i32
      %dma_start3A_1353 = arith.constant 0 : i32
      %dma_start3A_1354 = tpu.memref_slice %arg2[%dma_start3A_1352, %dma_start3A_1353] : memref<8194x1024xf32, #tpu.memory_space<hbm>> -> memref<8194x1024xf32, #tpu.memory_space<hbm>>
      tpu.enqueue_indirect_dma source(%dma_start3A_1354 : memref<8194x1024xf32, #tpu.memory_space<hbm>>) target(%arg7 : memref<32x1024xf32, #tpu.memory_space<vmem>>) offsets(%dma_start3A_1351 : memref<32xi32, #tpu.memory_space<vmem>>) semaphore(%arg13 : memref<!tpu.dma_semaphore, #tpu.memory_space<semaphore_mem>>)
      %dma_wait3A_1355 = arith.constant 2 : i32
      %dma_wait3A_1356 = arith.constant 224 : i32
      %dma_wait3A_1357 = tpu.memref_slice %arg5[%dma_wait3A_1355, %dma_wait3A_1356] : memref<4x256xi32, #tpu.memory_space<vmem>> -> memref<1x32xi32, #tpu.memory_space<vmem>>
      %dma_wait3A_1358 = tpu.memref_squeeze %dma_wait3A_1357 : memref<1x32xi32, #tpu.memory_space<vmem>> -> memref<32xi32, #tpu.memory_space<vmem>>
      %dma_wait3A_1359 = arith.constant 0 : i32
      %dma_wait3A_1360 = arith.constant 0 : i32
      %dma_wait3A_1361 = tpu.memref_slice %arg2[%dma_wait3A_1359, %dma_wait3A_1360] : memref<8194x1024xf32, #tpu.memory_space<hbm>> -> memref<8194x1024xf32, #tpu.memory_space<hbm>>
      tpu.wait_indirect_dma semaphore(%arg13 : memref<!tpu.dma_semaphore, #tpu.memory_space<semaphore_mem>>) src(%dma_wait3A_1361 : memref<8194x1024xf32, #tpu.memory_space<hbm>>) dst(%arg7 : memref<32x1024xf32, #tpu.memory_space<vmem>>)
      %add3A_1362 = arith.constant 16384 : i32
      %add3A_1363 = arith.addi %add3A_1362, %mul3A_2 : i32
      %add3A_1364 = arith.constant 224 : i32
      %add3A_1365 = arith.addi %add3A_1363, %add3A_1364 : i32
      "tpu.region"() ({
        %run_scoped3A_1366 = tpu.sem_alloc : memref<!tpu.dma_semaphore, #tpu.memory_space<semaphore_mem>>
        %dma_start3A_1367 = arith.constant 0 : i32
        %dma_start3A_1368 = tpu.memref_slice %arg4[%add3A_1365, %dma_start3A_1367] : memref<32768x1024xf32, #tpu.memory_space<hbm>> -> memref<32x1024xf32, #tpu.memory_space<hbm>>
        %dma_start3A_1369 = arith.constant 0 : i32
        %dma_start3A_1370 = tpu.memref_slice %arg4[%add3A_1365, %dma_start3A_1369] : memref<32768x1024xf32, #tpu.memory_space<hbm>> -> memref<32x1024xf32, #tpu.memory_space<hbm>>
        tpu.enqueue_dma source(%arg7 : memref<32x1024xf32, #tpu.memory_space<vmem>>) target(%dma_start3A_1370 : memref<32x1024xf32, #tpu.memory_space<hbm>>) target_semaphore(%run_scoped3A_1366 : memref<!tpu.dma_semaphore, #tpu.memory_space<semaphore_mem>>)
        %dma_wait3A_1371 = arith.constant 0 : i32
        %dma_wait3A_1372 = tpu.memref_slice %arg4[%add3A_1365, %dma_wait3A_1371] : memref<32768x1024xf32, #tpu.memory_space<hbm>> -> memref<32x1024xf32, #tpu.memory_space<hbm>>
        %dma_wait3A_1373 = arith.constant 0 : i32
        %dma_wait3A_1374 = tpu.memref_slice %arg4[%add3A_1365, %dma_wait3A_1373] : memref<32768x1024xf32, #tpu.memory_space<hbm>> -> memref<32x1024xf32, #tpu.memory_space<hbm>>
        tpu.wait_dma2 semaphore(%run_scoped3A_1366 : memref<!tpu.dma_semaphore, #tpu.memory_space<semaphore_mem>>) src(%arg7 : memref<32x1024xf32, #tpu.memory_space<vmem>>) dst(%dma_wait3A_1374 : memref<32x1024xf32, #tpu.memory_space<hbm>>)
        tpu.yield
      }) : () -> ()
    } else {
    }
    %get3A_1331 = arith.constant 3 : i32
    %get3A_1332 = arith.index_cast %get3A_1331 : i32 to index
    %get3A_1333 = arith.constant 240 : index
    %get3A_1334 = tpu.vector_load %arg5[%get3A_1332, %get3A_1333] {strides = array<i32>} : memref<4x256xi32, #tpu.memory_space<vmem>>, vector<1x16xi32>,
    %get3A_1335 = vector.shape_cast %get3A_1334 : vector<1x16xi32> to vector<16xi32>
    %slice3A_1336 = vector.extract_strided_slice %get3A_1335 {offsets = [15], sizes = [1], strides = [1]} : vector<16xi32> to vector<1xi32>
    %squeeze3A_1337 = vector.extract %slice3A_1336[0] : i32 from vector<1xi32>
    %add3A_1338 = arith.constant 224 : i32
    %add3A_1339 = arith.addi %mul3A_2, %add3A_1338 : i32
    %add3A_1340 = arith.constant 32 : i32
    %add3A_1341 = arith.addi %add3A_1339, %add3A_1340 : i32
    %add3A_1342 = arith.constant 1 : i32
    %add3A_1343 = arith.addi %add3A_1341, %add3A_1342 : i32
    %ne3A_1344 = arith.cmpi ne, %squeeze3A_1337, %add3A_1343 : i32
    %convert_element_type3A_1345 = arith.extui %ne3A_1344 : i1 to i32
    %cond3A_1346 = arith.constant 0 : i32
    %cond3A_1347 = arith.cmpi ne, %convert_element_type3A_1345, %cond3A_1346 : i32
    scf.if %cond3A_1347 {
      %dma_start3A_1348 = arith.constant 3 : i32
      %dma_start3A_1349 = arith.constant 224 : i32
      %dma_start3A_1350 = tpu.memref_slice %arg5[%dma_start3A_1348, %dma_start3A_1349] : memref<4x256xi32, #tpu.memory_space<vmem>> -> memref<1x32xi32, #tpu.memory_space<vmem>>
      %dma_start3A_1351 = tpu.memref_squeeze %dma_start3A_1350 : memref<1x32xi32, #tpu.memory_space<vmem>> -> memref<32xi32, #tpu.memory_space<vmem>>
      %dma_start3A_1352 = arith.constant 0 : i32
      %dma_start3A_1353 = arith.constant 0 : i32
      %dma_start3A_1354 = tpu.memref_slice %arg2[%dma_start3A_1352, %dma_start3A_1353] : memref<8194x1024xf32, #tpu.memory_space<hbm>> -> memref<8194x1024xf32, #tpu.memory_space<hbm>>
      tpu.enqueue_indirect_dma source(%dma_start3A_1354 : memref<8194x1024xf32, #tpu.memory_space<hbm>>) target(%arg7 : memref<32x1024xf32, #tpu.memory_space<vmem>>) offsets(%dma_start3A_1351 : memref<32xi32, #tpu.memory_space<vmem>>) semaphore(%arg13 : memref<!tpu.dma_semaphore, #tpu.memory_space<semaphore_mem>>)
      %dma_wait3A_1355 = arith.constant 3 : i32
      %dma_wait3A_1356 = arith.constant 224 : i32
      %dma_wait3A_1357 = tpu.memref_slice %arg5[%dma_wait3A_1355, %dma_wait3A_1356] : memref<4x256xi32, #tpu.memory_space<vmem>> -> memref<1x32xi32, #tpu.memory_space<vmem>>
      %dma_wait3A_1358 = tpu.memref_squeeze %dma_wait3A_1357 : memref<1x32xi32, #tpu.memory_space<vmem>> -> memref<32xi32, #tpu.memory_space<vmem>>
      %dma_wait3A_1359 = arith.constant 0 : i32
      %dma_wait3A_1360 = arith.constant 0 : i32
      %dma_wait3A_1361 = tpu.memref_slice %arg2[%dma_wait3A_1359, %dma_wait3A_1360] : memref<8194x1024xf32, #tpu.memory_space<hbm>> -> memref<8194x1024xf32, #tpu.memory_space<hbm>>
      tpu.wait_indirect_dma semaphore(%arg13 : memref<!tpu.dma_semaphore, #tpu.memory_space<semaphore_mem>>) src(%dma_wait3A_1361 : memref<8194x1024xf32, #tpu.memory_space<hbm>>) dst(%arg7 : memref<32x1024xf32, #tpu.memory_space<vmem>>)
      %add3A_1362 = arith.constant 24576 : i32
      %add3A_1363 = arith.addi %add3A_1362, %mul3A_2 : i32
      %add3A_1364 = arith.constant 224 : i32
      %add3A_1365 = arith.addi %add3A_1363, %add3A_1364 : i32
      "tpu.region"() ({
        %run_scoped3A_1366 = tpu.sem_alloc : memref<!tpu.dma_semaphore, #tpu.memory_space<semaphore_mem>>
        %dma_start3A_1367 = arith.constant 0 : i32
        %dma_start3A_1368 = tpu.memref_slice %arg4[%add3A_1365, %dma_start3A_1367] : memref<32768x1024xf32, #tpu.memory_space<hbm>> -> memref<32x1024xf32, #tpu.memory_space<hbm>>
        %dma_start3A_1369 = arith.constant 0 : i32
        %dma_start3A_1370 = tpu.memref_slice %arg4[%add3A_1365, %dma_start3A_1369] : memref<32768x1024xf32, #tpu.memory_space<hbm>> -> memref<32x1024xf32, #tpu.memory_space<hbm>>
        tpu.enqueue_dma source(%arg7 : memref<32x1024xf32, #tpu.memory_space<vmem>>) target(%dma_start3A_1370 : memref<32x1024xf32, #tpu.memory_space<hbm>>) target_semaphore(%run_scoped3A_1366 : memref<!tpu.dma_semaphore, #tpu.memory_space<semaphore_mem>>)
        %dma_wait3A_1371 = arith.constant 0 : i32
        %dma_wait3A_1372 = tpu.memref_slice %arg4[%add3A_1365, %dma_wait3A_1371] : memref<32768x1024xf32, #tpu.memory_space<hbm>> -> memref<32x1024xf32, #tpu.memory_space<hbm>>
        %dma_wait3A_1373 = arith.constant 0 : i32
        %dma_wait3A_1374 = tpu.memref_slice %arg4[%add3A_1365, %dma_wait3A_1373] : memref<32768x1024xf32, #tpu.memory_space<hbm>> -> memref<32x1024xf32, #tpu.memory_space<hbm>>
        tpu.wait_dma2 semaphore(%run_scoped3A_1366 : memref<!tpu.dma_semaphore, #tpu.memory_space<semaphore_mem>>) src(%arg7 : memref<32x1024xf32, #tpu.memory_space<vmem>>) dst(%dma_wait3A_1374 : memref<32x1024xf32, #tpu.memory_space<hbm>>)
        tpu.yield
      }) : () -> ()
    } else {
    }
    return
  }
}

module attributes {stable_mosaic.version = 14 : i64} {
  func.func @_positions_body(%arg0: memref<4x8192xi32, #tpu.memory_space<vmem>>, %arg1: memref<4x8192xi32, #tpu.memory_space<vmem>>) attributes {dimension_semantics = [], scalar_prefetch = 0 : i64, scratch_operands = 0 : i64, tpu.core_type = #tpu.core_type<tc>} {
    %get3A = arith.constant 0 : index
    %get3A_0 = arith.constant 0 : index
    %get3A_1 = vector.load %arg0[%get3A, %get3A_0] : memref<4x8192xi32, #tpu.memory_space<vmem>>, vector<4x8192xi32>
    %ne3A = arith.constant 1 : i32
    %ne3A_2 = vector.broadcast %ne3A : i32 to vector<4x8192xi32>
    %ne3A_3 = arith.cmpi ne, %get3A_1, %ne3A_2 : vector<4x8192xi32>
    %convert_element_type3A = arith.extui %ne3A_3 : vector<4x8192xi1> to vector<4x8192xi32>
    %broadcast_in_dim3A = arith.constant 0 : i32
    %broadcast_in_dim3A_4 = vector.broadcast %broadcast_in_dim3A : i32 to vector<4x1xi32>
    %slice3A = vector.extract_strided_slice %convert_element_type3A {offsets = [0, 0], sizes = [4, 8191], strides = [1, 1]} : vector<4x8192xi32> to vector<4x8191xi32>
    %concatenate3A = tpu.concatenate %broadcast_in_dim3A_4, %slice3A in 1 : vector<4x1xi32>, vector<4x8191xi32> -> vector<4x8192xi32>
    %add3A = arith.addi %convert_element_type3A, %concatenate3A : vector<4x8192xi32>
    %broadcast_in_dim3A_5 = arith.constant 0 : i32
    %broadcast_in_dim3A_6 = vector.broadcast %broadcast_in_dim3A_5 : i32 to vector<4x2xi32>
    %slice3A_7 = vector.extract_strided_slice %add3A {offsets = [0, 0], sizes = [4, 8190], strides = [1, 1]} : vector<4x8192xi32> to vector<4x8190xi32>
    %concatenate3A_8 = tpu.concatenate %broadcast_in_dim3A_6, %slice3A_7 in 1 : vector<4x2xi32>, vector<4x8190xi32> -> vector<4x8192xi32>
    %add3A_9 = arith.addi %add3A, %concatenate3A_8 : vector<4x8192xi32>
    %broadcast_in_dim3A_10 = arith.constant 0 : i32
    %broadcast_in_dim3A_11 = vector.broadcast %broadcast_in_dim3A_10 : i32 to vector<4x4xi32>
    %slice3A_12 = vector.extract_strided_slice %add3A_9 {offsets = [0, 0], sizes = [4, 8188], strides = [1, 1]} : vector<4x8192xi32> to vector<4x8188xi32>
    %concatenate3A_13 = tpu.concatenate %broadcast_in_dim3A_11, %slice3A_12 in 1 : vector<4x4xi32>, vector<4x8188xi32> -> vector<4x8192xi32>
    %add3A_14 = arith.addi %add3A_9, %concatenate3A_13 : vector<4x8192xi32>
    %broadcast_in_dim3A_15 = arith.constant 0 : i32
    %broadcast_in_dim3A_16 = vector.broadcast %broadcast_in_dim3A_15 : i32 to vector<4x8xi32>
    %slice3A_17 = vector.extract_strided_slice %add3A_14 {offsets = [0, 0], sizes = [4, 8184], strides = [1, 1]} : vector<4x8192xi32> to vector<4x8184xi32>
    %concatenate3A_18 = tpu.concatenate %broadcast_in_dim3A_16, %slice3A_17 in 1 : vector<4x8xi32>, vector<4x8184xi32> -> vector<4x8192xi32>
    %add3A_19 = arith.addi %add3A_14, %concatenate3A_18 : vector<4x8192xi32>
    %broadcast_in_dim3A_20 = arith.constant 0 : i32
    %broadcast_in_dim3A_21 = vector.broadcast %broadcast_in_dim3A_20 : i32 to vector<4x16xi32>
    %slice3A_22 = vector.extract_strided_slice %add3A_19 {offsets = [0, 0], sizes = [4, 8176], strides = [1, 1]} : vector<4x8192xi32> to vector<4x8176xi32>
    %concatenate3A_23 = tpu.concatenate %broadcast_in_dim3A_21, %slice3A_22 in 1 : vector<4x16xi32>, vector<4x8176xi32> -> vector<4x8192xi32>
    %add3A_24 = arith.addi %add3A_19, %concatenate3A_23 : vector<4x8192xi32>
    %broadcast_in_dim3A_25 = arith.constant 0 : i32
    %broadcast_in_dim3A_26 = vector.broadcast %broadcast_in_dim3A_25 : i32 to vector<4x32xi32>
    %slice3A_27 = vector.extract_strided_slice %add3A_24 {offsets = [0, 0], sizes = [4, 8160], strides = [1, 1]} : vector<4x8192xi32> to vector<4x8160xi32>
    %concatenate3A_28 = tpu.concatenate %broadcast_in_dim3A_26, %slice3A_27 in 1 : vector<4x32xi32>, vector<4x8160xi32> -> vector<4x8192xi32>
    %add3A_29 = arith.addi %add3A_24, %concatenate3A_28 : vector<4x8192xi32>
    %broadcast_in_dim3A_30 = arith.constant 0 : i32
    %broadcast_in_dim3A_31 = vector.broadcast %broadcast_in_dim3A_30 : i32 to vector<4x64xi32>
    %slice3A_32 = vector.extract_strided_slice %add3A_29 {offsets = [0, 0], sizes = [4, 8128], strides = [1, 1]} : vector<4x8192xi32> to vector<4x8128xi32>
    %concatenate3A_33 = tpu.concatenate %broadcast_in_dim3A_31, %slice3A_32 in 1 : vector<4x64xi32>, vector<4x8128xi32> -> vector<4x8192xi32>
    %add3A_34 = arith.addi %add3A_29, %concatenate3A_33 : vector<4x8192xi32>
    %broadcast_in_dim3A_35 = arith.constant 0 : i32
    %broadcast_in_dim3A_36 = vector.broadcast %broadcast_in_dim3A_35 : i32 to vector<4x128xi32>
    %slice3A_37 = vector.extract_strided_slice %add3A_34 {offsets = [0, 0], sizes = [4, 8064], strides = [1, 1]} : vector<4x8192xi32> to vector<4x8064xi32>
    %concatenate3A_38 = tpu.concatenate %broadcast_in_dim3A_36, %slice3A_37 in 1 : vector<4x128xi32>, vector<4x8064xi32> -> vector<4x8192xi32>
    %add3A_39 = arith.addi %add3A_34, %concatenate3A_38 : vector<4x8192xi32>
    %broadcast_in_dim3A_40 = arith.constant 0 : i32
    %broadcast_in_dim3A_41 = vector.broadcast %broadcast_in_dim3A_40 : i32 to vector<4x256xi32>
    %slice3A_42 = vector.extract_strided_slice %add3A_39 {offsets = [0, 0], sizes = [4, 7936], strides = [1, 1]} : vector<4x8192xi32> to vector<4x7936xi32>
    %concatenate3A_43 = tpu.concatenate %broadcast_in_dim3A_41, %slice3A_42 in 1 : vector<4x256xi32>, vector<4x7936xi32> -> vector<4x8192xi32>
    %add3A_44 = arith.addi %add3A_39, %concatenate3A_43 : vector<4x8192xi32>
    %broadcast_in_dim3A_45 = arith.constant 0 : i32
    %broadcast_in_dim3A_46 = vector.broadcast %broadcast_in_dim3A_45 : i32 to vector<4x512xi32>
    %slice3A_47 = vector.extract_strided_slice %add3A_44 {offsets = [0, 0], sizes = [4, 7680], strides = [1, 1]} : vector<4x8192xi32> to vector<4x7680xi32>
    %concatenate3A_48 = tpu.concatenate %broadcast_in_dim3A_46, %slice3A_47 in 1 : vector<4x512xi32>, vector<4x7680xi32> -> vector<4x8192xi32>
    %add3A_49 = arith.addi %add3A_44, %concatenate3A_48 : vector<4x8192xi32>
    %broadcast_in_dim3A_50 = arith.constant 0 : i32
    %broadcast_in_dim3A_51 = vector.broadcast %broadcast_in_dim3A_50 : i32 to vector<4x1024xi32>
    %slice3A_52 = vector.extract_strided_slice %add3A_49 {offsets = [0, 0], sizes = [4, 7168], strides = [1, 1]} : vector<4x8192xi32> to vector<4x7168xi32>
    %concatenate3A_53 = tpu.concatenate %broadcast_in_dim3A_51, %slice3A_52 in 1 : vector<4x1024xi32>, vector<4x7168xi32> -> vector<4x8192xi32>
    %add3A_54 = arith.addi %add3A_49, %concatenate3A_53 : vector<4x8192xi32>
    %broadcast_in_dim3A_55 = arith.constant 0 : i32
    %broadcast_in_dim3A_56 = vector.broadcast %broadcast_in_dim3A_55 : i32 to vector<4x2048xi32>
    %slice3A_57 = vector.extract_strided_slice %add3A_54 {offsets = [0, 0], sizes = [4, 6144], strides = [1, 1]} : vector<4x8192xi32> to vector<4x6144xi32>
    %concatenate3A_58 = tpu.concatenate %broadcast_in_dim3A_56, %slice3A_57 in 1 : vector<4x2048xi32>, vector<4x6144xi32> -> vector<4x8192xi32>
    %add3A_59 = arith.addi %add3A_54, %concatenate3A_58 : vector<4x8192xi32>
    %broadcast_in_dim3A_60 = arith.constant 0 : i32
    %broadcast_in_dim3A_61 = vector.broadcast %broadcast_in_dim3A_60 : i32 to vector<4x4096xi32>
    %slice3A_62 = vector.extract_strided_slice %add3A_59 {offsets = [0, 0], sizes = [4, 4096], strides = [1, 1]} : vector<4x8192xi32> to vector<4x4096xi32>
    %concatenate3A_63 = tpu.concatenate %broadcast_in_dim3A_61, %slice3A_62 in 1 : vector<4x4096xi32>, vector<4x4096xi32> -> vector<4x8192xi32>
    %add3A_64 = arith.addi %add3A_59, %concatenate3A_63 : vector<4x8192xi32>
    %mul3A = arith.muli %add3A_64, %convert_element_type3A : vector<4x8192xi32>
    %add3A_65 = arith.constant 1 : i32
    %add3A_66 = vector.broadcast %add3A_65 : i32 to vector<4x8192xi32>
    %add3A_67 = arith.addi %mul3A, %add3A_66 : vector<4x8192xi32>
    %swap3A = arith.constant 0 : index
    %swap3A_68 = arith.constant 0 : index
    %swap3A_69 = vector.load %arg1[%swap3A, %swap3A_68] : memref<4x8192xi32, #tpu.memory_space<vmem>>, vector<4x8192xi32>
    tpu.vector_store %arg1[%swap3A, %swap3A_68], %add3A_67 {strides = array<i32>} : memref<4x8192xi32, #tpu.memory_space<vmem>>, vector<4x8192xi32>,
    return
  }
}

</mosaic_0001>

<sc_bundles>
// kernel: kernel.4.cloned.1.call-start
scs
__scs_entry_jumppad:
0x0: {  	(pc) =	sbr.rel $0x88, $3  }
0x1: {  	(tag) =	ssettag $0x0;
	lr =	simm.s32 $0x1  }
0x2: {  	[smem:$0x3F9F] =	sst lr;
	_ =	strace $0xD0000000  }
0x3: {  	_ = 	snop  }
0x4: {  	_ = 	snop  }
0x5: {  	_ = 	snop  }
0x6: {  	_ = 	snop  }
0x7: {  	_ = 	snop  }
__scs_overlays_trampoline_lowered:
0x8: {  	[smem:$0x3FAE] =	sst s0  }
0x9: {  	[smem:$0x3FAF] =	sst s1  }
0xa: {  	[smem:$0x3FB0] =	sst s2  }
0xb: {  	[smem:$0x3FB1] =	sst s3  }
0xc: {  	[smem:$0x3FB2] =	sst s4  }
0xd: {  	[smem:$0x3FB3] =	sst s5  }
0xe: {  	[smem:$0x3FB4] =	sst s6  }
0xf: {  	[smem:$0x3FB5] =	sst s7  }
0x10: {  	[smem:$0x3FB6] =	sst s8  }
0x11: {  	[smem:$0x3FB7] =	sst s9;
	s0 =	simm.s32 @!p0 $0x0  }
0x12: {  	s1 =	sld [smem:$0x3F9D];
	s0 =	simm.s32 @p0 $0x1  }
0x13: {  	[smem:$0x3FB8] =	sst s0;
	s0 =	simm.s32 @!p1 $0x0  }
0x14: {  	s2 =	sld [smem:$0x3F9C];
	s0 =	simm.s32 @p1 $0x1  }
0x15: {  	[smem:$0x3FB9] =	sst s0;
	s0 =	simm.s32 @!p2 $0x0  }
0x16: {  	s3 =	sld [smem:$0x3FDB];
	s0 =	simm.s32 @p2 $0x1  }
0x17: {  	s4 =	simm.s32 $0x1BF5;
	[smem:$0x3FBB] =	sst s0  }
0x18: {  	s0 =	sld [smem:$0x3F9E];
	_ =	swait.ge [sflag:s4], $0x0  }
0x19: {  	s7 =	sld [smem:$0x3F9F]  }
0x1a: {  	s8 =	sadd.s32 $0xFFFFE003, lr  }
0x1b: {  	s9 =	sadd.s32 $0xFFFFFEF7, lr;
	s5 =	simm.s32 $0xFFFFFFFF;
	p2 =	slt.u32 s8, $0xFFFFF086  }
0x1c: {  	p1 =	slt.u32 s9, $0xF7A;
	s5 =	simm.s32 @!p2 $0x0  }
0x1d: {  	s5 =	simm.s32 @p1 $0x1;
	p0 =	seq.s32 s7, s2  }
0x1e: {  	s7 =	smul.u32 @!p0 $0xF7A, s2;
	p2 =	seq.s32 @!p0 s5, $0x0  }
0x1f: {  	s9 =	smul.u32 $0xF7A, s1;
	s8 =	simm.s32 @!p0 $0x1BF5;
	p2 =	por !p2, p0  }
0x20: {  	[sflag:s8] =	ssyncset.s32 @!p0 $0xFFFFF086;
	s6 =	sadd.s32 @!p0 s3, s7;
	s7 =	simm.s32 @!p0 $0x108  }
0x21: {  	s3 =	sadd.s32 s3, s9;
	s6 =	sadd.s32 @!p0 $0x88, s6;
	s7 =	simm.s32 @p2 $0x1082  }
0x22: {  	[simem:s7], [sflag:s8] =	dma.local @!p0 [hbm:s6], $0xF7A  }
0x23: {  	s9 =	sor.u32 $0xD0000000, s2;
	s6 =	simm.s32 $0x108;
	_ =	swait.ge @!p0 [sflag:s8], $0x0  }
0x24: {  	s3 =	sadd.s32 $0x88, s3;
	s6 =	simm.s32 @!p1 $0x1082;
	[sflag:s4] =	ssyncset.s32 $0xFFFFF086  }
0x25: {  	[simem:s6], [sflag:s4] =	dma.local [hbm:s3], $0xF7A  }
0x26: {  	[smem:$0x3F9F] =	sst s1;
	(tag) =	ssettag s2;
	_ =	strace s9  }
0x27: {  	s1 =	sld [smem:$0x3FAF]  }
0x28: {  	s2 =	sld [smem:$0x3FB0]  }
0x29: {  	s4 =	sld [smem:$0x3FB2]  }
0x2a: {  	p0 =	seq.s32 s5, $0x0;
	s5 =	sld [smem:$0x3FB3]  }
0x2b: {  	s6 =	sld [smem:$0x3FB4]  }
0x2c: {  	s7 =	sld [smem:$0x3FB5]  }
0x2d: {  	s3 =	simm.s32 $0x108;
	s8 =	sld [smem:$0x3FB6]  }
0x2e: {  	s3 =	simm.s32 @!p0 $0x1082;
	s9 =	sld [smem:$0x3FB7]  }
0x2f: {  	lr =	sadd.s32 s0, s3;
	s0 =	sld [smem:$0x3FAE]  }
0x30: {  	s3 =	sld [smem:$0x3FB1]  }
0x31: {  	[smem:$0x3FBA] =	sst s10  }
0x32: {  	s10 =	sld [smem:$0x3FB8];
	_ =	sdelay $0x3  }
0x33: {  	p0 =	seq.s32 s10, $0x1;
	s10 =	sld [smem:$0x3FBA];
	_ =	sdelay $0x3  }
0x34: {  	[smem:$0x3FBA] =	sst s10  }
0x35: {  	s10 =	sld [smem:$0x3FB9];
	_ =	sdelay $0x3  }
0x36: {  	p1 =	seq.s32 s10, $0x1;
	s10 =	sld [smem:$0x3FBA];
	_ =	sdelay $0x3  }
0x37: {  	[smem:$0x3FBA] =	sst s10  }
0x38: {  	s10 =	sld [smem:$0x3FBB]  }
0x39: {  	_ = 	snop;
	(pc) =	sbr.ind lr, $3  }
0x3a: {  	_ = 	snop  }
0x3b: {  	_ = 	snop  }
0x3c: {  	p2 =	seq.s32 s10, $0x1;
	s10 =	sld [smem:$0x3FBA]  }
0x3d: {  	_ =	shalt  }
0x3e: {  	_ =	shalt  }
0x3f: {  	_ =	shalt  }
0x40: {  	_ =	shalt  }
0x41: {  	_ =	shalt  }
0x42: {  	_ =	shalt  }
0x43: {  	_ =	shalt  }
0x44: {  	_ =	shalt  }
0x45: {  	_ =	shalt  }
0x46: {  	_ =	shalt  }
0x47: {  	_ =	shalt  }
0x48: {  	_ =	shalt  }
0x49: {  	_ =	shalt  }
0x4a: {  	_ =	shalt  }
0x4b: {  	_ =	shalt  }
0x4c: {  	_ =	shalt  }
0x4d: {  	_ =	shalt  }
0x4e: {  	_ =	shalt  }
0x4f: {  	_ =	shalt  }
0x50: {  	_ =	shalt  }
0x51: {  	_ =	shalt  }
0x52: {  	_ =	shalt  }
0x53: {  	_ =	shalt  }
0x54: {  	_ =	shalt  }
0x55: {  	_ =	shalt  }
0x56: {  	_ =	shalt  }
0x57: {  	_ =	shalt  }
0x58: {  	_ =	shalt  }
0x59: {  	_ =	shalt  }
0x5a: {  	_ =	shalt  }
0x5b: {  	_ =	shalt  }
0x5c: {  	_ =	shalt  }
0x5d: {  	_ =	shalt  }
0x5e: {  	_ =	shalt  }
0x5f: {  	_ =	shalt  }
0x60: {  	_ =	shalt  }
0x61: {  	_ =	shalt  }
0x62: {  	_ =	shalt  }
0x63: {  	_ =	shalt  }
0x64: {  	_ =	shalt  }
0x65: {  	_ =	shalt  }
0x66: {  	_ =	shalt  }
0x67: {  	_ =	shalt  }
0x68: {  	_ =	shalt  }
0x69: {  	_ =	shalt  }
0x6a: {  	_ =	shalt  }
0x6b: {  	_ =	shalt  }
0x6c: {  	_ =	shalt  }
0x6d: {  	_ =	shalt  }
0x6e: {  	_ =	shalt  }
0x6f: {  	_ =	shalt  }
0x70: {  	_ =	shalt  }
0x71: {  	_ =	shalt  }
0x72: {  	_ =	shalt  }
0x73: {  	_ =	shalt  }
0x74: {  	_ =	shalt  }
0x75: {  	_ =	shalt  }
0x76: {  	_ =	shalt  }
0x77: {  	_ =	shalt  }
0x78: {  	_ =	shalt  }
0x79: {  	_ =	shalt  }
0x7a: {  	_ =	shalt  }
0x7b: {  	_ =	shalt  }
0x7c: {  	_ =	shalt  }
0x7d: {  	_ =	shalt  }
0x7e: {  	_ =	shalt  }
0x7f: {  	_ =	shalt  }
0x80: {  	_ =	shalt  }
0x81: {  	_ =	shalt  }
0x82: {  	_ =	shalt  }
0x83: {  	_ =	shalt  }
0x84: {  	_ =	shalt  }
0x85: {  	_ =	shalt  }
0x86: {  	_ =	shalt  }
0x87: {  	_ =	shalt  }
.Lfunc_end0:
.L_simem_size_0:
called_computation_lowered:
.L_overlay_start_0:
0x88: {  	s2 =	sld [smem:$0x3FD9]  }
0x89: {  	s3 =	sld [smem:$0x3FFE];
	_ =	sdelay $0x1  }
0x8a: {  	s1 =	srdreg.scid  }
0x8b: {  	s0 =	sand.u32 $0x1, s1  }
0x8c: {  	s17 =	sshll.u32 s0, $0xA;
	s2 =	sadd.s32 s3, s2  }
0x8d: {  	s2 =	sadd.s32 s2, s17  }
0x8e: {  	[smem:$0x3FC6] =	sst s2  }
0x8f: {  	_ = 	snop  }
0x90: {  	s2 =	sld [smem:$0x3FC8]  }
0x91: {  	s18 =	sld [smem:$0x3FD0];
	(tm) =	ssettm $0x1  }
0x92: {  	s4 =	sld [smem:$0x3FFB];
	_ =	sdelay $0x3  }
0x93: {  	_ =	strace s4  }
0x94: {  	s4 =	sld [smem:$0x3FFC];
	_ =	sdelay $0x3  }
0x95: {  	_ =	strace s4  }
0x96: {  	s4 =	sld [smem:$0x3FFD];
	_ =	sdelay $0x3  }
0x97: {  	_ =	strace s4  }
0x98: {  	_ =	strace $0x8FFFFFFF  }
0x99: {  	s19 =	sld [smem:$0x3FDB];
	_ =	sdelay $0x1  }
0x9a: {  	s5 =	simm.s32 $_scs_section_size  }
0x9b: {  	s6 =	simm.s32 $_size__tile_overlayer_lowered;
	s7 =	simm.s32 $_tile_overlayer_lowered  }
0x9c: {  	s22 =	simm.s32 $0x1BFF;
	s21 =	sshll.u32 s7, $0x1;
	s4 =	sadd.s32 s5, s19  }
0x9d: {  	s8 =	simm.s32 $0x0;
	s20 =	sshll.u32 s6, $0x1;
	s6 =	sadd.s32 s21, s4  }
0x9e: {  	[timem:s8], [sflag:s22] =	dma.local [hbm:s6], s20  }
0x9f: {  	_ =	swait.ge [sflag:s22], s20  }
0xa0: {  	s5 =	ssub.s32 $0x0, s20;
	[sflag:s22] =	ssyncset.done $0x0  }
0xa1: {  	[sflag:s22] =	ssyncadd.s32 s5;
	_ =	sdelay $0x1  }
0xa2: {  	s23 =	simm.s32 $0x1B8B  }
0xa3: {  	_ =	swait.ge [sflag:s23], $0x1  }
0xa4: {  	[sflag:s23] =	ssyncset.done $0x0  }
0xa5: {  	s25 =	simm.s32 $0x1B8E;
	s24 =	sld [smem:$0x3FFE];
	[sflag:s23] =	ssyncadd.s32 $0xFFFFFFFF  }
0xa6: {  	s26 =	simm.s32 $execute0_lowered;
	[smem:$0x3FD2] =	sst s25  }
0xa7: {  	s6 =	sshll.u32 s26, $0x1;
	_ =	strace $0x80000046;
	[dreg:$0x1] =	wrdreg $0xFFFFFFFF  }
0xa8: {  	s28 =	simm.s32 $_size_execute0_lowered;
	s4 =	sadd.s32 s4, s6;
	[dreg:$0x0] =	wrdreg $0x0  }
0xa9: {  	s6 =	sshll.u32 s28, $0x1;
	[dreg:$0x2] =	wrdreg s4  }
0xaa: {  	[dreg:$0x3] =	wrdreg s6  }
0xab: {  	[dreg:$0x4] =	wrdreg $0xC0  }
0xac: {  	_ =	task [dreg:s8], $0x5FFFF  }
0xad: {  	[dreg:$0x1] =	wrdreg $0xFFFFFFFF  }
0xae: {  	[dreg:$0x0] =	wrdreg $0x60  }
0xaf: {  	[dreg:$0x2] =	wrdreg s2  }
0xb0: {  	[dreg:$0x3] =	wrdreg s24  }
0xb1: {  	[dreg:$0x4] =	wrdreg s18  }
0xb2: {  	[dreg:$0x5] =	wrdreg $0x9  }
0xb3: {  	_ =	task.clear_ibuf [dreg:s8], $0x6FFFF;
	_ =	strace $0x90000046  }
0xb4: {  	s29 =	simm.s32 $0x9;
	_ =	strace $0x80000048  }
0xb5: {  	_ =	swait.ge [sflag:s29], $0x1  }
0xb6: {  	[sflag:s29] =	ssyncadd.s32 $0xFFFFFFFF  }
0xb7: {  	_ =	strace $0x90000048  }
0xb8: {  	_ =	sfence  }
0xb9: {  	s30 =	sld [smem:$0x0];
	_ =	sdelay $0x2  }
0xba: {  	s31 =	sshll.u32 s1, $0xD;
	s1 =	sshrl.u32 s1, $0x2  }
0xbb: {  	s3 =	sand.u32 $0x4000, s31;
	s1 =	sadd.s32 s1, s30  }
0xbc: {  	s0 =	sor.u32 s3, s0;
	s1 =	sshll.u32 s1, $0x11  }
0xbd: {  	s0 =	sor.u32 s1, s0  }
0xbe: {  	s0 =	sadd.s32 $0x8F2B, s0  }
0xbf: {  	[sflag:s0] =	ssyncadd.remote.s32 $0x1  }
0xc0: {  	_ =	sfence.sel $0xFFFF  }
0xc1: {  	[dreg:$0x0] =	wrdreg $0xFFFFFFFF;
	(pc) =	sbr.abs _section_cstart, $3  }
0xc2: {  	[dreg:$0x1] =	wrdreg $0xFFFFFFFF  }
0xc3: {  	_ =	task.clear_ibuf [dreg:s8], $0x2FFFF;
	_ =	strace $0x9FFFFFFF  }
0xc4: {  	(tm) =	ssettm $0x7FFFFFFF  }
0xc5: {  	_ =	shalt  }
tec
execute0_lowered:
.L_overlay_start_1:
0x0: {  	(tag) =	ssettag $0x1  }
0x1: {  	s1 =	rddreg [dreg:$0x0]  }
0x2: {  	s0 =	rddreg [dreg:$0x1]  }
0x3: {  	s3 =	rddreg [dreg:$0x2];
	s4 =	srdreg.scid  }
0x4: {  	s2 =	simm.s32 $0x0;
	s8 =	stileid.u32;
	s4 =	sand.u32 $0x1, s4  }
0x5: {  	s15 =	sshll.u32 s8, $0x9;
	s5 =	ssub.s32 $0x2, s4;
	s4 =	sshll.u32 s4, $0x8  }
0x6: {  	[smem:$0x7FF] =	sst s2;
	s0 =	sadd.s32 $0x600, s0;
	s25 =	sor.u32 s4, s15  }
0x7: {  	_ =	strace $0x80000047;
	s16 =	sshrl.u32 s25, $0x3;
	s9 =	sor.u32 $0x2000, s25  }
0x8: {  	s11 =	sor.u32 $0x6000, s25;
	s12 =	sshll.u32 s25, $0x7;
	s8 =	sadd.s32 s0, s16  }
0x9: {  	s17 =	sshrl.u32 s9, $0x3;
	s12 =	sadd.s32 s3, s12;
	[dreg:$0x4] =	wrdreg s8  }
0xa: {  	s22 =	sshll.u32 s11, $0x7;
	s8 =	sadd.s32 s0, s17;
	[dreg:$0x8] =	wrdreg s12  }
0xb: {  	s23 =	sadd.s32 s3, s22;
	[dreg:$0x5] =	wrdreg s8  }
0xc: {  	s24 =	sadd.s32 $0x1000, s12;
	[dreg:$0xb] =	wrdreg s23  }
0xd: {  	s10 =	sor.u32 $0x4000, s25;
	s26 =	sadd.s32 $0x101000, s12;
	[dreg:$0xc] =	wrdreg s24  }
0xe: {  	s18 =	sshrl.u32 s10, $0x3;
	s31 =	sadd.s32 $0x201000, s12;
	[dreg:$0xd] =	wrdreg s26  }
0xf: {  	s20 =	sshll.u32 s9, $0x7;
	s9 =	sadd.s32 $0x102000, s12;
	[dreg:$0xe] =	wrdreg s31  }
0x10: {  	s21 =	sshll.u32 s10, $0x7;
	s10 =	sadd.s32 $0x202000, s12;
	[dreg:$0x11] =	wrdreg s9  }
0x11: {  	s19 =	sshrl.u32 s11, $0x3;
	s11 =	sadd.s32 $0x302000, s12;
	[dreg:$0x12] =	wrdreg s10  }
0x12: {  	s13 =	sadd.s32 $0x3000, s12;
	[dreg:$0x13] =	wrdreg s11  }
0x13: {  	s14 =	sadd.s32 $0x103000, s12;
	[dreg:$0x14] =	wrdreg s13  }
0x14: {  	s15 =	sadd.s32 $0x203000, s12;
	[dreg:$0x15] =	wrdreg s14  }
0x15: {  	s16 =	sadd.s32 $0x303000, s12;
	[dreg:$0x16] =	wrdreg s15  }
0x16: {  	s17 =	sadd.s32 $0x4000, s12;
	[dreg:$0x17] =	wrdreg s16  }
0x17: {  	s22 =	sadd.s32 $0x105000, s12;
	[dreg:$0x18] =	wrdreg s17  }
0x18: {  	s8 =	sadd.s32 s0, s18;
	[dreg:$0x1d] =	wrdreg s22  }
0x19: {  	s0 =	sadd.s32 s0, s19;
	[dreg:$0x6] =	wrdreg s8  }
0x1a: {  	s18 =	sadd.s32 $0x104000, s12;
	[dreg:$0x7] =	wrdreg s0  }
0x1b: {  	s19 =	sadd.s32 $0x204000, s12;
	[dreg:$0x19] =	wrdreg s18  }
0x1c: {  	s23 =	sadd.s32 $0x205000, s12;
	[dreg:$0x1a] =	wrdreg s19  }
0x1d: {  	s29 =	simm.s32 $0x4;
	s24 =	sadd.s32 $0x305000, s12;
	[dreg:$0x1e] =	wrdreg s23  }
0x1e: {  	s6 =	sshrl.u32 s5, $0x1;
	s26 =	sadd.s32 $0x6000, s12;
	[dreg:$0x1f] =	wrdreg s24  }
0x1f: {  	s7 =	ssub.s32 s5, s6;
	s31 =	sadd.s32 $0x106000, s12;
	[smem:$0x7EE] =	sst s26  }
0x20: {  	s11 =	smax.u32 s7, $0x1;
	s7 =	sadd.s32 $0x306000, s12;
	[smem:$0x7EF] =	sst s31  }
0x21: {  	s30 =	simm.s32 $0x5;
	s9 =	sadd.s32 $0x107000, s12;
	[smem:$0x7F1] =	sst s7  }
0x22: {  	s28 =	simm.s32 $0x1;
	s10 =	sadd.s32 $0x207000, s12;
	[smem:$0x7F3] =	sst s9  }
0x23: {  	s4 =	sadd.s32 $0x100, s1;
	s13 =	sor.u32 $0x21, s25;
	[smem:$0x7F4] =	sst s10  }
0x24: {  	s5 =	sadd.s32 $0x200, s1;
	s22 =	sor.u32 $0x81, s25;
	[smem:$0x7F6] =	sst s13  }
0x25: {  	s6 =	sadd.s32 $0x300, s1;
	s14 =	sor.u32 $0x41, s25;
	[smem:$0x7F8] =	sst s22  }
0x26: {  	v14 =	vlaneseq.u32;
	v10 =	vimm.s32 $0x10765432;
	vm0 =	vmmov $0xffff;
	s15 =	simm.s32 $0xD00;
	s0 =	sadd.s32 s3, s20;
	[smem:$0x7FD] =	sst s14  }
0x27: {  	v0 =	vadd.s32 $0x2, v14;
	v1 =	vadd.s32 $0x12, v14;
	v2 =	vadd.s32 $0x22, v14;
	s17 =	simm.s32 $0x3500;
	s8 =	sadd.s32 $0x2000, s12;
	[dreg:$0x9] =	wrdreg s0  }
0x28: {  	v3 =	vadd.s32 $0x32, v14;
	v4 =	vadd.s32 $0x42, v14;
	v5 =	vadd.s32 $0x52, v14;
	s16 =	simm.s32 $0x6D00;
	s20 =	sadd.s32 $0x304000, s12;
	[dreg:$0x10] =	wrdreg s8  }
0x29: {  	v6 =	vadd.s32 $0x62, v14;
	v7 =	vadd.s32 $0x72, v14;
	v8 =	vadd.s32 $0x82, v14;
	s23 =	sor.u32 $0xA1, s25;
	s24 =	sor.u32 $0xC1, s25;
	[dreg:$0x1b] =	wrdreg s20  }
0x2a: {  	v9 =	vadd.s32 $0x92, v14;
	v11 =	vadd.s32 $0xA2, v14;
	v13 =	vunpack.c.l.s4.s8 v10;
	s26 =	sor.u32 $0xE1, s25;
	s31 =	sadd.s32 $0x101, s25;
	[smem:$0x7F9] =	sst s23  }
0x2b: {  	v12 =	vadd.s32 $0xB2, v14;
	v16 =	vadd.s32 $0xD2, v14;
	v17 =	vadd.s32 $0xE2, v14;
	s7 =	simm.s32 $0x1500;
	s19 =	simm.s32 $0x2D00;
	[smem:$0x7FA] =	sst s24  }
0x2c: {  	v18 =	vadd.s32 $0xF2, v14;
	v13 =	vunpack.c.0.s8.s32 v13;
	v0 =	vor.u32 s25, v0;
	s13 =	simm.s32 $0x3D00;
	s22 =	simm.s32 $0x5D00;
	[smem:$0x7FB] =	sst s26  }
0x2d: {  	v1 =	vor.u32 s25, v1;
	v2 =	vor.u32 s25, v2;
	v3 =	vor.u32 s25, v3;
	s18 =	simm.s32 $0x6500;
	s0 =	sadd.s32 s3, s21;
	[smem:$0x7FC] =	sst s31  }
0x2e: {  	v4 =	vor.u32 s25, v4;
	v5 =	vor.u32 s25, v5;
	v6 =	vor.u32 s25, v6;
	s9 =	simm.s32 $0x7500;
	s3 =	sadd.s32 $0x301000, s12;
	[dreg:$0xa] =	wrdreg s0  }
0x2f: {  	v7 =	vor.u32 s25, v7;
	v8 =	vor.u32 s25, v8;
	v15 =	vshll.u32 v0, $0x3;
	s10 =	simm.s32 $0x7D00;
	s21 =	sadd.s32 $0x5000, s12;
	[dreg:$0xf] =	wrdreg s3  }
0x30: {  	v9 =	vor.u32 s25, v9;
	v10 =	vor.u32 s25, v11;
	v15 =	vand.u32 $0x7FFFF8C0, v15;
	s8 =	sadd.s32 $0x7000, s12;
	s20 =	simm.s32 $0x2500;
	[dreg:$0x1c] =	wrdreg s21  }
.Ltmp0:
0x31: {  	v11 =	vor.u32 s25, v12;
	v12 =	vadd.s32 $0xC2, v14;
	v19 =	vor.u32 v13, v15;
	s3 =	sadd.s32 $0x206000, s12;
	[smem:$0x7F2] =	sst s8;
	(pc) =	sbr.rel .LBB2_1-.Ltmp0, $4  }
0x32: {  	v13 =	vand.u32 $0x7, v14;
	v15 =	vshrl.u32 v14, $0x3;
	v14 =	vor.u32 $0x8, v14;
	s23 =	simm.s32 $0x6;
	s12 =	sadd.s32 $0x307000, s12;
	[smem:$0x7F0] =	sst s3  }
0x33: {  	v20 =	vperm.xlane v19, v13;
	v15 =	vmul.u32 $0x8, v15;
	v21 =	vperm.xlane v19, v14;
	s24 =	simm.s32 $0x3;
	s21 =	sor.u32 $0x61, s25;
	[smem:$0x7F5] =	sst s12  }
0x34: {  	v16 =	vor.u32 s25, v16;
	v17 =	vor.u32 s25, v17;
	v18 =	vadd.s32 s25, v18;
	s26 =	simm.s32 $0x2;
	s8 =	simm.s32 $0x4500;
	[smem:$0x7F7] =	sst s21  }
0x35: {  	v12 =	vor.u32 s25, v12;
	v19 =	vadd.s32 v15, v20;
	v20 =	vadd.s32 v15, v21;
	s3 =	simm.s32 $0x500;
	s12 =	simm.s32 $0x4D00;
	s21 =	simm.s32 $0x5500  }
.LBB2_65:
0x36: {  	s11 =	sadd.s32 $0xFFFFFFFF, s11  }
0x37: {  	p0 =	sne.s32 s11, $0x0  }
.Ltmp1:
0x38: {  	_ = 	snop;
	(pc) =	sbr.rel @!p0 .LBB2_66-.Ltmp1, $1  }
0x39: {  	_ =	sdelay $0x3  }
.LBB2_1:
0x3a: {  	[tilespmem:$0x400] =	vst v0  }
0x3b: {  	[tilespmem:$0x410] =	vst v1  }
0x3c: {  	[tilespmem:$0x420] =	vst v2  }
0x3d: {  	[tilespmem:$0x430] =	vst v3  }
0x3e: {  	[tilespmem:$0x440] =	vst v4  }
0x3f: {  	[tilespmem:$0x450] =	vst v5  }
0x40: {  	[tilespmem:$0x460] =	vst v6  }
0x41: {  	[tilespmem:$0x470] =	vst v7  }
0x42: {  	[tilespmem:$0x480] =	vst v8  }
0x43: {  	[tilespmem:$0x490] =	vst v9  }
0x44: {  	[tilespmem:$0x4A0] =	vst v10  }
0x45: {  	[tilespmem:$0x4B0] =	vst v11  }
0x46: {  	[tilespmem:$0x4C0] =	vst v12  }
0x47: {  	[tilespmem:$0x4D0] =	vst v16  }
0x48: {  	[tilespmem:$0x4E0] =	vst v17  }
0x49: {  	[tilespmem:$0x4F0] =	vst v18  }
0x4a: {  	[tilespmem:s3], [sflag:$0x1] =	stream.indirect_vreg.gather [hbm4b:s1+s2], $0x80, v19, vm0, $0xb8;
	[tilespmem:$0x10500] =	vst v63  }
0x4b: {  	_ = 	snop  }
0x4c: {  	[tilespmem:s15], [sflag:$0x1] =	stream.indirect_vreg.gather [hbm4b:s4+s2], $0x80, v19, vm0, $0xb8;
	[tilespmem:$0x10500] =	vst v63  }
0x4d: {  	_ = 	snop  }
0x4e: {  	[tilespmem:s7], [sflag:$0x1] =	stream.indirect_vreg.gather [hbm4b:s5+s2], $0x80, v19, vm0, $0xb8;
	[tilespmem:$0x10500] =	vst v63  }
0x4f: {  	s0 =	simm.s32 $0x1D00  }
0x50: {  	[tilespmem:s0], [sflag:$0x1] =	stream.indirect_vreg.gather [hbm4b:s6+s2], $0x80, v19, vm0, $0xb8;
	[tilespmem:$0x10500] =	vst v63  }
0x51: {  	_ = 	snop  }
0x52: {  	[tilespmem:s20], [sflag:$0x1] =	stream.indirect_vreg.gather [hbm4b:s1+s2], $0x80, v20, vm0, $0xb8;
	[tilespmem:$0x10500] =	vst v63  }
0x53: {  	_ = 	snop  }
0x54: {  	[tilespmem:s19], [sflag:$0x1] =	stream.indirect_vreg.gather [hbm4b:s4+s2], $0x80, v20, vm0, $0xb8;
	[tilespmem:$0x10500] =	vst v63  }
0x55: {  	_ = 	snop  }
0x56: {  	[tilespmem:s17], [sflag:$0x1] =	stream.indirect_vreg.gather [hbm4b:s5+s2], $0x80, v20, vm0, $0xb8;
	[tilespmem:$0x10500] =	vst v63  }
0x57: {  	_ = 	snop  }
0x58: {  	[tilespmem:s13], [sflag:$0x1] =	stream.indirect_vreg.gather [hbm4b:s6+s2], $0x80, v20, vm0, $0xb8;
	[tilespmem:$0x10500] =	vst v63  }
0x59: {  	v21 =	vld [tilespmem:$0x410];
	_ =	sdelay $0x4  }
0x5a: {  	v22 =	vshll.u32 v21, $0x3  }
0x5b: {  	v21 =	vand.u32 $0x7, v21;
	v22 =	vand.u32 $0xFFFFFFC0, v22  }
0x5c: {  	v21 =	vor.u32 v21, v22  }
0x5d: {  	v22 =	vperm.xlane v21, v13;
	_ =	sdelay $0x1  }
0x5e: {  	v22 =	vadd.s32 v15, v22;
	_ =	sdelay $0x4  }
0x5f: {  	[tilespmem:s8], [sflag:$0x1] =	stream.indirect_vreg.gather [hbm4b:s1+s2], $0x80, v22, vm0, $0xb8;
	[tilespmem:$0x10500] =	vst v63  }
0x60: {  	v21 =	vperm.xlane v21, v14  }
0x61: {  	[tilespmem:s12], [sflag:$0x1] =	stream.indirect_vreg.gather [hbm4b:s4+s2], $0x80, v22, vm0, $0xb8;
	[tilespmem:$0x10500] =	vst v63  }
0x62: {  	v21 =	vadd.s32 v15, v21  }
0x63: {  	[tilespmem:s21], [sflag:$0x1] =	stream.indirect_vreg.gather [hbm4b:s5+s2], $0x80, v22, vm0, $0xb8;
	[tilespmem:$0x10500] =	vst v63  }
0x64: {  	_ = 	snop  }
0x65: {  	[tilespmem:s22], [sflag:$0x1] =	stream.indirect_vreg.gather [hbm4b:s6+s2], $0x80, v22, vm0, $0xb8;
	[tilespmem:$0x10500] =	vst v63  }
0x66: {  	_ = 	snop  }
0x67: {  	[tilespmem:s18], [sflag:$0x1] =	stream.indirect_vreg.gather [hbm4b:s1+s2], $0x80, v21, vm0, $0xb8;
	[tilespmem:$0x10500] =	vst v63  }
0x68: {  	_ = 	snop  }
0x69: {  	[tilespmem:s16], [sflag:$0x1] =	stream.indirect_vreg.gather [hbm4b:s4+s2], $0x80, v21, vm0, $0xb8;
	[tilespmem:$0x10500] =	vst v63  }
0x6a: {  	_ = 	snop  }
0x6b: {  	[tilespmem:s9], [sflag:$0x1] =	stream.indirect_vreg.gather [hbm4b:s5+s2], $0x80, v21, vm0, $0xb8;
	[tilespmem:$0x10500] =	vst v63  }
0x6c: {  	_ = 	snop  }
0x6d: {  	[tilespmem:s10], [sflag:$0x1] =	stream.indirect_vreg.gather [hbm4b:s6+s2], $0x80, v21, vm0, $0xb8;
	[tilespmem:$0x10500] =	vst v63  }
0x6e: {  	v21 =	vld [tilespmem:$0x420];
	_ =	sdelay $0x4  }
0x6f: {  	v22 =	vshll.u32 v21, $0x3  }
0x70: {  	v21 =	vand.u32 $0x7, v21;
	v22 =	vand.u32 $0xFFFFFFC0, v22  }
0x71: {  	v21 =	vor.u32 v21, v22  }
0x72: {  	v22 =	vperm.xlane v21, v13;
	_ =	sdelay $0x1  }
0x73: {  	v22 =	vadd.s32 v15, v22;
	_ =	sdelay $0x3  }
0x74: {  	s0 =	simm.s32 $0x8500  }
0x75: {  	[tilespmem:s0], [sflag:$0x2] =	stream.indirect_vreg.gather [hbm4b:s1+s2], $0x80, v22, vm0, $0xb8;
	[tilespmem:$0x10500] =	vst v63  }
0x76: {  	s13 =	simm.s32 $0x8D00;
	v21 =	vperm.xlane v21, v14  }
0x77: {  	[tilespmem:s13], [sflag:$0x2] =	stream.indirect_vreg.gather [hbm4b:s4+s2], $0x80, v22, vm0, $0xb8;
	[tilespmem:$0x10500] =	vst v63  }
0x78: {  	s14 =	simm.s32 $0x9500;
	v21 =	vadd.s32 v15, v21  }
0x79: {  	[tilespmem:s14], [sflag:$0x2] =	stream.indirect_vreg.gather [hbm4b:s5+s2], $0x80, v22, vm0, $0xb8;
	[tilespmem:$0x10500] =	vst v63  }
0x7a: {  	s15 =	simm.s32 $0x9D00  }
0x7b: {  	[tilespmem:s15], [sflag:$0x2] =	stream.indirect_vreg.gather [hbm4b:s6+s2], $0x80, v22, vm0, $0xb8;
	[tilespmem:$0x10500] =	vst v63  }
0x7c: {  	s16 =	simm.s32 $0xA500  }
0x7d: {  	[tilespmem:s16], [sflag:$0x2] =	stream.indirect_vreg.gather [hbm4b:s1+s2], $0x80, v21, vm0, $0xb8;
	[tilespmem:$0x10500] =	vst v63  }
0x7e: {  	s17 =	simm.s32 $0xAD00  }
0x7f: {  	[tilespmem:s17], [sflag:$0x2] =	stream.indirect_vreg.gather [hbm4b:s4+s2], $0x80, v21, vm0, $0xb8;
	[tilespmem:$0x10500] =	vst v63  }
0x80: {  	s18 =	simm.s32 $0xB500  }
0x81: {  	[tilespmem:s18], [sflag:$0x2] =	stream.indirect_vreg.gather [hbm4b:s5+s2], $0x80, v21, vm0, $0xb8;
	[tilespmem:$0x10500] =	vst v63  }
0x82: {  	s20 =	simm.s32 $0xBD00  }
0x83: {  	[tilespmem:s20], [sflag:$0x2] =	stream.indirect_vreg.gather [hbm4b:s6+s2], $0x80, v21, vm0, $0xb8;
	[tilespmem:$0x10500] =	vst v63  }
0x84: {  	v21 =	vld [tilespmem:$0x430];
	_ =	sdelay $0x4  }
0x85: {  	v22 =	vshll.u32 v21, $0x3  }
0x86: {  	v21 =	vand.u32 $0x7, v21;
	v22 =	vand.u32 $0xFFFFFFC0, v22  }
0x87: {  	v21 =	vor.u32 v21, v22  }
0x88: {  	v22 =	vperm.xlane v21, v13;
	_ =	sdelay $0x1  }
0x89: {  	v22 =	vadd.s32 v15, v22;
	_ =	sdelay $0x3  }
0x8a: {  	s21 =	simm.s32 $0xC500  }
0x8b: {  	[tilespmem:s21], [sflag:$0x2] =	stream.indirect_vreg.gather [hbm4b:s1+s2], $0x80, v22, vm0, $0xb8;
	[tilespmem:$0x10500] =	vst v63  }
0x8c: {  	s25 =	simm.s32 $0xCD00;
	v21 =	vperm.xlane v21, v14  }
0x8d: {  	[tilespmem:s25], [sflag:$0x2] =	stream.indirect_vreg.gather [hbm4b:s4+s2], $0x80, v22, vm0, $0xb8;
	[tilespmem:$0x10500] =	vst v63  }
0x8e: {  	s31 =	simm.s32 $0xD500;
	v21 =	vadd.s32 v15, v21  }
0x8f: {  	[tilespmem:s31], [sflag:$0x2] =	stream.indirect_vreg.gather [hbm4b:s5+s2], $0x80, v22, vm0, $0xb8;
	[tilespmem:$0x10500] =	vst v63  }
0x90: {  	s8 =	simm.s32 $0xDD00  }
0x91: {  	[tilespmem:s8], [sflag:$0x2] =	stream.indirect_vreg.gather [hbm4b:s6+s2], $0x80, v22, vm0, $0xb8;
	[tilespmem:$0x10500] =	vst v63  }
0x92: {  	s9 =	simm.s32 $0xE500  }
0x93: {  	[tilespmem:s9], [sflag:$0x2] =	stream.indirect_vreg.gather [hbm4b:s1+s2], $0x80, v21, vm0, $0xb8;
	[tilespmem:$0x10500] =	vst v63  }
0x94: {  	s10 =	simm.s32 $0xED00  }
0x95: {  	[tilespmem:s10], [sflag:$0x2] =	stream.indirect_vreg.gather [hbm4b:s4+s2], $0x80, v21, vm0, $0xb8;
	[tilespmem:$0x10500] =	vst v63  }
0x96: {  	s12 =	simm.s32 $0xF500  }
0x97: {  	[tilespmem:s12], [sflag:$0x2] =	stream.indirect_vreg.gather [hbm4b:s5+s2], $0x80, v21, vm0, $0xb8;
	[tilespmem:$0x10500] =	vst v63  }
0x98: {  	s17 =	simm.s32 $0xFD00  }
0x99: {  	[tilespmem:s17], [sflag:$0x2] =	stream.indirect_vreg.gather [hbm4b:s6+s2], $0x80, v21, vm0, $0xb8;
	[tilespmem:$0x10500] =	vst v63  }
0x9a: {  	s31 =	rddreg [dreg:$0x4]  }
0x9b: {  	[tilespmem:s2], [sflag:$0x6] =	stream.linear.gather [hbm4b:s31+s2], $0x80, $0x38;
	[tilespmem:$0x10500] =	vst v63  }
0x9c: {  	[smem:$0x7ED] =	sst s11;
	s25 =	simm.s32 $0x200;
	s31 =	sadd.s32 $0x10, s31  }
0x9d: {  	[tilespmem:s25], [sflag:$0x6] =	stream.linear.gather [hbm4b:s31+s2], $0x80, $0x38;
	[tilespmem:$0x10500] =	vst v63  }
0x9e: {  	_ =	swait.ge [sflag:s23], $0x100  }
0x9f: {  	[sflag:s23] =	ssyncset.done $0x0  }
0xa0: {  	s10 =	simm.s32 $0x80;
	s8 =	rddreg [dreg:$0x5];
	[sflag:s23] =	ssyncadd.s32 $0xFFFFFF00  }
0xa1: {  	[tilespmem:s10], [sflag:$0x6] =	stream.linear.gather [hbm4b:s8+s2], $0x80, $0x38;
	[tilespmem:$0x10500] =	vst v63  }
0xa2: {  	s12 =	simm.s32 $0x280;
	s31 =	sadd.s32 $0x10, s8  }
0xa3: {  	[tilespmem:s12], [sflag:$0x6] =	stream.linear.gather [hbm4b:s31+s2], $0x80, $0x38;
	[tilespmem:$0x10500] =	vst v63  }
0xa4: {  	_ =	swait.ge [sflag:s23], $0x100  }
0xa5: {  	[sflag:s23] =	ssyncset.done $0x0  }
0xa6: {  	s25 =	simm.s32 $0x100;
	s17 =	rddreg [dreg:$0x6];
	[sflag:s23] =	ssyncadd.s32 $0xFFFFFF00  }
0xa7: {  	[tilespmem:s25], [sflag:$0x6] =	stream.linear.gather [hbm4b:s17+s2], $0x80, $0x38;
	[tilespmem:$0x10500] =	vst v63  }
0xa8: {  	s8 =	simm.s32 $0x300;
	s31 =	sadd.s32 $0x10, s17  }
0xa9: {  	[tilespmem:s8], [sflag:$0x6] =	stream.linear.gather [hbm4b:s31+s2], $0x80, $0x38;
	[tilespmem:$0x10500] =	vst v63  }
0xaa: {  	_ =	swait.ge [sflag:s23], $0x100  }
0xab: {  	[sflag:s23] =	ssyncset.done $0x0  }
0xac: {  	s12 =	simm.s32 $0x180;
	s10 =	rddreg [dreg:$0x7];
	[sflag:s23] =	ssyncadd.s32 $0xFFFFFF00  }
0xad: {  	[tilespmem:s12], [sflag:$0x6] =	stream.linear.gather [hbm4b:s10+s2], $0x80, $0x38;
	[tilespmem:$0x10500] =	vst v63  }
0xae: {  	s17 =	simm.s32 $0x380;
	s31 =	sadd.s32 $0x10, s10  }
0xaf: {  	[tilespmem:s17], [sflag:$0x6] =	stream.linear.gather [hbm4b:s31+s2], $0x80, $0x38;
	[tilespmem:$0x10500] =	vst v63  }
0xb0: {  	_ =	swait.ge [sflag:s23], $0x100  }
0xb1: {  	[sflag:s23] =	ssyncset.done $0x0  }
0xb2: {  	[sflag:s23] =	ssyncadd.s32 $0xFFFFFF00  }
0xb3: {  	_ =	swait.ge [sflag:s28], $0x8000  }
0xb4: {  	[sflag:s28] =	ssyncset.done $0x0  }
0xb5: {  	s21 =	rddreg [dreg:$0x8];
	[sflag:s28] =	ssyncadd.s32 $0xFFFF8000  }
0xb6: {  	[hbm4b:s21+s2] =	stream.linear.scatter [tilespmem:s3], [sflag:$0x3], $0x8000, $0x38;
	[tilespmem:$0x10500] =	vst v63  }
0xb7: {  	s25 =	rddreg [dreg:$0x9]  }
0xb8: {  	[hbm4b:s25+s2] =	stream.linear.scatter [tilespmem:s3], [sflag:$0x3], $0x8000, $0x38;
	[tilespmem:$0x10500] =	vst v63  }
0xb9: {  	s8 =	rddreg [dreg:$0xa]  }
0xba: {  	[hbm4b:s8+s2] =	stream.linear.scatter [tilespmem:s3], [sflag:$0x3], $0x8000, $0x38;
	[tilespmem:$0x10500] =	vst v63  }
0xbb: {  	s10 =	rddreg [dreg:$0xb]  }
0xbc: {  	[hbm4b:s10+s2] =	stream.linear.scatter [tilespmem:s3], [sflag:$0x3], $0x8000, $0x38;
	[tilespmem:$0x10500] =	vst v63  }
0xbd: {  	_ =	swait.ge [sflag:s26], $0x8000  }
0xbe: {  	[sflag:s26] =	ssyncset.done $0x0  }
0xbf: {  	[sflag:s26] =	ssyncadd.s32 $0xFFFF8000  }
0xc0: {  	_ =	swait.ge [sflag:s24], $0x8000  }
0xc1: {  	[sflag:s24] =	ssyncset.done $0x0  }
0xc2: {  	[sflag:s24] =	ssyncadd.s32 $0xFFFF8000  }
0xc3: {  	_ =	swait.ge [sflag:s24], $0x8000  }
0xc4: {  	[sflag:s24] =	ssyncset.done $0x0  }
0xc5: {  	[sflag:s24] =	ssyncadd.s32 $0xFFFF8000  }
0xc6: {  	_ =	swait.ge [sflag:s24], $0x8000  }
0xc7: {  	[sflag:s24] =	ssyncset.done $0x0  }
0xc8: {  	[sflag:s24] =	ssyncadd.s32 $0xFFFF8000  }
0xc9: {  	_ =	swait.ge [sflag:s24], $0x8000  }
0xca: {  	[sflag:s24] =	ssyncset.done $0x0  }
0xcb: {  	[sflag:s24] =	ssyncadd.s32 $0xFFFF8000  }
0xcc: {  	v21 =	vld [tilespmem:$0x440];
	_ =	sdelay $0x4  }
0xcd: {  	v22 =	vshll.u32 v21, $0x3  }
0xce: {  	v21 =	vand.u32 $0x7, v21;
	v22 =	vand.u32 $0xFFFFFFC0, v22  }
0xcf: {  	v21 =	vor.u32 v21, v22  }
0xd0: {  	v22 =	vperm.xlane v21, v13;
	_ =	sdelay $0x1  }
0xd1: {  	v22 =	vadd.s32 v15, v22;
	_ =	sdelay $0x4  }
0xd2: {  	[tilespmem:s3], [sflag:$0x1] =	stream.indirect_vreg.gather [hbm4b:s1+s2], $0x80, v22, vm0, $0xb8;
	[tilespmem:$0x10500] =	vst v63  }
0xd3: {  	s12 =	simm.s32 $0xD00;
	v21 =	vperm.xlane v21, v14  }
0xd4: {  	[tilespmem:s12], [sflag:$0x1] =	stream.indirect_vreg.gather [hbm4b:s4+s2], $0x80, v22, vm0, $0xb8;
	[tilespmem:$0x10500] =	vst v63  }
0xd5: {  	s14 =	simm.s32 $0x1500;
	v21 =	vadd.s32 v15, v21  }
0xd6: {  	[tilespmem:s14], [sflag:$0x1] =	stream.indirect_vreg.gather [hbm4b:s5+s2], $0x80, v22, vm0, $0xb8;
	[tilespmem:$0x10500] =	vst v63  }
0xd7: {  	s15 =	simm.s32 $0x1D00  }
0xd8: {  	[tilespmem:s15], [sflag:$0x1] =	stream.indirect_vreg.gather [hbm4b:s6+s2], $0x80, v22, vm0, $0xb8;
	[tilespmem:$0x10500] =	vst v63  }
0xd9: {  	s17 =	simm.s32 $0x2500  }
0xda: {  	[tilespmem:s17], [sflag:$0x1] =	stream.indirect_vreg.gather [hbm4b:s1+s2], $0x80, v21, vm0, $0xb8;
	[tilespmem:$0x10500] =	vst v63  }
0xdb: {  	s15 =	simm.s32 $0x2D00  }
0xdc: {  	[tilespmem:s15], [sflag:$0x1] =	stream.indirect_vreg.gather [hbm4b:s4+s2], $0x80, v21, vm0, $0xb8;
	[tilespmem:$0x10500] =	vst v63  }
0xdd: {  	s22 =	simm.s32 $0x3500  }
0xde: {  	[tilespmem:s22], [sflag:$0x1] =	stream.indirect_vreg.gather [hbm4b:s5+s2], $0x80, v21, vm0, $0xb8;
	[tilespmem:$0x10500] =	vst v63  }
0xdf: {  	s19 =	simm.s32 $0x3D00  }
0xe0: {  	[tilespmem:s19], [sflag:$0x1] =	stream.indirect_vreg.gather [hbm4b:s6+s2], $0x80, v21, vm0, $0xb8;
	[tilespmem:$0x10500] =	vst v63  }
0xe1: {  	v21 =	vld [tilespmem:$0x450];
	_ =	sdelay $0x4  }
0xe2: {  	v22 =	vshll.u32 v21, $0x3  }
0xe3: {  	v21 =	vand.u32 $0x7, v21;
	v22 =	vand.u32 $0xFFFFFFC0, v22  }
0xe4: {  	v21 =	vor.u32 v21, v22  }
0xe5: {  	v22 =	vperm.xlane v21, v13;
	_ =	sdelay $0x1  }
0xe6: {  	v22 =	vadd.s32 v15, v22;
	_ =	sdelay $0x3  }
0xe7: {  	s21 =	simm.s32 $0x4500  }
0xe8: {  	[tilespmem:s21], [sflag:$0x1] =	stream.indirect_vreg.gather [hbm4b:s1+s2], $0x80, v22, vm0, $0xb8;
	[tilespmem:$0x10500] =	vst v63  }
0xe9: {  	s25 =	simm.s32 $0x4D00;
	v21 =	vperm.xlane v21, v14  }
0xea: {  	[tilespmem:s25], [sflag:$0x1] =	stream.indirect_vreg.gather [hbm4b:s4+s2], $0x80, v22, vm0, $0xb8;
	[tilespmem:$0x10500] =	vst v63  }
0xeb: {  	s31 =	simm.s32 $0x5500;
	v21 =	vadd.s32 v15, v21  }
0xec: {  	[tilespmem:s31], [sflag:$0x1] =	stream.indirect_vreg.gather [hbm4b:s5+s2], $0x80, v22, vm0, $0xb8;
	[tilespmem:$0x10500] =	vst v63  }
0xed: {  	s7 =	simm.s32 $0x5D00  }
0xee: {  	[tilespmem:s7], [sflag:$0x1] =	stream.indirect_vreg.gather [hbm4b:s6+s2], $0x80, v22, vm0, $0xb8;
	[tilespmem:$0x10500] =	vst v63  }
0xef: {  	s25 =	simm.s32 $0x6500  }
0xf0: {  	[tilespmem:s25], [sflag:$0x1] =	stream.indirect_vreg.gather [hbm4b:s1+s2], $0x80, v21, vm0, $0xb8;
	[tilespmem:$0x10500] =	vst v63  }
0xf1: {  	s7 =	simm.s32 $0x6D00  }
0xf2: {  	[tilespmem:s7], [sflag:$0x1] =	stream.indirect_vreg.gather [hbm4b:s4+s2], $0x80, v21, vm0, $0xb8;
	[tilespmem:$0x10500] =	vst v63  }
0xf3: {  	s8 =	simm.s32 $0x7500  }
0xf4: {  	[tilespmem:s8], [sflag:$0x1] =	stream.indirect_vreg.gather [hbm4b:s5+s2], $0x80, v21, vm0, $0xb8;
	[tilespmem:$0x10500] =	vst v63  }
0xf5: {  	s11 =	simm.s32 $0x7D00  }
0xf6: {  	[tilespmem:s11], [sflag:$0x1] =	stream.indirect_vreg.gather [hbm4b:s6+s2], $0x80, v21, vm0, $0xb8;
	[tilespmem:$0x10500] =	vst v63  }
0xf7: {  	s12 =	rddreg [dreg:$0xc]  }
0xf8: {  	[hbm4b:s12+s2] =	stream.linear.scatter [tilespmem:s0], [sflag:$0x4], $0x8000, $0x38;
	[tilespmem:$0x10500] =	vst v63  }
0xf9: {  	s15 =	rddreg [dreg:$0xd]  }
0xfa: {  	[hbm4b:s15+s2] =	stream.linear.scatter [tilespmem:s0], [sflag:$0x4], $0x8000, $0x38;
	[tilespmem:$0x10500] =	vst v63  }
0xfb: {  	s19 =	rddreg [dreg:$0xe]  }
0xfc: {  	[hbm4b:s19+s2] =	stream.linear.scatter [tilespmem:s0], [sflag:$0x4], $0x8000, $0x38;
	[tilespmem:$0x10500] =	vst v63  }
0xfd: {  	s21 =	rddreg [dreg:$0xf]  }
0xfe: {  	[hbm4b:s21+s2] =	stream.linear.scatter [tilespmem:s0], [sflag:$0x4], $0x8000, $0x38;
	[tilespmem:$0x10500] =	vst v63  }
0xff: {  	_ =	swait.ge [sflag:s28], $0x8000  }
0x100: {  	[sflag:s28] =	ssyncset.done $0x0  }
0x101: {  	[sflag:s28] =	ssyncadd.s32 $0xFFFF8000  }
0x102: {  	_ =	swait.ge [sflag:s29], $0x8000  }
0x103: {  	[sflag:s29] =	ssyncset.done $0x0  }
0x104: {  	[sflag:s29] =	ssyncadd.s32 $0xFFFF8000  }
0x105: {  	_ =	swait.ge [sflag:s29], $0x8000  }
0x106: {  	[sflag:s29] =	ssyncset.done $0x0  }
0x107: {  	[sflag:s29] =	ssyncadd.s32 $0xFFFF8000  }
0x108: {  	_ =	swait.ge [sflag:s29], $0x8000  }
0x109: {  	[sflag:s29] =	ssyncset.done $0x0  }
0x10a: {  	[sflag:s29] =	ssyncadd.s32 $0xFFFF8000  }
0x10b: {  	_ =	swait.ge [sflag:s29], $0x8000  }
0x10c: {  	[sflag:s29] =	ssyncset.done $0x0  }
0x10d: {  	[sflag:s29] =	ssyncadd.s32 $0xFFFF8000  }
0x10e: {  	v21 =	vld [tilespmem:$0x460];
	_ =	sdelay $0x4  }
0x10f: {  	v22 =	vshll.u32 v21, $0x3  }
0x110: {  	v21 =	vand.u32 $0x7, v21;
	v22 =	vand.u32 $0xFFFFFFC0, v22  }
0x111: {  	v21 =	vor.u32 v21, v22  }
0x112: {  	v22 =	vperm.xlane v21, v13;
	_ =	sdelay $0x1  }
0x113: {  	v22 =	vadd.s32 v15, v22;
	_ =	sdelay $0x4  }
0x114: {  	[tilespmem:s0], [sflag:$0x2] =	stream.indirect_vreg.gather [hbm4b:s1+s2], $0x80, v22, vm0, $0xb8;
	[tilespmem:$0x10500] =	vst v63  }
0x115: {  	s8 =	simm.s32 $0x8D00;
	v21 =	vperm.xlane v21, v14  }
0x116: {  	[tilespmem:s8], [sflag:$0x2] =	stream.indirect_vreg.gather [hbm4b:s4+s2], $0x80, v22, vm0, $0xb8;
	[tilespmem:$0x10500] =	vst v63  }
0x117: {  	s21 =	simm.s32 $0x9500;
	v21 =	vadd.s32 v15, v21  }
0x118: {  	[tilespmem:s21], [sflag:$0x2] =	stream.indirect_vreg.gather [hbm4b:s5+s2], $0x80, v22, vm0, $0xb8;
	[tilespmem:$0x10500] =	vst v63  }
0x119: {  	s15 =	simm.s32 $0x9D00  }
0x11a: {  	[tilespmem:s15], [sflag:$0x2] =	stream.indirect_vreg.gather [hbm4b:s6+s2], $0x80, v22, vm0, $0xb8;
	[tilespmem:$0x10500] =	vst v63  }
0x11b: {  	s12 =	simm.s32 $0xA500  }
0x11c: {  	[tilespmem:s12], [sflag:$0x2] =	stream.indirect_vreg.gather [hbm4b:s1+s2], $0x80, v21, vm0, $0xb8;
	[tilespmem:$0x10500] =	vst v63  }
0x11d: {  	s13 =	simm.s32 $0xAD00  }
0x11e: {  	[tilespmem:s13], [sflag:$0x2] =	stream.indirect_vreg.gather [hbm4b:s4+s2], $0x80, v21, vm0, $0xb8;
	[tilespmem:$0x10500] =	vst v63  }
0x11f: {  	s13 =	simm.s32 $0xB500  }
0x120: {  	[tilespmem:s13], [sflag:$0x2] =	stream.indirect_vreg.gather [hbm4b:s5+s2], $0x80, v21, vm0, $0xb8;
	[tilespmem:$0x10500] =	vst v63  }
0x121: {  	s18 =	simm.s32 $0xBD00  }
0x122: {  	[tilespmem:s18], [sflag:$0x2] =	stream.indirect_vreg.gather [hbm4b:s6+s2], $0x80, v21, vm0, $0xb8;
	[tilespmem:$0x10500] =	vst v63  }
0x123: {  	v21 =	vld [tilespmem:$0x470];
	_ =	sdelay $0x4  }
0x124: {  	v22 =	vshll.u32 v21, $0x3  }
0x125: {  	v21 =	vand.u32 $0x7, v21;
	v22 =	vand.u32 $0xFFFFFFC0, v22  }
0x126: {  	v21 =	vor.u32 v21, v22  }
0x127: {  	v22 =	vperm.xlane v21, v13;
	_ =	sdelay $0x1  }
0x128: {  	v22 =	vadd.s32 v15, v22;
	_ =	sdelay $0x3  }
0x129: {  	s20 =	simm.s32 $0xC500  }
0x12a: {  	[tilespmem:s20], [sflag:$0x2] =	stream.indirect_vreg.gather [hbm4b:s1+s2], $0x80, v22, vm0, $0xb8;
	[tilespmem:$0x10500] =	vst v63  }
0x12b: {  	s7 =	simm.s32 $0xCD00;
	v21 =	vperm.xlane v21, v14  }
0x12c: {  	[tilespmem:s7], [sflag:$0x2] =	stream.indirect_vreg.gather [hbm4b:s4+s2], $0x80, v22, vm0, $0xb8;
	[tilespmem:$0x10500] =	vst v63  }
0x12d: {  	v21 =	vadd.s32 v15, v21;
	s20 =	simm.s32 $0xD500  }
0x12e: {  	[tilespmem:s20], [sflag:$0x2] =	stream.indirect_vreg.gather [hbm4b:s5+s2], $0x80, v22, vm0, $0xb8;
	[tilespmem:$0x10500] =	vst v63  }
0x12f: {  	s16 =	simm.s32 $0xDD00  }
0x130: {  	[tilespmem:s16], [sflag:$0x2] =	stream.indirect_vreg.gather [hbm4b:s6+s2], $0x80, v22, vm0, $0xb8;
	[tilespmem:$0x10500] =	vst v63  }
0x131: {  	s16 =	simm.s32 $0xE500  }
0x132: {  	[tilespmem:s16], [sflag:$0x2] =	stream.indirect_vreg.gather [hbm4b:s1+s2], $0x80, v21, vm0, $0xb8;
	[tilespmem:$0x10500] =	vst v63  }
0x133: {  	s31 =	simm.s32 $0xED00  }
0x134: {  	[tilespmem:s31], [sflag:$0x2] =	stream.indirect_vreg.gather [hbm4b:s4+s2], $0x80, v21, vm0, $0xb8;
	[tilespmem:$0x10500] =	vst v63  }
0x135: {  	s19 =	simm.s32 $0xF500  }
0x136: {  	[tilespmem:s19], [sflag:$0x2] =	stream.indirect_vreg.gather [hbm4b:s5+s2], $0x80, v21, vm0, $0xb8;
	[tilespmem:$0x10500] =	vst v63  }
0x137: {  	s9 =	simm.s32 $0xFD00  }
0x138: {  	[tilespmem:s9], [sflag:$0x2] =	stream.indirect_vreg.gather [hbm4b:s6+s2], $0x80, v21, vm0, $0xb8;
	[tilespmem:$0x10500] =	vst v63  }
0x139: {  	s11 =	rddreg [dreg:$0x10]  }
0x13a: {  	[hbm4b:s11+s2] =	stream.linear.scatter [tilespmem:s3], [sflag:$0x3], $0x8000, $0x38;
	[tilespmem:$0x10500] =	vst v63  }
0x13b: {  	s18 =	rddreg [dreg:$0x11]  }
0x13c: {  	[hbm4b:s18+s2] =	stream.linear.scatter [tilespmem:s3], [sflag:$0x3], $0x8000, $0x38;
	[tilespmem:$0x10500] =	vst v63  }
0x13d: {  	s9 =	rddreg [dreg:$0x12]  }
0x13e: {  	[hbm4b:s9+s2] =	stream.linear.scatter [tilespmem:s3], [sflag:$0x3], $0x8000, $0x38;
	[tilespmem:$0x10500] =	vst v63  }
0x13f: {  	s11 =	rddreg [dreg:$0x13]  }
0x140: {  	[hbm4b:s11+s2] =	stream.linear.scatter [tilespmem:s3], [sflag:$0x3], $0x8000, $0x38;
	[tilespmem:$0x10500] =	vst v63  }
0x141: {  	_ =	swait.ge [sflag:s26], $0x8000  }
0x142: {  	[sflag:s26] =	ssyncset.done $0x0  }
0x143: {  	[sflag:s26] =	ssyncadd.s32 $0xFFFF8000  }
0x144: {  	_ =	swait.ge [sflag:s24], $0x8000  }
0x145: {  	[sflag:s24] =	ssyncset.done $0x0  }
0x146: {  	[sflag:s24] =	ssyncadd.s32 $0xFFFF8000  }
0x147: {  	_ =	swait.ge [sflag:s24], $0x8000  }
0x148: {  	[sflag:s24] =	ssyncset.done $0x0  }
0x149: {  	[sflag:s24] =	ssyncadd.s32 $0xFFFF8000  }
0x14a: {  	_ =	swait.ge [sflag:s24], $0x8000  }
0x14b: {  	[sflag:s24] =	ssyncset.done $0x0  }
0x14c: {  	[sflag:s24] =	ssyncadd.s32 $0xFFFF8000  }
0x14d: {  	_ =	swait.ge [sflag:s24], $0x8000  }
0x14e: {  	[sflag:s24] =	ssyncset.done $0x0  }
0x14f: {  	[sflag:s24] =	ssyncadd.s32 $0xFFFF8000  }
0x150: {  	v21 =	vld [tilespmem:$0x480];
	_ =	sdelay $0x4  }
0x151: {  	v22 =	vshll.u32 v21, $0x3  }
0x152: {  	v21 =	vand.u32 $0x7, v21;
	v22 =	vand.u32 $0xFFFFFFC0, v22  }
0x153: {  	v21 =	vor.u32 v21, v22  }
0x154: {  	v22 =	vperm.xlane v21, v13;
	_ =	sdelay $0x1  }
0x155: {  	v22 =	vadd.s32 v15, v22;
	_ =	sdelay $0x4  }
0x156: {  	[tilespmem:s3], [sflag:$0x1] =	stream.indirect_vreg.gather [hbm4b:s1+s2], $0x80, v22, vm0, $0xb8;
	[tilespmem:$0x10500] =	vst v63  }
0x157: {  	s18 =	simm.s32 $0xD00;
	v21 =	vperm.xlane v21, v14  }
0x158: {  	[tilespmem:s18], [sflag:$0x1] =	stream.indirect_vreg.gather [hbm4b:s4+s2], $0x80, v22, vm0, $0xb8;
	[tilespmem:$0x10500] =	vst v63  }
0x159: {  	v21 =	vadd.s32 v15, v21  }
0x15a: {  	[tilespmem:s14], [sflag:$0x1] =	stream.indirect_vreg.gather [hbm4b:s5+s2], $0x80, v22, vm0, $0xb8;
	[tilespmem:$0x10500] =	vst v63  }
0x15b: {  	s14 =	simm.s32 $0x1D00  }
0x15c: {  	[tilespmem:s14], [sflag:$0x1] =	stream.indirect_vreg.gather [hbm4b:s6+s2], $0x80, v22, vm0, $0xb8;
	[tilespmem:$0x10500] =	vst v63  }
0x15d: {  	_ = 	snop  }
0x15e: {  	[tilespmem:s17], [sflag:$0x1] =	stream.indirect_vreg.gather [hbm4b:s1+s2], $0x80, v21, vm0, $0xb8;
	[tilespmem:$0x10500] =	vst v63  }
0x15f: {  	s31 =	simm.s32 $0x2D00  }
0x160: {  	[tilespmem:s31], [sflag:$0x1] =	stream.indirect_vreg.gather [hbm4b:s4+s2], $0x80, v21, vm0, $0xb8;
	[tilespmem:$0x10500] =	vst v63  }
0x161: {  	_ = 	snop  }
0x162: {  	[tilespmem:s22], [sflag:$0x1] =	stream.indirect_vreg.gather [hbm4b:s5+s2], $0x80, v21, vm0, $0xb8;
	[tilespmem:$0x10500] =	vst v63  }
0x163: {  	s18 =	simm.s32 $0x3D00  }
0x164: {  	[tilespmem:s18], [sflag:$0x1] =	stream.indirect_vreg.gather [hbm4b:s6+s2], $0x80, v21, vm0, $0xb8;
	[tilespmem:$0x10500] =	vst v63  }
0x165: {  	v21 =	vld [tilespmem:$0x490];
	_ =	sdelay $0x4  }
0x166: {  	v22 =	vshll.u32 v21, $0x3  }
0x167: {  	v21 =	vand.u32 $0x7, v21;
	v22 =	vand.u32 $0xFFFFFFC0, v22  }
0x168: {  	v21 =	vor.u32 v21, v22  }
0x169: {  	v22 =	vperm.xlane v21, v13;
	_ =	sdelay $0x1  }
0x16a: {  	v22 =	vadd.s32 v15, v22;
	_ =	sdelay $0x3  }
0x16b: {  	s10 =	simm.s32 $0x4500  }
0x16c: {  	[tilespmem:s10], [sflag:$0x1] =	stream.indirect_vreg.gather [hbm4b:s1+s2], $0x80, v22, vm0, $0xb8;
	[tilespmem:$0x10500] =	vst v63  }
0x16d: {  	v21 =	vperm.xlane v21, v14;
	s10 =	simm.s32 $0x4D00  }
0x16e: {  	[tilespmem:s10], [sflag:$0x1] =	stream.indirect_vreg.gather [hbm4b:s4+s2], $0x80, v22, vm0, $0xb8;
	[tilespmem:$0x10500] =	vst v63  }
0x16f: {  	s22 =	simm.s32 $0x5500;
	v21 =	vadd.s32 v15, v21  }
0x170: {  	[tilespmem:s22], [sflag:$0x1] =	stream.indirect_vreg.gather [hbm4b:s5+s2], $0x80, v22, vm0, $0xb8;
	[tilespmem:$0x10500] =	vst v63  }
0x171: {  	s22 =	simm.s32 $0x5D00  }
0x172: {  	[tilespmem:s22], [sflag:$0x1] =	stream.indirect_vreg.gather [hbm4b:s6+s2], $0x80, v22, vm0, $0xb8;
	[tilespmem:$0x10500] =	vst v63  }
0x173: {  	_ = 	snop  }
0x174: {  	[tilespmem:s25], [sflag:$0x1] =	stream.indirect_vreg.gather [hbm4b:s1+s2], $0x80, v21, vm0, $0xb8;
	[tilespmem:$0x10500] =	vst v63  }
0x175: {  	s31 =	simm.s32 $0x6D00  }
0x176: {  	[tilespmem:s31], [sflag:$0x1] =	stream.indirect_vreg.gather [hbm4b:s4+s2], $0x80, v21, vm0, $0xb8;
	[tilespmem:$0x10500] =	vst v63  }
0x177: {  	s10 =	simm.s32 $0x7500  }
0x178: {  	[tilespmem:s10], [sflag:$0x1] =	stream.indirect_vreg.gather [hbm4b:s5+s2], $0x80, v21, vm0, $0xb8;
	[tilespmem:$0x10500] =	vst v63  }
0x179: {  	s10 =	simm.s32 $0x7D00  }
0x17a: {  	[tilespmem:s10], [sflag:$0x1] =	stream.indirect_vreg.gather [hbm4b:s6+s2], $0x80, v21, vm0, $0xb8;
	[tilespmem:$0x10500] =	vst v63  }
0x17b: {  	s11 =	rddreg [dreg:$0x14]  }
0x17c: {  	[hbm4b:s11+s2] =	stream.linear.scatter [tilespmem:s0], [sflag:$0x4], $0x8000, $0x38;
	[tilespmem:$0x10500] =	vst v63  }
0x17d: {  	s9 =	rddreg [dreg:$0x15]  }
0x17e: {  	[hbm4b:s9+s2] =	stream.linear.scatter [tilespmem:s0], [sflag:$0x4], $0x8000, $0x38;
	[tilespmem:$0x10500] =	vst v63  }
0x17f: {  	s11 =	rddreg [dreg:$0x16]  }
0x180: {  	[hbm4b:s11+s2] =	stream.linear.scatter [tilespmem:s0], [sflag:$0x4], $0x8000, $0x38;
	[tilespmem:$0x10500] =	vst v63  }
0x181: {  	s9 =	rddreg [dreg:$0x17]  }
0x182: {  	[hbm4b:s9+s2] =	stream.linear.scatter [tilespmem:s0], [sflag:$0x4], $0x8000, $0x38;
	[tilespmem:$0x10500] =	vst v63  }
0x183: {  	_ =	swait.ge [sflag:s28], $0x8000  }
0x184: {  	[sflag:s28] =	ssyncset.done $0x0  }
0x185: {  	[sflag:s28] =	ssyncadd.s32 $0xFFFF8000  }
0x186: {  	_ =	swait.ge [sflag:s29], $0x8000  }
0x187: {  	[sflag:s29] =	ssyncset.done $0x0  }
0x188: {  	[sflag:s29] =	ssyncadd.s32 $0xFFFF8000  }
0x189: {  	_ =	swait.ge [sflag:s29], $0x8000  }
0x18a: {  	[sflag:s29] =	ssyncset.done $0x0  }
0x18b: {  	[sflag:s29] =	ssyncadd.s32 $0xFFFF8000  }
0x18c: {  	_ =	swait.ge [sflag:s29], $0x8000  }
0x18d: {  	[sflag:s29] =	ssyncset.done $0x0  }
0x18e: {  	[sflag:s29] =	ssyncadd.s32 $0xFFFF8000  }
0x18f: {  	_ =	swait.ge [sflag:s29], $0x8000  }
0x190: {  	[sflag:s29] =	ssyncset.done $0x0  }
0x191: {  	[sflag:s29] =	ssyncadd.s32 $0xFFFF8000  }
0x192: {  	v21 =	vld [tilespmem:$0x4A0];
	_ =	sdelay $0x4  }
0x193: {  	v22 =	vshll.u32 v21, $0x3  }
0x194: {  	v21 =	vand.u32 $0x7, v21;
	v22 =	vand.u32 $0xFFFFFFC0, v22  }
0x195: {  	v21 =	vor.u32 v21, v22  }
0x196: {  	v22 =	vperm.xlane v21, v13;
	_ =	sdelay $0x1  }
0x197: {  	v22 =	vadd.s32 v15, v22;
	_ =	sdelay $0x4  }
0x198: {  	[tilespmem:s0], [sflag:$0x2] =	stream.indirect_vreg.gather [hbm4b:s1+s2], $0x80, v22, vm0, $0xb8;
	[tilespmem:$0x10500] =	vst v63  }
0x199: {  	v21 =	vperm.xlane v21, v14  }
0x19a: {  	[tilespmem:s8], [sflag:$0x2] =	stream.indirect_vreg.gather [hbm4b:s4+s2], $0x80, v22, vm0, $0xb8;
	[tilespmem:$0x10500] =	vst v63  }
0x19b: {  	v21 =	vadd.s32 v15, v21  }
0x19c: {  	[tilespmem:s21], [sflag:$0x2] =	stream.indirect_vreg.gather [hbm4b:s5+s2], $0x80, v22, vm0, $0xb8;
	[tilespmem:$0x10500] =	vst v63  }
0x19d: {  	_ = 	snop  }
0x19e: {  	[tilespmem:s15], [sflag:$0x2] =	stream.indirect_vreg.gather [hbm4b:s6+s2], $0x80, v22, vm0, $0xb8;
	[tilespmem:$0x10500] =	vst v63  }
0x19f: {  	_ = 	snop  }
0x1a0: {  	[tilespmem:s12], [sflag:$0x2] =	stream.indirect_vreg.gather [hbm4b:s1+s2], $0x80, v21, vm0, $0xb8;
	[tilespmem:$0x10500] =	vst v63  }
0x1a1: {  	s11 =	simm.s32 $0xAD00  }
0x1a2: {  	[tilespmem:s11], [sflag:$0x2] =	stream.indirect_vreg.gather [hbm4b:s4+s2], $0x80, v21, vm0, $0xb8;
	[tilespmem:$0x10500] =	vst v63  }
0x1a3: {  	_ = 	snop  }
0x1a4: {  	[tilespmem:s13], [sflag:$0x2] =	stream.indirect_vreg.gather [hbm4b:s5+s2], $0x80, v21, vm0, $0xb8;
	[tilespmem:$0x10500] =	vst v63  }
0x1a5: {  	s13 =	simm.s32 $0xBD00  }
0x1a6: {  	[tilespmem:s13], [sflag:$0x2] =	stream.indirect_vreg.gather [hbm4b:s6+s2], $0x80, v21, vm0, $0xb8;
	[tilespmem:$0x10500] =	vst v63  }
0x1a7: {  	v21 =	vld [tilespmem:$0x4B0];
	_ =	sdelay $0x4  }
0x1a8: {  	v22 =	vshll.u32 v21, $0x3  }
0x1a9: {  	v21 =	vand.u32 $0x7, v21;
	v22 =	vand.u32 $0xFFFFFFC0, v22  }
0x1aa: {  	v21 =	vor.u32 v21, v22  }
0x1ab: {  	v22 =	vperm.xlane v21, v13;
	_ =	sdelay $0x1  }
0x1ac: {  	v22 =	vadd.s32 v15, v22;
	_ =	sdelay $0x3  }
0x1ad: {  	s21 =	simm.s32 $0xC500  }
0x1ae: {  	[tilespmem:s21], [sflag:$0x2] =	stream.indirect_vreg.gather [hbm4b:s1+s2], $0x80, v22, vm0, $0xb8;
	[tilespmem:$0x10500] =	vst v63  }
0x1af: {  	v21 =	vperm.xlane v21, v14  }
0x1b0: {  	[tilespmem:s7], [sflag:$0x2] =	stream.indirect_vreg.gather [hbm4b:s4+s2], $0x80, v22, vm0, $0xb8;
	[tilespmem:$0x10500] =	vst v63  }
0x1b1: {  	v21 =	vadd.s32 v15, v21  }
0x1b2: {  	[tilespmem:s20], [sflag:$0x2] =	stream.indirect_vreg.gather [hbm4b:s5+s2], $0x80, v22, vm0, $0xb8;
	[tilespmem:$0x10500] =	vst v63  }
0x1b3: {  	s31 =	simm.s32 $0xDD00  }
0x1b4: {  	[tilespmem:s31], [sflag:$0x2] =	stream.indirect_vreg.gather [hbm4b:s6+s2], $0x80, v22, vm0, $0xb8;
	[tilespmem:$0x10500] =	vst v63  }
0x1b5: {  	_ = 	snop  }
0x1b6: {  	[tilespmem:s16], [sflag:$0x2] =	stream.indirect_vreg.gather [hbm4b:s1+s2], $0x80, v21, vm0, $0xb8;
	[tilespmem:$0x10500] =	vst v63  }
0x1b7: {  	s8 =	simm.s32 $0xED00  }
0x1b8: {  	[tilespmem:s8], [sflag:$0x2] =	stream.indirect_vreg.gather [hbm4b:s4+s2], $0x80, v21, vm0, $0xb8;
	[tilespmem:$0x10500] =	vst v63  }
0x1b9: {  	_ = 	snop  }
0x1ba: {  	[tilespmem:s19], [sflag:$0x2] =	stream.indirect_vreg.gather [hbm4b:s5+s2], $0x80, v21, vm0, $0xb8;
	[tilespmem:$0x10500] =	vst v63  }
0x1bb: {  	s9 =	simm.s32 $0xFD00  }
0x1bc: {  	[tilespmem:s9], [sflag:$0x2] =	stream.indirect_vreg.gather [hbm4b:s6+s2], $0x80, v21, vm0, $0xb8;
	[tilespmem:$0x10500] =	vst v63  }
0x1bd: {  	s11 =	rddreg [dreg:$0x18]  }
0x1be: {  	[hbm4b:s11+s2] =	stream.linear.scatter [tilespmem:s3], [sflag:$0x3], $0x8000, $0x38;
	[tilespmem:$0x10500] =	vst v63  }
0x1bf: {  	s13 =	rddreg [dreg:$0x19]  }
0x1c0: {  	[hbm4b:s13+s2] =	stream.linear.scatter [tilespmem:s3], [sflag:$0x3], $0x8000, $0x38;
	[tilespmem:$0x10500] =	vst v63  }
0x1c1: {  	s16 =	rddreg [dreg:$0x1a]  }
0x1c2: {  	[hbm4b:s16+s2] =	stream.linear.scatter [tilespmem:s3], [sflag:$0x3], $0x8000, $0x38;
	[tilespmem:$0x10500] =	vst v63  }
0x1c3: {  	s19 =	rddreg [dreg:$0x1b]  }
0x1c4: {  	[hbm4b:s19+s2] =	stream.linear.scatter [tilespmem:s3], [sflag:$0x3], $0x8000, $0x38;
	[tilespmem:$0x10500] =	vst v63  }
0x1c5: {  	_ =	swait.ge [sflag:s26], $0x8000  }
0x1c6: {  	[sflag:s26] =	ssyncset.done $0x0  }
0x1c7: {  	[sflag:s26] =	ssyncadd.s32 $0xFFFF8000  }
0x1c8: {  	_ =	swait.ge [sflag:s24], $0x8000  }
0x1c9: {  	[sflag:s24] =	ssyncset.done $0x0  }
0x1ca: {  	[sflag:s24] =	ssyncadd.s32 $0xFFFF8000  }
0x1cb: {  	_ =	swait.ge [sflag:s24], $0x8000  }
0x1cc: {  	[sflag:s24] =	ssyncset.done $0x0  }
0x1cd: {  	[sflag:s24] =	ssyncadd.s32 $0xFFFF8000  }
0x1ce: {  	_ =	swait.ge [sflag:s24], $0x8000  }
0x1cf: {  	[sflag:s24] =	ssyncset.done $0x0  }
0x1d0: {  	[sflag:s24] =	ssyncadd.s32 $0xFFFF8000  }
0x1d1: {  	_ =	swait.ge [sflag:s24], $0x8000  }
0x1d2: {  	[sflag:s24] =	ssyncset.done $0x0  }
0x1d3: {  	[sflag:s24] =	ssyncadd.s32 $0xFFFF8000  }
0x1d4: {  	v21 =	vld [tilespmem:$0x4C0];
	_ =	sdelay $0x4  }
0x1d5: {  	v22 =	vshll.u32 v21, $0x3  }
0x1d6: {  	v21 =	vand.u32 $0x7, v21;
	v22 =	vand.u32 $0xFFFFFFC0, v22  }
0x1d7: {  	v21 =	vor.u32 v21, v22  }
0x1d8: {  	v22 =	vperm.xlane v21, v13;
	_ =	sdelay $0x1  }
0x1d9: {  	v22 =	vadd.s32 v15, v22;
	_ =	sdelay $0x4  }
0x1da: {  	[tilespmem:s3], [sflag:$0x1] =	stream.indirect_vreg.gather [hbm4b:s1+s2], $0x80, v22, vm0, $0xb8;
	[tilespmem:$0x10500] =	vst v63  }
0x1db: {  	s20 =	simm.s32 $0xD00;
	v21 =	vperm.xlane v21, v14  }
0x1dc: {  	[tilespmem:s20], [sflag:$0x1] =	stream.indirect_vreg.gather [hbm4b:s4+s2], $0x80, v22, vm0, $0xb8;
	[tilespmem:$0x10500] =	vst v63  }
0x1dd: {  	s7 =	simm.s32 $0x1500;
	v21 =	vadd.s32 v15, v21  }
0x1de: {  	[tilespmem:s7], [sflag:$0x1] =	stream.indirect_vreg.gather [hbm4b:s5+s2], $0x80, v22, vm0, $0xb8;
	[tilespmem:$0x10500] =	vst v63  }
0x1df: {  	_ = 	snop  }
0x1e0: {  	[tilespmem:s14], [sflag:$0x1] =	stream.indirect_vreg.gather [hbm4b:s6+s2], $0x80, v22, vm0, $0xb8;
	[tilespmem:$0x10500] =	vst v63  }
0x1e1: {  	_ = 	snop  }
0x1e2: {  	[tilespmem:s17], [sflag:$0x1] =	stream.indirect_vreg.gather [hbm4b:s1+s2], $0x80, v21, vm0, $0xb8;
	[tilespmem:$0x10500] =	vst v63  }
0x1e3: {  	s21 =	simm.s32 $0x2D00  }
0x1e4: {  	[tilespmem:s21], [sflag:$0x1] =	stream.indirect_vreg.gather [hbm4b:s4+s2], $0x80, v21, vm0, $0xb8;
	[tilespmem:$0x10500] =	vst v63  }
0x1e5: {  	s17 =	simm.s32 $0x3500  }
0x1e6: {  	[tilespmem:s17], [sflag:$0x1] =	stream.indirect_vreg.gather [hbm4b:s5+s2], $0x80, v21, vm0, $0xb8;
	[tilespmem:$0x10500] =	vst v63  }
0x1e7: {  	_ = 	snop  }
0x1e8: {  	[tilespmem:s18], [sflag:$0x1] =	stream.indirect_vreg.gather [hbm4b:s6+s2], $0x80, v21, vm0, $0xb8;
	[tilespmem:$0x10500] =	vst v63  }
0x1e9: {  	v21 =	vld [tilespmem:$0x4D0];
	_ =	sdelay $0x4  }
0x1ea: {  	v22 =	vshll.u32 v21, $0x3  }
0x1eb: {  	v21 =	vand.u32 $0x7, v21;
	v22 =	vand.u32 $0xFFFFFFC0, v22  }
0x1ec: {  	v21 =	vor.u32 v21, v22  }
0x1ed: {  	v22 =	vperm.xlane v21, v13;
	_ =	sdelay $0x1  }
0x1ee: {  	v22 =	vadd.s32 v15, v22;
	_ =	sdelay $0x3  }
0x1ef: {  	s31 =	simm.s32 $0x4500  }
0x1f0: {  	[tilespmem:s31], [sflag:$0x1] =	stream.indirect_vreg.gather [hbm4b:s1+s2], $0x80, v22, vm0, $0xb8;
	[tilespmem:$0x10500] =	vst v63  }
0x1f1: {  	s9 =	simm.s32 $0x4D00;
	v21 =	vperm.xlane v21, v14  }
0x1f2: {  	[tilespmem:s9], [sflag:$0x1] =	stream.indirect_vreg.gather [hbm4b:s4+s2], $0x80, v22, vm0, $0xb8;
	[tilespmem:$0x10500] =	vst v63  }
0x1f3: {  	s21 =	simm.s32 $0x5500;
	v21 =	vadd.s32 v15, v21  }
0x1f4: {  	[tilespmem:s21], [sflag:$0x1] =	stream.indirect_vreg.gather [hbm4b:s5+s2], $0x80, v22, vm0, $0xb8;
	[tilespmem:$0x10500] =	vst v63  }
0x1f5: {  	_ = 	snop  }
0x1f6: {  	[tilespmem:s22], [sflag:$0x1] =	stream.indirect_vreg.gather [hbm4b:s6+s2], $0x80, v22, vm0, $0xb8;
	[tilespmem:$0x10500] =	vst v63  }
0x1f7: {  	_ = 	snop  }
0x1f8: {  	[tilespmem:s25], [sflag:$0x1] =	stream.indirect_vreg.gather [hbm4b:s1+s2], $0x80, v21, vm0, $0xb8;
	[tilespmem:$0x10500] =	vst v63  }
0x1f9: {  	s11 =	simm.s32 $0x6D00  }
0x1fa: {  	[tilespmem:s11], [sflag:$0x1] =	stream.indirect_vreg.gather [hbm4b:s4+s2], $0x80, v21, vm0, $0xb8;
	[tilespmem:$0x10500] =	vst v63  }
0x1fb: {  	s9 =	simm.s32 $0x7500  }
0x1fc: {  	[tilespmem:s9], [sflag:$0x1] =	stream.indirect_vreg.gather [hbm4b:s5+s2], $0x80, v21, vm0, $0xb8;
	[tilespmem:$0x10500] =	vst v63  }
0x1fd: {  	_ = 	snop  }
0x1fe: {  	[tilespmem:s10], [sflag:$0x1] =	stream.indirect_vreg.gather [hbm4b:s6+s2], $0x80, v21, vm0, $0xb8;
	[tilespmem:$0x10500] =	vst v63  }
0x1ff: {  	s14 =	rddreg [dreg:$0x1c]  }
0x200: {  	[hbm4b:s14+s2] =	stream.linear.scatter [tilespmem:s0], [sflag:$0x4], $0x8000, $0x38;
	[tilespmem:$0x10500] =	vst v63  }
0x201: {  	s16 =	rddreg [dreg:$0x1d]  }
0x202: {  	[hbm4b:s16+s2] =	stream.linear.scatter [tilespmem:s0], [sflag:$0x4], $0x8000, $0x38;
	[tilespmem:$0x10500] =	vst v63  }
0x203: {  	s19 =	rddreg [dreg:$0x1e]  }
0x204: {  	[hbm4b:s19+s2] =	stream.linear.scatter [tilespmem:s0], [sflag:$0x4], $0x8000, $0x38;
	[tilespmem:$0x10500] =	vst v63  }
0x205: {  	s25 =	rddreg [dreg:$0x1f]  }
0x206: {  	[hbm4b:s25+s2] =	stream.linear.scatter [tilespmem:s0], [sflag:$0x4], $0x8000, $0x38;
	[tilespmem:$0x10500] =	vst v63  }
0x207: {  	_ =	swait.ge [sflag:s28], $0x8000  }
0x208: {  	[sflag:s28] =	ssyncset.done $0x0  }
0x209: {  	[sflag:s28] =	ssyncadd.s32 $0xFFFF8000  }
0x20a: {  	_ =	swait.ge [sflag:s29], $0x8000  }
0x20b: {  	[sflag:s29] =	ssyncset.done $0x0  }
0x20c: {  	[sflag:s29] =	ssyncadd.s32 $0xFFFF8000  }
0x20d: {  	_ =	swait.ge [sflag:s29], $0x8000  }
0x20e: {  	[sflag:s29] =	ssyncset.done $0x0  }
0x20f: {  	[sflag:s29] =	ssyncadd.s32 $0xFFFF8000  }
0x210: {  	_ =	swait.ge [sflag:s29], $0x8000  }
0x211: {  	[sflag:s29] =	ssyncset.done $0x0  }
0x212: {  	[sflag:s29] =	ssyncadd.s32 $0xFFFF8000  }
0x213: {  	_ =	swait.ge [sflag:s29], $0x8000  }
0x214: {  	[sflag:s29] =	ssyncset.done $0x0  }
0x215: {  	[sflag:s29] =	ssyncadd.s32 $0xFFFF8000  }
0x216: {  	v21 =	vld [tilespmem:$0x4E0];
	_ =	sdelay $0x4  }
0x217: {  	v22 =	vshll.u32 v21, $0x3  }
0x218: {  	v21 =	vand.u32 $0x7, v21;
	v22 =	vand.u32 $0xFFFFFFC0, v22  }
0x219: {  	v21 =	vor.u32 v21, v22  }
0x21a: {  	v22 =	vperm.xlane v21, v13;
	_ =	sdelay $0x1  }
0x21b: {  	v22 =	vadd.s32 v15, v22;
	_ =	sdelay $0x4  }
0x21c: {  	[tilespmem:s0], [sflag:$0x2] =	stream.indirect_vreg.gather [hbm4b:s1+s2], $0x80, v22, vm0, $0xb8;
	[tilespmem:$0x10500] =	vst v63  }
0x21d: {  	s31 =	simm.s32 $0x8D00;
	v21 =	vperm.xlane v21, v14  }
0x21e: {  	[tilespmem:s31], [sflag:$0x2] =	stream.indirect_vreg.gather [hbm4b:s4+s2], $0x80, v22, vm0, $0xb8;
	[tilespmem:$0x10500] =	vst v63  }
0x21f: {  	s14 =	simm.s32 $0x9500;
	v21 =	vadd.s32 v15, v21  }
0x220: {  	[tilespmem:s14], [sflag:$0x2] =	stream.indirect_vreg.gather [hbm4b:s5+s2], $0x80, v22, vm0, $0xb8;
	[tilespmem:$0x10500] =	vst v63  }
0x221: {  	s15 =	simm.s32 $0x9D00  }
0x222: {  	[tilespmem:s15], [sflag:$0x2] =	stream.indirect_vreg.gather [hbm4b:s6+s2], $0x80, v22, vm0, $0xb8;
	[tilespmem:$0x10500] =	vst v63  }
0x223: {  	s12 =	simm.s32 $0xA500  }
0x224: {  	[tilespmem:s12], [sflag:$0x2] =	stream.indirect_vreg.gather [hbm4b:s1+s2], $0x80, v21, vm0, $0xb8;
	[tilespmem:$0x10500] =	vst v63  }
0x225: {  	s16 =	simm.s32 $0xAD00  }
0x226: {  	[tilespmem:s16], [sflag:$0x2] =	stream.indirect_vreg.gather [hbm4b:s4+s2], $0x80, v21, vm0, $0xb8;
	[tilespmem:$0x10500] =	vst v63  }
0x227: {  	s19 =	simm.s32 $0xB500  }
0x228: {  	[tilespmem:s19], [sflag:$0x2] =	stream.indirect_vreg.gather [hbm4b:s5+s2], $0x80, v21, vm0, $0xb8;
	[tilespmem:$0x10500] =	vst v63  }
0x229: {  	s25 =	simm.s32 $0xBD00  }
0x22a: {  	[tilespmem:s25], [sflag:$0x2] =	stream.indirect_vreg.gather [hbm4b:s6+s2], $0x80, v21, vm0, $0xb8;
	[tilespmem:$0x10500] =	vst v63  }
0x22b: {  	v21 =	vld [tilespmem:$0x4F0];
	_ =	sdelay $0x4  }
0x22c: {  	v22 =	vshll.u32 v21, $0x3  }
0x22d: {  	v21 =	vand.u32 $0x7, v21;
	v22 =	vand.u32 $0xFFFFFFC0, v22  }
0x22e: {  	v21 =	vor.u32 v21, v22  }
0x22f: {  	v22 =	vperm.xlane v21, v13;
	_ =	sdelay $0x1  }
0x230: {  	v22 =	vadd.s32 v15, v22;
	_ =	sdelay $0x3  }
0x231: {  	s31 =	simm.s32 $0xC500  }
0x232: {  	[tilespmem:s31], [sflag:$0x2] =	stream.indirect_vreg.gather [hbm4b:s1+s2], $0x80, v22, vm0, $0xb8;
	[tilespmem:$0x10500] =	vst v63  }
0x233: {  	s14 =	simm.s32 $0xCD00;
	v21 =	vperm.xlane v21, v14  }
0x234: {  	[tilespmem:s14], [sflag:$0x2] =	stream.indirect_vreg.gather [hbm4b:s4+s2], $0x80, v22, vm0, $0xb8;
	[tilespmem:$0x10500] =	vst v63  }
0x235: {  	s25 =	simm.s32 $0xD500;
	v21 =	vadd.s32 v15, v21  }
0x236: {  	[tilespmem:s25], [sflag:$0x2] =	stream.indirect_vreg.gather [hbm4b:s5+s2], $0x80, v22, vm0, $0xb8;
	[tilespmem:$0x10500] =	vst v63  }
0x237: {  	s31 =	simm.s32 $0xDD00  }
0x238: {  	[tilespmem:s31], [sflag:$0x2] =	stream.indirect_vreg.gather [hbm4b:s6+s2], $0x80, v22, vm0, $0xb8;
	[tilespmem:$0x10500] =	vst v63  }
0x239: {  	s14 =	simm.s32 $0xE500  }
0x23a: {  	[tilespmem:s14], [sflag:$0x2] =	stream.indirect_vreg.gather [hbm4b:s1+s2], $0x80, v21, vm0, $0xb8;
	[tilespmem:$0x10500] =	vst v63  }
0x23b: {  	s25 =	simm.s32 $0xED00  }
0x23c: {  	[tilespmem:s25], [sflag:$0x2] =	stream.indirect_vreg.gather [hbm4b:s4+s2], $0x80, v21, vm0, $0xb8;
	[tilespmem:$0x10500] =	vst v63  }
0x23d: {  	s31 =	simm.s32 $0xF500  }
0x23e: {  	[tilespmem:s31], [sflag:$0x2] =	stream.indirect_vreg.gather [hbm4b:s5+s2], $0x80, v21, vm0, $0xb8;
	[tilespmem:$0x10500] =	vst v63  }
0x23f: {  	s14 =	simm.s32 $0xFD00;
	s25 =	sld [smem:$0x7EE]  }
0x240: {  	[tilespmem:s14], [sflag:$0x2] =	stream.indirect_vreg.gather [hbm4b:s6+s2], $0x80, v21, vm0, $0xb8;
	[tilespmem:$0x10500] =	vst v63  }
0x241: {  	s11 =	sld [smem:$0x7EF]  }
0x242: {  	[hbm4b:s25+s2] =	stream.linear.scatter [tilespmem:s3], [sflag:$0x3], $0x8000, $0x38;
	[tilespmem:$0x10500] =	vst v63  }
0x243: {  	s14 =	sld [smem:$0x7F0]  }
0x244: {  	[hbm4b:s11+s2] =	stream.linear.scatter [tilespmem:s3], [sflag:$0x3], $0x8000, $0x38;
	[tilespmem:$0x10500] =	vst v63  }
0x245: {  	s25 =	sld [smem:$0x7F1]  }
0x246: {  	[hbm4b:s14+s2] =	stream.linear.scatter [tilespmem:s3], [sflag:$0x3], $0x8000, $0x38;
	[tilespmem:$0x10500] =	vst v63  }
0x247: {  	_ = 	snop  }
0x248: {  	[hbm4b:s25+s2] =	stream.linear.scatter [tilespmem:s3], [sflag:$0x3], $0x8000, $0x38;
	[tilespmem:$0x10500] =	vst v63  }
0x249: {  	_ =	swait.ge [sflag:s26], $0x8000  }
0x24a: {  	s11 =	sld [smem:$0x7F2]  }
0x24b: {  	[sflag:s26] =	ssyncset.done $0x0  }
0x24c: {  	s14 =	sld [smem:$0x7F3];
	[sflag:s26] =	ssyncadd.s32 $0xFFFF8000  }
0x24d: {  	[hbm4b:s11+s2] =	stream.linear.scatter [tilespmem:s0], [sflag:$0x4], $0x8000, $0x38;
	[tilespmem:$0x10500] =	vst v63  }
0x24e: {  	s25 =	sld [smem:$0x7F4]  }
0x24f: {  	[hbm4b:s14+s2] =	stream.linear.scatter [tilespmem:s0], [sflag:$0x4], $0x8000, $0x38;
	[tilespmem:$0x10500] =	vst v63  }
0x250: {  	s11 =	sld [smem:$0x7F5]  }
0x251: {  	[hbm4b:s25+s2] =	stream.linear.scatter [tilespmem:s0], [sflag:$0x4], $0x8000, $0x38;
	[tilespmem:$0x10500] =	vst v63  }
0x252: {  	_ = 	snop  }
0x253: {  	[hbm4b:s11+s2] =	stream.linear.scatter [tilespmem:s0], [sflag:$0x4], $0x8000, $0x38;
	[tilespmem:$0x10500] =	vst v63  }
0x254: {  	_ =	swait.ge [sflag:s24], $0x8000  }
0x255: {  	[sflag:s24] =	ssyncset.done $0x0  }
0x256: {  	[sflag:s24] =	ssyncadd.s32 $0xFFFF8000  }
0x257: {  	_ =	swait.ge [sflag:s24], $0x8000  }
0x258: {  	[sflag:s24] =	ssyncset.done $0x0  }
0x259: {  	[sflag:s24] =	ssyncadd.s32 $0xFFFF8000  }
0x25a: {  	_ =	swait.ge [sflag:s24], $0x8000  }
0x25b: {  	[sflag:s24] =	ssyncset.done $0x0  }
0x25c: {  	[sflag:s24] =	ssyncadd.s32 $0xFFFF8000  }
0x25d: {  	_ =	swait.ge [sflag:s24], $0x8000  }
0x25e: {  	[sflag:s24] =	ssyncset.done $0x0  }
0x25f: {  	[sflag:s24] =	ssyncadd.s32 $0xFFFF8000  }
0x260: {  	_ =	swait.ge [sflag:s29], $0x8000  }
0x261: {  	[sflag:s29] =	ssyncset.done $0x0  }
0x262: {  	[sflag:s29] =	ssyncadd.s32 $0xFFFF8000  }
0x263: {  	_ =	swait.ge [sflag:s29], $0x8000  }
0x264: {  	[sflag:s29] =	ssyncset.done $0x0  }
0x265: {  	[sflag:s29] =	ssyncadd.s32 $0xFFFF8000  }
0x266: {  	_ =	swait.ge [sflag:s29], $0x8000  }
0x267: {  	[sflag:s29] =	ssyncset.done $0x0  }
0x268: {  	[sflag:s29] =	ssyncadd.s32 $0xFFFF8000  }
0x269: {  	_ =	swait.ge [sflag:s29], $0x8000  }
0x26a: {  	[sflag:s29] =	ssyncset.done $0x0  }
0x26b: {  	[sflag:s29] =	ssyncadd.s32 $0xFFFF8000  }
0x26c: {  	v21 =	vld [tilespmem:$0x10];
	_ =	sdelay $0x4  }
0x26d: {  	(v2sf) =	vpush v21, $0xF;
	_ =	sdelay $0xc  }
0x26e: {  	s25 =	sld [smem:$0x7F6];
	_ =	sdelay $0x1  }
0x26f: {  	s14 =	spop (v2sf)  }
0x270: {  	p0 =	seq.s32 s14, s25  }
.Ltmp2:
0x271: {  	_ = 	snop;
	(pc) =	sbr.rel @p0 .LBB2_3-.Ltmp2, $4  }
0x272: {  	_ = 	snop  }
0x273: {  	s8 =	simm.s32 $0x4500;
	s13 =	simm.s32 $0x3D00  }
0x274: {  	s20 =	simm.s32 $0x2500;
	s18 =	simm.s32 $0x6500;
	s15 =	simm.s32 $0xD00  }
0x275: {  	s12 =	simm.s32 $0x4D00;
	s16 =	simm.s32 $0x6D00;
	s19 =	simm.s32 $0x2D00  }
0x276: {  	v21 =	vld [tilespmem:$0x0];
	_ =	sdelay $0x4  }
0x277: {  	v22 =	vshll.u32 v21, $0x3  }
0x278: {  	v21 =	vand.u32 $0x7, v21;
	v22 =	vand.u32 $0xFFFFFFC0, v22  }
0x279: {  	v21 =	vor.u32 v21, v22  }
0x27a: {  	v22 =	vperm.xlane v21, v13;
	_ =	sdelay $0x1  }
0x27b: {  	v22 =	vadd.s32 v15, v22;
	_ =	sdelay $0x4  }
0x27c: {  	[tilespmem:s3], [sflag:$0x5] =	stream.indirect_vreg.gather [hbm4b:s1+s2], $0x80, v22, vm0, $0xb8;
	[tilespmem:$0x10500] =	vst v63  }
0x27d: {  	v21 =	vperm.xlane v21, v14  }
0x27e: {  	[tilespmem:s15], [sflag:$0x5] =	stream.indirect_vreg.gather [hbm4b:s4+s2], $0x80, v22, vm0, $0xb8;
	[tilespmem:$0x10500] =	vst v63  }
0x27f: {  	v21 =	vadd.s32 v15, v21  }
0x280: {  	[tilespmem:s7], [sflag:$0x5] =	stream.indirect_vreg.gather [hbm4b:s5+s2], $0x80, v22, vm0, $0xb8;
	[tilespmem:$0x10500] =	vst v63  }
0x281: {  	s0 =	simm.s32 $0x1D00  }
0x282: {  	[tilespmem:s0], [sflag:$0x5] =	stream.indirect_vreg.gather [hbm4b:s6+s2], $0x80, v22, vm0, $0xb8;
	[tilespmem:$0x10500] =	vst v63  }
0x283: {  	_ = 	snop  }
0x284: {  	[tilespmem:s20], [sflag:$0x5] =	stream.indirect_vreg.gather [hbm4b:s1+s2], $0x80, v21, vm0, $0xb8;
	[tilespmem:$0x10500] =	vst v63  }
0x285: {  	_ = 	snop  }
0x286: {  	[tilespmem:s19], [sflag:$0x5] =	stream.indirect_vreg.gather [hbm4b:s4+s2], $0x80, v21, vm0, $0xb8;
	[tilespmem:$0x10500] =	vst v63  }
0x287: {  	_ = 	snop  }
0x288: {  	[tilespmem:s17], [sflag:$0x5] =	stream.indirect_vreg.gather [hbm4b:s5+s2], $0x80, v21, vm0, $0xb8;
	[tilespmem:$0x10500] =	vst v63  }
0x289: {  	_ = 	snop  }
0x28a: {  	[tilespmem:s13], [sflag:$0x5] =	stream.indirect_vreg.gather [hbm4b:s6+s2], $0x80, v21, vm0, $0xb8;
	[tilespmem:$0x10500] =	vst v63  }
0x28b: {  	v21 =	vld [tilespmem:$0x10];
	_ =	sdelay $0x4  }
0x28c: {  	v22 =	vshll.u32 v21, $0x3  }
0x28d: {  	v21 =	vand.u32 $0x7, v21;
	v22 =	vand.u32 $0xFFFFFFC0, v22  }
0x28e: {  	v21 =	vor.u32 v21, v22  }
0x28f: {  	v22 =	vperm.xlane v21, v13;
	_ =	sdelay $0x1  }
0x290: {  	v22 =	vadd.s32 v15, v22;
	_ =	sdelay $0x4  }
0x291: {  	[tilespmem:s8], [sflag:$0x5] =	stream.indirect_vreg.gather [hbm4b:s1+s2], $0x80, v22, vm0, $0xb8;
	[tilespmem:$0x10500] =	vst v63  }
0x292: {  	v21 =	vperm.xlane v21, v14  }
0x293: {  	[tilespmem:s12], [sflag:$0x5] =	stream.indirect_vreg.gather [hbm4b:s4+s2], $0x80, v22, vm0, $0xb8;
	[tilespmem:$0x10500] =	vst v63  }
0x294: {  	v21 =	vadd.s32 v15, v21  }
0x295: {  	[tilespmem:s21], [sflag:$0x5] =	stream.indirect_vreg.gather [hbm4b:s5+s2], $0x80, v22, vm0, $0xb8;
	[tilespmem:$0x10500] =	vst v63  }
0x296: {  	_ = 	snop  }
0x297: {  	[tilespmem:s22], [sflag:$0x5] =	stream.indirect_vreg.gather [hbm4b:s6+s2], $0x80, v22, vm0, $0xb8;
	[tilespmem:$0x10500] =	vst v63  }
0x298: {  	_ = 	snop  }
0x299: {  	[tilespmem:s18], [sflag:$0x5] =	stream.indirect_vreg.gather [hbm4b:s1+s2], $0x80, v21, vm0, $0xb8;
	[tilespmem:$0x10500] =	vst v63  }
0x29a: {  	_ = 	snop  }
0x29b: {  	[tilespmem:s16], [sflag:$0x5] =	stream.indirect_vreg.gather [hbm4b:s4+s2], $0x80, v21, vm0, $0xb8;
	[tilespmem:$0x10500] =	vst v63  }
0x29c: {  	_ = 	snop  }
0x29d: {  	[tilespmem:s9], [sflag:$0x5] =	stream.indirect_vreg.gather [hbm4b:s5+s2], $0x80, v21, vm0, $0xb8;
	[tilespmem:$0x10500] =	vst v63  }
0x29e: {  	_ = 	snop  }
0x29f: {  	[tilespmem:s10], [sflag:$0x5] =	stream.indirect_vreg.gather [hbm4b:s6+s2], $0x80, v21, vm0, $0xb8;
	[tilespmem:$0x10500] =	vst v63  }
0x2a0: {  	_ =	swait.ge [sflag:s30], $0x8000  }
0x2a1: {  	[sflag:s30] =	ssyncset.done $0x0  }
0x2a2: {  	s31 =	rddreg [dreg:$0x8];
	[sflag:s30] =	ssyncadd.s32 $0xFFFF8000  }
0x2a3: {  	[hbm4b:s31+s2] =	stream.linear.scatter [tilespmem:s3], [sflag:$0x6], $0x8000, $0x38;
	[tilespmem:$0x10500] =	vst v63  }
0x2a4: {  	_ =	swait.ge [sflag:s23], $0x8000  }
0x2a5: {  	[sflag:s23] =	ssyncset.done $0x0  }
0x2a6: {  	[sflag:s23] =	ssyncadd.s32 $0xFFFF8000  }
.LBB2_3:
0x2a7: {  	v21 =	vld [tilespmem:$0x90];
	_ =	sdelay $0x4  }
0x2a8: {  	(v2sf) =	vpush v21, $0xF;
	_ =	sdelay $0xc  }
0x2a9: {  	s0 =	sld [smem:$0x7F6];
	_ =	sdelay $0x1  }
0x2aa: {  	s31 =	spop (v2sf)  }
0x2ab: {  	p0 =	seq.s32 s31, s0  }
.Ltmp3:
0x2ac: {  	_ = 	snop;
	(pc) =	sbr.rel @p0 .LBB2_5-.Ltmp3, $1  }
0x2ad: {  	_ =	sdelay $0x3  }
0x2ae: {  	v21 =	vld [tilespmem:$0x80];
	_ =	sdelay $0x4  }
0x2af: {  	v22 =	vshll.u32 v21, $0x3  }
0x2b0: {  	v21 =	vand.u32 $0x7, v21;
	v22 =	vand.u32 $0xFFFFFFC0, v22  }
0x2b1: {  	v21 =	vor.u32 v21, v22  }
0x2b2: {  	v22 =	vperm.xlane v21, v13;
	_ =	sdelay $0x1  }
0x2b3: {  	v22 =	vadd.s32 v15, v22;
	_ =	sdelay $0x4  }
0x2b4: {  	[tilespmem:s3], [sflag:$0x5] =	stream.indirect_vreg.gather [hbm4b:s1+s2], $0x80, v22, vm0, $0xb8;
	[tilespmem:$0x10500] =	vst v63  }
0x2b5: {  	v21 =	vperm.xlane v21, v14  }
0x2b6: {  	[tilespmem:s15], [sflag:$0x5] =	stream.indirect_vreg.gather [hbm4b:s4+s2], $0x80, v22, vm0, $0xb8;
	[tilespmem:$0x10500] =	vst v63  }
0x2b7: {  	v21 =	vadd.s32 v15, v21  }
0x2b8: {  	[tilespmem:s7], [sflag:$0x5] =	stream.indirect_vreg.gather [hbm4b:s5+s2], $0x80, v22, vm0, $0xb8;
	[tilespmem:$0x10500] =	vst v63  }
0x2b9: {  	s0 =	simm.s32 $0x1D00  }
0x2ba: {  	[tilespmem:s0], [sflag:$0x5] =	stream.indirect_vreg.gather [hbm4b:s6+s2], $0x80, v22, vm0, $0xb8;
	[tilespmem:$0x10500] =	vst v63  }
0x2bb: {  	_ = 	snop  }
0x2bc: {  	[tilespmem:s20], [sflag:$0x5] =	stream.indirect_vreg.gather [hbm4b:s1+s2], $0x80, v21, vm0, $0xb8;
	[tilespmem:$0x10500] =	vst v63  }
0x2bd: {  	_ = 	snop  }
0x2be: {  	[tilespmem:s19], [sflag:$0x5] =	stream.indirect_vreg.gather [hbm4b:s4+s2], $0x80, v21, vm0, $0xb8;
	[tilespmem:$0x10500] =	vst v63  }
0x2bf: {  	_ = 	snop  }
0x2c0: {  	[tilespmem:s17], [sflag:$0x5] =	stream.indirect_vreg.gather [hbm4b:s5+s2], $0x80, v21, vm0, $0xb8;
	[tilespmem:$0x10500] =	vst v63  }
0x2c1: {  	_ = 	snop  }
0x2c2: {  	[tilespmem:s13], [sflag:$0x5] =	stream.indirect_vreg.gather [hbm4b:s6+s2], $0x80, v21, vm0, $0xb8;
	[tilespmem:$0x10500] =	vst v63  }
0x2c3: {  	v21 =	vld [tilespmem:$0x90];
	_ =	sdelay $0x4  }
0x2c4: {  	v22 =	vshll.u32 v21, $0x3  }
0x2c5: {  	v21 =	vand.u32 $0x7, v21;
	v22 =	vand.u32 $0xFFFFFFC0, v22  }
0x2c6: {  	v21 =	vor.u32 v21, v22  }
0x2c7: {  	v22 =	vperm.xlane v21, v13;
	_ =	sdelay $0x1  }
0x2c8: {  	v22 =	vadd.s32 v15, v22;
	_ =	sdelay $0x4  }
0x2c9: {  	[tilespmem:s8], [sflag:$0x5] =	stream.indirect_vreg.gather [hbm4b:s1+s2], $0x80, v22, vm0, $0xb8;
	[tilespmem:$0x10500] =	vst v63  }
0x2ca: {  	v21 =	vperm.xlane v21, v14  }
0x2cb: {  	[tilespmem:s12], [sflag:$0x5] =	stream.indirect_vreg.gather [hbm4b:s4+s2], $0x80, v22, vm0, $0xb8;
	[tilespmem:$0x10500] =	vst v63  }
0x2cc: {  	v21 =	vadd.s32 v15, v21  }
0x2cd: {  	[tilespmem:s21], [sflag:$0x5] =	stream.indirect_vreg.gather [hbm4b:s5+s2], $0x80, v22, vm0, $0xb8;
	[tilespmem:$0x10500] =	vst v63  }
0x2ce: {  	_ = 	snop  }
0x2cf: {  	[tilespmem:s22], [sflag:$0x5] =	stream.indirect_vreg.gather [hbm4b:s6+s2], $0x80, v22, vm0, $0xb8;
	[tilespmem:$0x10500] =	vst v63  }
0x2d0: {  	_ = 	snop  }
0x2d1: {  	[tilespmem:s18], [sflag:$0x5] =	stream.indirect_vreg.gather [hbm4b:s1+s2], $0x80, v21, vm0, $0xb8;
	[tilespmem:$0x10500] =	vst v63  }
0x2d2: {  	_ = 	snop  }
0x2d3: {  	[tilespmem:s16], [sflag:$0x5] =	stream.indirect_vreg.gather [hbm4b:s4+s2], $0x80, v21, vm0, $0xb8;
	[tilespmem:$0x10500] =	vst v63  }
0x2d4: {  	_ = 	snop  }
0x2d5: {  	[tilespmem:s9], [sflag:$0x5] =	stream.indirect_vreg.gather [hbm4b:s5+s2], $0x80, v21, vm0, $0xb8;
	[tilespmem:$0x10500] =	vst v63  }
0x2d6: {  	_ = 	snop  }
0x2d7: {  	[tilespmem:s10], [sflag:$0x5] =	stream.indirect_vreg.gather [hbm4b:s6+s2], $0x80, v21, vm0, $0xb8;
	[tilespmem:$0x10500] =	vst v63  }
0x2d8: {  	_ =	swait.ge [sflag:s30], $0x8000  }
0x2d9: {  	[sflag:s30] =	ssyncset.done $0x0  }
0x2da: {  	s31 =	rddreg [dreg:$0x9];
	[sflag:s30] =	ssyncadd.s32 $0xFFFF8000  }
0x2db: {  	[hbm4b:s31+s2] =	stream.linear.scatter [tilespmem:s3], [sflag:$0x6], $0x8000, $0x38;
	[tilespmem:$0x10500] =	vst v63  }
0x2dc: {  	_ =	swait.ge [sflag:s23], $0x8000  }
0x2dd: {  	[sflag:s23] =	ssyncset.done $0x0  }
0x2de: {  	[sflag:s23] =	ssyncadd.s32 $0xFFFF8000  }
.LBB2_5:
0x2df: {  	v21 =	vld [tilespmem:$0x110];
	_ =	sdelay $0x4  }
0x2e0: {  	(v2sf) =	vpush v21, $0xF;
	_ =	sdelay $0xc  }
0x2e1: {  	s0 =	sld [smem:$0x7F6];
	_ =	sdelay $0x1  }
0x2e2: {  	s31 =	spop (v2sf)  }
0x2e3: {  	p0 =	seq.s32 s31, s0  }
.Ltmp4:
0x2e4: {  	_ = 	snop;
	(pc) =	sbr.rel @p0 .LBB2_7-.Ltmp4, $2  }
0x2e5: {  	_ = 	snop  }
0x2e6: {  	s11 =	sld [smem:$0x7ED];
	_ =	sdelay $0x2  }
0x2e7: {  	v21 =	vld [tilespmem:$0x100];
	_ =	sdelay $0x4  }
0x2e8: {  	v22 =	vshll.u32 v21, $0x3  }
0x2e9: {  	v21 =	vand.u32 $0x7, v21;
	v22 =	vand.u32 $0xFFFFFFC0, v22  }
0x2ea: {  	v21 =	vor.u32 v21, v22  }
0x2eb: {  	v22 =	vperm.xlane v21, v13;
	_ =	sdelay $0x1  }
0x2ec: {  	v22 =	vadd.s32 v15, v22;
	_ =	sdelay $0x4  }
0x2ed: {  	[tilespmem:s3], [sflag:$0x5] =	stream.indirect_vreg.gather [hbm4b:s1+s2], $0x80, v22, vm0, $0xb8;
	[tilespmem:$0x10500] =	vst v63  }
0x2ee: {  	v21 =	vperm.xlane v21, v14  }
0x2ef: {  	[tilespmem:s15], [sflag:$0x5] =	stream.indirect_vreg.gather [hbm4b:s4+s2], $0x80, v22, vm0, $0xb8;
	[tilespmem:$0x10500] =	vst v63  }
0x2f0: {  	v21 =	vadd.s32 v15, v21  }
0x2f1: {  	[tilespmem:s7], [sflag:$0x5] =	stream.indirect_vreg.gather [hbm4b:s5+s2], $0x80, v22, vm0, $0xb8;
	[tilespmem:$0x10500] =	vst v63  }
0x2f2: {  	s0 =	simm.s32 $0x1D00  }
0x2f3: {  	[tilespmem:s0], [sflag:$0x5] =	stream.indirect_vreg.gather [hbm4b:s6+s2], $0x80, v22, vm0, $0xb8;
	[tilespmem:$0x10500] =	vst v63  }
0x2f4: {  	_ = 	snop  }
0x2f5: {  	[tilespmem:s20], [sflag:$0x5] =	stream.indirect_vreg.gather [hbm4b:s1+s2], $0x80, v21, vm0, $0xb8;
	[tilespmem:$0x10500] =	vst v63  }
0x2f6: {  	_ = 	snop  }
0x2f7: {  	[tilespmem:s19], [sflag:$0x5] =	stream.indirect_vreg.gather [hbm4b:s4+s2], $0x80, v21, vm0, $0xb8;
	[tilespmem:$0x10500] =	vst v63  }
0x2f8: {  	_ = 	snop  }
0x2f9: {  	[tilespmem:s17], [sflag:$0x5] =	stream.indirect_vreg.gather [hbm4b:s5+s2], $0x80, v21, vm0, $0xb8;
	[tilespmem:$0x10500] =	vst v63  }
0x2fa: {  	_ = 	snop  }
0x2fb: {  	[tilespmem:s13], [sflag:$0x5] =	stream.indirect_vreg.gather [hbm4b:s6+s2], $0x80, v21, vm0, $0xb8;
	[tilespmem:$0x10500] =	vst v63  }
0x2fc: {  	v21 =	vld [tilespmem:$0x110];
	_ =	sdelay $0x4  }
0x2fd: {  	v22 =	vshll.u32 v21, $0x3  }
0x2fe: {  	v21 =	vand.u32 $0x7, v21;
	v22 =	vand.u32 $0xFFFFFFC0, v22  }
0x2ff: {  	v21 =	vor.u32 v21, v22  }
0x300: {  	v22 =	vperm.xlane v21, v13;
	_ =	sdelay $0x1  }
0x301: {  	v22 =	vadd.s32 v15, v22;
	_ =	sdelay $0x4  }
0x302: {  	[tilespmem:s8], [sflag:$0x5] =	stream.indirect_vreg.gather [hbm4b:s1+s2], $0x80, v22, vm0, $0xb8;
	[tilespmem:$0x10500] =	vst v63  }
0x303: {  	v21 =	vperm.xlane v21, v14  }
0x304: {  	[tilespmem:s12], [sflag:$0x5] =	stream.indirect_vreg.gather [hbm4b:s4+s2], $0x80, v22, vm0, $0xb8;
	[tilespmem:$0x10500] =	vst v63  }
0x305: {  	v21 =	vadd.s32 v15, v21  }
0x306: {  	[tilespmem:s21], [sflag:$0x5] =	stream.indirect_vreg.gather [hbm4b:s5+s2], $0x80, v22, vm0, $0xb8;
	[tilespmem:$0x10500] =	vst v63  }
0x307: {  	_ = 	snop  }
0x308: {  	[tilespmem:s22], [sflag:$0x5] =	stream.indirect_vreg.gather [hbm4b:s6+s2], $0x80, v22, vm0, $0xb8;
	[tilespmem:$0x10500] =	vst v63  }
0x309: {  	_ = 	snop  }
0x30a: {  	[tilespmem:s18], [sflag:$0x5] =	stream.indirect_vreg.gather [hbm4b:s1+s2], $0x80, v21, vm0, $0xb8;
	[tilespmem:$0x10500] =	vst v63  }
0x30b: {  	_ = 	snop  }
0x30c: {  	[tilespmem:s16], [sflag:$0x5] =	stream.indirect_vreg.gather [hbm4b:s4+s2], $0x80, v21, vm0, $0xb8;
	[tilespmem:$0x10500] =	vst v63  }
0x30d: {  	_ = 	snop  }
0x30e: {  	[tilespmem:s9], [sflag:$0x5] =	stream.indirect_vreg.gather [hbm4b:s5+s2], $0x80, v21, vm0, $0xb8;
	[tilespmem:$0x10500] =	vst v63  }
0x30f: {  	_ = 	snop  }
0x310: {  	[tilespmem:s10], [sflag:$0x5] =	stream.indirect_vreg.gather [hbm4b:s6+s2], $0x80, v21, vm0, $0xb8;
	[tilespmem:$0x10500] =	vst v63  }
0x311: {  	_ =	swait.ge [sflag:s30], $0x8000  }
0x312: {  	[sflag:s30] =	ssyncset.done $0x0  }
0x313: {  	s31 =	rddreg [dreg:$0xa];
	[sflag:s30] =	ssyncadd.s32 $0xFFFF8000  }
0x314: {  	[hbm4b:s31+s2] =	stream.linear.scatter [tilespmem:s3], [sflag:$0x6], $0x8000, $0x38;
	[tilespmem:$0x10500] =	vst v63  }
0x315: {  	_ =	swait.ge [sflag:s23], $0x8000  }
0x316: {  	[sflag:s23] =	ssyncset.done $0x0  }
0x317: {  	[sflag:s23] =	ssyncadd.s32 $0xFFFF8000  }
.LBB2_7:
0x318: {  	v21 =	vld [tilespmem:$0x190];
	_ =	sdelay $0x4  }
0x319: {  	(v2sf) =	vpush v21, $0xF;
	_ =	sdelay $0xc  }
0x31a: {  	s0 =	sld [smem:$0x7F6];
	_ =	sdelay $0x1  }
0x31b: {  	s31 =	spop (v2sf)  }
0x31c: {  	p0 =	seq.s32 s31, s0  }
.Ltmp5:
0x31d: {  	_ = 	snop;
	(pc) =	sbr.rel @p0 .LBB2_9-.Ltmp5, $1  }
0x31e: {  	_ =	sdelay $0x3  }
0x31f: {  	v21 =	vld [tilespmem:$0x180];
	_ =	sdelay $0x4  }
0x320: {  	v22 =	vshll.u32 v21, $0x3  }
0x321: {  	v21 =	vand.u32 $0x7, v21;
	v22 =	vand.u32 $0xFFFFFFC0, v22  }
0x322: {  	v21 =	vor.u32 v21, v22  }
0x323: {  	v22 =	vperm.xlane v21, v13;
	_ =	sdelay $0x1  }
0x324: {  	v22 =	vadd.s32 v15, v22;
	_ =	sdelay $0x4  }
0x325: {  	[tilespmem:s3], [sflag:$0x5] =	stream.indirect_vreg.gather [hbm4b:s1+s2], $0x80, v22, vm0, $0xb8;
	[tilespmem:$0x10500] =	vst v63  }
0x326: {  	v21 =	vperm.xlane v21, v14  }
0x327: {  	[tilespmem:s15], [sflag:$0x5] =	stream.indirect_vreg.gather [hbm4b:s4+s2], $0x80, v22, vm0, $0xb8;
	[tilespmem:$0x10500] =	vst v63  }
0x328: {  	v21 =	vadd.s32 v15, v21  }
0x329: {  	[tilespmem:s7], [sflag:$0x5] =	stream.indirect_vreg.gather [hbm4b:s5+s2], $0x80, v22, vm0, $0xb8;
	[tilespmem:$0x10500] =	vst v63  }
0x32a: {  	s0 =	simm.s32 $0x1D00  }
0x32b: {  	[tilespmem:s0], [sflag:$0x5] =	stream.indirect_vreg.gather [hbm4b:s6+s2], $0x80, v22, vm0, $0xb8;
	[tilespmem:$0x10500] =	vst v63  }
0x32c: {  	_ = 	snop  }
0x32d: {  	[tilespmem:s20], [sflag:$0x5] =	stream.indirect_vreg.gather [hbm4b:s1+s2], $0x80, v21, vm0, $0xb8;
	[tilespmem:$0x10500] =	vst v63  }
0x32e: {  	_ = 	snop  }
0x32f: {  	[tilespmem:s19], [sflag:$0x5] =	stream.indirect_vreg.gather [hbm4b:s4+s2], $0x80, v21, vm0, $0xb8;
	[tilespmem:$0x10500] =	vst v63  }
0x330: {  	_ = 	snop  }
0x331: {  	[tilespmem:s17], [sflag:$0x5] =	stream.indirect_vreg.gather [hbm4b:s5+s2], $0x80, v21, vm0, $0xb8;
	[tilespmem:$0x10500] =	vst v63  }
0x332: {  	_ = 	snop  }
0x333: {  	[tilespmem:s13], [sflag:$0x5] =	stream.indirect_vreg.gather [hbm4b:s6+s2], $0x80, v21, vm0, $0xb8;
	[tilespmem:$0x10500] =	vst v63  }
0x334: {  	v21 =	vld [tilespmem:$0x190];
	_ =	sdelay $0x4  }
0x335: {  	v22 =	vshll.u32 v21, $0x3  }
0x336: {  	v21 =	vand.u32 $0x7, v21;
	v22 =	vand.u32 $0xFFFFFFC0, v22  }
0x337: {  	v21 =	vor.u32 v21, v22  }
0x338: {  	v22 =	vperm.xlane v21, v13;
	_ =	sdelay $0x1  }
0x339: {  	v22 =	vadd.s32 v15, v22;
	_ =	sdelay $0x4  }
0x33a: {  	[tilespmem:s8], [sflag:$0x5] =	stream.indirect_vreg.gather [hbm4b:s1+s2], $0x80, v22, vm0, $0xb8;
	[tilespmem:$0x10500] =	vst v63  }
0x33b: {  	v21 =	vperm.xlane v21, v14  }
0x33c: {  	[tilespmem:s12], [sflag:$0x5] =	stream.indirect_vreg.gather [hbm4b:s4+s2], $0x80, v22, vm0, $0xb8;
	[tilespmem:$0x10500] =	vst v63  }
0x33d: {  	v21 =	vadd.s32 v15, v21  }
0x33e: {  	[tilespmem:s21], [sflag:$0x5] =	stream.indirect_vreg.gather [hbm4b:s5+s2], $0x80, v22, vm0, $0xb8;
	[tilespmem:$0x10500] =	vst v63  }
0x33f: {  	_ = 	snop  }
0x340: {  	[tilespmem:s22], [sflag:$0x5] =	stream.indirect_vreg.gather [hbm4b:s6+s2], $0x80, v22, vm0, $0xb8;
	[tilespmem:$0x10500] =	vst v63  }
0x341: {  	_ = 	snop  }
0x342: {  	[tilespmem:s18], [sflag:$0x5] =	stream.indirect_vreg.gather [hbm4b:s1+s2], $0x80, v21, vm0, $0xb8;
	[tilespmem:$0x10500] =	vst v63  }
0x343: {  	_ = 	snop  }
0x344: {  	[tilespmem:s16], [sflag:$0x5] =	stream.indirect_vreg.gather [hbm4b:s4+s2], $0x80, v21, vm0, $0xb8;
	[tilespmem:$0x10500] =	vst v63  }
0x345: {  	_ = 	snop  }
0x346: {  	[tilespmem:s9], [sflag:$0x5] =	stream.indirect_vreg.gather [hbm4b:s5+s2], $0x80, v21, vm0, $0xb8;
	[tilespmem:$0x10500] =	vst v63  }
0x347: {  	_ = 	snop  }
0x348: {  	[tilespmem:s10], [sflag:$0x5] =	stream.indirect_vreg.gather [hbm4b:s6+s2], $0x80, v21, vm0, $0xb8;
	[tilespmem:$0x10500] =	vst v63  }
0x349: {  	_ =	swait.ge [sflag:s30], $0x8000  }
0x34a: {  	[sflag:s30] =	ssyncset.done $0x0  }
0x34b: {  	s31 =	rddreg [dreg:$0xb];
	[sflag:s30] =	ssyncadd.s32 $0xFFFF8000  }
0x34c: {  	[hbm4b:s31+s2] =	stream.linear.scatter [tilespmem:s3], [sflag:$0x6], $0x8000, $0x38;
	[tilespmem:$0x10500] =	vst v63  }
0x34d: {  	_ =	swait.ge [sflag:s23], $0x8000  }
0x34e: {  	[sflag:s23] =	ssyncset.done $0x0  }
0x34f: {  	[sflag:s23] =	ssyncadd.s32 $0xFFFF8000  }
.LBB2_9:
0x350: {  	v21 =	vld [tilespmem:$0x30];
	_ =	sdelay $0x4  }
0x351: {  	(v2sf) =	vpush v21, $0xF;
	_ =	sdelay $0xc  }
0x352: {  	s0 =	sld [smem:$0x7FD];
	_ =	sdelay $0x1  }
0x353: {  	s31 =	spop (v2sf)  }
0x354: {  	p0 =	seq.s32 s31, s0  }
.Ltmp6:
0x355: {  	_ = 	snop;
	(pc) =	sbr.rel @p0 .LBB2_11-.Ltmp6, $1  }
0x356: {  	_ =	sdelay $0x3  }
0x357: {  	v21 =	vld [tilespmem:$0x20];
	_ =	sdelay $0x4  }
0x358: {  	v22 =	vshll.u32 v21, $0x3  }
0x359: {  	v21 =	vand.u32 $0x7, v21;
	v22 =	vand.u32 $0xFFFFFFC0, v22  }
0x35a: {  	v21 =	vor.u32 v21, v22  }
0x35b: {  	v22 =	vperm.xlane v21, v13;
	_ =	sdelay $0x1  }
0x35c: {  	v22 =	vadd.s32 v15, v22;
	_ =	sdelay $0x4  }
0x35d: {  	[tilespmem:s3], [sflag:$0x5] =	stream.indirect_vreg.gather [hbm4b:s1+s2], $0x80, v22, vm0, $0xb8;
	[tilespmem:$0x10500] =	vst v63  }
0x35e: {  	v21 =	vperm.xlane v21, v14  }
0x35f: {  	[tilespmem:s15], [sflag:$0x5] =	stream.indirect_vreg.gather [hbm4b:s4+s2], $0x80, v22, vm0, $0xb8;
	[tilespmem:$0x10500] =	vst v63  }
0x360: {  	v21 =	vadd.s32 v15, v21  }
0x361: {  	[tilespmem:s7], [sflag:$0x5] =	stream.indirect_vreg.gather [hbm4b:s5+s2], $0x80, v22, vm0, $0xb8;
	[tilespmem:$0x10500] =	vst v63  }
0x362: {  	s14 =	simm.s32 $0x1D00  }
0x363: {  	[tilespmem:s14], [sflag:$0x5] =	stream.indirect_vreg.gather [hbm4b:s6+s2], $0x80, v22, vm0, $0xb8;
	[tilespmem:$0x10500] =	vst v63  }
0x364: {  	_ = 	snop  }
0x365: {  	[tilespmem:s20], [sflag:$0x5] =	stream.indirect_vreg.gather [hbm4b:s1+s2], $0x80, v21, vm0, $0xb8;
	[tilespmem:$0x10500] =	vst v63  }
0x366: {  	_ = 	snop  }
0x367: {  	[tilespmem:s19], [sflag:$0x5] =	stream.indirect_vreg.gather [hbm4b:s4+s2], $0x80, v21, vm0, $0xb8;
	[tilespmem:$0x10500] =	vst v63  }
0x368: {  	_ = 	snop  }
0x369: {  	[tilespmem:s17], [sflag:$0x5] =	stream.indirect_vreg.gather [hbm4b:s5+s2], $0x80, v21, vm0, $0xb8;
	[tilespmem:$0x10500] =	vst v63  }
0x36a: {  	_ = 	snop  }
0x36b: {  	[tilespmem:s13], [sflag:$0x5] =	stream.indirect_vreg.gather [hbm4b:s6+s2], $0x80, v21, vm0, $0xb8;
	[tilespmem:$0x10500] =	vst v63  }
0x36c: {  	v21 =	vld [tilespmem:$0x30];
	_ =	sdelay $0x4  }
0x36d: {  	v22 =	vshll.u32 v21, $0x3  }
0x36e: {  	v21 =	vand.u32 $0x7, v21;
	v22 =	vand.u32 $0xFFFFFFC0, v22  }
0x36f: {  	v21 =	vor.u32 v21, v22  }
0x370: {  	v22 =	vperm.xlane v21, v13;
	_ =	sdelay $0x1  }
0x371: {  	v22 =	vadd.s32 v15, v22;
	_ =	sdelay $0x4  }
0x372: {  	[tilespmem:s8], [sflag:$0x5] =	stream.indirect_vreg.gather [hbm4b:s1+s2], $0x80, v22, vm0, $0xb8;
	[tilespmem:$0x10500] =	vst v63  }
0x373: {  	v21 =	vperm.xlane v21, v14  }
0x374: {  	[tilespmem:s12], [sflag:$0x5] =	stream.indirect_vreg.gather [hbm4b:s4+s2], $0x80, v22, vm0, $0xb8;
	[tilespmem:$0x10500] =	vst v63  }
0x375: {  	v21 =	vadd.s32 v15, v21  }
0x376: {  	[tilespmem:s21], [sflag:$0x5] =	stream.indirect_vreg.gather [hbm4b:s5+s2], $0x80, v22, vm0, $0xb8;
	[tilespmem:$0x10500] =	vst v63  }
0x377: {  	_ = 	snop  }
0x378: {  	[tilespmem:s22], [sflag:$0x5] =	stream.indirect_vreg.gather [hbm4b:s6+s2], $0x80, v22, vm0, $0xb8;
	[tilespmem:$0x10500] =	vst v63  }
0x379: {  	_ = 	snop  }
0x37a: {  	[tilespmem:s18], [sflag:$0x5] =	stream.indirect_vreg.gather [hbm4b:s1+s2], $0x80, v21, vm0, $0xb8;
	[tilespmem:$0x10500] =	vst v63  }
0x37b: {  	_ = 	snop  }
0x37c: {  	[tilespmem:s16], [sflag:$0x5] =	stream.indirect_vreg.gather [hbm4b:s4+s2], $0x80, v21, vm0, $0xb8;
	[tilespmem:$0x10500] =	vst v63  }
0x37d: {  	_ = 	snop  }
0x37e: {  	[tilespmem:s9], [sflag:$0x5] =	stream.indirect_vreg.gather [hbm4b:s5+s2], $0x80, v21, vm0, $0xb8;
	[tilespmem:$0x10500] =	vst v63  }
0x37f: {  	_ = 	snop  }
0x380: {  	[tilespmem:s10], [sflag:$0x5] =	stream.indirect_vreg.gather [hbm4b:s6+s2], $0x80, v21, vm0, $0xb8;
	[tilespmem:$0x10500] =	vst v63  }
0x381: {  	_ =	swait.ge [sflag:s30], $0x8000  }
0x382: {  	[sflag:s30] =	ssyncset.done $0x0  }
0x383: {  	s31 =	rddreg [dreg:$0xc];
	[sflag:s30] =	ssyncadd.s32 $0xFFFF8000  }
0x384: {  	[hbm4b:s31+s2] =	stream.linear.scatter [tilespmem:s3], [sflag:$0x6], $0x8000, $0x38;
	[tilespmem:$0x10500] =	vst v63  }
0x385: {  	_ =	swait.ge [sflag:s23], $0x8000  }
0x386: {  	[sflag:s23] =	ssyncset.done $0x0  }
0x387: {  	[sflag:s23] =	ssyncadd.s32 $0xFFFF8000  }
.LBB2_11:
0x388: {  	v21 =	vld [tilespmem:$0xB0];
	_ =	sdelay $0x4  }
0x389: {  	(v2sf) =	vpush v21, $0xF;
	_ =	sdelay $0xe  }
0x38a: {  	s31 =	spop (v2sf)  }
0x38b: {  	p0 =	seq.s32 s31, s0  }
.Ltmp7:
0x38c: {  	_ = 	snop;
	(pc) =	sbr.rel @p0 .LBB2_13-.Ltmp7, $2  }
0x38d: {  	_ =	sdelay $0x2  }
0x38e: {  	s25 =	sld [smem:$0x7F7]  }
0x38f: {  	v21 =	vld [tilespmem:$0xA0];
	_ =	sdelay $0x4  }
0x390: {  	v22 =	vshll.u32 v21, $0x3  }
0x391: {  	v21 =	vand.u32 $0x7, v21;
	v22 =	vand.u32 $0xFFFFFFC0, v22  }
0x392: {  	v21 =	vor.u32 v21, v22  }
0x393: {  	v22 =	vperm.xlane v21, v13;
	_ =	sdelay $0x1  }
0x394: {  	v22 =	vadd.s32 v15, v22;
	_ =	sdelay $0x4  }
0x395: {  	[tilespmem:s3], [sflag:$0x5] =	stream.indirect_vreg.gather [hbm4b:s1+s2], $0x80, v22, vm0, $0xb8;
	[tilespmem:$0x10500] =	vst v63  }
0x396: {  	v21 =	vperm.xlane v21, v14  }
0x397: {  	[tilespmem:s15], [sflag:$0x5] =	stream.indirect_vreg.gather [hbm4b:s4+s2], $0x80, v22, vm0, $0xb8;
	[tilespmem:$0x10500] =	vst v63  }
0x398: {  	v21 =	vadd.s32 v15, v21  }
0x399: {  	[tilespmem:s7], [sflag:$0x5] =	stream.indirect_vreg.gather [hbm4b:s5+s2], $0x80, v22, vm0, $0xb8;
	[tilespmem:$0x10500] =	vst v63  }
0x39a: {  	s14 =	simm.s32 $0x1D00  }
0x39b: {  	[tilespmem:s14], [sflag:$0x5] =	stream.indirect_vreg.gather [hbm4b:s6+s2], $0x80, v22, vm0, $0xb8;
	[tilespmem:$0x10500] =	vst v63  }
0x39c: {  	_ = 	snop  }
0x39d: {  	[tilespmem:s20], [sflag:$0x5] =	stream.indirect_vreg.gather [hbm4b:s1+s2], $0x80, v21, vm0, $0xb8;
	[tilespmem:$0x10500] =	vst v63  }
0x39e: {  	_ = 	snop  }
0x39f: {  	[tilespmem:s19], [sflag:$0x5] =	stream.indirect_vreg.gather [hbm4b:s4+s2], $0x80, v21, vm0, $0xb8;
	[tilespmem:$0x10500] =	vst v63  }
0x3a0: {  	_ = 	snop  }
0x3a1: {  	[tilespmem:s17], [sflag:$0x5] =	stream.indirect_vreg.gather [hbm4b:s5+s2], $0x80, v21, vm0, $0xb8;
	[tilespmem:$0x10500] =	vst v63  }
0x3a2: {  	_ = 	snop  }
0x3a3: {  	[tilespmem:s13], [sflag:$0x5] =	stream.indirect_vreg.gather [hbm4b:s6+s2], $0x80, v21, vm0, $0xb8;
	[tilespmem:$0x10500] =	vst v63  }
0x3a4: {  	v21 =	vld [tilespmem:$0xB0];
	_ =	sdelay $0x4  }
0x3a5: {  	v22 =	vshll.u32 v21, $0x3  }
0x3a6: {  	v21 =	vand.u32 $0x7, v21;
	v22 =	vand.u32 $0xFFFFFFC0, v22  }
0x3a7: {  	v21 =	vor.u32 v21, v22  }
0x3a8: {  	v22 =	vperm.xlane v21, v13;
	_ =	sdelay $0x1  }
0x3a9: {  	v22 =	vadd.s32 v15, v22;
	_ =	sdelay $0x4  }
0x3aa: {  	[tilespmem:s8], [sflag:$0x5] =	stream.indirect_vreg.gather [hbm4b:s1+s2], $0x80, v22, vm0, $0xb8;
	[tilespmem:$0x10500] =	vst v63  }
0x3ab: {  	v21 =	vperm.xlane v21, v14  }
0x3ac: {  	[tilespmem:s12], [sflag:$0x5] =	stream.indirect_vreg.gather [hbm4b:s4+s2], $0x80, v22, vm0, $0xb8;
	[tilespmem:$0x10500] =	vst v63  }
0x3ad: {  	v21 =	vadd.s32 v15, v21  }
0x3ae: {  	[tilespmem:s21], [sflag:$0x5] =	stream.indirect_vreg.gather [hbm4b:s5+s2], $0x80, v22, vm0, $0xb8;
	[tilespmem:$0x10500] =	vst v63  }
0x3af: {  	_ = 	snop  }
0x3b0: {  	[tilespmem:s22], [sflag:$0x5] =	stream.indirect_vreg.gather [hbm4b:s6+s2], $0x80, v22, vm0, $0xb8;
	[tilespmem:$0x10500] =	vst v63  }
0x3b1: {  	_ = 	snop  }
0x3b2: {  	[tilespmem:s18], [sflag:$0x5] =	stream.indirect_vreg.gather [hbm4b:s1+s2], $0x80, v21, vm0, $0xb8;
	[tilespmem:$0x10500] =	vst v63  }
0x3b3: {  	_ = 	snop  }
0x3b4: {  	[tilespmem:s16], [sflag:$0x5] =	stream.indirect_vreg.gather [hbm4b:s4+s2], $0x80, v21, vm0, $0xb8;
	[tilespmem:$0x10500] =	vst v63  }
0x3b5: {  	_ = 	snop  }
0x3b6: {  	[tilespmem:s9], [sflag:$0x5] =	stream.indirect_vreg.gather [hbm4b:s5+s2], $0x80, v21, vm0, $0xb8;
	[tilespmem:$0x10500] =	vst v63  }
0x3b7: {  	_ = 	snop  }
0x3b8: {  	[tilespmem:s10], [sflag:$0x5] =	stream.indirect_vreg.gather [hbm4b:s6+s2], $0x80, v21, vm0, $0xb8;
	[tilespmem:$0x10500] =	vst v63  }
0x3b9: {  	_ =	swait.ge [sflag:s30], $0x8000  }
0x3ba: {  	[sflag:s30] =	ssyncset.done $0x0  }
0x3bb: {  	s31 =	rddreg [dreg:$0xd];
	[sflag:s30] =	ssyncadd.s32 $0xFFFF8000  }
0x3bc: {  	[hbm4b:s31+s2] =	stream.linear.scatter [tilespmem:s3], [sflag:$0x6], $0x8000, $0x38;
	[tilespmem:$0x10500] =	vst v63  }
0x3bd: {  	_ =	swait.ge [sflag:s23], $0x8000  }
0x3be: {  	[sflag:s23] =	ssyncset.done $0x0  }
0x3bf: {  	[sflag:s23] =	ssyncadd.s32 $0xFFFF8000  }
.LBB2_13:
0x3c0: {  	v21 =	vld [tilespmem:$0x130];
	_ =	sdelay $0x4  }
0x3c1: {  	(v2sf) =	vpush v21, $0xF;
	_ =	sdelay $0xe  }
0x3c2: {  	s31 =	spop (v2sf)  }
0x3c3: {  	p0 =	seq.s32 s31, s0  }
.Ltmp8:
0x3c4: {  	_ = 	snop;
	(pc) =	sbr.rel @p0 .LBB2_15-.Ltmp8, $1  }
0x3c5: {  	_ =	sdelay $0x3  }
0x3c6: {  	v21 =	vld [tilespmem:$0x120];
	_ =	sdelay $0x4  }
0x3c7: {  	v22 =	vshll.u32 v21, $0x3  }
0x3c8: {  	v21 =	vand.u32 $0x7, v21;
	v22 =	vand.u32 $0xFFFFFFC0, v22  }
0x3c9: {  	v21 =	vor.u32 v21, v22  }
0x3ca: {  	v22 =	vperm.xlane v21, v13;
	_ =	sdelay $0x1  }
0x3cb: {  	v22 =	vadd.s32 v15, v22;
	_ =	sdelay $0x4  }
0x3cc: {  	[tilespmem:s3], [sflag:$0x5] =	stream.indirect_vreg.gather [hbm4b:s1+s2], $0x80, v22, vm0, $0xb8;
	[tilespmem:$0x10500] =	vst v63  }
0x3cd: {  	v21 =	vperm.xlane v21, v14  }
0x3ce: {  	[tilespmem:s15], [sflag:$0x5] =	stream.indirect_vreg.gather [hbm4b:s4+s2], $0x80, v22, vm0, $0xb8;
	[tilespmem:$0x10500] =	vst v63  }
0x3cf: {  	v21 =	vadd.s32 v15, v21  }
0x3d0: {  	[tilespmem:s7], [sflag:$0x5] =	stream.indirect_vreg.gather [hbm4b:s5+s2], $0x80, v22, vm0, $0xb8;
	[tilespmem:$0x10500] =	vst v63  }
0x3d1: {  	s14 =	simm.s32 $0x1D00  }
0x3d2: {  	[tilespmem:s14], [sflag:$0x5] =	stream.indirect_vreg.gather [hbm4b:s6+s2], $0x80, v22, vm0, $0xb8;
	[tilespmem:$0x10500] =	vst v63  }
0x3d3: {  	_ = 	snop  }
0x3d4: {  	[tilespmem:s20], [sflag:$0x5] =	stream.indirect_vreg.gather [hbm4b:s1+s2], $0x80, v21, vm0, $0xb8;
	[tilespmem:$0x10500] =	vst v63  }
0x3d5: {  	_ = 	snop  }
0x3d6: {  	[tilespmem:s19], [sflag:$0x5] =	stream.indirect_vreg.gather [hbm4b:s4+s2], $0x80, v21, vm0, $0xb8;
	[tilespmem:$0x10500] =	vst v63  }
0x3d7: {  	_ = 	snop  }
0x3d8: {  	[tilespmem:s17], [sflag:$0x5] =	stream.indirect_vreg.gather [hbm4b:s5+s2], $0x80, v21, vm0, $0xb8;
	[tilespmem:$0x10500] =	vst v63  }
0x3d9: {  	_ = 	snop  }
0x3da: {  	[tilespmem:s13], [sflag:$0x5] =	stream.indirect_vreg.gather [hbm4b:s6+s2], $0x80, v21, vm0, $0xb8;
	[tilespmem:$0x10500] =	vst v63  }
0x3db: {  	v21 =	vld [tilespmem:$0x130];
	_ =	sdelay $0x4  }
0x3dc: {  	v22 =	vshll.u32 v21, $0x3  }
0x3dd: {  	v21 =	vand.u32 $0x7, v21;
	v22 =	vand.u32 $0xFFFFFFC0, v22  }
0x3de: {  	v21 =	vor.u32 v21, v22  }
0x3df: {  	v22 =	vperm.xlane v21, v13;
	_ =	sdelay $0x1  }
0x3e0: {  	v22 =	vadd.s32 v15, v22;
	_ =	sdelay $0x4  }
0x3e1: {  	[tilespmem:s8], [sflag:$0x5] =	stream.indirect_vreg.gather [hbm4b:s1+s2], $0x80, v22, vm0, $0xb8;
	[tilespmem:$0x10500] =	vst v63  }
0x3e2: {  	v21 =	vperm.xlane v21, v14  }
0x3e3: {  	[tilespmem:s12], [sflag:$0x5] =	stream.indirect_vreg.gather [hbm4b:s4+s2], $0x80, v22, vm0, $0xb8;
	[tilespmem:$0x10500] =	vst v63  }
0x3e4: {  	v21 =	vadd.s32 v15, v21  }
0x3e5: {  	[tilespmem:s21], [sflag:$0x5] =	stream.indirect_vreg.gather [hbm4b:s5+s2], $0x80, v22, vm0, $0xb8;
	[tilespmem:$0x10500] =	vst v63  }
0x3e6: {  	_ = 	snop  }
0x3e7: {  	[tilespmem:s22], [sflag:$0x5] =	stream.indirect_vreg.gather [hbm4b:s6+s2], $0x80, v22, vm0, $0xb8;
	[tilespmem:$0x10500] =	vst v63  }
0x3e8: {  	_ = 	snop  }
0x3e9: {  	[tilespmem:s18], [sflag:$0x5] =	stream.indirect_vreg.gather [hbm4b:s1+s2], $0x80, v21, vm0, $0xb8;
	[tilespmem:$0x10500] =	vst v63  }
0x3ea: {  	_ = 	snop  }
0x3eb: {  	[tilespmem:s16], [sflag:$0x5] =	stream.indirect_vreg.gather [hbm4b:s4+s2], $0x80, v21, vm0, $0xb8;
	[tilespmem:$0x10500] =	vst v63  }
0x3ec: {  	_ = 	snop  }
0x3ed: {  	[tilespmem:s9], [sflag:$0x5] =	stream.indirect_vreg.gather [hbm4b:s5+s2], $0x80, v21, vm0, $0xb8;
	[tilespmem:$0x10500] =	vst v63  }
0x3ee: {  	_ = 	snop  }
0x3ef: {  	[tilespmem:s10], [sflag:$0x5] =	stream.indirect_vreg.gather [hbm4b:s6+s2], $0x80, v21, vm0, $0xb8;
	[tilespmem:$0x10500] =	vst v63  }
0x3f0: {  	_ =	swait.ge [sflag:s30], $0x8000  }
0x3f1: {  	[sflag:s30] =	ssyncset.done $0x0  }
0x3f2: {  	s31 =	rddreg [dreg:$0xe];
	[sflag:s30] =	ssyncadd.s32 $0xFFFF8000  }
0x3f3: {  	[hbm4b:s31+s2] =	stream.linear.scatter [tilespmem:s3], [sflag:$0x6], $0x8000, $0x38;
	[tilespmem:$0x10500] =	vst v63  }
0x3f4: {  	_ =	swait.ge [sflag:s23], $0x8000  }
0x3f5: {  	[sflag:s23] =	ssyncset.done $0x0  }
0x3f6: {  	[sflag:s23] =	ssyncadd.s32 $0xFFFF8000  }
.LBB2_15:
0x3f7: {  	v21 =	vld [tilespmem:$0x1B0];
	_ =	sdelay $0x4  }
0x3f8: {  	(v2sf) =	vpush v21, $0xF;
	_ =	sdelay $0xe  }
0x3f9: {  	s31 =	spop (v2sf)  }
0x3fa: {  	p0 =	seq.s32 s31, s0  }
.Ltmp9:
0x3fb: {  	_ = 	snop;
	(pc) =	sbr.rel @p0 .LBB2_17-.Ltmp9, $1  }
0x3fc: {  	_ =	sdelay $0x3  }
0x3fd: {  	v21 =	vld [tilespmem:$0x1A0];
	_ =	sdelay $0x4  }
0x3fe: {  	v22 =	vshll.u32 v21, $0x3  }
0x3ff: {  	v21 =	vand.u32 $0x7, v21;
	v22 =	vand.u32 $0xFFFFFFC0, v22  }
0x400: {  	v21 =	vor.u32 v21, v22  }
0x401: {  	v22 =	vperm.xlane v21, v13;
	_ =	sdelay $0x1  }
0x402: {  	v22 =	vadd.s32 v15, v22;
	_ =	sdelay $0x4  }
0x403: {  	[tilespmem:s3], [sflag:$0x5] =	stream.indirect_vreg.gather [hbm4b:s1+s2], $0x80, v22, vm0, $0xb8;
	[tilespmem:$0x10500] =	vst v63  }
0x404: {  	v21 =	vperm.xlane v21, v14  }
0x405: {  	[tilespmem:s15], [sflag:$0x5] =	stream.indirect_vreg.gather [hbm4b:s4+s2], $0x80, v22, vm0, $0xb8;
	[tilespmem:$0x10500] =	vst v63  }
0x406: {  	v21 =	vadd.s32 v15, v21  }
0x407: {  	[tilespmem:s7], [sflag:$0x5] =	stream.indirect_vreg.gather [hbm4b:s5+s2], $0x80, v22, vm0, $0xb8;
	[tilespmem:$0x10500] =	vst v63  }
0x408: {  	s14 =	simm.s32 $0x1D00  }
0x409: {  	[tilespmem:s14], [sflag:$0x5] =	stream.indirect_vreg.gather [hbm4b:s6+s2], $0x80, v22, vm0, $0xb8;
	[tilespmem:$0x10500] =	vst v63  }
0x40a: {  	_ = 	snop  }
0x40b: {  	[tilespmem:s20], [sflag:$0x5] =	stream.indirect_vreg.gather [hbm4b:s1+s2], $0x80, v21, vm0, $0xb8;
	[tilespmem:$0x10500] =	vst v63  }
0x40c: {  	_ = 	snop  }
0x40d: {  	[tilespmem:s19], [sflag:$0x5] =	stream.indirect_vreg.gather [hbm4b:s4+s2], $0x80, v21, vm0, $0xb8;
	[tilespmem:$0x10500] =	vst v63  }
0x40e: {  	_ = 	snop  }
0x40f: {  	[tilespmem:s17], [sflag:$0x5] =	stream.indirect_vreg.gather [hbm4b:s5+s2], $0x80, v21, vm0, $0xb8;
	[tilespmem:$0x10500] =	vst v63  }
0x410: {  	_ = 	snop  }
0x411: {  	[tilespmem:s13], [sflag:$0x5] =	stream.indirect_vreg.gather [hbm4b:s6+s2], $0x80, v21, vm0, $0xb8;
	[tilespmem:$0x10500] =	vst v63  }
0x412: {  	v21 =	vld [tilespmem:$0x1B0];
	_ =	sdelay $0x4  }
0x413: {  	v22 =	vshll.u32 v21, $0x3  }
0x414: {  	v21 =	vand.u32 $0x7, v21;
	v22 =	vand.u32 $0xFFFFFFC0, v22  }
0x415: {  	v21 =	vor.u32 v21, v22  }
0x416: {  	v22 =	vperm.xlane v21, v13;
	_ =	sdelay $0x1  }
0x417: {  	v22 =	vadd.s32 v15, v22;
	_ =	sdelay $0x4  }
0x418: {  	[tilespmem:s8], [sflag:$0x5] =	stream.indirect_vreg.gather [hbm4b:s1+s2], $0x80, v22, vm0, $0xb8;
	[tilespmem:$0x10500] =	vst v63  }
0x419: {  	v21 =	vperm.xlane v21, v14  }
0x41a: {  	[tilespmem:s12], [sflag:$0x5] =	stream.indirect_vreg.gather [hbm4b:s4+s2], $0x80, v22, vm0, $0xb8;
	[tilespmem:$0x10500] =	vst v63  }
0x41b: {  	v21 =	vadd.s32 v15, v21  }
0x41c: {  	[tilespmem:s21], [sflag:$0x5] =	stream.indirect_vreg.gather [hbm4b:s5+s2], $0x80, v22, vm0, $0xb8;
	[tilespmem:$0x10500] =	vst v63  }
0x41d: {  	_ = 	snop  }
0x41e: {  	[tilespmem:s22], [sflag:$0x5] =	stream.indirect_vreg.gather [hbm4b:s6+s2], $0x80, v22, vm0, $0xb8;
	[tilespmem:$0x10500] =	vst v63  }
0x41f: {  	_ = 	snop  }
0x420: {  	[tilespmem:s18], [sflag:$0x5] =	stream.indirect_vreg.gather [hbm4b:s1+s2], $0x80, v21, vm0, $0xb8;
	[tilespmem:$0x10500] =	vst v63  }
0x421: {  	_ = 	snop  }
0x422: {  	[tilespmem:s16], [sflag:$0x5] =	stream.indirect_vreg.gather [hbm4b:s4+s2], $0x80, v21, vm0, $0xb8;
	[tilespmem:$0x10500] =	vst v63  }
0x423: {  	_ = 	snop  }
0x424: {  	[tilespmem:s9], [sflag:$0x5] =	stream.indirect_vreg.gather [hbm4b:s5+s2], $0x80, v21, vm0, $0xb8;
	[tilespmem:$0x10500] =	vst v63  }
0x425: {  	_ = 	snop  }
0x426: {  	[tilespmem:s10], [sflag:$0x5] =	stream.indirect_vreg.gather [hbm4b:s6+s2], $0x80, v21, vm0, $0xb8;
	[tilespmem:$0x10500] =	vst v63  }
0x427: {  	_ =	swait.ge [sflag:s30], $0x8000  }
0x428: {  	[sflag:s30] =	ssyncset.done $0x0  }
0x429: {  	s31 =	rddreg [dreg:$0xf];
	[sflag:s30] =	ssyncadd.s32 $0xFFFF8000  }
0x42a: {  	[hbm4b:s31+s2] =	stream.linear.scatter [tilespmem:s3], [sflag:$0x6], $0x8000, $0x38;
	[tilespmem:$0x10500] =	vst v63  }
0x42b: {  	_ =	swait.ge [sflag:s23], $0x8000  }
0x42c: {  	[sflag:s23] =	ssyncset.done $0x0  }
0x42d: {  	[sflag:s23] =	ssyncadd.s32 $0xFFFF8000  }
.LBB2_17:
0x42e: {  	v21 =	vld [tilespmem:$0x50];
	_ =	sdelay $0x4  }
0x42f: {  	(v2sf) =	vpush v21, $0xF;
	_ =	sdelay $0xe  }
0x430: {  	s31 =	spop (v2sf)  }
0x431: {  	p0 =	seq.s32 s31, s25  }
.Ltmp10:
0x432: {  	_ = 	snop;
	(pc) =	sbr.rel @p0 .LBB2_19-.Ltmp10, $1  }
0x433: {  	_ =	sdelay $0x3  }
0x434: {  	v21 =	vld [tilespmem:$0x40];
	_ =	sdelay $0x4  }
0x435: {  	v22 =	vshll.u32 v21, $0x3  }
0x436: {  	v21 =	vand.u32 $0x7, v21;
	v22 =	vand.u32 $0xFFFFFFC0, v22  }
0x437: {  	v21 =	vor.u32 v21, v22  }
0x438: {  	v22 =	vperm.xlane v21, v13;
	_ =	sdelay $0x1  }
0x439: {  	v22 =	vadd.s32 v15, v22;
	_ =	sdelay $0x4  }
0x43a: {  	[tilespmem:s3], [sflag:$0x5] =	stream.indirect_vreg.gather [hbm4b:s1+s2], $0x80, v22, vm0, $0xb8;
	[tilespmem:$0x10500] =	vst v63  }
0x43b: {  	v21 =	vperm.xlane v21, v14  }
0x43c: {  	[tilespmem:s15], [sflag:$0x5] =	stream.indirect_vreg.gather [hbm4b:s4+s2], $0x80, v22, vm0, $0xb8;
	[tilespmem:$0x10500] =	vst v63  }
0x43d: {  	v21 =	vadd.s32 v15, v21  }
0x43e: {  	[tilespmem:s7], [sflag:$0x5] =	stream.indirect_vreg.gather [hbm4b:s5+s2], $0x80, v22, vm0, $0xb8;
	[tilespmem:$0x10500] =	vst v63  }
0x43f: {  	s14 =	simm.s32 $0x1D00  }
0x440: {  	[tilespmem:s14], [sflag:$0x5] =	stream.indirect_vreg.gather [hbm4b:s6+s2], $0x80, v22, vm0, $0xb8;
	[tilespmem:$0x10500] =	vst v63  }
0x441: {  	_ = 	snop  }
0x442: {  	[tilespmem:s20], [sflag:$0x5] =	stream.indirect_vreg.gather [hbm4b:s1+s2], $0x80, v21, vm0, $0xb8;
	[tilespmem:$0x10500] =	vst v63  }
0x443: {  	_ = 	snop  }
0x444: {  	[tilespmem:s19], [sflag:$0x5] =	stream.indirect_vreg.gather [hbm4b:s4+s2], $0x80, v21, vm0, $0xb8;
	[tilespmem:$0x10500] =	vst v63  }
0x445: {  	_ = 	snop  }
0x446: {  	[tilespmem:s17], [sflag:$0x5] =	stream.indirect_vreg.gather [hbm4b:s5+s2], $0x80, v21, vm0, $0xb8;
	[tilespmem:$0x10500] =	vst v63  }
0x447: {  	_ = 	snop  }
0x448: {  	[tilespmem:s13], [sflag:$0x5] =	stream.indirect_vreg.gather [hbm4b:s6+s2], $0x80, v21, vm0, $0xb8;
	[tilespmem:$0x10500] =	vst v63  }
0x449: {  	v21 =	vld [tilespmem:$0x50];
	_ =	sdelay $0x4  }
0x44a: {  	v22 =	vshll.u32 v21, $0x3  }
0x44b: {  	v21 =	vand.u32 $0x7, v21;
	v22 =	vand.u32 $0xFFFFFFC0, v22  }
0x44c: {  	v21 =	vor.u32 v21, v22  }
0x44d: {  	v22 =	vperm.xlane v21, v13;
	_ =	sdelay $0x1  }
0x44e: {  	v22 =	vadd.s32 v15, v22;
	_ =	sdelay $0x4  }
0x44f: {  	[tilespmem:s8], [sflag:$0x5] =	stream.indirect_vreg.gather [hbm4b:s1+s2], $0x80, v22, vm0, $0xb8;
	[tilespmem:$0x10500] =	vst v63  }
0x450: {  	v21 =	vperm.xlane v21, v14  }
0x451: {  	[tilespmem:s12], [sflag:$0x5] =	stream.indirect_vreg.gather [hbm4b:s4+s2], $0x80, v22, vm0, $0xb8;
	[tilespmem:$0x10500] =	vst v63  }
0x452: {  	v21 =	vadd.s32 v15, v21  }
0x453: {  	[tilespmem:s21], [sflag:$0x5] =	stream.indirect_vreg.gather [hbm4b:s5+s2], $0x80, v22, vm0, $0xb8;
	[tilespmem:$0x10500] =	vst v63  }
0x454: {  	_ = 	snop  }
0x455: {  	[tilespmem:s22], [sflag:$0x5] =	stream.indirect_vreg.gather [hbm4b:s6+s2], $0x80, v22, vm0, $0xb8;
	[tilespmem:$0x10500] =	vst v63  }
0x456: {  	_ = 	snop  }
0x457: {  	[tilespmem:s18], [sflag:$0x5] =	stream.indirect_vreg.gather [hbm4b:s1+s2], $0x80, v21, vm0, $0xb8;
	[tilespmem:$0x10500] =	vst v63  }
0x458: {  	_ = 	snop  }
0x459: {  	[tilespmem:s16], [sflag:$0x5] =	stream.indirect_vreg.gather [hbm4b:s4+s2], $0x80, v21, vm0, $0xb8;
	[tilespmem:$0x10500] =	vst v63  }
0x45a: {  	_ = 	snop  }
0x45b: {  	[tilespmem:s9], [sflag:$0x5] =	stream.indirect_vreg.gather [hbm4b:s5+s2], $0x80, v21, vm0, $0xb8;
	[tilespmem:$0x10500] =	vst v63  }
0x45c: {  	_ = 	snop  }
0x45d: {  	[tilespmem:s10], [sflag:$0x5] =	stream.indirect_vreg.gather [hbm4b:s6+s2], $0x80, v21, vm0, $0xb8;
	[tilespmem:$0x10500] =	vst v63  }
0x45e: {  	_ =	swait.ge [sflag:s30], $0x8000  }
0x45f: {  	[sflag:s30] =	ssyncset.done $0x0  }
0x460: {  	s31 =	rddreg [dreg:$0x10];
	[sflag:s30] =	ssyncadd.s32 $0xFFFF8000  }
0x461: {  	[hbm4b:s31+s2] =	stream.linear.scatter [tilespmem:s3], [sflag:$0x6], $0x8000, $0x38;
	[tilespmem:$0x10500] =	vst v63  }
0x462: {  	_ =	swait.ge [sflag:s23], $0x8000  }
0x463: {  	[sflag:s23] =	ssyncset.done $0x0  }
0x464: {  	[sflag:s23] =	ssyncadd.s32 $0xFFFF8000  }
.LBB2_19:
0x465: {  	v21 =	vld [tilespmem:$0xD0];
	_ =	sdelay $0x4  }
0x466: {  	(v2sf) =	vpush v21, $0xF;
	_ =	sdelay $0xe  }
0x467: {  	s31 =	spop (v2sf)  }
0x468: {  	p0 =	seq.s32 s31, s25  }
.Ltmp11:
0x469: {  	_ = 	snop;
	(pc) =	sbr.rel @p0 .LBB2_21-.Ltmp11, $1  }
0x46a: {  	_ =	sdelay $0x3  }
0x46b: {  	v21 =	vld [tilespmem:$0xC0];
	_ =	sdelay $0x4  }
0x46c: {  	v22 =	vshll.u32 v21, $0x3  }
0x46d: {  	v21 =	vand.u32 $0x7, v21;
	v22 =	vand.u32 $0xFFFFFFC0, v22  }
0x46e: {  	v21 =	vor.u32 v21, v22  }
0x46f: {  	v22 =	vperm.xlane v21, v13;
	_ =	sdelay $0x1  }
0x470: {  	v22 =	vadd.s32 v15, v22;
	_ =	sdelay $0x4  }
0x471: {  	[tilespmem:s3], [sflag:$0x5] =	stream.indirect_vreg.gather [hbm4b:s1+s2], $0x80, v22, vm0, $0xb8;
	[tilespmem:$0x10500] =	vst v63  }
0x472: {  	v21 =	vperm.xlane v21, v14  }
0x473: {  	[tilespmem:s15], [sflag:$0x5] =	stream.indirect_vreg.gather [hbm4b:s4+s2], $0x80, v22, vm0, $0xb8;
	[tilespmem:$0x10500] =	vst v63  }
0x474: {  	v21 =	vadd.s32 v15, v21  }
0x475: {  	[tilespmem:s7], [sflag:$0x5] =	stream.indirect_vreg.gather [hbm4b:s5+s2], $0x80, v22, vm0, $0xb8;
	[tilespmem:$0x10500] =	vst v63  }
0x476: {  	s14 =	simm.s32 $0x1D00  }
0x477: {  	[tilespmem:s14], [sflag:$0x5] =	stream.indirect_vreg.gather [hbm4b:s6+s2], $0x80, v22, vm0, $0xb8;
	[tilespmem:$0x10500] =	vst v63  }
0x478: {  	_ = 	snop  }
0x479: {  	[tilespmem:s20], [sflag:$0x5] =	stream.indirect_vreg.gather [hbm4b:s1+s2], $0x80, v21, vm0, $0xb8;
	[tilespmem:$0x10500] =	vst v63  }
0x47a: {  	_ = 	snop  }
0x47b: {  	[tilespmem:s19], [sflag:$0x5] =	stream.indirect_vreg.gather [hbm4b:s4+s2], $0x80, v21, vm0, $0xb8;
	[tilespmem:$0x10500] =	vst v63  }
0x47c: {  	_ = 	snop  }
0x47d: {  	[tilespmem:s17], [sflag:$0x5] =	stream.indirect_vreg.gather [hbm4b:s5+s2], $0x80, v21, vm0, $0xb8;
	[tilespmem:$0x10500] =	vst v63  }
0x47e: {  	_ = 	snop  }
0x47f: {  	[tilespmem:s13], [sflag:$0x5] =	stream.indirect_vreg.gather [hbm4b:s6+s2], $0x80, v21, vm0, $0xb8;
	[tilespmem:$0x10500] =	vst v63  }
0x480: {  	v21 =	vld [tilespmem:$0xD0];
	_ =	sdelay $0x4  }
0x481: {  	v22 =	vshll.u32 v21, $0x3  }
0x482: {  	v21 =	vand.u32 $0x7, v21;
	v22 =	vand.u32 $0xFFFFFFC0, v22  }
0x483: {  	v21 =	vor.u32 v21, v22  }
0x484: {  	v22 =	vperm.xlane v21, v13;
	_ =	sdelay $0x1  }
0x485: {  	v22 =	vadd.s32 v15, v22;
	_ =	sdelay $0x4  }
0x486: {  	[tilespmem:s8], [sflag:$0x5] =	stream.indirect_vreg.gather [hbm4b:s1+s2], $0x80, v22, vm0, $0xb8;
	[tilespmem:$0x10500] =	vst v63  }
0x487: {  	v21 =	vperm.xlane v21, v14  }
0x488: {  	[tilespmem:s12], [sflag:$0x5] =	stream.indirect_vreg.gather [hbm4b:s4+s2], $0x80, v22, vm0, $0xb8;
	[tilespmem:$0x10500] =	vst v63  }
0x489: {  	v21 =	vadd.s32 v15, v21  }
0x48a: {  	[tilespmem:s21], [sflag:$0x5] =	stream.indirect_vreg.gather [hbm4b:s5+s2], $0x80, v22, vm0, $0xb8;
	[tilespmem:$0x10500] =	vst v63  }
0x48b: {  	_ = 	snop  }
0x48c: {  	[tilespmem:s22], [sflag:$0x5] =	stream.indirect_vreg.gather [hbm4b:s6+s2], $0x80, v22, vm0, $0xb8;
	[tilespmem:$0x10500] =	vst v63  }
0x48d: {  	_ = 	snop  }
0x48e: {  	[tilespmem:s18], [sflag:$0x5] =	stream.indirect_vreg.gather [hbm4b:s1+s2], $0x80, v21, vm0, $0xb8;
	[tilespmem:$0x10500] =	vst v63  }
0x48f: {  	_ = 	snop  }
0x490: {  	[tilespmem:s16], [sflag:$0x5] =	stream.indirect_vreg.gather [hbm4b:s4+s2], $0x80, v21, vm0, $0xb8;
	[tilespmem:$0x10500] =	vst v63  }
0x491: {  	_ = 	snop  }
0x492: {  	[tilespmem:s9], [sflag:$0x5] =	stream.indirect_vreg.gather [hbm4b:s5+s2], $0x80, v21, vm0, $0xb8;
	[tilespmem:$0x10500] =	vst v63  }
0x493: {  	_ = 	snop  }
0x494: {  	[tilespmem:s10], [sflag:$0x5] =	stream.indirect_vreg.gather [hbm4b:s6+s2], $0x80, v21, vm0, $0xb8;
	[tilespmem:$0x10500] =	vst v63  }
0x495: {  	_ =	swait.ge [sflag:s30], $0x8000  }
0x496: {  	[sflag:s30] =	ssyncset.done $0x0  }
0x497: {  	s31 =	rddreg [dreg:$0x11];
	[sflag:s30] =	ssyncadd.s32 $0xFFFF8000  }
0x498: {  	[hbm4b:s31+s2] =	stream.linear.scatter [tilespmem:s3], [sflag:$0x6], $0x8000, $0x38;
	[tilespmem:$0x10500] =	vst v63  }
0x499: {  	_ =	swait.ge [sflag:s23], $0x8000  }
0x49a: {  	[sflag:s23] =	ssyncset.done $0x0  }
0x49b: {  	[sflag:s23] =	ssyncadd.s32 $0xFFFF8000  }
.LBB2_21:
0x49c: {  	v21 =	vld [tilespmem:$0x150];
	_ =	sdelay $0x4  }
0x49d: {  	(v2sf) =	vpush v21, $0xF;
	_ =	sdelay $0xe  }
0x49e: {  	s31 =	spop (v2sf)  }
0x49f: {  	p0 =	seq.s32 s31, s25  }
.Ltmp12:
0x4a0: {  	_ = 	snop;
	(pc) =	sbr.rel @p0 .LBB2_23-.Ltmp12, $1  }
0x4a1: {  	_ =	sdelay $0x3  }
0x4a2: {  	v21 =	vld [tilespmem:$0x140];
	_ =	sdelay $0x4  }
0x4a3: {  	v22 =	vshll.u32 v21, $0x3  }
0x4a4: {  	v21 =	vand.u32 $0x7, v21;
	v22 =	vand.u32 $0xFFFFFFC0, v22  }
0x4a5: {  	v21 =	vor.u32 v21, v22  }
0x4a6: {  	v22 =	vperm.xlane v21, v13;
	_ =	sdelay $0x1  }
0x4a7: {  	v22 =	vadd.s32 v15, v22;
	_ =	sdelay $0x4  }
0x4a8: {  	[tilespmem:s3], [sflag:$0x5] =	stream.indirect_vreg.gather [hbm4b:s1+s2], $0x80, v22, vm0, $0xb8;
	[tilespmem:$0x10500] =	vst v63  }
0x4a9: {  	v21 =	vperm.xlane v21, v14  }
0x4aa: {  	[tilespmem:s15], [sflag:$0x5] =	stream.indirect_vreg.gather [hbm4b:s4+s2], $0x80, v22, vm0, $0xb8;
	[tilespmem:$0x10500] =	vst v63  }
0x4ab: {  	v21 =	vadd.s32 v15, v21  }
0x4ac: {  	[tilespmem:s7], [sflag:$0x5] =	stream.indirect_vreg.gather [hbm4b:s5+s2], $0x80, v22, vm0, $0xb8;
	[tilespmem:$0x10500] =	vst v63  }
0x4ad: {  	s14 =	simm.s32 $0x1D00  }
0x4ae: {  	[tilespmem:s14], [sflag:$0x5] =	stream.indirect_vreg.gather [hbm4b:s6+s2], $0x80, v22, vm0, $0xb8;
	[tilespmem:$0x10500] =	vst v63  }
0x4af: {  	_ = 	snop  }
0x4b0: {  	[tilespmem:s20], [sflag:$0x5] =	stream.indirect_vreg.gather [hbm4b:s1+s2], $0x80, v21, vm0, $0xb8;
	[tilespmem:$0x10500] =	vst v63  }
0x4b1: {  	_ = 	snop  }
0x4b2: {  	[tilespmem:s19], [sflag:$0x5] =	stream.indirect_vreg.gather [hbm4b:s4+s2], $0x80, v21, vm0, $0xb8;
	[tilespmem:$0x10500] =	vst v63  }
0x4b3: {  	_ = 	snop  }
0x4b4: {  	[tilespmem:s17], [sflag:$0x5] =	stream.indirect_vreg.gather [hbm4b:s5+s2], $0x80, v21, vm0, $0xb8;
	[tilespmem:$0x10500] =	vst v63  }
0x4b5: {  	_ = 	snop  }
0x4b6: {  	[tilespmem:s13], [sflag:$0x5] =	stream.indirect_vreg.gather [hbm4b:s6+s2], $0x80, v21, vm0, $0xb8;
	[tilespmem:$0x10500] =	vst v63  }
0x4b7: {  	v21 =	vld [tilespmem:$0x150];
	_ =	sdelay $0x4  }
0x4b8: {  	v22 =	vshll.u32 v21, $0x3  }
0x4b9: {  	v21 =	vand.u32 $0x7, v21;
	v22 =	vand.u32 $0xFFFFFFC0, v22  }
0x4ba: {  	v21 =	vor.u32 v21, v22  }
0x4bb: {  	v22 =	vperm.xlane v21, v13;
	_ =	sdelay $0x1  }
0x4bc: {  	v22 =	vadd.s32 v15, v22;
	_ =	sdelay $0x4  }
0x4bd: {  	[tilespmem:s8], [sflag:$0x5] =	stream.indirect_vreg.gather [hbm4b:s1+s2], $0x80, v22, vm0, $0xb8;
	[tilespmem:$0x10500] =	vst v63  }
0x4be: {  	v21 =	vperm.xlane v21, v14  }
0x4bf: {  	[tilespmem:s12], [sflag:$0x5] =	stream.indirect_vreg.gather [hbm4b:s4+s2], $0x80, v22, vm0, $0xb8;
	[tilespmem:$0x10500] =	vst v63  }
0x4c0: {  	v21 =	vadd.s32 v15, v21  }
0x4c1: {  	[tilespmem:s21], [sflag:$0x5] =	stream.indirect_vreg.gather [hbm4b:s5+s2], $0x80, v22, vm0, $0xb8;
	[tilespmem:$0x10500] =	vst v63  }
0x4c2: {  	_ = 	snop  }
0x4c3: {  	[tilespmem:s22], [sflag:$0x5] =	stream.indirect_vreg.gather [hbm4b:s6+s2], $0x80, v22, vm0, $0xb8;
	[tilespmem:$0x10500] =	vst v63  }
0x4c4: {  	_ = 	snop  }
0x4c5: {  	[tilespmem:s18], [sflag:$0x5] =	stream.indirect_vreg.gather [hbm4b:s1+s2], $0x80, v21, vm0, $0xb8;
	[tilespmem:$0x10500] =	vst v63  }
0x4c6: {  	_ = 	snop  }
0x4c7: {  	[tilespmem:s16], [sflag:$0x5] =	stream.indirect_vreg.gather [hbm4b:s4+s2], $0x80, v21, vm0, $0xb8;
	[tilespmem:$0x10500] =	vst v63  }
0x4c8: {  	_ = 	snop  }
0x4c9: {  	[tilespmem:s9], [sflag:$0x5] =	stream.indirect_vreg.gather [hbm4b:s5+s2], $0x80, v21, vm0, $0xb8;
	[tilespmem:$0x10500] =	vst v63  }
0x4ca: {  	_ = 	snop  }
0x4cb: {  	[tilespmem:s10], [sflag:$0x5] =	stream.indirect_vreg.gather [hbm4b:s6+s2], $0x80, v21, vm0, $0xb8;
	[tilespmem:$0x10500] =	vst v63  }
0x4cc: {  	_ =	swait.ge [sflag:s30], $0x8000  }
0x4cd: {  	[sflag:s30] =	ssyncset.done $0x0  }
0x4ce: {  	s31 =	rddreg [dreg:$0x12];
	[sflag:s30] =	ssyncadd.s32 $0xFFFF8000  }
0x4cf: {  	[hbm4b:s31+s2] =	stream.linear.scatter [tilespmem:s3], [sflag:$0x6], $0x8000, $0x38;
	[tilespmem:$0x10500] =	vst v63  }
0x4d0: {  	_ =	swait.ge [sflag:s23], $0x8000  }
0x4d1: {  	[sflag:s23] =	ssyncset.done $0x0  }
0x4d2: {  	[sflag:s23] =	ssyncadd.s32 $0xFFFF8000  }
.LBB2_23:
0x4d3: {  	v21 =	vld [tilespmem:$0x1D0];
	_ =	sdelay $0x4  }
0x4d4: {  	(v2sf) =	vpush v21, $0xF;
	_ =	sdelay $0xe  }
0x4d5: {  	s31 =	spop (v2sf)  }
0x4d6: {  	p0 =	seq.s32 s31, s25  }
.Ltmp13:
0x4d7: {  	_ = 	snop;
	(pc) =	sbr.rel @p0 .LBB2_25-.Ltmp13, $1  }
0x4d8: {  	_ =	sdelay $0x3  }
0x4d9: {  	v21 =	vld [tilespmem:$0x1C0];
	_ =	sdelay $0x4  }
0x4da: {  	v22 =	vshll.u32 v21, $0x3  }
0x4db: {  	v21 =	vand.u32 $0x7, v21;
	v22 =	vand.u32 $0xFFFFFFC0, v22  }
0x4dc: {  	v21 =	vor.u32 v21, v22  }
0x4dd: {  	v22 =	vperm.xlane v21, v13;
	_ =	sdelay $0x1  }
0x4de: {  	v22 =	vadd.s32 v15, v22;
	_ =	sdelay $0x4  }
0x4df: {  	[tilespmem:s3], [sflag:$0x5] =	stream.indirect_vreg.gather [hbm4b:s1+s2], $0x80, v22, vm0, $0xb8;
	[tilespmem:$0x10500] =	vst v63  }
0x4e0: {  	v21 =	vperm.xlane v21, v14  }
0x4e1: {  	[tilespmem:s15], [sflag:$0x5] =	stream.indirect_vreg.gather [hbm4b:s4+s2], $0x80, v22, vm0, $0xb8;
	[tilespmem:$0x10500] =	vst v63  }
0x4e2: {  	v21 =	vadd.s32 v15, v21  }
0x4e3: {  	[tilespmem:s7], [sflag:$0x5] =	stream.indirect_vreg.gather [hbm4b:s5+s2], $0x80, v22, vm0, $0xb8;
	[tilespmem:$0x10500] =	vst v63  }
0x4e4: {  	s14 =	simm.s32 $0x1D00  }
0x4e5: {  	[tilespmem:s14], [sflag:$0x5] =	stream.indirect_vreg.gather [hbm4b:s6+s2], $0x80, v22, vm0, $0xb8;
	[tilespmem:$0x10500] =	vst v63  }
0x4e6: {  	_ = 	snop  }
0x4e7: {  	[tilespmem:s20], [sflag:$0x5] =	stream.indirect_vreg.gather [hbm4b:s1+s2], $0x80, v21, vm0, $0xb8;
	[tilespmem:$0x10500] =	vst v63  }
0x4e8: {  	_ = 	snop  }
0x4e9: {  	[tilespmem:s19], [sflag:$0x5] =	stream.indirect_vreg.gather [hbm4b:s4+s2], $0x80, v21, vm0, $0xb8;
	[tilespmem:$0x10500] =	vst v63  }
0x4ea: {  	_ = 	snop  }
0x4eb: {  	[tilespmem:s17], [sflag:$0x5] =	stream.indirect_vreg.gather [hbm4b:s5+s2], $0x80, v21, vm0, $0xb8;
	[tilespmem:$0x10500] =	vst v63  }
0x4ec: {  	_ = 	snop  }
0x4ed: {  	[tilespmem:s13], [sflag:$0x5] =	stream.indirect_vreg.gather [hbm4b:s6+s2], $0x80, v21, vm0, $0xb8;
	[tilespmem:$0x10500] =	vst v63  }
0x4ee: {  	v21 =	vld [tilespmem:$0x1D0];
	_ =	sdelay $0x4  }
0x4ef: {  	v22 =	vshll.u32 v21, $0x3  }
0x4f0: {  	v21 =	vand.u32 $0x7, v21;
	v22 =	vand.u32 $0xFFFFFFC0, v22  }
0x4f1: {  	v21 =	vor.u32 v21, v22  }
0x4f2: {  	v22 =	vperm.xlane v21, v13;
	_ =	sdelay $0x1  }
0x4f3: {  	v22 =	vadd.s32 v15, v22;
	_ =	sdelay $0x4  }
0x4f4: {  	[tilespmem:s8], [sflag:$0x5] =	stream.indirect_vreg.gather [hbm4b:s1+s2], $0x80, v22, vm0, $0xb8;
	[tilespmem:$0x10500] =	vst v63  }
0x4f5: {  	v21 =	vperm.xlane v21, v14  }
0x4f6: {  	[tilespmem:s12], [sflag:$0x5] =	stream.indirect_vreg.gather [hbm4b:s4+s2], $0x80, v22, vm0, $0xb8;
	[tilespmem:$0x10500] =	vst v63  }
0x4f7: {  	v21 =	vadd.s32 v15, v21  }
0x4f8: {  	[tilespmem:s21], [sflag:$0x5] =	stream.indirect_vreg.gather [hbm4b:s5+s2], $0x80, v22, vm0, $0xb8;
	[tilespmem:$0x10500] =	vst v63  }
0x4f9: {  	_ = 	snop  }
0x4fa: {  	[tilespmem:s22], [sflag:$0x5] =	stream.indirect_vreg.gather [hbm4b:s6+s2], $0x80, v22, vm0, $0xb8;
	[tilespmem:$0x10500] =	vst v63  }
0x4fb: {  	_ = 	snop  }
0x4fc: {  	[tilespmem:s18], [sflag:$0x5] =	stream.indirect_vreg.gather [hbm4b:s1+s2], $0x80, v21, vm0, $0xb8;
	[tilespmem:$0x10500] =	vst v63  }
0x4fd: {  	_ = 	snop  }
0x4fe: {  	[tilespmem:s16], [sflag:$0x5] =	stream.indirect_vreg.gather [hbm4b:s4+s2], $0x80, v21, vm0, $0xb8;
	[tilespmem:$0x10500] =	vst v63  }
0x4ff: {  	_ = 	snop  }
0x500: {  	[tilespmem:s9], [sflag:$0x5] =	stream.indirect_vreg.gather [hbm4b:s5+s2], $0x80, v21, vm0, $0xb8;
	[tilespmem:$0x10500] =	vst v63  }
0x501: {  	_ = 	snop  }
0x502: {  	[tilespmem:s10], [sflag:$0x5] =	stream.indirect_vreg.gather [hbm4b:s6+s2], $0x80, v21, vm0, $0xb8;
	[tilespmem:$0x10500] =	vst v63  }
0x503: {  	_ =	swait.ge [sflag:s30], $0x8000  }
0x504: {  	[sflag:s30] =	ssyncset.done $0x0  }
0x505: {  	s31 =	rddreg [dreg:$0x13];
	[sflag:s30] =	ssyncadd.s32 $0xFFFF8000  }
0x506: {  	[hbm4b:s31+s2] =	stream.linear.scatter [tilespmem:s3], [sflag:$0x6], $0x8000, $0x38;
	[tilespmem:$0x10500] =	vst v63  }
0x507: {  	_ =	swait.ge [sflag:s23], $0x8000  }
0x508: {  	[sflag:s23] =	ssyncset.done $0x0  }
0x509: {  	[sflag:s23] =	ssyncadd.s32 $0xFFFF8000  }
.LBB2_25:
0x50a: {  	v21 =	vld [tilespmem:$0x70];
	_ =	sdelay $0x4  }
0x50b: {  	(v2sf) =	vpush v21, $0xF;
	_ =	sdelay $0xc  }
0x50c: {  	s25 =	sld [smem:$0x7F8];
	_ =	sdelay $0x1  }
0x50d: {  	s31 =	spop (v2sf)  }
0x50e: {  	p0 =	seq.s32 s31, s25  }
.Ltmp14:
0x50f: {  	_ = 	snop;
	(pc) =	sbr.rel @p0 .LBB2_27-.Ltmp14, $1  }
0x510: {  	_ =	sdelay $0x3  }
0x511: {  	v21 =	vld [tilespmem:$0x60];
	_ =	sdelay $0x4  }
0x512: {  	v22 =	vshll.u32 v21, $0x3  }
0x513: {  	v21 =	vand.u32 $0x7, v21;
	v22 =	vand.u32 $0xFFFFFFC0, v22  }
0x514: {  	v21 =	vor.u32 v21, v22  }
0x515: {  	v22 =	vperm.xlane v21, v13;
	_ =	sdelay $0x1  }
0x516: {  	v22 =	vadd.s32 v15, v22;
	_ =	sdelay $0x4  }
0x517: {  	[tilespmem:s3], [sflag:$0x5] =	stream.indirect_vreg.gather [hbm4b:s1+s2], $0x80, v22, vm0, $0xb8;
	[tilespmem:$0x10500] =	vst v63  }
0x518: {  	v21 =	vperm.xlane v21, v14  }
0x519: {  	[tilespmem:s15], [sflag:$0x5] =	stream.indirect_vreg.gather [hbm4b:s4+s2], $0x80, v22, vm0, $0xb8;
	[tilespmem:$0x10500] =	vst v63  }
0x51a: {  	v21 =	vadd.s32 v15, v21  }
0x51b: {  	[tilespmem:s7], [sflag:$0x5] =	stream.indirect_vreg.gather [hbm4b:s5+s2], $0x80, v22, vm0, $0xb8;
	[tilespmem:$0x10500] =	vst v63  }
0x51c: {  	s14 =	simm.s32 $0x1D00  }
0x51d: {  	[tilespmem:s14], [sflag:$0x5] =	stream.indirect_vreg.gather [hbm4b:s6+s2], $0x80, v22, vm0, $0xb8;
	[tilespmem:$0x10500] =	vst v63  }
0x51e: {  	_ = 	snop  }
0x51f: {  	[tilespmem:s20], [sflag:$0x5] =	stream.indirect_vreg.gather [hbm4b:s1+s2], $0x80, v21, vm0, $0xb8;
	[tilespmem:$0x10500] =	vst v63  }
0x520: {  	_ = 	snop  }
0x521: {  	[tilespmem:s19], [sflag:$0x5] =	stream.indirect_vreg.gather [hbm4b:s4+s2], $0x80, v21, vm0, $0xb8;
	[tilespmem:$0x10500] =	vst v63  }
0x522: {  	_ = 	snop  }
0x523: {  	[tilespmem:s17], [sflag:$0x5] =	stream.indirect_vreg.gather [hbm4b:s5+s2], $0x80, v21, vm0, $0xb8;
	[tilespmem:$0x10500] =	vst v63  }
0x524: {  	_ = 	snop  }
0x525: {  	[tilespmem:s13], [sflag:$0x5] =	stream.indirect_vreg.gather [hbm4b:s6+s2], $0x80, v21, vm0, $0xb8;
	[tilespmem:$0x10500] =	vst v63  }
0x526: {  	v21 =	vld [tilespmem:$0x70];
	_ =	sdelay $0x4  }
0x527: {  	v22 =	vshll.u32 v21, $0x3  }
0x528: {  	v21 =	vand.u32 $0x7, v21;
	v22 =	vand.u32 $0xFFFFFFC0, v22  }
0x529: {  	v21 =	vor.u32 v21, v22  }
0x52a: {  	v22 =	vperm.xlane v21, v13;
	_ =	sdelay $0x1  }
0x52b: {  	v22 =	vadd.s32 v15, v22;
	_ =	sdelay $0x4  }
0x52c: {  	[tilespmem:s8], [sflag:$0x5] =	stream.indirect_vreg.gather [hbm4b:s1+s2], $0x80, v22, vm0, $0xb8;
	[tilespmem:$0x10500] =	vst v63  }
0x52d: {  	v21 =	vperm.xlane v21, v14  }
0x52e: {  	[tilespmem:s12], [sflag:$0x5] =	stream.indirect_vreg.gather [hbm4b:s4+s2], $0x80, v22, vm0, $0xb8;
	[tilespmem:$0x10500] =	vst v63  }
0x52f: {  	v21 =	vadd.s32 v15, v21  }
0x530: {  	[tilespmem:s21], [sflag:$0x5] =	stream.indirect_vreg.gather [hbm4b:s5+s2], $0x80, v22, vm0, $0xb8;
	[tilespmem:$0x10500] =	vst v63  }
0x531: {  	_ = 	snop  }
0x532: {  	[tilespmem:s22], [sflag:$0x5] =	stream.indirect_vreg.gather [hbm4b:s6+s2], $0x80, v22, vm0, $0xb8;
	[tilespmem:$0x10500] =	vst v63  }
0x533: {  	_ = 	snop  }
0x534: {  	[tilespmem:s18], [sflag:$0x5] =	stream.indirect_vreg.gather [hbm4b:s1+s2], $0x80, v21, vm0, $0xb8;
	[tilespmem:$0x10500] =	vst v63  }
0x535: {  	_ = 	snop  }
0x536: {  	[tilespmem:s16], [sflag:$0x5] =	stream.indirect_vreg.gather [hbm4b:s4+s2], $0x80, v21, vm0, $0xb8;
	[tilespmem:$0x10500] =	vst v63  }
0x537: {  	_ = 	snop  }
0x538: {  	[tilespmem:s9], [sflag:$0x5] =	stream.indirect_vreg.gather [hbm4b:s5+s2], $0x80, v21, vm0, $0xb8;
	[tilespmem:$0x10500] =	vst v63  }
0x539: {  	_ = 	snop  }
0x53a: {  	[tilespmem:s10], [sflag:$0x5] =	stream.indirect_vreg.gather [hbm4b:s6+s2], $0x80, v21, vm0, $0xb8;
	[tilespmem:$0x10500] =	vst v63  }
0x53b: {  	_ =	swait.ge [sflag:s30], $0x8000  }
0x53c: {  	[sflag:s30] =	ssyncset.done $0x0  }
0x53d: {  	s31 =	rddreg [dreg:$0x14];
	[sflag:s30] =	ssyncadd.s32 $0xFFFF8000  }
0x53e: {  	[hbm4b:s31+s2] =	stream.linear.scatter [tilespmem:s3], [sflag:$0x6], $0x8000, $0x38;
	[tilespmem:$0x10500] =	vst v63  }
0x53f: {  	_ =	swait.ge [sflag:s23], $0x8000  }
0x540: {  	[sflag:s23] =	ssyncset.done $0x0  }
0x541: {  	[sflag:s23] =	ssyncadd.s32 $0xFFFF8000  }
.LBB2_27:
0x542: {  	v21 =	vld [tilespmem:$0xF0];
	_ =	sdelay $0x4  }
0x543: {  	(v2sf) =	vpush v21, $0xF;
	_ =	sdelay $0xe  }
0x544: {  	s31 =	spop (v2sf)  }
0x545: {  	p0 =	seq.s32 s31, s25  }
.Ltmp15:
0x546: {  	_ = 	snop;
	(pc) =	sbr.rel @p0 .LBB2_29-.Ltmp15, $1  }
0x547: {  	_ =	sdelay $0x3  }
0x548: {  	v21 =	vld [tilespmem:$0xE0];
	_ =	sdelay $0x4  }
0x549: {  	v22 =	vshll.u32 v21, $0x3  }
0x54a: {  	v21 =	vand.u32 $0x7, v21;
	v22 =	vand.u32 $0xFFFFFFC0, v22  }
0x54b: {  	v21 =	vor.u32 v21, v22  }
0x54c: {  	v22 =	vperm.xlane v21, v13;
	_ =	sdelay $0x1  }
0x54d: {  	v22 =	vadd.s32 v15, v22;
	_ =	sdelay $0x4  }
0x54e: {  	[tilespmem:s3], [sflag:$0x5] =	stream.indirect_vreg.gather [hbm4b:s1+s2], $0x80, v22, vm0, $0xb8;
	[tilespmem:$0x10500] =	vst v63  }
0x54f: {  	v21 =	vperm.xlane v21, v14  }
0x550: {  	[tilespmem:s15], [sflag:$0x5] =	stream.indirect_vreg.gather [hbm4b:s4+s2], $0x80, v22, vm0, $0xb8;
	[tilespmem:$0x10500] =	vst v63  }
0x551: {  	v21 =	vadd.s32 v15, v21  }
0x552: {  	[tilespmem:s7], [sflag:$0x5] =	stream.indirect_vreg.gather [hbm4b:s5+s2], $0x80, v22, vm0, $0xb8;
	[tilespmem:$0x10500] =	vst v63  }
0x553: {  	s14 =	simm.s32 $0x1D00  }
0x554: {  	[tilespmem:s14], [sflag:$0x5] =	stream.indirect_vreg.gather [hbm4b:s6+s2], $0x80, v22, vm0, $0xb8;
	[tilespmem:$0x10500] =	vst v63  }
0x555: {  	_ = 	snop  }
0x556: {  	[tilespmem:s20], [sflag:$0x5] =	stream.indirect_vreg.gather [hbm4b:s1+s2], $0x80, v21, vm0, $0xb8;
	[tilespmem:$0x10500] =	vst v63  }
0x557: {  	_ = 	snop  }
0x558: {  	[tilespmem:s19], [sflag:$0x5] =	stream.indirect_vreg.gather [hbm4b:s4+s2], $0x80, v21, vm0, $0xb8;
	[tilespmem:$0x10500] =	vst v63  }
0x559: {  	_ = 	snop  }
0x55a: {  	[tilespmem:s17], [sflag:$0x5] =	stream.indirect_vreg.gather [hbm4b:s5+s2], $0x80, v21, vm0, $0xb8;
	[tilespmem:$0x10500] =	vst v63  }
0x55b: {  	_ = 	snop  }
0x55c: {  	[tilespmem:s13], [sflag:$0x5] =	stream.indirect_vreg.gather [hbm4b:s6+s2], $0x80, v21, vm0, $0xb8;
	[tilespmem:$0x10500] =	vst v63  }
0x55d: {  	v21 =	vld [tilespmem:$0xF0];
	_ =	sdelay $0x4  }
0x55e: {  	v22 =	vshll.u32 v21, $0x3  }
0x55f: {  	v21 =	vand.u32 $0x7, v21;
	v22 =	vand.u32 $0xFFFFFFC0, v22  }
0x560: {  	v21 =	vor.u32 v21, v22  }
0x561: {  	v22 =	vperm.xlane v21, v13;
	_ =	sdelay $0x1  }
0x562: {  	v22 =	vadd.s32 v15, v22;
	_ =	sdelay $0x4  }
0x563: {  	[tilespmem:s8], [sflag:$0x5] =	stream.indirect_vreg.gather [hbm4b:s1+s2], $0x80, v22, vm0, $0xb8;
	[tilespmem:$0x10500] =	vst v63  }
0x564: {  	v21 =	vperm.xlane v21, v14  }
0x565: {  	[tilespmem:s12], [sflag:$0x5] =	stream.indirect_vreg.gather [hbm4b:s4+s2], $0x80, v22, vm0, $0xb8;
	[tilespmem:$0x10500] =	vst v63  }
0x566: {  	v21 =	vadd.s32 v15, v21  }
0x567: {  	[tilespmem:s21], [sflag:$0x5] =	stream.indirect_vreg.gather [hbm4b:s5+s2], $0x80, v22, vm0, $0xb8;
	[tilespmem:$0x10500] =	vst v63  }
0x568: {  	_ = 	snop  }
0x569: {  	[tilespmem:s22], [sflag:$0x5] =	stream.indirect_vreg.gather [hbm4b:s6+s2], $0x80, v22, vm0, $0xb8;
	[tilespmem:$0x10500] =	vst v63  }
0x56a: {  	_ = 	snop  }
0x56b: {  	[tilespmem:s18], [sflag:$0x5] =	stream.indirect_vreg.gather [hbm4b:s1+s2], $0x80, v21, vm0, $0xb8;
	[tilespmem:$0x10500] =	vst v63  }
0x56c: {  	_ = 	snop  }
0x56d: {  	[tilespmem:s16], [sflag:$0x5] =	stream.indirect_vreg.gather [hbm4b:s4+s2], $0x80, v21, vm0, $0xb8;
	[tilespmem:$0x10500] =	vst v63  }
0x56e: {  	_ = 	snop  }
0x56f: {  	[tilespmem:s9], [sflag:$0x5] =	stream.indirect_vreg.gather [hbm4b:s5+s2], $0x80, v21, vm0, $0xb8;
	[tilespmem:$0x10500] =	vst v63  }
0x570: {  	_ = 	snop  }
0x571: {  	[tilespmem:s10], [sflag:$0x5] =	stream.indirect_vreg.gather [hbm4b:s6+s2], $0x80, v21, vm0, $0xb8;
	[tilespmem:$0x10500] =	vst v63  }
0x572: {  	_ =	swait.ge [sflag:s30], $0x8000  }
0x573: {  	[sflag:s30] =	ssyncset.done $0x0  }
0x574: {  	s31 =	rddreg [dreg:$0x15];
	[sflag:s30] =	ssyncadd.s32 $0xFFFF8000  }
0x575: {  	[hbm4b:s31+s2] =	stream.linear.scatter [tilespmem:s3], [sflag:$0x6], $0x8000, $0x38;
	[tilespmem:$0x10500] =	vst v63  }
0x576: {  	_ =	swait.ge [sflag:s23], $0x8000  }
0x577: {  	[sflag:s23] =	ssyncset.done $0x0  }
0x578: {  	[sflag:s23] =	ssyncadd.s32 $0xFFFF8000  }
.LBB2_29:
0x579: {  	v21 =	vld [tilespmem:$0x170];
	_ =	sdelay $0x4  }
0x57a: {  	(v2sf) =	vpush v21, $0xF;
	_ =	sdelay $0xe  }
0x57b: {  	s31 =	spop (v2sf)  }
0x57c: {  	p0 =	seq.s32 s31, s25  }
.Ltmp16:
0x57d: {  	_ = 	snop;
	(pc) =	sbr.rel @p0 .LBB2_31-.Ltmp16, $1  }
0x57e: {  	_ =	sdelay $0x3  }
0x57f: {  	v21 =	vld [tilespmem:$0x160];
	_ =	sdelay $0x4  }
0x580: {  	v22 =	vshll.u32 v21, $0x3  }
0x581: {  	v21 =	vand.u32 $0x7, v21;
	v22 =	vand.u32 $0xFFFFFFC0, v22  }
0x582: {  	v21 =	vor.u32 v21, v22  }
0x583: {  	v22 =	vperm.xlane v21, v13;
	_ =	sdelay $0x1  }
0x584: {  	v22 =	vadd.s32 v15, v22;
	_ =	sdelay $0x4  }
0x585: {  	[tilespmem:s3], [sflag:$0x5] =	stream.indirect_vreg.gather [hbm4b:s1+s2], $0x80, v22, vm0, $0xb8;
	[tilespmem:$0x10500] =	vst v63  }
0x586: {  	v21 =	vperm.xlane v21, v14  }
0x587: {  	[tilespmem:s15], [sflag:$0x5] =	stream.indirect_vreg.gather [hbm4b:s4+s2], $0x80, v22, vm0, $0xb8;
	[tilespmem:$0x10500] =	vst v63  }
0x588: {  	v21 =	vadd.s32 v15, v21  }
0x589: {  	[tilespmem:s7], [sflag:$0x5] =	stream.indirect_vreg.gather [hbm4b:s5+s2], $0x80, v22, vm0, $0xb8;
	[tilespmem:$0x10500] =	vst v63  }
0x58a: {  	s14 =	simm.s32 $0x1D00  }
0x58b: {  	[tilespmem:s14], [sflag:$0x5] =	stream.indirect_vreg.gather [hbm4b:s6+s2], $0x80, v22, vm0, $0xb8;
	[tilespmem:$0x10500] =	vst v63  }
0x58c: {  	_ = 	snop  }
0x58d: {  	[tilespmem:s20], [sflag:$0x5] =	stream.indirect_vreg.gather [hbm4b:s1+s2], $0x80, v21, vm0, $0xb8;
	[tilespmem:$0x10500] =	vst v63  }
0x58e: {  	_ = 	snop  }
0x58f: {  	[tilespmem:s19], [sflag:$0x5] =	stream.indirect_vreg.gather [hbm4b:s4+s2], $0x80, v21, vm0, $0xb8;
	[tilespmem:$0x10500] =	vst v63  }
0x590: {  	_ = 	snop  }
0x591: {  	[tilespmem:s17], [sflag:$0x5] =	stream.indirect_vreg.gather [hbm4b:s5+s2], $0x80, v21, vm0, $0xb8;
	[tilespmem:$0x10500] =	vst v63  }
0x592: {  	_ = 	snop  }
0x593: {  	[tilespmem:s13], [sflag:$0x5] =	stream.indirect_vreg.gather [hbm4b:s6+s2], $0x80, v21, vm0, $0xb8;
	[tilespmem:$0x10500] =	vst v63  }
0x594: {  	v21 =	vld [tilespmem:$0x170];
	_ =	sdelay $0x4  }
0x595: {  	v22 =	vshll.u32 v21, $0x3  }
0x596: {  	v21 =	vand.u32 $0x7, v21;
	v22 =	vand.u32 $0xFFFFFFC0, v22  }
0x597: {  	v21 =	vor.u32 v21, v22  }
0x598: {  	v22 =	vperm.xlane v21, v13;
	_ =	sdelay $0x1  }
0x599: {  	v22 =	vadd.s32 v15, v22;
	_ =	sdelay $0x4  }
0x59a: {  	[tilespmem:s8], [sflag:$0x5] =	stream.indirect_vreg.gather [hbm4b:s1+s2], $0x80, v22, vm0, $0xb8;
	[tilespmem:$0x10500] =	vst v63  }
0x59b: {  	v21 =	vperm.xlane v21, v14  }
0x59c: {  	[tilespmem:s12], [sflag:$0x5] =	stream.indirect_vreg.gather [hbm4b:s4+s2], $0x80, v22, vm0, $0xb8;
	[tilespmem:$0x10500] =	vst v63  }
0x59d: {  	v21 =	vadd.s32 v15, v21  }
0x59e: {  	[tilespmem:s21], [sflag:$0x5] =	stream.indirect_vreg.gather [hbm4b:s5+s2], $0x80, v22, vm0, $0xb8;
	[tilespmem:$0x10500] =	vst v63  }
0x59f: {  	_ = 	snop  }
0x5a0: {  	[tilespmem:s22], [sflag:$0x5] =	stream.indirect_vreg.gather [hbm4b:s6+s2], $0x80, v22, vm0, $0xb8;
	[tilespmem:$0x10500] =	vst v63  }
0x5a1: {  	_ = 	snop  }
0x5a2: {  	[tilespmem:s18], [sflag:$0x5] =	stream.indirect_vreg.gather [hbm4b:s1+s2], $0x80, v21, vm0, $0xb8;
	[tilespmem:$0x10500] =	vst v63  }
0x5a3: {  	_ = 	snop  }
0x5a4: {  	[tilespmem:s16], [sflag:$0x5] =	stream.indirect_vreg.gather [hbm4b:s4+s2], $0x80, v21, vm0, $0xb8;
	[tilespmem:$0x10500] =	vst v63  }
0x5a5: {  	_ = 	snop  }
0x5a6: {  	[tilespmem:s9], [sflag:$0x5] =	stream.indirect_vreg.gather [hbm4b:s5+s2], $0x80, v21, vm0, $0xb8;
	[tilespmem:$0x10500] =	vst v63  }
0x5a7: {  	_ = 	snop  }
0x5a8: {  	[tilespmem:s10], [sflag:$0x5] =	stream.indirect_vreg.gather [hbm4b:s6+s2], $0x80, v21, vm0, $0xb8;
	[tilespmem:$0x10500] =	vst v63  }
0x5a9: {  	_ =	swait.ge [sflag:s30], $0x8000  }
0x5aa: {  	[sflag:s30] =	ssyncset.done $0x0  }
0x5ab: {  	s31 =	rddreg [dreg:$0x16];
	[sflag:s30] =	ssyncadd.s32 $0xFFFF8000  }
0x5ac: {  	[hbm4b:s31+s2] =	stream.linear.scatter [tilespmem:s3], [sflag:$0x6], $0x8000, $0x38;
	[tilespmem:$0x10500] =	vst v63  }
0x5ad: {  	_ =	swait.ge [sflag:s23], $0x8000  }
0x5ae: {  	[sflag:s23] =	ssyncset.done $0x0  }
0x5af: {  	[sflag:s23] =	ssyncadd.s32 $0xFFFF8000  }
.LBB2_31:
0x5b0: {  	v21 =	vld [tilespmem:$0x1F0];
	_ =	sdelay $0x4  }
0x5b1: {  	(v2sf) =	vpush v21, $0xF;
	_ =	sdelay $0xe  }
0x5b2: {  	s31 =	spop (v2sf)  }
0x5b3: {  	p0 =	seq.s32 s31, s25  }
.Ltmp17:
0x5b4: {  	_ = 	snop;
	(pc) =	sbr.rel @p0 .LBB2_33-.Ltmp17, $1  }
0x5b5: {  	_ =	sdelay $0x3  }
0x5b6: {  	v21 =	vld [tilespmem:$0x1E0];
	_ =	sdelay $0x4  }
0x5b7: {  	v22 =	vshll.u32 v21, $0x3  }
0x5b8: {  	v21 =	vand.u32 $0x7, v21;
	v22 =	vand.u32 $0xFFFFFFC0, v22  }
0x5b9: {  	v21 =	vor.u32 v21, v22  }
0x5ba: {  	v22 =	vperm.xlane v21, v13;
	_ =	sdelay $0x1  }
0x5bb: {  	v22 =	vadd.s32 v15, v22;
	_ =	sdelay $0x4  }
0x5bc: {  	[tilespmem:s3], [sflag:$0x5] =	stream.indirect_vreg.gather [hbm4b:s1+s2], $0x80, v22, vm0, $0xb8;
	[tilespmem:$0x10500] =	vst v63  }
0x5bd: {  	v21 =	vperm.xlane v21, v14  }
0x5be: {  	[tilespmem:s15], [sflag:$0x5] =	stream.indirect_vreg.gather [hbm4b:s4+s2], $0x80, v22, vm0, $0xb8;
	[tilespmem:$0x10500] =	vst v63  }
0x5bf: {  	v21 =	vadd.s32 v15, v21  }
0x5c0: {  	[tilespmem:s7], [sflag:$0x5] =	stream.indirect_vreg.gather [hbm4b:s5+s2], $0x80, v22, vm0, $0xb8;
	[tilespmem:$0x10500] =	vst v63  }
0x5c1: {  	s14 =	simm.s32 $0x1D00  }
0x5c2: {  	[tilespmem:s14], [sflag:$0x5] =	stream.indirect_vreg.gather [hbm4b:s6+s2], $0x80, v22, vm0, $0xb8;
	[tilespmem:$0x10500] =	vst v63  }
0x5c3: {  	_ = 	snop  }
0x5c4: {  	[tilespmem:s20], [sflag:$0x5] =	stream.indirect_vreg.gather [hbm4b:s1+s2], $0x80, v21, vm0, $0xb8;
	[tilespmem:$0x10500] =	vst v63  }
0x5c5: {  	_ = 	snop  }
0x5c6: {  	[tilespmem:s19], [sflag:$0x5] =	stream.indirect_vreg.gather [hbm4b:s4+s2], $0x80, v21, vm0, $0xb8;
	[tilespmem:$0x10500] =	vst v63  }
0x5c7: {  	_ = 	snop  }
0x5c8: {  	[tilespmem:s17], [sflag:$0x5] =	stream.indirect_vreg.gather [hbm4b:s5+s2], $0x80, v21, vm0, $0xb8;
	[tilespmem:$0x10500] =	vst v63  }
0x5c9: {  	_ = 	snop  }
0x5ca: {  	[tilespmem:s13], [sflag:$0x5] =	stream.indirect_vreg.gather [hbm4b:s6+s2], $0x80, v21, vm0, $0xb8;
	[tilespmem:$0x10500] =	vst v63  }
0x5cb: {  	v21 =	vld [tilespmem:$0x1F0];
	_ =	sdelay $0x4  }
0x5cc: {  	v22 =	vshll.u32 v21, $0x3  }
0x5cd: {  	v21 =	vand.u32 $0x7, v21;
	v22 =	vand.u32 $0xFFFFFFC0, v22  }
0x5ce: {  	v21 =	vor.u32 v21, v22  }
0x5cf: {  	v22 =	vperm.xlane v21, v13;
	_ =	sdelay $0x1  }
0x5d0: {  	v22 =	vadd.s32 v15, v22;
	_ =	sdelay $0x4  }
0x5d1: {  	[tilespmem:s8], [sflag:$0x5] =	stream.indirect_vreg.gather [hbm4b:s1+s2], $0x80, v22, vm0, $0xb8;
	[tilespmem:$0x10500] =	vst v63  }
0x5d2: {  	v21 =	vperm.xlane v21, v14  }
0x5d3: {  	[tilespmem:s12], [sflag:$0x5] =	stream.indirect_vreg.gather [hbm4b:s4+s2], $0x80, v22, vm0, $0xb8;
	[tilespmem:$0x10500] =	vst v63  }
0x5d4: {  	v21 =	vadd.s32 v15, v21  }
0x5d5: {  	[tilespmem:s21], [sflag:$0x5] =	stream.indirect_vreg.gather [hbm4b:s5+s2], $0x80, v22, vm0, $0xb8;
	[tilespmem:$0x10500] =	vst v63  }
0x5d6: {  	_ = 	snop  }
0x5d7: {  	[tilespmem:s22], [sflag:$0x5] =	stream.indirect_vreg.gather [hbm4b:s6+s2], $0x80, v22, vm0, $0xb8;
	[tilespmem:$0x10500] =	vst v63  }
0x5d8: {  	_ = 	snop  }
0x5d9: {  	[tilespmem:s18], [sflag:$0x5] =	stream.indirect_vreg.gather [hbm4b:s1+s2], $0x80, v21, vm0, $0xb8;
	[tilespmem:$0x10500] =	vst v63  }
0x5da: {  	_ = 	snop  }
0x5db: {  	[tilespmem:s16], [sflag:$0x5] =	stream.indirect_vreg.gather [hbm4b:s4+s2], $0x80, v21, vm0, $0xb8;
	[tilespmem:$0x10500] =	vst v63  }
0x5dc: {  	_ = 	snop  }
0x5dd: {  	[tilespmem:s9], [sflag:$0x5] =	stream.indirect_vreg.gather [hbm4b:s5+s2], $0x80, v21, vm0, $0xb8;
	[tilespmem:$0x10500] =	vst v63  }
0x5de: {  	_ = 	snop  }
0x5df: {  	[tilespmem:s10], [sflag:$0x5] =	stream.indirect_vreg.gather [hbm4b:s6+s2], $0x80, v21, vm0, $0xb8;
	[tilespmem:$0x10500] =	vst v63  }
0x5e0: {  	_ =	swait.ge [sflag:s30], $0x8000  }
0x5e1: {  	[sflag:s30] =	ssyncset.done $0x0  }
0x5e2: {  	s31 =	rddreg [dreg:$0x17];
	[sflag:s30] =	ssyncadd.s32 $0xFFFF8000  }
0x5e3: {  	[hbm4b:s31+s2] =	stream.linear.scatter [tilespmem:s3], [sflag:$0x6], $0x8000, $0x38;
	[tilespmem:$0x10500] =	vst v63  }
0x5e4: {  	_ =	swait.ge [sflag:s23], $0x8000  }
0x5e5: {  	[sflag:s23] =	ssyncset.done $0x0  }
0x5e6: {  	[sflag:s23] =	ssyncadd.s32 $0xFFFF8000  }
.LBB2_33:
0x5e7: {  	v21 =	vld [tilespmem:$0x210];
	_ =	sdelay $0x4  }
0x5e8: {  	(v2sf) =	vpush v21, $0xF;
	_ =	sdelay $0xc  }
0x5e9: {  	s25 =	sld [smem:$0x7F9];
	_ =	sdelay $0x1  }
0x5ea: {  	s31 =	spop (v2sf)  }
0x5eb: {  	p0 =	seq.s32 s31, s25  }
.Ltmp18:
0x5ec: {  	_ = 	snop;
	(pc) =	sbr.rel @p0 .LBB2_35-.Ltmp18, $1  }
0x5ed: {  	_ =	sdelay $0x3  }
0x5ee: {  	v21 =	vld [tilespmem:$0x200];
	_ =	sdelay $0x4  }
0x5ef: {  	v22 =	vshll.u32 v21, $0x3  }
0x5f0: {  	v21 =	vand.u32 $0x7, v21;
	v22 =	vand.u32 $0xFFFFFFC0, v22  }
0x5f1: {  	v21 =	vor.u32 v21, v22  }
0x5f2: {  	v22 =	vperm.xlane v21, v13;
	_ =	sdelay $0x1  }
0x5f3: {  	v22 =	vadd.s32 v15, v22;
	_ =	sdelay $0x4  }
0x5f4: {  	[tilespmem:s3], [sflag:$0x5] =	stream.indirect_vreg.gather [hbm4b:s1+s2], $0x80, v22, vm0, $0xb8;
	[tilespmem:$0x10500] =	vst v63  }
0x5f5: {  	v21 =	vperm.xlane v21, v14  }
0x5f6: {  	[tilespmem:s15], [sflag:$0x5] =	stream.indirect_vreg.gather [hbm4b:s4+s2], $0x80, v22, vm0, $0xb8;
	[tilespmem:$0x10500] =	vst v63  }
0x5f7: {  	v21 =	vadd.s32 v15, v21  }
0x5f8: {  	[tilespmem:s7], [sflag:$0x5] =	stream.indirect_vreg.gather [hbm4b:s5+s2], $0x80, v22, vm0, $0xb8;
	[tilespmem:$0x10500] =	vst v63  }
0x5f9: {  	s14 =	simm.s32 $0x1D00  }
0x5fa: {  	[tilespmem:s14], [sflag:$0x5] =	stream.indirect_vreg.gather [hbm4b:s6+s2], $0x80, v22, vm0, $0xb8;
	[tilespmem:$0x10500] =	vst v63  }
0x5fb: {  	_ = 	snop  }
0x5fc: {  	[tilespmem:s20], [sflag:$0x5] =	stream.indirect_vreg.gather [hbm4b:s1+s2], $0x80, v21, vm0, $0xb8;
	[tilespmem:$0x10500] =	vst v63  }
0x5fd: {  	_ = 	snop  }
0x5fe: {  	[tilespmem:s19], [sflag:$0x5] =	stream.indirect_vreg.gather [hbm4b:s4+s2], $0x80, v21, vm0, $0xb8;
	[tilespmem:$0x10500] =	vst v63  }
0x5ff: {  	_ = 	snop  }
0x600: {  	[tilespmem:s17], [sflag:$0x5] =	stream.indirect_vreg.gather [hbm4b:s5+s2], $0x80, v21, vm0, $0xb8;
	[tilespmem:$0x10500] =	vst v63  }
0x601: {  	_ = 	snop  }
0x602: {  	[tilespmem:s13], [sflag:$0x5] =	stream.indirect_vreg.gather [hbm4b:s6+s2], $0x80, v21, vm0, $0xb8;
	[tilespmem:$0x10500] =	vst v63  }
0x603: {  	v21 =	vld [tilespmem:$0x210];
	_ =	sdelay $0x4  }
0x604: {  	v22 =	vshll.u32 v21, $0x3  }
0x605: {  	v21 =	vand.u32 $0x7, v21;
	v22 =	vand.u32 $0xFFFFFFC0, v22  }
0x606: {  	v21 =	vor.u32 v21, v22  }
0x607: {  	v22 =	vperm.xlane v21, v13;
	_ =	sdelay $0x1  }
0x608: {  	v22 =	vadd.s32 v15, v22;
	_ =	sdelay $0x4  }
0x609: {  	[tilespmem:s8], [sflag:$0x5] =	stream.indirect_vreg.gather [hbm4b:s1+s2], $0x80, v22, vm0, $0xb8;
	[tilespmem:$0x10500] =	vst v63  }
0x60a: {  	v21 =	vperm.xlane v21, v14  }
0x60b: {  	[tilespmem:s12], [sflag:$0x5] =	stream.indirect_vreg.gather [hbm4b:s4+s2], $0x80, v22, vm0, $0xb8;
	[tilespmem:$0x10500] =	vst v63  }
0x60c: {  	v21 =	vadd.s32 v15, v21  }
0x60d: {  	[tilespmem:s21], [sflag:$0x5] =	stream.indirect_vreg.gather [hbm4b:s5+s2], $0x80, v22, vm0, $0xb8;
	[tilespmem:$0x10500] =	vst v63  }
0x60e: {  	_ = 	snop  }
0x60f: {  	[tilespmem:s22], [sflag:$0x5] =	stream.indirect_vreg.gather [hbm4b:s6+s2], $0x80, v22, vm0, $0xb8;
	[tilespmem:$0x10500] =	vst v63  }
0x610: {  	_ = 	snop  }
0x611: {  	[tilespmem:s18], [sflag:$0x5] =	stream.indirect_vreg.gather [hbm4b:s1+s2], $0x80, v21, vm0, $0xb8;
	[tilespmem:$0x10500] =	vst v63  }
0x612: {  	_ = 	snop  }
0x613: {  	[tilespmem:s16], [sflag:$0x5] =	stream.indirect_vreg.gather [hbm4b:s4+s2], $0x80, v21, vm0, $0xb8;
	[tilespmem:$0x10500] =	vst v63  }
0x614: {  	_ = 	snop  }
0x615: {  	[tilespmem:s9], [sflag:$0x5] =	stream.indirect_vreg.gather [hbm4b:s5+s2], $0x80, v21, vm0, $0xb8;
	[tilespmem:$0x10500] =	vst v63  }
0x616: {  	_ = 	snop  }
0x617: {  	[tilespmem:s10], [sflag:$0x5] =	stream.indirect_vreg.gather [hbm4b:s6+s2], $0x80, v21, vm0, $0xb8;
	[tilespmem:$0x10500] =	vst v63  }
0x618: {  	_ =	swait.ge [sflag:s30], $0x8000  }
0x619: {  	[sflag:s30] =	ssyncset.done $0x0  }
0x61a: {  	s31 =	rddreg [dreg:$0x18];
	[sflag:s30] =	ssyncadd.s32 $0xFFFF8000  }
0x61b: {  	[hbm4b:s31+s2] =	stream.linear.scatter [tilespmem:s3], [sflag:$0x6], $0x8000, $0x38;
	[tilespmem:$0x10500] =	vst v63  }
0x61c: {  	_ =	swait.ge [sflag:s23], $0x8000  }
0x61d: {  	[sflag:s23] =	ssyncset.done $0x0  }
0x61e: {  	[sflag:s23] =	ssyncadd.s32 $0xFFFF8000  }
.LBB2_35:
0x61f: {  	v21 =	vld [tilespmem:$0x290];
	_ =	sdelay $0x4  }
0x620: {  	(v2sf) =	vpush v21, $0xF;
	_ =	sdelay $0xe  }
0x621: {  	s31 =	spop (v2sf)  }
0x622: {  	p0 =	seq.s32 s31, s25  }
.Ltmp19:
0x623: {  	_ = 	snop;
	(pc) =	sbr.rel @p0 .LBB2_37-.Ltmp19, $1  }
0x624: {  	_ =	sdelay $0x3  }
0x625: {  	v21 =	vld [tilespmem:$0x280];
	_ =	sdelay $0x4  }
0x626: {  	v22 =	vshll.u32 v21, $0x3  }
0x627: {  	v21 =	vand.u32 $0x7, v21;
	v22 =	vand.u32 $0xFFFFFFC0, v22  }
0x628: {  	v21 =	vor.u32 v21, v22  }
0x629: {  	v22 =	vperm.xlane v21, v13;
	_ =	sdelay $0x1  }
0x62a: {  	v22 =	vadd.s32 v15, v22;
	_ =	sdelay $0x4  }
0x62b: {  	[tilespmem:s3], [sflag:$0x5] =	stream.indirect_vreg.gather [hbm4b:s1+s2], $0x80, v22, vm0, $0xb8;
	[tilespmem:$0x10500] =	vst v63  }
0x62c: {  	v21 =	vperm.xlane v21, v14  }
0x62d: {  	[tilespmem:s15], [sflag:$0x5] =	stream.indirect_vreg.gather [hbm4b:s4+s2], $0x80, v22, vm0, $0xb8;
	[tilespmem:$0x10500] =	vst v63  }
0x62e: {  	v21 =	vadd.s32 v15, v21  }
0x62f: {  	[tilespmem:s7], [sflag:$0x5] =	stream.indirect_vreg.gather [hbm4b:s5+s2], $0x80, v22, vm0, $0xb8;
	[tilespmem:$0x10500] =	vst v63  }
0x630: {  	s14 =	simm.s32 $0x1D00  }
0x631: {  	[tilespmem:s14], [sflag:$0x5] =	stream.indirect_vreg.gather [hbm4b:s6+s2], $0x80, v22, vm0, $0xb8;
	[tilespmem:$0x10500] =	vst v63  }
0x632: {  	_ = 	snop  }
0x633: {  	[tilespmem:s20], [sflag:$0x5] =	stream.indirect_vreg.gather [hbm4b:s1+s2], $0x80, v21, vm0, $0xb8;
	[tilespmem:$0x10500] =	vst v63  }
0x634: {  	_ = 	snop  }
0x635: {  	[tilespmem:s19], [sflag:$0x5] =	stream.indirect_vreg.gather [hbm4b:s4+s2], $0x80, v21, vm0, $0xb8;
	[tilespmem:$0x10500] =	vst v63  }
0x636: {  	_ = 	snop  }
0x637: {  	[tilespmem:s17], [sflag:$0x5] =	stream.indirect_vreg.gather [hbm4b:s5+s2], $0x80, v21, vm0, $0xb8;
	[tilespmem:$0x10500] =	vst v63  }
0x638: {  	_ = 	snop  }
0x639: {  	[tilespmem:s13], [sflag:$0x5] =	stream.indirect_vreg.gather [hbm4b:s6+s2], $0x80, v21, vm0, $0xb8;
	[tilespmem:$0x10500] =	vst v63  }
0x63a: {  	v21 =	vld [tilespmem:$0x290];
	_ =	sdelay $0x4  }
0x63b: {  	v22 =	vshll.u32 v21, $0x3  }
0x63c: {  	v21 =	vand.u32 $0x7, v21;
	v22 =	vand.u32 $0xFFFFFFC0, v22  }
0x63d: {  	v21 =	vor.u32 v21, v22  }
0x63e: {  	v22 =	vperm.xlane v21, v13;
	_ =	sdelay $0x1  }
0x63f: {  	v22 =	vadd.s32 v15, v22;
	_ =	sdelay $0x4  }
0x640: {  	[tilespmem:s8], [sflag:$0x5] =	stream.indirect_vreg.gather [hbm4b:s1+s2], $0x80, v22, vm0, $0xb8;
	[tilespmem:$0x10500] =	vst v63  }
0x641: {  	v21 =	vperm.xlane v21, v14  }
0x642: {  	[tilespmem:s12], [sflag:$0x5] =	stream.indirect_vreg.gather [hbm4b:s4+s2], $0x80, v22, vm0, $0xb8;
	[tilespmem:$0x10500] =	vst v63  }
0x643: {  	v21 =	vadd.s32 v15, v21  }
0x644: {  	[tilespmem:s21], [sflag:$0x5] =	stream.indirect_vreg.gather [hbm4b:s5+s2], $0x80, v22, vm0, $0xb8;
	[tilespmem:$0x10500] =	vst v63  }
0x645: {  	_ = 	snop  }
0x646: {  	[tilespmem:s22], [sflag:$0x5] =	stream.indirect_vreg.gather [hbm4b:s6+s2], $0x80, v22, vm0, $0xb8;
	[tilespmem:$0x10500] =	vst v63  }
0x647: {  	_ = 	snop  }
0x648: {  	[tilespmem:s18], [sflag:$0x5] =	stream.indirect_vreg.gather [hbm4b:s1+s2], $0x80, v21, vm0, $0xb8;
	[tilespmem:$0x10500] =	vst v63  }
0x649: {  	_ = 	snop  }
0x64a: {  	[tilespmem:s16], [sflag:$0x5] =	stream.indirect_vreg.gather [hbm4b:s4+s2], $0x80, v21, vm0, $0xb8;
	[tilespmem:$0x10500] =	vst v63  }
0x64b: {  	_ = 	snop  }
0x64c: {  	[tilespmem:s9], [sflag:$0x5] =	stream.indirect_vreg.gather [hbm4b:s5+s2], $0x80, v21, vm0, $0xb8;
	[tilespmem:$0x10500] =	vst v63  }
0x64d: {  	_ = 	snop  }
0x64e: {  	[tilespmem:s10], [sflag:$0x5] =	stream.indirect_vreg.gather [hbm4b:s6+s2], $0x80, v21, vm0, $0xb8;
	[tilespmem:$0x10500] =	vst v63  }
0x64f: {  	_ =	swait.ge [sflag:s30], $0x8000  }
0x650: {  	[sflag:s30] =	ssyncset.done $0x0  }
0x651: {  	s31 =	rddreg [dreg:$0x19];
	[sflag:s30] =	ssyncadd.s32 $0xFFFF8000  }
0x652: {  	[hbm4b:s31+s2] =	stream.linear.scatter [tilespmem:s3], [sflag:$0x6], $0x8000, $0x38;
	[tilespmem:$0x10500] =	vst v63  }
0x653: {  	_ =	swait.ge [sflag:s23], $0x8000  }
0x654: {  	[sflag:s23] =	ssyncset.done $0x0  }
0x655: {  	[sflag:s23] =	ssyncadd.s32 $0xFFFF8000  }
.LBB2_37:
0x656: {  	v21 =	vld [tilespmem:$0x310];
	_ =	sdelay $0x4  }
0x657: {  	(v2sf) =	vpush v21, $0xF;
	_ =	sdelay $0xe  }
0x658: {  	s31 =	spop (v2sf)  }
0x659: {  	p0 =	seq.s32 s31, s25  }
.Ltmp20:
0x65a: {  	_ = 	snop;
	(pc) =	sbr.rel @p0 .LBB2_39-.Ltmp20, $1  }
0x65b: {  	_ =	sdelay $0x3  }
0x65c: {  	v21 =	vld [tilespmem:$0x300];
	_ =	sdelay $0x4  }
0x65d: {  	v22 =	vshll.u32 v21, $0x3  }
0x65e: {  	v21 =	vand.u32 $0x7, v21;
	v22 =	vand.u32 $0xFFFFFFC0, v22  }
0x65f: {  	v21 =	vor.u32 v21, v22  }
0x660: {  	v22 =	vperm.xlane v21, v13;
	_ =	sdelay $0x1  }
0x661: {  	v22 =	vadd.s32 v15, v22;
	_ =	sdelay $0x4  }
0x662: {  	[tilespmem:s3], [sflag:$0x5] =	stream.indirect_vreg.gather [hbm4b:s1+s2], $0x80, v22, vm0, $0xb8;
	[tilespmem:$0x10500] =	vst v63  }
0x663: {  	v21 =	vperm.xlane v21, v14  }
0x664: {  	[tilespmem:s15], [sflag:$0x5] =	stream.indirect_vreg.gather [hbm4b:s4+s2], $0x80, v22, vm0, $0xb8;
	[tilespmem:$0x10500] =	vst v63  }
0x665: {  	v21 =	vadd.s32 v15, v21  }
0x666: {  	[tilespmem:s7], [sflag:$0x5] =	stream.indirect_vreg.gather [hbm4b:s5+s2], $0x80, v22, vm0, $0xb8;
	[tilespmem:$0x10500] =	vst v63  }
0x667: {  	s14 =	simm.s32 $0x1D00  }
0x668: {  	[tilespmem:s14], [sflag:$0x5] =	stream.indirect_vreg.gather [hbm4b:s6+s2], $0x80, v22, vm0, $0xb8;
	[tilespmem:$0x10500] =	vst v63  }
0x669: {  	_ = 	snop  }
0x66a: {  	[tilespmem:s20], [sflag:$0x5] =	stream.indirect_vreg.gather [hbm4b:s1+s2], $0x80, v21, vm0, $0xb8;
	[tilespmem:$0x10500] =	vst v63  }
0x66b: {  	_ = 	snop  }
0x66c: {  	[tilespmem:s19], [sflag:$0x5] =	stream.indirect_vreg.gather [hbm4b:s4+s2], $0x80, v21, vm0, $0xb8;
	[tilespmem:$0x10500] =	vst v63  }
0x66d: {  	_ = 	snop  }
0x66e: {  	[tilespmem:s17], [sflag:$0x5] =	stream.indirect_vreg.gather [hbm4b:s5+s2], $0x80, v21, vm0, $0xb8;
	[tilespmem:$0x10500] =	vst v63  }
0x66f: {  	_ = 	snop  }
0x670: {  	[tilespmem:s13], [sflag:$0x5] =	stream.indirect_vreg.gather [hbm4b:s6+s2], $0x80, v21, vm0, $0xb8;
	[tilespmem:$0x10500] =	vst v63  }
0x671: {  	v21 =	vld [tilespmem:$0x310];
	_ =	sdelay $0x4  }
0x672: {  	v22 =	vshll.u32 v21, $0x3  }
0x673: {  	v21 =	vand.u32 $0x7, v21;
	v22 =	vand.u32 $0xFFFFFFC0, v22  }
0x674: {  	v21 =	vor.u32 v21, v22  }
0x675: {  	v22 =	vperm.xlane v21, v13;
	_ =	sdelay $0x1  }
0x676: {  	v22 =	vadd.s32 v15, v22;
	_ =	sdelay $0x4  }
0x677: {  	[tilespmem:s8], [sflag:$0x5] =	stream.indirect_vreg.gather [hbm4b:s1+s2], $0x80, v22, vm0, $0xb8;
	[tilespmem:$0x10500] =	vst v63  }
0x678: {  	v21 =	vperm.xlane v21, v14  }
0x679: {  	[tilespmem:s12], [sflag:$0x5] =	stream.indirect_vreg.gather [hbm4b:s4+s2], $0x80, v22, vm0, $0xb8;
	[tilespmem:$0x10500] =	vst v63  }
0x67a: {  	v21 =	vadd.s32 v15, v21  }
0x67b: {  	[tilespmem:s21], [sflag:$0x5] =	stream.indirect_vreg.gather [hbm4b:s5+s2], $0x80, v22, vm0, $0xb8;
	[tilespmem:$0x10500] =	vst v63  }
0x67c: {  	_ = 	snop  }
0x67d: {  	[tilespmem:s22], [sflag:$0x5] =	stream.indirect_vreg.gather [hbm4b:s6+s2], $0x80, v22, vm0, $0xb8;
	[tilespmem:$0x10500] =	vst v63  }
0x67e: {  	_ = 	snop  }
0x67f: {  	[tilespmem:s18], [sflag:$0x5] =	stream.indirect_vreg.gather [hbm4b:s1+s2], $0x80, v21, vm0, $0xb8;
	[tilespmem:$0x10500] =	vst v63  }
0x680: {  	_ = 	snop  }
0x681: {  	[tilespmem:s16], [sflag:$0x5] =	stream.indirect_vreg.gather [hbm4b:s4+s2], $0x80, v21, vm0, $0xb8;
	[tilespmem:$0x10500] =	vst v63  }
0x682: {  	_ = 	snop  }
0x683: {  	[tilespmem:s9], [sflag:$0x5] =	stream.indirect_vreg.gather [hbm4b:s5+s2], $0x80, v21, vm0, $0xb8;
	[tilespmem:$0x10500] =	vst v63  }
0x684: {  	_ = 	snop  }
0x685: {  	[tilespmem:s10], [sflag:$0x5] =	stream.indirect_vreg.gather [hbm4b:s6+s2], $0x80, v21, vm0, $0xb8;
	[tilespmem:$0x10500] =	vst v63  }
0x686: {  	_ =	swait.ge [sflag:s30], $0x8000  }
0x687: {  	[sflag:s30] =	ssyncset.done $0x0  }
0x688: {  	s31 =	rddreg [dreg:$0x1a];
	[sflag:s30] =	ssyncadd.s32 $0xFFFF8000  }
0x689: {  	[hbm4b:s31+s2] =	stream.linear.scatter [tilespmem:s3], [sflag:$0x6], $0x8000, $0x38;
	[tilespmem:$0x10500] =	vst v63  }
0x68a: {  	_ =	swait.ge [sflag:s23], $0x8000  }
0x68b: {  	[sflag:s23] =	ssyncset.done $0x0  }
0x68c: {  	[sflag:s23] =	ssyncadd.s32 $0xFFFF8000  }
.LBB2_39:
0x68d: {  	v21 =	vld [tilespmem:$0x390];
	_ =	sdelay $0x4  }
0x68e: {  	(v2sf) =	vpush v21, $0xF;
	_ =	sdelay $0xe  }
0x68f: {  	s31 =	spop (v2sf)  }
0x690: {  	p0 =	seq.s32 s31, s25  }
.Ltmp21:
0x691: {  	_ = 	snop;
	(pc) =	sbr.rel @p0 .LBB2_41-.Ltmp21, $1  }
0x692: {  	_ =	sdelay $0x3  }
0x693: {  	v21 =	vld [tilespmem:$0x380];
	_ =	sdelay $0x4  }
0x694: {  	v22 =	vshll.u32 v21, $0x3  }
0x695: {  	v21 =	vand.u32 $0x7, v21;
	v22 =	vand.u32 $0xFFFFFFC0, v22  }
0x696: {  	v21 =	vor.u32 v21, v22  }
0x697: {  	v22 =	vperm.xlane v21, v13;
	_ =	sdelay $0x1  }
0x698: {  	v22 =	vadd.s32 v15, v22;
	_ =	sdelay $0x4  }
0x699: {  	[tilespmem:s3], [sflag:$0x5] =	stream.indirect_vreg.gather [hbm4b:s1+s2], $0x80, v22, vm0, $0xb8;
	[tilespmem:$0x10500] =	vst v63  }
0x69a: {  	v21 =	vperm.xlane v21, v14  }
0x69b: {  	[tilespmem:s15], [sflag:$0x5] =	stream.indirect_vreg.gather [hbm4b:s4+s2], $0x80, v22, vm0, $0xb8;
	[tilespmem:$0x10500] =	vst v63  }
0x69c: {  	v21 =	vadd.s32 v15, v21  }
0x69d: {  	[tilespmem:s7], [sflag:$0x5] =	stream.indirect_vreg.gather [hbm4b:s5+s2], $0x80, v22, vm0, $0xb8;
	[tilespmem:$0x10500] =	vst v63  }
0x69e: {  	s14 =	simm.s32 $0x1D00  }
0x69f: {  	[tilespmem:s14], [sflag:$0x5] =	stream.indirect_vreg.gather [hbm4b:s6+s2], $0x80, v22, vm0, $0xb8;
	[tilespmem:$0x10500] =	vst v63  }
0x6a0: {  	_ = 	snop  }
0x6a1: {  	[tilespmem:s20], [sflag:$0x5] =	stream.indirect_vreg.gather [hbm4b:s1+s2], $0x80, v21, vm0, $0xb8;
	[tilespmem:$0x10500] =	vst v63  }
0x6a2: {  	_ = 	snop  }
0x6a3: {  	[tilespmem:s19], [sflag:$0x5] =	stream.indirect_vreg.gather [hbm4b:s4+s2], $0x80, v21, vm0, $0xb8;
	[tilespmem:$0x10500] =	vst v63  }
0x6a4: {  	_ = 	snop  }
0x6a5: {  	[tilespmem:s17], [sflag:$0x5] =	stream.indirect_vreg.gather [hbm4b:s5+s2], $0x80, v21, vm0, $0xb8;
	[tilespmem:$0x10500] =	vst v63  }
0x6a6: {  	_ = 	snop  }
0x6a7: {  	[tilespmem:s13], [sflag:$0x5] =	stream.indirect_vreg.gather [hbm4b:s6+s2], $0x80, v21, vm0, $0xb8;
	[tilespmem:$0x10500] =	vst v63  }
0x6a8: {  	v21 =	vld [tilespmem:$0x390];
	_ =	sdelay $0x4  }
0x6a9: {  	v22 =	vshll.u32 v21, $0x3  }
0x6aa: {  	v21 =	vand.u32 $0x7, v21;
	v22 =	vand.u32 $0xFFFFFFC0, v22  }
0x6ab: {  	v21 =	vor.u32 v21, v22  }
0x6ac: {  	v22 =	vperm.xlane v21, v13;
	_ =	sdelay $0x1  }
0x6ad: {  	v22 =	vadd.s32 v15, v22;
	_ =	sdelay $0x4  }
0x6ae: {  	[tilespmem:s8], [sflag:$0x5] =	stream.indirect_vreg.gather [hbm4b:s1+s2], $0x80, v22, vm0, $0xb8;
	[tilespmem:$0x10500] =	vst v63  }
0x6af: {  	v21 =	vperm.xlane v21, v14  }
0x6b0: {  	[tilespmem:s12], [sflag:$0x5] =	stream.indirect_vreg.gather [hbm4b:s4+s2], $0x80, v22, vm0, $0xb8;
	[tilespmem:$0x10500] =	vst v63  }
0x6b1: {  	v21 =	vadd.s32 v15, v21  }
0x6b2: {  	[tilespmem:s21], [sflag:$0x5] =	stream.indirect_vreg.gather [hbm4b:s5+s2], $0x80, v22, vm0, $0xb8;
	[tilespmem:$0x10500] =	vst v63  }
0x6b3: {  	_ = 	snop  }
0x6b4: {  	[tilespmem:s22], [sflag:$0x5] =	stream.indirect_vreg.gather [hbm4b:s6+s2], $0x80, v22, vm0, $0xb8;
	[tilespmem:$0x10500] =	vst v63  }
0x6b5: {  	_ = 	snop  }
0x6b6: {  	[tilespmem:s18], [sflag:$0x5] =	stream.indirect_vreg.gather [hbm4b:s1+s2], $0x80, v21, vm0, $0xb8;
	[tilespmem:$0x10500] =	vst v63  }
0x6b7: {  	_ = 	snop  }
0x6b8: {  	[tilespmem:s16], [sflag:$0x5] =	stream.indirect_vreg.gather [hbm4b:s4+s2], $0x80, v21, vm0, $0xb8;
	[tilespmem:$0x10500] =	vst v63  }
0x6b9: {  	_ = 	snop  }
0x6ba: {  	[tilespmem:s9], [sflag:$0x5] =	stream.indirect_vreg.gather [hbm4b:s5+s2], $0x80, v21, vm0, $0xb8;
	[tilespmem:$0x10500] =	vst v63  }
0x6bb: {  	_ = 	snop  }
0x6bc: {  	[tilespmem:s10], [sflag:$0x5] =	stream.indirect_vreg.gather [hbm4b:s6+s2], $0x80, v21, vm0, $0xb8;
	[tilespmem:$0x10500] =	vst v63  }
0x6bd: {  	_ =	swait.ge [sflag:s30], $0x8000  }
0x6be: {  	[sflag:s30] =	ssyncset.done $0x0  }
0x6bf: {  	s31 =	rddreg [dreg:$0x1b];
	[sflag:s30] =	ssyncadd.s32 $0xFFFF8000  }
0x6c0: {  	[hbm4b:s31+s2] =	stream.linear.scatter [tilespmem:s3], [sflag:$0x6], $0x8000, $0x38;
	[tilespmem:$0x10500] =	vst v63  }
0x6c1: {  	_ =	swait.ge [sflag:s23], $0x8000  }
0x6c2: {  	[sflag:s23] =	ssyncset.done $0x0  }
0x6c3: {  	[sflag:s23] =	ssyncadd.s32 $0xFFFF8000  }
.LBB2_41:
0x6c4: {  	v21 =	vld [tilespmem:$0x230];
	_ =	sdelay $0x4  }
0x6c5: {  	(v2sf) =	vpush v21, $0xF;
	_ =	sdelay $0xc  }
0x6c6: {  	s25 =	sld [smem:$0x7FA];
	_ =	sdelay $0x1  }
0x6c7: {  	s31 =	spop (v2sf)  }
0x6c8: {  	p0 =	seq.s32 s31, s25  }
.Ltmp22:
0x6c9: {  	_ = 	snop;
	(pc) =	sbr.rel @p0 .LBB2_43-.Ltmp22, $1  }
0x6ca: {  	_ =	sdelay $0x3  }
0x6cb: {  	v21 =	vld [tilespmem:$0x220];
	_ =	sdelay $0x4  }
0x6cc: {  	v22 =	vshll.u32 v21, $0x3  }
0x6cd: {  	v21 =	vand.u32 $0x7, v21;
	v22 =	vand.u32 $0xFFFFFFC0, v22  }
0x6ce: {  	v21 =	vor.u32 v21, v22  }
0x6cf: {  	v22 =	vperm.xlane v21, v13;
	_ =	sdelay $0x1  }
0x6d0: {  	v22 =	vadd.s32 v15, v22;
	_ =	sdelay $0x4  }
0x6d1: {  	[tilespmem:s3], [sflag:$0x5] =	stream.indirect_vreg.gather [hbm4b:s1+s2], $0x80, v22, vm0, $0xb8;
	[tilespmem:$0x10500] =	vst v63  }
0x6d2: {  	v21 =	vperm.xlane v21, v14  }
0x6d3: {  	[tilespmem:s15], [sflag:$0x5] =	stream.indirect_vreg.gather [hbm4b:s4+s2], $0x80, v22, vm0, $0xb8;
	[tilespmem:$0x10500] =	vst v63  }
0x6d4: {  	v21 =	vadd.s32 v15, v21  }
0x6d5: {  	[tilespmem:s7], [sflag:$0x5] =	stream.indirect_vreg.gather [hbm4b:s5+s2], $0x80, v22, vm0, $0xb8;
	[tilespmem:$0x10500] =	vst v63  }
0x6d6: {  	s14 =	simm.s32 $0x1D00  }
0x6d7: {  	[tilespmem:s14], [sflag:$0x5] =	stream.indirect_vreg.gather [hbm4b:s6+s2], $0x80, v22, vm0, $0xb8;
	[tilespmem:$0x10500] =	vst v63  }
0x6d8: {  	_ = 	snop  }
0x6d9: {  	[tilespmem:s20], [sflag:$0x5] =	stream.indirect_vreg.gather [hbm4b:s1+s2], $0x80, v21, vm0, $0xb8;
	[tilespmem:$0x10500] =	vst v63  }
0x6da: {  	_ = 	snop  }
0x6db: {  	[tilespmem:s19], [sflag:$0x5] =	stream.indirect_vreg.gather [hbm4b:s4+s2], $0x80, v21, vm0, $0xb8;
	[tilespmem:$0x10500] =	vst v63  }
0x6dc: {  	_ = 	snop  }
0x6dd: {  	[tilespmem:s17], [sflag:$0x5] =	stream.indirect_vreg.gather [hbm4b:s5+s2], $0x80, v21, vm0, $0xb8;
	[tilespmem:$0x10500] =	vst v63  }
0x6de: {  	_ = 	snop  }
0x6df: {  	[tilespmem:s13], [sflag:$0x5] =	stream.indirect_vreg.gather [hbm4b:s6+s2], $0x80, v21, vm0, $0xb8;
	[tilespmem:$0x10500] =	vst v63  }
0x6e0: {  	v21 =	vld [tilespmem:$0x230];
	_ =	sdelay $0x4  }
0x6e1: {  	v22 =	vshll.u32 v21, $0x3  }
0x6e2: {  	v21 =	vand.u32 $0x7, v21;
	v22 =	vand.u32 $0xFFFFFFC0, v22  }
0x6e3: {  	v21 =	vor.u32 v21, v22  }
0x6e4: {  	v22 =	vperm.xlane v21, v13;
	_ =	sdelay $0x1  }
0x6e5: {  	v22 =	vadd.s32 v15, v22;
	_ =	sdelay $0x4  }
0x6e6: {  	[tilespmem:s8], [sflag:$0x5] =	stream.indirect_vreg.gather [hbm4b:s1+s2], $0x80, v22, vm0, $0xb8;
	[tilespmem:$0x10500] =	vst v63  }
0x6e7: {  	v21 =	vperm.xlane v21, v14  }
0x6e8: {  	[tilespmem:s12], [sflag:$0x5] =	stream.indirect_vreg.gather [hbm4b:s4+s2], $0x80, v22, vm0, $0xb8;
	[tilespmem:$0x10500] =	vst v63  }
0x6e9: {  	v21 =	vadd.s32 v15, v21  }
0x6ea: {  	[tilespmem:s21], [sflag:$0x5] =	stream.indirect_vreg.gather [hbm4b:s5+s2], $0x80, v22, vm0, $0xb8;
	[tilespmem:$0x10500] =	vst v63  }
0x6eb: {  	_ = 	snop  }
0x6ec: {  	[tilespmem:s22], [sflag:$0x5] =	stream.indirect_vreg.gather [hbm4b:s6+s2], $0x80, v22, vm0, $0xb8;
	[tilespmem:$0x10500] =	vst v63  }
0x6ed: {  	_ = 	snop  }
0x6ee: {  	[tilespmem:s18], [sflag:$0x5] =	stream.indirect_vreg.gather [hbm4b:s1+s2], $0x80, v21, vm0, $0xb8;
	[tilespmem:$0x10500] =	vst v63  }
0x6ef: {  	_ = 	snop  }
0x6f0: {  	[tilespmem:s16], [sflag:$0x5] =	stream.indirect_vreg.gather [hbm4b:s4+s2], $0x80, v21, vm0, $0xb8;
	[tilespmem:$0x10500] =	vst v63  }
0x6f1: {  	_ = 	snop  }
0x6f2: {  	[tilespmem:s9], [sflag:$0x5] =	stream.indirect_vreg.gather [hbm4b:s5+s2], $0x80, v21, vm0, $0xb8;
	[tilespmem:$0x10500] =	vst v63  }
0x6f3: {  	_ = 	snop  }
0x6f4: {  	[tilespmem:s10], [sflag:$0x5] =	stream.indirect_vreg.gather [hbm4b:s6+s2], $0x80, v21, vm0, $0xb8;
	[tilespmem:$0x10500] =	vst v63  }
0x6f5: {  	_ =	swait.ge [sflag:s30], $0x8000  }
0x6f6: {  	[sflag:s30] =	ssyncset.done $0x0  }
0x6f7: {  	s31 =	rddreg [dreg:$0x1c];
	[sflag:s30] =	ssyncadd.s32 $0xFFFF8000  }
0x6f8: {  	[hbm4b:s31+s2] =	stream.linear.scatter [tilespmem:s3], [sflag:$0x6], $0x8000, $0x38;
	[tilespmem:$0x10500] =	vst v63  }
0x6f9: {  	_ =	swait.ge [sflag:s23], $0x8000  }
0x6fa: {  	[sflag:s23] =	ssyncset.done $0x0  }
0x6fb: {  	[sflag:s23] =	ssyncadd.s32 $0xFFFF8000  }
.LBB2_43:
0x6fc: {  	v21 =	vld [tilespmem:$0x2B0];
	_ =	sdelay $0x4  }
0x6fd: {  	(v2sf) =	vpush v21, $0xF;
	_ =	sdelay $0xe  }
0x6fe: {  	s31 =	spop (v2sf)  }
0x6ff: {  	p0 =	seq.s32 s31, s25  }
.Ltmp23:
0x700: {  	_ = 	snop;
	(pc) =	sbr.rel @p0 .LBB2_45-.Ltmp23, $1  }
0x701: {  	_ =	sdelay $0x3  }
0x702: {  	v21 =	vld [tilespmem:$0x2A0];
	_ =	sdelay $0x4  }
0x703: {  	v22 =	vshll.u32 v21, $0x3  }
0x704: {  	v21 =	vand.u32 $0x7, v21;
	v22 =	vand.u32 $0xFFFFFFC0, v22  }
0x705: {  	v21 =	vor.u32 v21, v22  }
0x706: {  	v22 =	vperm.xlane v21, v13;
	_ =	sdelay $0x1  }
0x707: {  	v22 =	vadd.s32 v15, v22;
	_ =	sdelay $0x4  }
0x708: {  	[tilespmem:s3], [sflag:$0x5] =	stream.indirect_vreg.gather [hbm4b:s1+s2], $0x80, v22, vm0, $0xb8;
	[tilespmem:$0x10500] =	vst v63  }
0x709: {  	v21 =	vperm.xlane v21, v14  }
0x70a: {  	[tilespmem:s15], [sflag:$0x5] =	stream.indirect_vreg.gather [hbm4b:s4+s2], $0x80, v22, vm0, $0xb8;
	[tilespmem:$0x10500] =	vst v63  }
0x70b: {  	v21 =	vadd.s32 v15, v21  }
0x70c: {  	[tilespmem:s7], [sflag:$0x5] =	stream.indirect_vreg.gather [hbm4b:s5+s2], $0x80, v22, vm0, $0xb8;
	[tilespmem:$0x10500] =	vst v63  }
0x70d: {  	s14 =	simm.s32 $0x1D00  }
0x70e: {  	[tilespmem:s14], [sflag:$0x5] =	stream.indirect_vreg.gather [hbm4b:s6+s2], $0x80, v22, vm0, $0xb8;
	[tilespmem:$0x10500] =	vst v63  }
0x70f: {  	_ = 	snop  }
0x710: {  	[tilespmem:s20], [sflag:$0x5] =	stream.indirect_vreg.gather [hbm4b:s1+s2], $0x80, v21, vm0, $0xb8;
	[tilespmem:$0x10500] =	vst v63  }
0x711: {  	_ = 	snop  }
0x712: {  	[tilespmem:s19], [sflag:$0x5] =	stream.indirect_vreg.gather [hbm4b:s4+s2], $0x80, v21, vm0, $0xb8;
	[tilespmem:$0x10500] =	vst v63  }
0x713: {  	_ = 	snop  }
0x714: {  	[tilespmem:s17], [sflag:$0x5] =	stream.indirect_vreg.gather [hbm4b:s5+s2], $0x80, v21, vm0, $0xb8;
	[tilespmem:$0x10500] =	vst v63  }
0x715: {  	_ = 	snop  }
0x716: {  	[tilespmem:s13], [sflag:$0x5] =	stream.indirect_vreg.gather [hbm4b:s6+s2], $0x80, v21, vm0, $0xb8;
	[tilespmem:$0x10500] =	vst v63  }
0x717: {  	v21 =	vld [tilespmem:$0x2B0];
	_ =	sdelay $0x4  }
0x718: {  	v22 =	vshll.u32 v21, $0x3  }
0x719: {  	v21 =	vand.u32 $0x7, v21;
	v22 =	vand.u32 $0xFFFFFFC0, v22  }
0x71a: {  	v21 =	vor.u32 v21, v22  }
0x71b: {  	v22 =	vperm.xlane v21, v13;
	_ =	sdelay $0x1  }
0x71c: {  	v22 =	vadd.s32 v15, v22;
	_ =	sdelay $0x4  }
0x71d: {  	[tilespmem:s8], [sflag:$0x5] =	stream.indirect_vreg.gather [hbm4b:s1+s2], $0x80, v22, vm0, $0xb8;
	[tilespmem:$0x10500] =	vst v63  }
0x71e: {  	v21 =	vperm.xlane v21, v14  }
0x71f: {  	[tilespmem:s12], [sflag:$0x5] =	stream.indirect_vreg.gather [hbm4b:s4+s2], $0x80, v22, vm0, $0xb8;
	[tilespmem:$0x10500] =	vst v63  }
0x720: {  	v21 =	vadd.s32 v15, v21  }
0x721: {  	[tilespmem:s21], [sflag:$0x5] =	stream.indirect_vreg.gather [hbm4b:s5+s2], $0x80, v22, vm0, $0xb8;
	[tilespmem:$0x10500] =	vst v63  }
0x722: {  	_ = 	snop  }
0x723: {  	[tilespmem:s22], [sflag:$0x5] =	stream.indirect_vreg.gather [hbm4b:s6+s2], $0x80, v22, vm0, $0xb8;
	[tilespmem:$0x10500] =	vst v63  }
0x724: {  	_ = 	snop  }
0x725: {  	[tilespmem:s18], [sflag:$0x5] =	stream.indirect_vreg.gather [hbm4b:s1+s2], $0x80, v21, vm0, $0xb8;
	[tilespmem:$0x10500] =	vst v63  }
0x726: {  	_ = 	snop  }
0x727: {  	[tilespmem:s16], [sflag:$0x5] =	stream.indirect_vreg.gather [hbm4b:s4+s2], $0x80, v21, vm0, $0xb8;
	[tilespmem:$0x10500] =	vst v63  }
0x728: {  	_ = 	snop  }
0x729: {  	[tilespmem:s9], [sflag:$0x5] =	stream.indirect_vreg.gather [hbm4b:s5+s2], $0x80, v21, vm0, $0xb8;
	[tilespmem:$0x10500] =	vst v63  }
0x72a: {  	_ = 	snop  }
0x72b: {  	[tilespmem:s10], [sflag:$0x5] =	stream.indirect_vreg.gather [hbm4b:s6+s2], $0x80, v21, vm0, $0xb8;
	[tilespmem:$0x10500] =	vst v63  }
0x72c: {  	_ =	swait.ge [sflag:s30], $0x8000  }
0x72d: {  	[sflag:s30] =	ssyncset.done $0x0  }
0x72e: {  	s31 =	rddreg [dreg:$0x1d];
	[sflag:s30] =	ssyncadd.s32 $0xFFFF8000  }
0x72f: {  	[hbm4b:s31+s2] =	stream.linear.scatter [tilespmem:s3], [sflag:$0x6], $0x8000, $0x38;
	[tilespmem:$0x10500] =	vst v63  }
0x730: {  	_ =	swait.ge [sflag:s23], $0x8000  }
0x731: {  	[sflag:s23] =	ssyncset.done $0x0  }
0x732: {  	[sflag:s23] =	ssyncadd.s32 $0xFFFF8000  }
.LBB2_45:
0x733: {  	v21 =	vld [tilespmem:$0x330];
	_ =	sdelay $0x4  }
0x734: {  	(v2sf) =	vpush v21, $0xF;
	_ =	sdelay $0xe  }
0x735: {  	s31 =	spop (v2sf)  }
0x736: {  	p0 =	seq.s32 s31, s25  }
.Ltmp24:
0x737: {  	_ = 	snop;
	(pc) =	sbr.rel @p0 .LBB2_47-.Ltmp24, $1  }
0x738: {  	_ =	sdelay $0x3  }
0x739: {  	v21 =	vld [tilespmem:$0x320];
	_ =	sdelay $0x4  }
0x73a: {  	v22 =	vshll.u32 v21, $0x3  }
0x73b: {  	v21 =	vand.u32 $0x7, v21;
	v22 =	vand.u32 $0xFFFFFFC0, v22  }
0x73c: {  	v21 =	vor.u32 v21, v22  }
0x73d: {  	v22 =	vperm.xlane v21, v13;
	_ =	sdelay $0x1  }
0x73e: {  	v22 =	vadd.s32 v15, v22;
	_ =	sdelay $0x4  }
0x73f: {  	[tilespmem:s3], [sflag:$0x5] =	stream.indirect_vreg.gather [hbm4b:s1+s2], $0x80, v22, vm0, $0xb8;
	[tilespmem:$0x10500] =	vst v63  }
0x740: {  	v21 =	vperm.xlane v21, v14  }
0x741: {  	[tilespmem:s15], [sflag:$0x5] =	stream.indirect_vreg.gather [hbm4b:s4+s2], $0x80, v22, vm0, $0xb8;
	[tilespmem:$0x10500] =	vst v63  }
0x742: {  	v21 =	vadd.s32 v15, v21  }
0x743: {  	[tilespmem:s7], [sflag:$0x5] =	stream.indirect_vreg.gather [hbm4b:s5+s2], $0x80, v22, vm0, $0xb8;
	[tilespmem:$0x10500] =	vst v63  }
0x744: {  	s14 =	simm.s32 $0x1D00  }
0x745: {  	[tilespmem:s14], [sflag:$0x5] =	stream.indirect_vreg.gather [hbm4b:s6+s2], $0x80, v22, vm0, $0xb8;
	[tilespmem:$0x10500] =	vst v63  }
0x746: {  	_ = 	snop  }
0x747: {  	[tilespmem:s20], [sflag:$0x5] =	stream.indirect_vreg.gather [hbm4b:s1+s2], $0x80, v21, vm0, $0xb8;
	[tilespmem:$0x10500] =	vst v63  }
0x748: {  	_ = 	snop  }
0x749: {  	[tilespmem:s19], [sflag:$0x5] =	stream.indirect_vreg.gather [hbm4b:s4+s2], $0x80, v21, vm0, $0xb8;
	[tilespmem:$0x10500] =	vst v63  }
0x74a: {  	_ = 	snop  }
0x74b: {  	[tilespmem:s17], [sflag:$0x5] =	stream.indirect_vreg.gather [hbm4b:s5+s2], $0x80, v21, vm0, $0xb8;
	[tilespmem:$0x10500] =	vst v63  }
0x74c: {  	_ = 	snop  }
0x74d: {  	[tilespmem:s13], [sflag:$0x5] =	stream.indirect_vreg.gather [hbm4b:s6+s2], $0x80, v21, vm0, $0xb8;
	[tilespmem:$0x10500] =	vst v63  }
0x74e: {  	v21 =	vld [tilespmem:$0x330];
	_ =	sdelay $0x4  }
0x74f: {  	v22 =	vshll.u32 v21, $0x3  }
0x750: {  	v21 =	vand.u32 $0x7, v21;
	v22 =	vand.u32 $0xFFFFFFC0, v22  }
0x751: {  	v21 =	vor.u32 v21, v22  }
0x752: {  	v22 =	vperm.xlane v21, v13;
	_ =	sdelay $0x1  }
0x753: {  	v22 =	vadd.s32 v15, v22;
	_ =	sdelay $0x4  }
0x754: {  	[tilespmem:s8], [sflag:$0x5] =	stream.indirect_vreg.gather [hbm4b:s1+s2], $0x80, v22, vm0, $0xb8;
	[tilespmem:$0x10500] =	vst v63  }
0x755: {  	v21 =	vperm.xlane v21, v14  }
0x756: {  	[tilespmem:s12], [sflag:$0x5] =	stream.indirect_vreg.gather [hbm4b:s4+s2], $0x80, v22, vm0, $0xb8;
	[tilespmem:$0x10500] =	vst v63  }
0x757: {  	v21 =	vadd.s32 v15, v21  }
0x758: {  	[tilespmem:s21], [sflag:$0x5] =	stream.indirect_vreg.gather [hbm4b:s5+s2], $0x80, v22, vm0, $0xb8;
	[tilespmem:$0x10500] =	vst v63  }
0x759: {  	_ = 	snop  }
0x75a: {  	[tilespmem:s22], [sflag:$0x5] =	stream.indirect_vreg.gather [hbm4b:s6+s2], $0x80, v22, vm0, $0xb8;
	[tilespmem:$0x10500] =	vst v63  }
0x75b: {  	_ = 	snop  }
0x75c: {  	[tilespmem:s18], [sflag:$0x5] =	stream.indirect_vreg.gather [hbm4b:s1+s2], $0x80, v21, vm0, $0xb8;
	[tilespmem:$0x10500] =	vst v63  }
0x75d: {  	_ = 	snop  }
0x75e: {  	[tilespmem:s16], [sflag:$0x5] =	stream.indirect_vreg.gather [hbm4b:s4+s2], $0x80, v21, vm0, $0xb8;
	[tilespmem:$0x10500] =	vst v63  }
0x75f: {  	_ = 	snop  }
0x760: {  	[tilespmem:s9], [sflag:$0x5] =	stream.indirect_vreg.gather [hbm4b:s5+s2], $0x80, v21, vm0, $0xb8;
	[tilespmem:$0x10500] =	vst v63  }
0x761: {  	_ = 	snop  }
0x762: {  	[tilespmem:s10], [sflag:$0x5] =	stream.indirect_vreg.gather [hbm4b:s6+s2], $0x80, v21, vm0, $0xb8;
	[tilespmem:$0x10500] =	vst v63  }
0x763: {  	_ =	swait.ge [sflag:s30], $0x8000  }
0x764: {  	[sflag:s30] =	ssyncset.done $0x0  }
0x765: {  	s31 =	rddreg [dreg:$0x1e];
	[sflag:s30] =	ssyncadd.s32 $0xFFFF8000  }
0x766: {  	[hbm4b:s31+s2] =	stream.linear.scatter [tilespmem:s3], [sflag:$0x6], $0x8000, $0x38;
	[tilespmem:$0x10500] =	vst v63  }
0x767: {  	_ =	swait.ge [sflag:s23], $0x8000  }
0x768: {  	[sflag:s23] =	ssyncset.done $0x0  }
0x769: {  	[sflag:s23] =	ssyncadd.s32 $0xFFFF8000  }
.LBB2_47:
0x76a: {  	v21 =	vld [tilespmem:$0x3B0];
	_ =	sdelay $0x4  }
0x76b: {  	(v2sf) =	vpush v21, $0xF;
	_ =	sdelay $0xe  }
0x76c: {  	s31 =	spop (v2sf)  }
0x76d: {  	p0 =	seq.s32 s31, s25  }
.Ltmp25:
0x76e: {  	_ = 	snop;
	(pc) =	sbr.rel @p0 .LBB2_49-.Ltmp25, $1  }
0x76f: {  	_ =	sdelay $0x3  }
0x770: {  	v21 =	vld [tilespmem:$0x3A0];
	_ =	sdelay $0x4  }
0x771: {  	v22 =	vshll.u32 v21, $0x3  }
0x772: {  	v21 =	vand.u32 $0x7, v21;
	v22 =	vand.u32 $0xFFFFFFC0, v22  }
0x773: {  	v21 =	vor.u32 v21, v22  }
0x774: {  	v22 =	vperm.xlane v21, v13;
	_ =	sdelay $0x1  }
0x775: {  	v22 =	vadd.s32 v15, v22;
	_ =	sdelay $0x4  }
0x776: {  	[tilespmem:s3], [sflag:$0x5] =	stream.indirect_vreg.gather [hbm4b:s1+s2], $0x80, v22, vm0, $0xb8;
	[tilespmem:$0x10500] =	vst v63  }
0x777: {  	v21 =	vperm.xlane v21, v14  }
0x778: {  	[tilespmem:s15], [sflag:$0x5] =	stream.indirect_vreg.gather [hbm4b:s4+s2], $0x80, v22, vm0, $0xb8;
	[tilespmem:$0x10500] =	vst v63  }
0x779: {  	v21 =	vadd.s32 v15, v21  }
0x77a: {  	[tilespmem:s7], [sflag:$0x5] =	stream.indirect_vreg.gather [hbm4b:s5+s2], $0x80, v22, vm0, $0xb8;
	[tilespmem:$0x10500] =	vst v63  }
0x77b: {  	s14 =	simm.s32 $0x1D00  }
0x77c: {  	[tilespmem:s14], [sflag:$0x5] =	stream.indirect_vreg.gather [hbm4b:s6+s2], $0x80, v22, vm0, $0xb8;
	[tilespmem:$0x10500] =	vst v63  }
0x77d: {  	_ = 	snop  }
0x77e: {  	[tilespmem:s20], [sflag:$0x5] =	stream.indirect_vreg.gather [hbm4b:s1+s2], $0x80, v21, vm0, $0xb8;
	[tilespmem:$0x10500] =	vst v63  }
0x77f: {  	_ = 	snop  }
0x780: {  	[tilespmem:s19], [sflag:$0x5] =	stream.indirect_vreg.gather [hbm4b:s4+s2], $0x80, v21, vm0, $0xb8;
	[tilespmem:$0x10500] =	vst v63  }
0x781: {  	_ = 	snop  }
0x782: {  	[tilespmem:s17], [sflag:$0x5] =	stream.indirect_vreg.gather [hbm4b:s5+s2], $0x80, v21, vm0, $0xb8;
	[tilespmem:$0x10500] =	vst v63  }
0x783: {  	_ = 	snop  }
0x784: {  	[tilespmem:s13], [sflag:$0x5] =	stream.indirect_vreg.gather [hbm4b:s6+s2], $0x80, v21, vm0, $0xb8;
	[tilespmem:$0x10500] =	vst v63  }
0x785: {  	v21 =	vld [tilespmem:$0x3B0];
	_ =	sdelay $0x4  }
0x786: {  	v22 =	vshll.u32 v21, $0x3  }
0x787: {  	v21 =	vand.u32 $0x7, v21;
	v22 =	vand.u32 $0xFFFFFFC0, v22  }
0x788: {  	v21 =	vor.u32 v21, v22  }
0x789: {  	v22 =	vperm.xlane v21, v13;
	_ =	sdelay $0x1  }
0x78a: {  	v22 =	vadd.s32 v15, v22;
	_ =	sdelay $0x4  }
0x78b: {  	[tilespmem:s8], [sflag:$0x5] =	stream.indirect_vreg.gather [hbm4b:s1+s2], $0x80, v22, vm0, $0xb8;
	[tilespmem:$0x10500] =	vst v63  }
0x78c: {  	v21 =	vperm.xlane v21, v14  }
0x78d: {  	[tilespmem:s12], [sflag:$0x5] =	stream.indirect_vreg.gather [hbm4b:s4+s2], $0x80, v22, vm0, $0xb8;
	[tilespmem:$0x10500] =	vst v63  }
0x78e: {  	v21 =	vadd.s32 v15, v21  }
0x78f: {  	[tilespmem:s21], [sflag:$0x5] =	stream.indirect_vreg.gather [hbm4b:s5+s2], $0x80, v22, vm0, $0xb8;
	[tilespmem:$0x10500] =	vst v63  }
0x790: {  	_ = 	snop  }
0x791: {  	[tilespmem:s22], [sflag:$0x5] =	stream.indirect_vreg.gather [hbm4b:s6+s2], $0x80, v22, vm0, $0xb8;
	[tilespmem:$0x10500] =	vst v63  }
0x792: {  	_ = 	snop  }
0x793: {  	[tilespmem:s18], [sflag:$0x5] =	stream.indirect_vreg.gather [hbm4b:s1+s2], $0x80, v21, vm0, $0xb8;
	[tilespmem:$0x10500] =	vst v63  }
0x794: {  	_ = 	snop  }
0x795: {  	[tilespmem:s16], [sflag:$0x5] =	stream.indirect_vreg.gather [hbm4b:s4+s2], $0x80, v21, vm0, $0xb8;
	[tilespmem:$0x10500] =	vst v63  }
0x796: {  	_ = 	snop  }
0x797: {  	[tilespmem:s9], [sflag:$0x5] =	stream.indirect_vreg.gather [hbm4b:s5+s2], $0x80, v21, vm0, $0xb8;
	[tilespmem:$0x10500] =	vst v63  }
0x798: {  	_ = 	snop  }
0x799: {  	[tilespmem:s10], [sflag:$0x5] =	stream.indirect_vreg.gather [hbm4b:s6+s2], $0x80, v21, vm0, $0xb8;
	[tilespmem:$0x10500] =	vst v63  }
0x79a: {  	_ =	swait.ge [sflag:s30], $0x8000  }
0x79b: {  	[sflag:s30] =	ssyncset.done $0x0  }
0x79c: {  	s31 =	rddreg [dreg:$0x1f];
	[sflag:s30] =	ssyncadd.s32 $0xFFFF8000  }
0x79d: {  	[hbm4b:s31+s2] =	stream.linear.scatter [tilespmem:s3], [sflag:$0x6], $0x8000, $0x38;
	[tilespmem:$0x10500] =	vst v63  }
0x79e: {  	_ =	swait.ge [sflag:s23], $0x8000  }
0x79f: {  	[sflag:s23] =	ssyncset.done $0x0  }
0x7a0: {  	[sflag:s23] =	ssyncadd.s32 $0xFFFF8000  }
.LBB2_49:
0x7a1: {  	v21 =	vld [tilespmem:$0x250];
	_ =	sdelay $0x4  }
0x7a2: {  	(v2sf) =	vpush v21, $0xF;
	_ =	sdelay $0xc  }
0x7a3: {  	s25 =	sld [smem:$0x7FB];
	_ =	sdelay $0x1  }
0x7a4: {  	s31 =	spop (v2sf)  }
0x7a5: {  	p0 =	seq.s32 s31, s25  }
.Ltmp26:
0x7a6: {  	_ = 	snop;
	(pc) =	sbr.rel @p0 .LBB2_51-.Ltmp26, $1  }
0x7a7: {  	_ =	sdelay $0x3  }
0x7a8: {  	v21 =	vld [tilespmem:$0x240];
	_ =	sdelay $0x4  }
0x7a9: {  	v22 =	vshll.u32 v21, $0x3  }
0x7aa: {  	v21 =	vand.u32 $0x7, v21;
	v22 =	vand.u32 $0xFFFFFFC0, v22  }
0x7ab: {  	v21 =	vor.u32 v21, v22  }
0x7ac: {  	v22 =	vperm.xlane v21, v13;
	_ =	sdelay $0x1  }
0x7ad: {  	v22 =	vadd.s32 v15, v22;
	_ =	sdelay $0x4  }
0x7ae: {  	[tilespmem:s3], [sflag:$0x5] =	stream.indirect_vreg.gather [hbm4b:s1+s2], $0x80, v22, vm0, $0xb8;
	[tilespmem:$0x10500] =	vst v63  }
0x7af: {  	v21 =	vperm.xlane v21, v14  }
0x7b0: {  	[tilespmem:s15], [sflag:$0x5] =	stream.indirect_vreg.gather [hbm4b:s4+s2], $0x80, v22, vm0, $0xb8;
	[tilespmem:$0x10500] =	vst v63  }
0x7b1: {  	v21 =	vadd.s32 v15, v21  }
0x7b2: {  	[tilespmem:s7], [sflag:$0x5] =	stream.indirect_vreg.gather [hbm4b:s5+s2], $0x80, v22, vm0, $0xb8;
	[tilespmem:$0x10500] =	vst v63  }
0x7b3: {  	s14 =	simm.s32 $0x1D00  }
0x7b4: {  	[tilespmem:s14], [sflag:$0x5] =	stream.indirect_vreg.gather [hbm4b:s6+s2], $0x80, v22, vm0, $0xb8;
	[tilespmem:$0x10500] =	vst v63  }
0x7b5: {  	_ = 	snop  }
0x7b6: {  	[tilespmem:s20], [sflag:$0x5] =	stream.indirect_vreg.gather [hbm4b:s1+s2], $0x80, v21, vm0, $0xb8;
	[tilespmem:$0x10500] =	vst v63  }
0x7b7: {  	_ = 	snop  }
0x7b8: {  	[tilespmem:s19], [sflag:$0x5] =	stream.indirect_vreg.gather [hbm4b:s4+s2], $0x80, v21, vm0, $0xb8;
	[tilespmem:$0x10500] =	vst v63  }
0x7b9: {  	_ = 	snop  }
0x7ba: {  	[tilespmem:s17], [sflag:$0x5] =	stream.indirect_vreg.gather [hbm4b:s5+s2], $0x80, v21, vm0, $0xb8;
	[tilespmem:$0x10500] =	vst v63  }
0x7bb: {  	_ = 	snop  }
0x7bc: {  	[tilespmem:s13], [sflag:$0x5] =	stream.indirect_vreg.gather [hbm4b:s6+s2], $0x80, v21, vm0, $0xb8;
	[tilespmem:$0x10500] =	vst v63  }
0x7bd: {  	v21 =	vld [tilespmem:$0x250];
	_ =	sdelay $0x4  }
0x7be: {  	v22 =	vshll.u32 v21, $0x3  }
0x7bf: {  	v21 =	vand.u32 $0x7, v21;
	v22 =	vand.u32 $0xFFFFFFC0, v22  }
0x7c0: {  	v21 =	vor.u32 v21, v22  }
0x7c1: {  	v22 =	vperm.xlane v21, v13;
	_ =	sdelay $0x1  }
0x7c2: {  	v22 =	vadd.s32 v15, v22;
	_ =	sdelay $0x4  }
0x7c3: {  	[tilespmem:s8], [sflag:$0x5] =	stream.indirect_vreg.gather [hbm4b:s1+s2], $0x80, v22, vm0, $0xb8;
	[tilespmem:$0x10500] =	vst v63  }
0x7c4: {  	v21 =	vperm.xlane v21, v14  }
0x7c5: {  	[tilespmem:s12], [sflag:$0x5] =	stream.indirect_vreg.gather [hbm4b:s4+s2], $0x80, v22, vm0, $0xb8;
	[tilespmem:$0x10500] =	vst v63  }
0x7c6: {  	v21 =	vadd.s32 v15, v21  }
0x7c7: {  	[tilespmem:s21], [sflag:$0x5] =	stream.indirect_vreg.gather [hbm4b:s5+s2], $0x80, v22, vm0, $0xb8;
	[tilespmem:$0x10500] =	vst v63  }
0x7c8: {  	_ = 	snop  }
0x7c9: {  	[tilespmem:s22], [sflag:$0x5] =	stream.indirect_vreg.gather [hbm4b:s6+s2], $0x80, v22, vm0, $0xb8;
	[tilespmem:$0x10500] =	vst v63  }
0x7ca: {  	_ = 	snop  }
0x7cb: {  	[tilespmem:s18], [sflag:$0x5] =	stream.indirect_vreg.gather [hbm4b:s1+s2], $0x80, v21, vm0, $0xb8;
	[tilespmem:$0x10500] =	vst v63  }
0x7cc: {  	_ = 	snop  }
0x7cd: {  	[tilespmem:s16], [sflag:$0x5] =	stream.indirect_vreg.gather [hbm4b:s4+s2], $0x80, v21, vm0, $0xb8;
	[tilespmem:$0x10500] =	vst v63  }
0x7ce: {  	_ = 	snop  }
0x7cf: {  	[tilespmem:s9], [sflag:$0x5] =	stream.indirect_vreg.gather [hbm4b:s5+s2], $0x80, v21, vm0, $0xb8;
	[tilespmem:$0x10500] =	vst v63  }
0x7d0: {  	_ = 	snop  }
0x7d1: {  	[tilespmem:s10], [sflag:$0x5] =	stream.indirect_vreg.gather [hbm4b:s6+s2], $0x80, v21, vm0, $0xb8;
	[tilespmem:$0x10500] =	vst v63  }
0x7d2: {  	_ =	swait.ge [sflag:s30], $0x8000  }
0x7d3: {  	s31 =	sld [smem:$0x7EE]  }
0x7d4: {  	[sflag:s30] =	ssyncset.done $0x0  }
0x7d5: {  	[sflag:s30] =	ssyncadd.s32 $0xFFFF8000  }
0x7d6: {  	[hbm4b:s31+s2] =	stream.linear.scatter [tilespmem:s3], [sflag:$0x6], $0x8000, $0x38;
	[tilespmem:$0x10500] =	vst v63  }
0x7d7: {  	_ =	swait.ge [sflag:s23], $0x8000  }
0x7d8: {  	[sflag:s23] =	ssyncset.done $0x0  }
0x7d9: {  	[sflag:s23] =	ssyncadd.s32 $0xFFFF8000  }
.LBB2_51:
0x7da: {  	v21 =	vld [tilespmem:$0x2D0];
	_ =	sdelay $0x4  }
0x7db: {  	(v2sf) =	vpush v21, $0xF;
	_ =	sdelay $0xe  }
0x7dc: {  	s31 =	spop (v2sf)  }
0x7dd: {  	p0 =	seq.s32 s31, s25  }
.Ltmp27:
0x7de: {  	_ = 	snop;
	(pc) =	sbr.rel @p0 .LBB2_53-.Ltmp27, $1  }
0x7df: {  	_ =	sdelay $0x3  }
0x7e0: {  	v21 =	vld [tilespmem:$0x2C0];
	_ =	sdelay $0x4  }
0x7e1: {  	v22 =	vshll.u32 v21, $0x3  }
0x7e2: {  	v21 =	vand.u32 $0x7, v21;
	v22 =	vand.u32 $0xFFFFFFC0, v22  }
0x7e3: {  	v21 =	vor.u32 v21, v22  }
0x7e4: {  	v22 =	vperm.xlane v21, v13;
	_ =	sdelay $0x1  }
0x7e5: {  	v22 =	vadd.s32 v15, v22;
	_ =	sdelay $0x4  }
0x7e6: {  	[tilespmem:s3], [sflag:$0x5] =	stream.indirect_vreg.gather [hbm4b:s1+s2], $0x80, v22, vm0, $0xb8;
	[tilespmem:$0x10500] =	vst v63  }
0x7e7: {  	v21 =	vperm.xlane v21, v14  }
0x7e8: {  	[tilespmem:s15], [sflag:$0x5] =	stream.indirect_vreg.gather [hbm4b:s4+s2], $0x80, v22, vm0, $0xb8;
	[tilespmem:$0x10500] =	vst v63  }
0x7e9: {  	v21 =	vadd.s32 v15, v21  }
0x7ea: {  	[tilespmem:s7], [sflag:$0x5] =	stream.indirect_vreg.gather [hbm4b:s5+s2], $0x80, v22, vm0, $0xb8;
	[tilespmem:$0x10500] =	vst v63  }
0x7eb: {  	s14 =	simm.s32 $0x1D00  }
0x7ec: {  	[tilespmem:s14], [sflag:$0x5] =	stream.indirect_vreg.gather [hbm4b:s6+s2], $0x80, v22, vm0, $0xb8;
	[tilespmem:$0x10500] =	vst v63  }
0x7ed: {  	_ = 	snop  }
0x7ee: {  	[tilespmem:s20], [sflag:$0x5] =	stream.indirect_vreg.gather [hbm4b:s1+s2], $0x80, v21, vm0, $0xb8;
	[tilespmem:$0x10500] =	vst v63  }
0x7ef: {  	_ = 	snop  }
0x7f0: {  	[tilespmem:s19], [sflag:$0x5] =	stream.indirect_vreg.gather [hbm4b:s4+s2], $0x80, v21, vm0, $0xb8;
	[tilespmem:$0x10500] =	vst v63  }
0x7f1: {  	_ = 	snop  }
0x7f2: {  	[tilespmem:s17], [sflag:$0x5] =	stream.indirect_vreg.gather [hbm4b:s5+s2], $0x80, v21, vm0, $0xb8;
	[tilespmem:$0x10500] =	vst v63  }
0x7f3: {  	_ = 	snop  }
0x7f4: {  	[tilespmem:s13], [sflag:$0x5] =	stream.indirect_vreg.gather [hbm4b:s6+s2], $0x80, v21, vm0, $0xb8;
	[tilespmem:$0x10500] =	vst v63  }
0x7f5: {  	v21 =	vld [tilespmem:$0x2D0];
	_ =	sdelay $0x4  }
0x7f6: {  	v22 =	vshll.u32 v21, $0x3  }
0x7f7: {  	v21 =	vand.u32 $0x7, v21;
	v22 =	vand.u32 $0xFFFFFFC0, v22  }
0x7f8: {  	v21 =	vor.u32 v21, v22  }
0x7f9: {  	v22 =	vperm.xlane v21, v13;
	_ =	sdelay $0x1  }
0x7fa: {  	v22 =	vadd.s32 v15, v22;
	_ =	sdelay $0x4  }
0x7fb: {  	[tilespmem:s8], [sflag:$0x5] =	stream.indirect_vreg.gather [hbm4b:s1+s2], $0x80, v22, vm0, $0xb8;
	[tilespmem:$0x10500] =	vst v63  }
0x7fc: {  	v21 =	vperm.xlane v21, v14  }
0x7fd: {  	[tilespmem:s12], [sflag:$0x5] =	stream.indirect_vreg.gather [hbm4b:s4+s2], $0x80, v22, vm0, $0xb8;
	[tilespmem:$0x10500] =	vst v63  }
0x7fe: {  	v21 =	vadd.s32 v15, v21  }
0x7ff: {  	[tilespmem:s21], [sflag:$0x5] =	stream.indirect_vreg.gather [hbm4b:s5+s2], $0x80, v22, vm0, $0xb8;
	[tilespmem:$0x10500] =	vst v63  }
0x800: {  	_ = 	snop  }
0x801: {  	[tilespmem:s22], [sflag:$0x5] =	stream.indirect_vreg.gather [hbm4b:s6+s2], $0x80, v22, vm0, $0xb8;
	[tilespmem:$0x10500] =	vst v63  }
0x802: {  	_ = 	snop  }
0x803: {  	[tilespmem:s18], [sflag:$0x5] =	stream.indirect_vreg.gather [hbm4b:s1+s2], $0x80, v21, vm0, $0xb8;
	[tilespmem:$0x10500] =	vst v63  }
0x804: {  	_ = 	snop  }
0x805: {  	[tilespmem:s16], [sflag:$0x5] =	stream.indirect_vreg.gather [hbm4b:s4+s2], $0x80, v21, vm0, $0xb8;
	[tilespmem:$0x10500] =	vst v63  }
0x806: {  	_ = 	snop  }
0x807: {  	[tilespmem:s9], [sflag:$0x5] =	stream.indirect_vreg.gather [hbm4b:s5+s2], $0x80, v21, vm0, $0xb8;
	[tilespmem:$0x10500] =	vst v63  }
0x808: {  	_ = 	snop  }
0x809: {  	[tilespmem:s10], [sflag:$0x5] =	stream.indirect_vreg.gather [hbm4b:s6+s2], $0x80, v21, vm0, $0xb8;
	[tilespmem:$0x10500] =	vst v63  }
0x80a: {  	_ =	swait.ge [sflag:s30], $0x8000  }
0x80b: {  	s31 =	sld [smem:$0x7EF]  }
0x80c: {  	[sflag:s30] =	ssyncset.done $0x0  }
0x80d: {  	[sflag:s30] =	ssyncadd.s32 $0xFFFF8000  }
0x80e: {  	[hbm4b:s31+s2] =	stream.linear.scatter [tilespmem:s3], [sflag:$0x6], $0x8000, $0x38;
	[tilespmem:$0x10500] =	vst v63  }
0x80f: {  	_ =	swait.ge [sflag:s23], $0x8000  }
0x810: {  	[sflag:s23] =	ssyncset.done $0x0  }
0x811: {  	[sflag:s23] =	ssyncadd.s32 $0xFFFF8000  }
.LBB2_53:
0x812: {  	v21 =	vld [tilespmem:$0x350];
	_ =	sdelay $0x4  }
0x813: {  	(v2sf) =	vpush v21, $0xF;
	_ =	sdelay $0xe  }
0x814: {  	s31 =	spop (v2sf)  }
0x815: {  	p0 =	seq.s32 s31, s25  }
.Ltmp28:
0x816: {  	_ = 	snop;
	(pc) =	sbr.rel @p0 .LBB2_55-.Ltmp28, $1  }
0x817: {  	_ =	sdelay $0x3  }
0x818: {  	v21 =	vld [tilespmem:$0x340];
	_ =	sdelay $0x4  }
0x819: {  	v22 =	vshll.u32 v21, $0x3  }
0x81a: {  	v21 =	vand.u32 $0x7, v21;
	v22 =	vand.u32 $0xFFFFFFC0, v22  }
0x81b: {  	v21 =	vor.u32 v21, v22  }
0x81c: {  	v22 =	vperm.xlane v21, v13;
	_ =	sdelay $0x1  }
0x81d: {  	v22 =	vadd.s32 v15, v22;
	_ =	sdelay $0x4  }
0x81e: {  	[tilespmem:s3], [sflag:$0x5] =	stream.indirect_vreg.gather [hbm4b:s1+s2], $0x80, v22, vm0, $0xb8;
	[tilespmem:$0x10500] =	vst v63  }
0x81f: {  	v21 =	vperm.xlane v21, v14  }
0x820: {  	[tilespmem:s15], [sflag:$0x5] =	stream.indirect_vreg.gather [hbm4b:s4+s2], $0x80, v22, vm0, $0xb8;
	[tilespmem:$0x10500] =	vst v63  }
0x821: {  	v21 =	vadd.s32 v15, v21  }
0x822: {  	[tilespmem:s7], [sflag:$0x5] =	stream.indirect_vreg.gather [hbm4b:s5+s2], $0x80, v22, vm0, $0xb8;
	[tilespmem:$0x10500] =	vst v63  }
0x823: {  	s14 =	simm.s32 $0x1D00  }
0x824: {  	[tilespmem:s14], [sflag:$0x5] =	stream.indirect_vreg.gather [hbm4b:s6+s2], $0x80, v22, vm0, $0xb8;
	[tilespmem:$0x10500] =	vst v63  }
0x825: {  	_ = 	snop  }
0x826: {  	[tilespmem:s20], [sflag:$0x5] =	stream.indirect_vreg.gather [hbm4b:s1+s2], $0x80, v21, vm0, $0xb8;
	[tilespmem:$0x10500] =	vst v63  }
0x827: {  	_ = 	snop  }
0x828: {  	[tilespmem:s19], [sflag:$0x5] =	stream.indirect_vreg.gather [hbm4b:s4+s2], $0x80, v21, vm0, $0xb8;
	[tilespmem:$0x10500] =	vst v63  }
0x829: {  	_ = 	snop  }
0x82a: {  	[tilespmem:s17], [sflag:$0x5] =	stream.indirect_vreg.gather [hbm4b:s5+s2], $0x80, v21, vm0, $0xb8;
	[tilespmem:$0x10500] =	vst v63  }
0x82b: {  	_ = 	snop  }
0x82c: {  	[tilespmem:s13], [sflag:$0x5] =	stream.indirect_vreg.gather [hbm4b:s6+s2], $0x80, v21, vm0, $0xb8;
	[tilespmem:$0x10500] =	vst v63  }
0x82d: {  	v21 =	vld [tilespmem:$0x350];
	_ =	sdelay $0x4  }
0x82e: {  	v22 =	vshll.u32 v21, $0x3  }
0x82f: {  	v21 =	vand.u32 $0x7, v21;
	v22 =	vand.u32 $0xFFFFFFC0, v22  }
0x830: {  	v21 =	vor.u32 v21, v22  }
0x831: {  	v22 =	vperm.xlane v21, v13;
	_ =	sdelay $0x1  }
0x832: {  	v22 =	vadd.s32 v15, v22;
	_ =	sdelay $0x4  }
0x833: {  	[tilespmem:s8], [sflag:$0x5] =	stream.indirect_vreg.gather [hbm4b:s1+s2], $0x80, v22, vm0, $0xb8;
	[tilespmem:$0x10500] =	vst v63  }
0x834: {  	v21 =	vperm.xlane v21, v14  }
0x835: {  	[tilespmem:s12], [sflag:$0x5] =	stream.indirect_vreg.gather [hbm4b:s4+s2], $0x80, v22, vm0, $0xb8;
	[tilespmem:$0x10500] =	vst v63  }
0x836: {  	v21 =	vadd.s32 v15, v21  }
0x837: {  	[tilespmem:s21], [sflag:$0x5] =	stream.indirect_vreg.gather [hbm4b:s5+s2], $0x80, v22, vm0, $0xb8;
	[tilespmem:$0x10500] =	vst v63  }
0x838: {  	_ = 	snop  }
0x839: {  	[tilespmem:s22], [sflag:$0x5] =	stream.indirect_vreg.gather [hbm4b:s6+s2], $0x80, v22, vm0, $0xb8;
	[tilespmem:$0x10500] =	vst v63  }
0x83a: {  	_ = 	snop  }
0x83b: {  	[tilespmem:s18], [sflag:$0x5] =	stream.indirect_vreg.gather [hbm4b:s1+s2], $0x80, v21, vm0, $0xb8;
	[tilespmem:$0x10500] =	vst v63  }
0x83c: {  	_ = 	snop  }
0x83d: {  	[tilespmem:s16], [sflag:$0x5] =	stream.indirect_vreg.gather [hbm4b:s4+s2], $0x80, v21, vm0, $0xb8;
	[tilespmem:$0x10500] =	vst v63  }
0x83e: {  	_ = 	snop  }
0x83f: {  	[tilespmem:s9], [sflag:$0x5] =	stream.indirect_vreg.gather [hbm4b:s5+s2], $0x80, v21, vm0, $0xb8;
	[tilespmem:$0x10500] =	vst v63  }
0x840: {  	_ = 	snop  }
0x841: {  	[tilespmem:s10], [sflag:$0x5] =	stream.indirect_vreg.gather [hbm4b:s6+s2], $0x80, v21, vm0, $0xb8;
	[tilespmem:$0x10500] =	vst v63  }
0x842: {  	_ =	swait.ge [sflag:s30], $0x8000  }
0x843: {  	s31 =	sld [smem:$0x7F0]  }
0x844: {  	[sflag:s30] =	ssyncset.done $0x0  }
0x845: {  	[sflag:s30] =	ssyncadd.s32 $0xFFFF8000  }
0x846: {  	[hbm4b:s31+s2] =	stream.linear.scatter [tilespmem:s3], [sflag:$0x6], $0x8000, $0x38;
	[tilespmem:$0x10500] =	vst v63  }
0x847: {  	_ =	swait.ge [sflag:s23], $0x8000  }
0x848: {  	[sflag:s23] =	ssyncset.done $0x0  }
0x849: {  	[sflag:s23] =	ssyncadd.s32 $0xFFFF8000  }
.LBB2_55:
0x84a: {  	v21 =	vld [tilespmem:$0x3D0];
	_ =	sdelay $0x4  }
0x84b: {  	(v2sf) =	vpush v21, $0xF;
	_ =	sdelay $0xe  }
0x84c: {  	s31 =	spop (v2sf)  }
0x84d: {  	p0 =	seq.s32 s31, s25  }
.Ltmp29:
0x84e: {  	_ = 	snop;
	(pc) =	sbr.rel @p0 .LBB2_57-.Ltmp29, $1  }
0x84f: {  	_ =	sdelay $0x3  }
0x850: {  	v21 =	vld [tilespmem:$0x3C0];
	_ =	sdelay $0x4  }
0x851: {  	v22 =	vshll.u32 v21, $0x3  }
0x852: {  	v21 =	vand.u32 $0x7, v21;
	v22 =	vand.u32 $0xFFFFFFC0, v22  }
0x853: {  	v21 =	vor.u32 v21, v22  }
0x854: {  	v22 =	vperm.xlane v21, v13;
	_ =	sdelay $0x1  }
0x855: {  	v22 =	vadd.s32 v15, v22;
	_ =	sdelay $0x4  }
0x856: {  	[tilespmem:s3], [sflag:$0x5] =	stream.indirect_vreg.gather [hbm4b:s1+s2], $0x80, v22, vm0, $0xb8;
	[tilespmem:$0x10500] =	vst v63  }
0x857: {  	v21 =	vperm.xlane v21, v14  }
0x858: {  	[tilespmem:s15], [sflag:$0x5] =	stream.indirect_vreg.gather [hbm4b:s4+s2], $0x80, v22, vm0, $0xb8;
	[tilespmem:$0x10500] =	vst v63  }
0x859: {  	v21 =	vadd.s32 v15, v21  }
0x85a: {  	[tilespmem:s7], [sflag:$0x5] =	stream.indirect_vreg.gather [hbm4b:s5+s2], $0x80, v22, vm0, $0xb8;
	[tilespmem:$0x10500] =	vst v63  }
0x85b: {  	s14 =	simm.s32 $0x1D00  }
0x85c: {  	[tilespmem:s14], [sflag:$0x5] =	stream.indirect_vreg.gather [hbm4b:s6+s2], $0x80, v22, vm0, $0xb8;
	[tilespmem:$0x10500] =	vst v63  }
0x85d: {  	_ = 	snop  }
0x85e: {  	[tilespmem:s20], [sflag:$0x5] =	stream.indirect_vreg.gather [hbm4b:s1+s2], $0x80, v21, vm0, $0xb8;
	[tilespmem:$0x10500] =	vst v63  }
0x85f: {  	_ = 	snop  }
0x860: {  	[tilespmem:s19], [sflag:$0x5] =	stream.indirect_vreg.gather [hbm4b:s4+s2], $0x80, v21, vm0, $0xb8;
	[tilespmem:$0x10500] =	vst v63  }
0x861: {  	_ = 	snop  }
0x862: {  	[tilespmem:s17], [sflag:$0x5] =	stream.indirect_vreg.gather [hbm4b:s5+s2], $0x80, v21, vm0, $0xb8;
	[tilespmem:$0x10500] =	vst v63  }
0x863: {  	_ = 	snop  }
0x864: {  	[tilespmem:s13], [sflag:$0x5] =	stream.indirect_vreg.gather [hbm4b:s6+s2], $0x80, v21, vm0, $0xb8;
	[tilespmem:$0x10500] =	vst v63  }
0x865: {  	v21 =	vld [tilespmem:$0x3D0];
	_ =	sdelay $0x4  }
0x866: {  	v22 =	vshll.u32 v21, $0x3  }
0x867: {  	v21 =	vand.u32 $0x7, v21;
	v22 =	vand.u32 $0xFFFFFFC0, v22  }
0x868: {  	v21 =	vor.u32 v21, v22  }
0x869: {  	v22 =	vperm.xlane v21, v13;
	_ =	sdelay $0x1  }
0x86a: {  	v22 =	vadd.s32 v15, v22;
	_ =	sdelay $0x4  }
0x86b: {  	[tilespmem:s8], [sflag:$0x5] =	stream.indirect_vreg.gather [hbm4b:s1+s2], $0x80, v22, vm0, $0xb8;
	[tilespmem:$0x10500] =	vst v63  }
0x86c: {  	v21 =	vperm.xlane v21, v14  }
0x86d: {  	[tilespmem:s12], [sflag:$0x5] =	stream.indirect_vreg.gather [hbm4b:s4+s2], $0x80, v22, vm0, $0xb8;
	[tilespmem:$0x10500] =	vst v63  }
0x86e: {  	v21 =	vadd.s32 v15, v21  }
0x86f: {  	[tilespmem:s21], [sflag:$0x5] =	stream.indirect_vreg.gather [hbm4b:s5+s2], $0x80, v22, vm0, $0xb8;
	[tilespmem:$0x10500] =	vst v63  }
0x870: {  	_ = 	snop  }
0x871: {  	[tilespmem:s22], [sflag:$0x5] =	stream.indirect_vreg.gather [hbm4b:s6+s2], $0x80, v22, vm0, $0xb8;
	[tilespmem:$0x10500] =	vst v63  }
0x872: {  	_ = 	snop  }
0x873: {  	[tilespmem:s18], [sflag:$0x5] =	stream.indirect_vreg.gather [hbm4b:s1+s2], $0x80, v21, vm0, $0xb8;
	[tilespmem:$0x10500] =	vst v63  }
0x874: {  	_ = 	snop  }
0x875: {  	[tilespmem:s16], [sflag:$0x5] =	stream.indirect_vreg.gather [hbm4b:s4+s2], $0x80, v21, vm0, $0xb8;
	[tilespmem:$0x10500] =	vst v63  }
0x876: {  	_ = 	snop  }
0x877: {  	[tilespmem:s9], [sflag:$0x5] =	stream.indirect_vreg.gather [hbm4b:s5+s2], $0x80, v21, vm0, $0xb8;
	[tilespmem:$0x10500] =	vst v63  }
0x878: {  	_ = 	snop  }
0x879: {  	[tilespmem:s10], [sflag:$0x5] =	stream.indirect_vreg.gather [hbm4b:s6+s2], $0x80, v21, vm0, $0xb8;
	[tilespmem:$0x10500] =	vst v63  }
0x87a: {  	_ =	swait.ge [sflag:s30], $0x8000  }
0x87b: {  	s31 =	sld [smem:$0x7F1]  }
0x87c: {  	[sflag:s30] =	ssyncset.done $0x0  }
0x87d: {  	[sflag:s30] =	ssyncadd.s32 $0xFFFF8000  }
0x87e: {  	[hbm4b:s31+s2] =	stream.linear.scatter [tilespmem:s3], [sflag:$0x6], $0x8000, $0x38;
	[tilespmem:$0x10500] =	vst v63  }
0x87f: {  	_ =	swait.ge [sflag:s23], $0x8000  }
0x880: {  	[sflag:s23] =	ssyncset.done $0x0  }
0x881: {  	[sflag:s23] =	ssyncadd.s32 $0xFFFF8000  }
.LBB2_57:
0x882: {  	v21 =	vld [tilespmem:$0x270];
	_ =	sdelay $0x4  }
0x883: {  	(v2sf) =	vpush v21, $0xF;
	_ =	sdelay $0xc  }
0x884: {  	s25 =	sld [smem:$0x7FC];
	_ =	sdelay $0x1  }
0x885: {  	s31 =	spop (v2sf)  }
0x886: {  	p0 =	seq.s32 s31, s25  }
.Ltmp30:
0x887: {  	_ = 	snop;
	(pc) =	sbr.rel @p0 .LBB2_59-.Ltmp30, $1  }
0x888: {  	_ =	sdelay $0x3  }
0x889: {  	v21 =	vld [tilespmem:$0x260];
	_ =	sdelay $0x4  }
0x88a: {  	v22 =	vshll.u32 v21, $0x3  }
0x88b: {  	v21 =	vand.u32 $0x7, v21;
	v22 =	vand.u32 $0xFFFFFFC0, v22  }
0x88c: {  	v21 =	vor.u32 v21, v22  }
0x88d: {  	v22 =	vperm.xlane v21, v13;
	_ =	sdelay $0x1  }
0x88e: {  	v22 =	vadd.s32 v15, v22;
	_ =	sdelay $0x4  }
0x88f: {  	[tilespmem:s3], [sflag:$0x5] =	stream.indirect_vreg.gather [hbm4b:s1+s2], $0x80, v22, vm0, $0xb8;
	[tilespmem:$0x10500] =	vst v63  }
0x890: {  	v21 =	vperm.xlane v21, v14  }
0x891: {  	[tilespmem:s15], [sflag:$0x5] =	stream.indirect_vreg.gather [hbm4b:s4+s2], $0x80, v22, vm0, $0xb8;
	[tilespmem:$0x10500] =	vst v63  }
0x892: {  	v21 =	vadd.s32 v15, v21  }
0x893: {  	[tilespmem:s7], [sflag:$0x5] =	stream.indirect_vreg.gather [hbm4b:s5+s2], $0x80, v22, vm0, $0xb8;
	[tilespmem:$0x10500] =	vst v63  }
0x894: {  	s14 =	simm.s32 $0x1D00  }
0x895: {  	[tilespmem:s14], [sflag:$0x5] =	stream.indirect_vreg.gather [hbm4b:s6+s2], $0x80, v22, vm0, $0xb8;
	[tilespmem:$0x10500] =	vst v63  }
0x896: {  	_ = 	snop  }
0x897: {  	[tilespmem:s20], [sflag:$0x5] =	stream.indirect_vreg.gather [hbm4b:s1+s2], $0x80, v21, vm0, $0xb8;
	[tilespmem:$0x10500] =	vst v63  }
0x898: {  	_ = 	snop  }
0x899: {  	[tilespmem:s19], [sflag:$0x5] =	stream.indirect_vreg.gather [hbm4b:s4+s2], $0x80, v21, vm0, $0xb8;
	[tilespmem:$0x10500] =	vst v63  }
0x89a: {  	_ = 	snop  }
0x89b: {  	[tilespmem:s17], [sflag:$0x5] =	stream.indirect_vreg.gather [hbm4b:s5+s2], $0x80, v21, vm0, $0xb8;
	[tilespmem:$0x10500] =	vst v63  }
0x89c: {  	_ = 	snop  }
0x89d: {  	[tilespmem:s13], [sflag:$0x5] =	stream.indirect_vreg.gather [hbm4b:s6+s2], $0x80, v21, vm0, $0xb8;
	[tilespmem:$0x10500] =	vst v63  }
0x89e: {  	v21 =	vld [tilespmem:$0x270];
	_ =	sdelay $0x4  }
0x89f: {  	v22 =	vshll.u32 v21, $0x3  }
0x8a0: {  	v21 =	vand.u32 $0x7, v21;
	v22 =	vand.u32 $0xFFFFFFC0, v22  }
0x8a1: {  	v21 =	vor.u32 v21, v22  }
0x8a2: {  	v22 =	vperm.xlane v21, v13;
	_ =	sdelay $0x1  }
0x8a3: {  	v22 =	vadd.s32 v15, v22;
	_ =	sdelay $0x4  }
0x8a4: {  	[tilespmem:s8], [sflag:$0x5] =	stream.indirect_vreg.gather [hbm4b:s1+s2], $0x80, v22, vm0, $0xb8;
	[tilespmem:$0x10500] =	vst v63  }
0x8a5: {  	v21 =	vperm.xlane v21, v14  }
0x8a6: {  	[tilespmem:s12], [sflag:$0x5] =	stream.indirect_vreg.gather [hbm4b:s4+s2], $0x80, v22, vm0, $0xb8;
	[tilespmem:$0x10500] =	vst v63  }
0x8a7: {  	v21 =	vadd.s32 v15, v21  }
0x8a8: {  	[tilespmem:s21], [sflag:$0x5] =	stream.indirect_vreg.gather [hbm4b:s5+s2], $0x80, v22, vm0, $0xb8;
	[tilespmem:$0x10500] =	vst v63  }
0x8a9: {  	_ = 	snop  }
0x8aa: {  	[tilespmem:s22], [sflag:$0x5] =	stream.indirect_vreg.gather [hbm4b:s6+s2], $0x80, v22, vm0, $0xb8;
	[tilespmem:$0x10500] =	vst v63  }
0x8ab: {  	_ = 	snop  }
0x8ac: {  	[tilespmem:s18], [sflag:$0x5] =	stream.indirect_vreg.gather [hbm4b:s1+s2], $0x80, v21, vm0, $0xb8;
	[tilespmem:$0x10500] =	vst v63  }
0x8ad: {  	_ = 	snop  }
0x8ae: {  	[tilespmem:s16], [sflag:$0x5] =	stream.indirect_vreg.gather [hbm4b:s4+s2], $0x80, v21, vm0, $0xb8;
	[tilespmem:$0x10500] =	vst v63  }
0x8af: {  	_ = 	snop  }
0x8b0: {  	[tilespmem:s9], [sflag:$0x5] =	stream.indirect_vreg.gather [hbm4b:s5+s2], $0x80, v21, vm0, $0xb8;
	[tilespmem:$0x10500] =	vst v63  }
0x8b1: {  	_ = 	snop  }
0x8b2: {  	[tilespmem:s10], [sflag:$0x5] =	stream.indirect_vreg.gather [hbm4b:s6+s2], $0x80, v21, vm0, $0xb8;
	[tilespmem:$0x10500] =	vst v63  }
0x8b3: {  	_ =	swait.ge [sflag:s30], $0x8000  }
0x8b4: {  	s31 =	sld [smem:$0x7F2]  }
0x8b5: {  	[sflag:s30] =	ssyncset.done $0x0  }
0x8b6: {  	[sflag:s30] =	ssyncadd.s32 $0xFFFF8000  }
0x8b7: {  	[hbm4b:s31+s2] =	stream.linear.scatter [tilespmem:s3], [sflag:$0x6], $0x8000, $0x38;
	[tilespmem:$0x10500] =	vst v63  }
0x8b8: {  	_ =	swait.ge [sflag:s23], $0x8000  }
0x8b9: {  	[sflag:s23] =	ssyncset.done $0x0  }
0x8ba: {  	[sflag:s23] =	ssyncadd.s32 $0xFFFF8000  }
.LBB2_59:
0x8bb: {  	v21 =	vld [tilespmem:$0x2F0];
	_ =	sdelay $0x4  }
0x8bc: {  	(v2sf) =	vpush v21, $0xF;
	_ =	sdelay $0xe  }
0x8bd: {  	s31 =	spop (v2sf)  }
0x8be: {  	p0 =	seq.s32 s31, s25  }
.Ltmp31:
0x8bf: {  	_ = 	snop;
	(pc) =	sbr.rel @p0 .LBB2_61-.Ltmp31, $1  }
0x8c0: {  	_ =	sdelay $0x3  }
0x8c1: {  	v21 =	vld [tilespmem:$0x2E0];
	_ =	sdelay $0x4  }
0x8c2: {  	v22 =	vshll.u32 v21, $0x3  }
0x8c3: {  	v21 =	vand.u32 $0x7, v21;
	v22 =	vand.u32 $0xFFFFFFC0, v22  }
0x8c4: {  	v21 =	vor.u32 v21, v22  }
0x8c5: {  	v22 =	vperm.xlane v21, v13;
	_ =	sdelay $0x1  }
0x8c6: {  	v22 =	vadd.s32 v15, v22;
	_ =	sdelay $0x4  }
0x8c7: {  	[tilespmem:s3], [sflag:$0x5] =	stream.indirect_vreg.gather [hbm4b:s1+s2], $0x80, v22, vm0, $0xb8;
	[tilespmem:$0x10500] =	vst v63  }
0x8c8: {  	v21 =	vperm.xlane v21, v14  }
0x8c9: {  	[tilespmem:s15], [sflag:$0x5] =	stream.indirect_vreg.gather [hbm4b:s4+s2], $0x80, v22, vm0, $0xb8;
	[tilespmem:$0x10500] =	vst v63  }
0x8ca: {  	v21 =	vadd.s32 v15, v21  }
0x8cb: {  	[tilespmem:s7], [sflag:$0x5] =	stream.indirect_vreg.gather [hbm4b:s5+s2], $0x80, v22, vm0, $0xb8;
	[tilespmem:$0x10500] =	vst v63  }
0x8cc: {  	s14 =	simm.s32 $0x1D00  }
0x8cd: {  	[tilespmem:s14], [sflag:$0x5] =	stream.indirect_vreg.gather [hbm4b:s6+s2], $0x80, v22, vm0, $0xb8;
	[tilespmem:$0x10500] =	vst v63  }
0x8ce: {  	_ = 	snop  }
0x8cf: {  	[tilespmem:s20], [sflag:$0x5] =	stream.indirect_vreg.gather [hbm4b:s1+s2], $0x80, v21, vm0, $0xb8;
	[tilespmem:$0x10500] =	vst v63  }
0x8d0: {  	_ = 	snop  }
0x8d1: {  	[tilespmem:s19], [sflag:$0x5] =	stream.indirect_vreg.gather [hbm4b:s4+s2], $0x80, v21, vm0, $0xb8;
	[tilespmem:$0x10500] =	vst v63  }
0x8d2: {  	_ = 	snop  }
0x8d3: {  	[tilespmem:s17], [sflag:$0x5] =	stream.indirect_vreg.gather [hbm4b:s5+s2], $0x80, v21, vm0, $0xb8;
	[tilespmem:$0x10500] =	vst v63  }
0x8d4: {  	_ = 	snop  }
0x8d5: {  	[tilespmem:s13], [sflag:$0x5] =	stream.indirect_vreg.gather [hbm4b:s6+s2], $0x80, v21, vm0, $0xb8;
	[tilespmem:$0x10500] =	vst v63  }
0x8d6: {  	v21 =	vld [tilespmem:$0x2F0];
	_ =	sdelay $0x4  }
0x8d7: {  	v22 =	vshll.u32 v21, $0x3  }
0x8d8: {  	v21 =	vand.u32 $0x7, v21;
	v22 =	vand.u32 $0xFFFFFFC0, v22  }
0x8d9: {  	v21 =	vor.u32 v21, v22  }
0x8da: {  	v22 =	vperm.xlane v21, v13;
	_ =	sdelay $0x1  }
0x8db: {  	v22 =	vadd.s32 v15, v22;
	_ =	sdelay $0x4  }
0x8dc: {  	[tilespmem:s8], [sflag:$0x5] =	stream.indirect_vreg.gather [hbm4b:s1+s2], $0x80, v22, vm0, $0xb8;
	[tilespmem:$0x10500] =	vst v63  }
0x8dd: {  	v21 =	vperm.xlane v21, v14  }
0x8de: {  	[tilespmem:s12], [sflag:$0x5] =	stream.indirect_vreg.gather [hbm4b:s4+s2], $0x80, v22, vm0, $0xb8;
	[tilespmem:$0x10500] =	vst v63  }
0x8df: {  	v21 =	vadd.s32 v15, v21  }
0x8e0: {  	[tilespmem:s21], [sflag:$0x5] =	stream.indirect_vreg.gather [hbm4b:s5+s2], $0x80, v22, vm0, $0xb8;
	[tilespmem:$0x10500] =	vst v63  }
0x8e1: {  	_ = 	snop  }
0x8e2: {  	[tilespmem:s22], [sflag:$0x5] =	stream.indirect_vreg.gather [hbm4b:s6+s2], $0x80, v22, vm0, $0xb8;
	[tilespmem:$0x10500] =	vst v63  }
0x8e3: {  	_ = 	snop  }
0x8e4: {  	[tilespmem:s18], [sflag:$0x5] =	stream.indirect_vreg.gather [hbm4b:s1+s2], $0x80, v21, vm0, $0xb8;
	[tilespmem:$0x10500] =	vst v63  }
0x8e5: {  	_ = 	snop  }
0x8e6: {  	[tilespmem:s16], [sflag:$0x5] =	stream.indirect_vreg.gather [hbm4b:s4+s2], $0x80, v21, vm0, $0xb8;
	[tilespmem:$0x10500] =	vst v63  }
0x8e7: {  	_ = 	snop  }
0x8e8: {  	[tilespmem:s9], [sflag:$0x5] =	stream.indirect_vreg.gather [hbm4b:s5+s2], $0x80, v21, vm0, $0xb8;
	[tilespmem:$0x10500] =	vst v63  }
0x8e9: {  	_ = 	snop  }
0x8ea: {  	[tilespmem:s10], [sflag:$0x5] =	stream.indirect_vreg.gather [hbm4b:s6+s2], $0x80, v21, vm0, $0xb8;
	[tilespmem:$0x10500] =	vst v63  }
0x8eb: {  	_ =	swait.ge [sflag:s30], $0x8000  }
0x8ec: {  	s31 =	sld [smem:$0x7F3]  }
0x8ed: {  	[sflag:s30] =	ssyncset.done $0x0  }
0x8ee: {  	[sflag:s30] =	ssyncadd.s32 $0xFFFF8000  }
0x8ef: {  	[hbm4b:s31+s2] =	stream.linear.scatter [tilespmem:s3], [sflag:$0x6], $0x8000, $0x38;
	[tilespmem:$0x10500] =	vst v63  }
0x8f0: {  	_ =	swait.ge [sflag:s23], $0x8000  }
0x8f1: {  	[sflag:s23] =	ssyncset.done $0x0  }
0x8f2: {  	[sflag:s23] =	ssyncadd.s32 $0xFFFF8000  }
.LBB2_61:
0x8f3: {  	v21 =	vld [tilespmem:$0x370];
	_ =	sdelay $0x4  }
0x8f4: {  	(v2sf) =	vpush v21, $0xF;
	_ =	sdelay $0xe  }
0x8f5: {  	s31 =	spop (v2sf)  }
0x8f6: {  	p0 =	seq.s32 s31, s25  }
.Ltmp32:
0x8f7: {  	_ = 	snop;
	(pc) =	sbr.rel @p0 .LBB2_63-.Ltmp32, $1  }
0x8f8: {  	_ =	sdelay $0x3  }
0x8f9: {  	v21 =	vld [tilespmem:$0x360];
	_ =	sdelay $0x4  }
0x8fa: {  	v22 =	vshll.u32 v21, $0x3  }
0x8fb: {  	v21 =	vand.u32 $0x7, v21;
	v22 =	vand.u32 $0xFFFFFFC0, v22  }
0x8fc: {  	v21 =	vor.u32 v21, v22  }
0x8fd: {  	v22 =	vperm.xlane v21, v13;
	_ =	sdelay $0x1  }
0x8fe: {  	v22 =	vadd.s32 v15, v22;
	_ =	sdelay $0x4  }
0x8ff: {  	[tilespmem:s3], [sflag:$0x5] =	stream.indirect_vreg.gather [hbm4b:s1+s2], $0x80, v22, vm0, $0xb8;
	[tilespmem:$0x10500] =	vst v63  }
0x900: {  	v21 =	vperm.xlane v21, v14  }
0x901: {  	[tilespmem:s15], [sflag:$0x5] =	stream.indirect_vreg.gather [hbm4b:s4+s2], $0x80, v22, vm0, $0xb8;
	[tilespmem:$0x10500] =	vst v63  }
0x902: {  	v21 =	vadd.s32 v15, v21  }
0x903: {  	[tilespmem:s7], [sflag:$0x5] =	stream.indirect_vreg.gather [hbm4b:s5+s2], $0x80, v22, vm0, $0xb8;
	[tilespmem:$0x10500] =	vst v63  }
0x904: {  	s14 =	simm.s32 $0x1D00  }
0x905: {  	[tilespmem:s14], [sflag:$0x5] =	stream.indirect_vreg.gather [hbm4b:s6+s2], $0x80, v22, vm0, $0xb8;
	[tilespmem:$0x10500] =	vst v63  }
0x906: {  	_ = 	snop  }
0x907: {  	[tilespmem:s20], [sflag:$0x5] =	stream.indirect_vreg.gather [hbm4b:s1+s2], $0x80, v21, vm0, $0xb8;
	[tilespmem:$0x10500] =	vst v63  }
0x908: {  	_ = 	snop  }
0x909: {  	[tilespmem:s19], [sflag:$0x5] =	stream.indirect_vreg.gather [hbm4b:s4+s2], $0x80, v21, vm0, $0xb8;
	[tilespmem:$0x10500] =	vst v63  }
0x90a: {  	_ = 	snop  }
0x90b: {  	[tilespmem:s17], [sflag:$0x5] =	stream.indirect_vreg.gather [hbm4b:s5+s2], $0x80, v21, vm0, $0xb8;
	[tilespmem:$0x10500] =	vst v63  }
0x90c: {  	_ = 	snop  }
0x90d: {  	[tilespmem:s13], [sflag:$0x5] =	stream.indirect_vreg.gather [hbm4b:s6+s2], $0x80, v21, vm0, $0xb8;
	[tilespmem:$0x10500] =	vst v63  }
0x90e: {  	v21 =	vld [tilespmem:$0x370];
	_ =	sdelay $0x4  }
0x90f: {  	v22 =	vshll.u32 v21, $0x3  }
0x910: {  	v21 =	vand.u32 $0x7, v21;
	v22 =	vand.u32 $0xFFFFFFC0, v22  }
0x911: {  	v21 =	vor.u32 v21, v22  }
0x912: {  	v22 =	vperm.xlane v21, v13;
	_ =	sdelay $0x1  }
0x913: {  	v22 =	vadd.s32 v15, v22;
	_ =	sdelay $0x4  }
0x914: {  	[tilespmem:s8], [sflag:$0x5] =	stream.indirect_vreg.gather [hbm4b:s1+s2], $0x80, v22, vm0, $0xb8;
	[tilespmem:$0x10500] =	vst v63  }
0x915: {  	v21 =	vperm.xlane v21, v14  }
0x916: {  	[tilespmem:s12], [sflag:$0x5] =	stream.indirect_vreg.gather [hbm4b:s4+s2], $0x80, v22, vm0, $0xb8;
	[tilespmem:$0x10500] =	vst v63  }
0x917: {  	v21 =	vadd.s32 v15, v21  }
0x918: {  	[tilespmem:s21], [sflag:$0x5] =	stream.indirect_vreg.gather [hbm4b:s5+s2], $0x80, v22, vm0, $0xb8;
	[tilespmem:$0x10500] =	vst v63  }
0x919: {  	_ = 	snop  }
0x91a: {  	[tilespmem:s22], [sflag:$0x5] =	stream.indirect_vreg.gather [hbm4b:s6+s2], $0x80, v22, vm0, $0xb8;
	[tilespmem:$0x10500] =	vst v63  }
0x91b: {  	_ = 	snop  }
0x91c: {  	[tilespmem:s18], [sflag:$0x5] =	stream.indirect_vreg.gather [hbm4b:s1+s2], $0x80, v21, vm0, $0xb8;
	[tilespmem:$0x10500] =	vst v63  }
0x91d: {  	_ = 	snop  }
0x91e: {  	[tilespmem:s16], [sflag:$0x5] =	stream.indirect_vreg.gather [hbm4b:s4+s2], $0x80, v21, vm0, $0xb8;
	[tilespmem:$0x10500] =	vst v63  }
0x91f: {  	_ = 	snop  }
0x920: {  	[tilespmem:s9], [sflag:$0x5] =	stream.indirect_vreg.gather [hbm4b:s5+s2], $0x80, v21, vm0, $0xb8;
	[tilespmem:$0x10500] =	vst v63  }
0x921: {  	_ = 	snop  }
0x922: {  	[tilespmem:s10], [sflag:$0x5] =	stream.indirect_vreg.gather [hbm4b:s6+s2], $0x80, v21, vm0, $0xb8;
	[tilespmem:$0x10500] =	vst v63  }
0x923: {  	_ =	swait.ge [sflag:s30], $0x8000  }
0x924: {  	s31 =	sld [smem:$0x7F4]  }
0x925: {  	[sflag:s30] =	ssyncset.done $0x0  }
0x926: {  	[sflag:s30] =	ssyncadd.s32 $0xFFFF8000  }
0x927: {  	[hbm4b:s31+s2] =	stream.linear.scatter [tilespmem:s3], [sflag:$0x6], $0x8000, $0x38;
	[tilespmem:$0x10500] =	vst v63  }
0x928: {  	_ =	swait.ge [sflag:s23], $0x8000  }
0x929: {  	[sflag:s23] =	ssyncset.done $0x0  }
0x92a: {  	[sflag:s23] =	ssyncadd.s32 $0xFFFF8000  }
.LBB2_63:
0x92b: {  	v21 =	vld [tilespmem:$0x3F0];
	_ =	sdelay $0x4  }
0x92c: {  	(v2sf) =	vpush v21, $0xF;
	_ =	sdelay $0xe  }
0x92d: {  	s31 =	spop (v2sf)  }
0x92e: {  	p0 =	seq.s32 s31, s25  }
.Ltmp33:
0x92f: {  	_ = 	snop;
	(pc) =	sbr.rel @p0 .LBB2_65-.Ltmp33, $1  }
0x930: {  	_ =	sdelay $0x3  }
0x931: {  	v21 =	vld [tilespmem:$0x3E0];
	_ =	sdelay $0x4  }
0x932: {  	v22 =	vshll.u32 v21, $0x3  }
0x933: {  	v21 =	vand.u32 $0x7, v21;
	v22 =	vand.u32 $0xFFFFFFC0, v22  }
0x934: {  	v21 =	vor.u32 v21, v22  }
0x935: {  	v22 =	vperm.xlane v21, v13;
	_ =	sdelay $0x1  }
0x936: {  	v22 =	vadd.s32 v15, v22;
	_ =	sdelay $0x4  }
0x937: {  	[tilespmem:s3], [sflag:$0x5] =	stream.indirect_vreg.gather [hbm4b:s1+s2], $0x80, v22, vm0, $0xb8;
	[tilespmem:$0x10500] =	vst v63  }
0x938: {  	v21 =	vperm.xlane v21, v14  }
0x939: {  	[tilespmem:s15], [sflag:$0x5] =	stream.indirect_vreg.gather [hbm4b:s4+s2], $0x80, v22, vm0, $0xb8;
	[tilespmem:$0x10500] =	vst v63  }
0x93a: {  	v21 =	vadd.s32 v15, v21  }
0x93b: {  	[tilespmem:s7], [sflag:$0x5] =	stream.indirect_vreg.gather [hbm4b:s5+s2], $0x80, v22, vm0, $0xb8;
	[tilespmem:$0x10500] =	vst v63  }
0x93c: {  	s14 =	simm.s32 $0x1D00  }
0x93d: {  	[tilespmem:s14], [sflag:$0x5] =	stream.indirect_vreg.gather [hbm4b:s6+s2], $0x80, v22, vm0, $0xb8;
	[tilespmem:$0x10500] =	vst v63  }
0x93e: {  	_ = 	snop  }
0x93f: {  	[tilespmem:s20], [sflag:$0x5] =	stream.indirect_vreg.gather [hbm4b:s1+s2], $0x80, v21, vm0, $0xb8;
	[tilespmem:$0x10500] =	vst v63  }
0x940: {  	_ = 	snop  }
0x941: {  	[tilespmem:s19], [sflag:$0x5] =	stream.indirect_vreg.gather [hbm4b:s4+s2], $0x80, v21, vm0, $0xb8;
	[tilespmem:$0x10500] =	vst v63  }
0x942: {  	_ = 	snop  }
0x943: {  	[tilespmem:s17], [sflag:$0x5] =	stream.indirect_vreg.gather [hbm4b:s5+s2], $0x80, v21, vm0, $0xb8;
	[tilespmem:$0x10500] =	vst v63  }
0x944: {  	_ = 	snop  }
0x945: {  	[tilespmem:s13], [sflag:$0x5] =	stream.indirect_vreg.gather [hbm4b:s6+s2], $0x80, v21, vm0, $0xb8;
	[tilespmem:$0x10500] =	vst v63  }
0x946: {  	v21 =	vld [tilespmem:$0x3F0];
	_ =	sdelay $0x4  }
0x947: {  	v22 =	vshll.u32 v21, $0x3  }
0x948: {  	v21 =	vand.u32 $0x7, v21;
	v22 =	vand.u32 $0xFFFFFFC0, v22  }
0x949: {  	v21 =	vor.u32 v21, v22  }
0x94a: {  	v22 =	vperm.xlane v21, v13;
	_ =	sdelay $0x1  }
0x94b: {  	v22 =	vadd.s32 v15, v22;
	_ =	sdelay $0x4  }
0x94c: {  	[tilespmem:s8], [sflag:$0x5] =	stream.indirect_vreg.gather [hbm4b:s1+s2], $0x80, v22, vm0, $0xb8;
	[tilespmem:$0x10500] =	vst v63  }
0x94d: {  	v21 =	vperm.xlane v21, v14  }
0x94e: {  	[tilespmem:s12], [sflag:$0x5] =	stream.indirect_vreg.gather [hbm4b:s4+s2], $0x80, v22, vm0, $0xb8;
	[tilespmem:$0x10500] =	vst v63  }
0x94f: {  	v21 =	vadd.s32 v15, v21  }
0x950: {  	[tilespmem:s21], [sflag:$0x5] =	stream.indirect_vreg.gather [hbm4b:s5+s2], $0x80, v22, vm0, $0xb8;
	[tilespmem:$0x10500] =	vst v63  }
0x951: {  	_ = 	snop  }
0x952: {  	[tilespmem:s22], [sflag:$0x5] =	stream.indirect_vreg.gather [hbm4b:s6+s2], $0x80, v22, vm0, $0xb8;
	[tilespmem:$0x10500] =	vst v63  }
0x953: {  	_ = 	snop  }
0x954: {  	[tilespmem:s18], [sflag:$0x5] =	stream.indirect_vreg.gather [hbm4b:s1+s2], $0x80, v21, vm0, $0xb8;
	[tilespmem:$0x10500] =	vst v63  }
0x955: {  	_ = 	snop  }
0x956: {  	[tilespmem:s16], [sflag:$0x5] =	stream.indirect_vreg.gather [hbm4b:s4+s2], $0x80, v21, vm0, $0xb8;
	[tilespmem:$0x10500] =	vst v63  }
0x957: {  	_ = 	snop  }
0x958: {  	[tilespmem:s9], [sflag:$0x5] =	stream.indirect_vreg.gather [hbm4b:s5+s2], $0x80, v21, vm0, $0xb8;
	[tilespmem:$0x10500] =	vst v63  }
0x959: {  	_ = 	snop  }
0x95a: {  	[tilespmem:s10], [sflag:$0x5] =	stream.indirect_vreg.gather [hbm4b:s6+s2], $0x80, v21, vm0, $0xb8;
	[tilespmem:$0x10500] =	vst v63  }
0x95b: {  	_ =	swait.ge [sflag:s30], $0x8000  }
0x95c: {  	s31 =	sld [smem:$0x7F5]  }
0x95d: {  	[sflag:s30] =	ssyncset.done $0x0  }
.Ltmp34:
0x95e: {  	[sflag:s30] =	ssyncadd.s32 $0xFFFF8000;
	(pc) =	sbr.rel .LBB2_65-.Ltmp34, $4  }
0x95f: {  	[hbm4b:s31+s2] =	stream.linear.scatter [tilespmem:s3], [sflag:$0x6], $0x8000, $0x38;
	[tilespmem:$0x10500] =	vst v63  }
0x960: {  	_ =	swait.ge [sflag:s23], $0x8000  }
0x961: {  	[sflag:s23] =	ssyncset.done $0x0  }
0x962: {  	[sflag:s23] =	ssyncadd.s32 $0xFFFF8000  }
.LBB2_66:
0x963: {  	_ =	sfence.sel $0x180000  }
0x964: {  	[bflag:$0x0] =	sbarrier.arrive $0xFFFF  }
0x965: {  	_ =	strace $0x90000047  }
0x966: {  	s0 =	stileid.u32;
	[bflag:$0x2] =	sbarrier.arrive $0xFFFF  }
0x967: {  	p0 =	sne.s32 s0, $0x0;
	s0 =	rddreg [dreg:$0x3]  }
0x968: {  	s0 =	sadd.s32 @!p0 $0x100000, s0  }
0x969: {  	[sflag:s0] =	ssyncadd.tile.s32 @!p0 $0x1;
	_ =	shalt  }
.Lfunc_end2:
_tile_overlayer_lowered:
.L_overlay_start_2:
0x96a: {  	(tag) =	ssettag $0x2  }
0x96b: {  	s0 =	rddreg [dreg:$0x0];
	s2 =	stileid.u32  }
0x96c: {  	s1 =	rddreg [dreg:$0x1];
	p0 =	sne.s32 s2, $0x0  }
0x96d: {  	s3 =	rddreg [dreg:$0x2];
	[bflag:$0x3] =	sbarrier.arrive $0xFFFF;
	s2 =	simm.s32 @!p0 $0x1C06  }
0x96e: {  	[timem:s3], [sflag:s2] =	dma.local @!p0 [hbm:s0], s1  }
0x96f: {  	s0 =	simm.s32 @!p0 $0x6  }
0x970: {  	_ =	swait.ge @!p0 [sflag:s0], s1  }
0x971: {  	s1 =	ssub.s32 @!p0 $0x0, s1;
	[sflag:s0] =	ssyncset.done @!p0 $0x0  }
0x972: {  	[sflag:s0] =	ssyncadd.s32 @!p0 s1  }
0x973: {  	[bflag:$0x3] =	sbarrier.arrive $0xFFFF  }
0x974: {  	_ =	shalt  }

</sc_bundles>
